<compile_context>
chip_gen: v7x
topology: tpu7x:2x2x1
jax: 0.10.2.dev20260603
libtpu: 0.0.44.dev20260713+nightly
codegen_flags: <defaults>
</compile_context>

<pallas_src>
import jax
import jax.numpy as jnp
from jax.experimental import pallas as pl
from jax.experimental.pallas import tpu as pltpu
from jax.experimental.pallas import tpu_sc as plsc



_BLK_S = 1024


def _add_kernel(x_ref, pos_ref, o_ref):
    o_ref[...] = x_ref[...] + pos_ref[...]


def _tc_kernel(x, pos_table):
    batch, seq_len, dim = x.shape
    blk = _BLK_S
    grid = (seq_len // blk, batch)
    return pl.pallas_call(
        _add_kernel,
        grid=grid,
        in_specs=[
            pl.BlockSpec((1, blk, dim), lambda s, b: (b, s, 0)),
            pl.BlockSpec((blk, dim), lambda s, b: (s, 0)),
        ],
        out_specs=pl.BlockSpec((1, blk, dim), lambda s, b: (b, s, 0)),
        out_shape=jax.ShapeDtypeStruct((batch, seq_len, dim), x.dtype),
    )(x, pos_table)



_SC_LANES = 16
_SC_BLK_R = 8


def _sc_block_body(x_vmem, o_vmem):
    @pl.loop(0, _SC_BLK_R)
    def _row(r):
        for c in range(0, 2048, _SC_LANES):
            slc = (pl.ds(r, 1), pl.ds(c, _SC_LANES))
            v = x_vmem.at[slc][...]
            o_vmem.at[slc][...] = v + v


def _sc_kernel(x, pos_table):
    batch, seq_len, dim = x.shape
    x2d = x.reshape(batch * seq_len, dim)
    rows = batch * seq_len
    blk_r = _SC_BLK_R
    seq_blocks = seq_len // blk_r
    idx = jnp.arange(blk_r, dtype=jnp.int32).reshape(1, blk_r)
    mesh = plsc.VectorSubcoreMesh(core_axis_name="core", subcore_axis_name="subcore")

    @pl.kernel(out_type=jax.ShapeDtypeStruct((rows, dim), x.dtype), mesh=mesh)
    def run(x_hbm, o_hbm):
        pltpu.emit_pipeline(
            _sc_block_body,
            grid=(rows // blk_r,),
            in_specs=[
                pl.BlockSpec((blk_r, dim), index_map=lambda i: (i, 0)),
            ],
            out_specs=[pl.BlockSpec((blk_r, dim), index_map=lambda i: (i, 0))],
            core_axis_name=("core", "subcore"),
            dimension_semantics=(pltpu.PARALLEL,),
        )(x_hbm, o_hbm)

    return run(x2d).reshape(batch, seq_len, dim)


def kernel(x, pos_table):
    return _sc_kernel(x, pos_table)

# --- scband reference (transcript-rebuilt; emitter-appended) ---
"""Pipeline reference for scband-positional-encoding-10007273799818 (READ-ONLY COPY).

The authoritative reference and input builder live on the scoring server;
editing this copy changes nothing except your own understanding.
"""

import jax, jax.numpy as jnp
import numpy as np

MAX_LEN = 8192
EMBED_DIM = 2048

def setup_inputs(seed: int = 0) -> dict:
    key = jax.random.key(seed)
    kx, kw = jax.random.split(key)
    x = jax.random.normal(kx, (4, 4096, 2048), dtype=jnp.float32)
    pos_table = jax.random.normal(kw, (MAX_LEN, EMBED_DIM), dtype=jnp.float32)
    return {"x": x, "pos_table": pos_table}

def reference(x, pos_table):
    batch, seq_len = x.shape[0], x.shape[1]
    positions = jnp.arange(0, seq_len, dtype=jnp.int32)
    positions = jnp.broadcast_to(positions[None, :], (batch, seq_len))
    pos_enc = jnp.take(pos_table, positions, axis=0)  # [B, S, D] gather
    return x + pos_enc

if __name__ == "__main__":
    import jax
    _d = setup_inputs()
    print(jax.jit(kernel)(*tuple(_d.values())))

</pallas_src>

<mosaic_0001>
#map = affine_map<(d0, d1) -> (0, 0)>
module attributes {stable_mosaic.version = 14 : i64} {
  func.func @run(%arg0: i32, %arg1: i32, %arg2: memref<16384x2048xf32, #tpu.memory_space<hbm>>, %arg3: memref<16384x2048xf32, #tpu.memory_space<hbm>>) attributes {dimension_semantics = [#tpu.dimension_semantics<core_parallel>, #tpu.dimension_semantics<subcore_parallel>], iteration_bounds = array<i64: 2, 16>, scalar_prefetch = 0 : i64, scratch_operands = 0 : i64, tpu.core_type = #tpu.core_type<sc_vector_subcore>, window_params = [{transform_indices = #map}, {transform_indices = #map}]} {
    %mul3A = arith.constant 1 : i32
    %mul3A_0 = arith.muli %arg1, %mul3A : i32
    %add3A = arith.constant 0 : i32
    %add3A_1 = arith.addi %add3A, %mul3A_0 : i32
    %mul3A_2 = arith.constant 16 : i32
    %mul3A_3 = arith.muli %arg0, %mul3A_2 : i32
    %add3A_4 = arith.addi %add3A_1, %mul3A_3 : i32
    %mul3A_5 = arith.constant 64 : i32
    %mul3A_6 = arith.muli %add3A_4, %mul3A_5 : i32
    "tpu.region"() ({
      %run_scoped3A = memref.alloca() : memref<2x8x2048xf32, #tpu.memory_space<vmem>>
      %run_scoped3A_7 = tpu.sem_alloc : memref<2x!tpu.dma_semaphore, #tpu.memory_space<semaphore_mem>>
      %run_scoped3A_8 = memref.alloca() : memref<2x8x2048xf32, #tpu.memory_space<vmem>>
      %run_scoped3A_9 = tpu.sem_alloc : memref<2x!tpu.dma_semaphore, #tpu.memory_space<semaphore_mem>>
      %add3A_10 = arith.constant 0 : i32
      %add3A_11 = arith.addi %add3A_10, %mul3A_6 : i32
      %select_n3A = arith.constant true
      %select_n3A_12 = arith.constant 0 : i32
      %select_n3A_13 = arith.constant -1 : i32
      %select_n3A_14 = arith.select %select_n3A, %select_n3A_13, %select_n3A_12 : i32
      %eq3A = arith.constant -1 : i32
      %eq3A_15 = arith.cmpi eq, %select_n3A_14, %eq3A : i32
      %select_n3A_16 = arith.constant 63 : i32
      %select_n3A_17 = arith.select %eq3A_15, %select_n3A_16, %select_n3A_14 : i32
      %add3A_18 = arith.addi %select_n3A_17, %mul3A_6 : i32
      %select_n3A_19 = arith.constant true
      %select_n3A_20 = arith.constant 0 : i32
      %select_n3A_21 = arith.constant 1 : i32
      %select_n3A_22 = arith.select %select_n3A_19, %select_n3A_21, %select_n3A_20 : i32
      %eq3A_23 = arith.constant 64 : i32
      %eq3A_24 = arith.cmpi eq, %select_n3A_22, %eq3A_23 : i32
      %select_n3A_25 = arith.constant 0 : i32
      %select_n3A_26 = arith.select %eq3A_24, %select_n3A_25, %select_n3A_22 : i32
      %add3A_27 = arith.addi %select_n3A_26, %mul3A_6 : i32
      %add3A_28 = arith.constant 1 : i32
      %add3A_29 = arith.addi %select_n3A_26, %add3A_28 : i32
      %select_n3A_30 = arith.constant true
      %select_n3A_31 = arith.select %select_n3A_30, %add3A_29, %select_n3A_26 : i32
      %eq3A_32 = arith.constant 64 : i32
      %eq3A_33 = arith.cmpi eq, %select_n3A_31, %eq3A_32 : i32
      %select_n3A_34 = arith.constant 0 : i32
      %select_n3A_35 = arith.select %eq3A_33, %select_n3A_34, %select_n3A_31 : i32
      %add3A_36 = arith.addi %select_n3A_35, %mul3A_6 : i32
      "tpu.trace_start"() <{level = 10 : i32, message = "ep_initialize_0"}> : () -> ()
      %rem3A = arith.constant 0 : i32
      %rem3A_37 = arith.constant 2 : i32
      %rem3A_38 = arith.remui %rem3A, %rem3A_37 : i32
      %mul3A_39 = arith.constant 8 : i32
      %mul3A_40 = arith.muli %mul3A_39, %add3A_11 : i32
      %dma_start3A = arith.constant 0 : i32
      %dma_start3A_41 = arith.constant 0 : i32
      %dma_start3A_42 = tpu.memref_slice %run_scoped3A[%rem3A_38, %dma_start3A, %dma_start3A_41] : memref<2x8x2048xf32, #tpu.memory_space<vmem>> -> memref<1x8x2048xf32, #tpu.memory_space<vmem>>
      %dma_start3A_43 = tpu.memref_squeeze %dma_start3A_42 : memref<1x8x2048xf32, #tpu.memory_space<vmem>> -> memref<8x2048xf32, #tpu.memory_space<vmem>>
      %dma_start3A_44 = arith.constant 0 : i32
      %dma_start3A_45 = tpu.memref_slice %arg2[%mul3A_40, %dma_start3A_44] : memref<16384x2048xf32, #tpu.memory_space<hbm>> -> memref<8x2048xf32, #tpu.memory_space<hbm>>
      %dma_start3A_46 = tpu.memref_slice %run_scoped3A_7[%rem3A_38] : memref<2x!tpu.dma_semaphore, #tpu.memory_space<semaphore_mem>> -> memref<1x!tpu.dma_semaphore, #tpu.memory_space<semaphore_mem>>
      %dma_start3A_47 = tpu.memref_squeeze %dma_start3A_46 : memref<1x!tpu.dma_semaphore, #tpu.memory_space<semaphore_mem>> -> memref<!tpu.dma_semaphore, #tpu.memory_space<semaphore_mem>>
      %dma_start3A_48 = arith.constant 0 : i32
      %dma_start3A_49 = arith.constant 0 : i32
      %dma_start3A_50 = tpu.memref_slice %run_scoped3A[%rem3A_38, %dma_start3A_48, %dma_start3A_49] : memref<2x8x2048xf32, #tpu.memory_space<vmem>> -> memref<1x8x2048xf32, #tpu.memory_space<vmem>>
      %dma_start3A_51 = tpu.memref_squeeze %dma_start3A_50 : memref<1x8x2048xf32, #tpu.memory_space<vmem>> -> memref<8x2048xf32, #tpu.memory_space<vmem>>
      %dma_start3A_52 = arith.constant 0 : i32
      %dma_start3A_53 = tpu.memref_slice %arg2[%mul3A_40, %dma_start3A_52] : memref<16384x2048xf32, #tpu.memory_space<hbm>> -> memref<8x2048xf32, #tpu.memory_space<hbm>>
      tpu.enqueue_dma source(%dma_start3A_53 : memref<8x2048xf32, #tpu.memory_space<hbm>>) target(%dma_start3A_51 : memref<8x2048xf32, #tpu.memory_space<vmem>>) target_semaphore(%dma_start3A_47 : memref<!tpu.dma_semaphore, #tpu.memory_space<semaphore_mem>>)
      %add3A_54 = arith.constant 0 : i32
      %add3A_55 = arith.constant 1 : i32
      %add3A_56 = arith.addi %add3A_54, %add3A_55 : i32
      %select_n3A_57 = arith.constant true
      %select_n3A_58 = arith.constant 0 : i32
      %select_n3A_59 = arith.select %select_n3A_57, %add3A_56, %select_n3A_58 : i32
      "tpu.trace_stop"() : () -> ()
      %scan3A = arith.constant 0 : i32
      %scan3A_60 = arith.constant 0 : i32
      %scan3A_61 = arith.constant 0 : i32
      %scan3A_62 = arith.constant 0 : i32
      %scan3A_63 = arith.constant 0 : i32
      %scan3A_64 = arith.constant 64 : i32
      %scan3A_65 = arith.addi %scan3A_63, %scan3A_64 : i32
      %scan3A_66 = arith.constant 1 : i32
      %scan3A_67:5 = scf.for %scan3A_121 = %scan3A_63 to %scan3A_65 step %scan3A_66 iter_args(%scan3A_122 = %select_n3A_59, %scan3A_123 = %scan3A, %scan3A_124 = %scan3A_60, %scan3A_125 = %scan3A_61, %scan3A_126 = %scan3A_62) -> (i32, i32, i32, i32, i32)  : i32 {
        %eq3A_127 = arith.constant 0 : i32
        %eq3A_128 = arith.cmpi eq, %scan3A_121, %eq3A_127 : i32
        %eq3A_129 = arith.constant 63 : i32
        %eq3A_130 = arith.cmpi eq, %scan3A_121, %eq3A_129 : i32
        %add3A_131 = arith.addi %scan3A_126, %mul3A_6 : i32
        %sub3A_132 = arith.constant 1 : i32
        %sub3A_133 = arith.subi %scan3A_126, %sub3A_132 : i32
        %select_n3A_134 = arith.constant true
        %select_n3A_135 = arith.select %select_n3A_134, %sub3A_133, %scan3A_126 : i32
        %eq3A_136 = arith.constant -1 : i32
        %eq3A_137 = arith.cmpi eq, %select_n3A_135, %eq3A_136 : i32
        %select_n3A_138 = arith.constant 63 : i32
        %select_n3A_139 = arith.select %eq3A_137, %select_n3A_138, %select_n3A_135 : i32
        %add3A_140 = arith.addi %select_n3A_139, %mul3A_6 : i32
        %add3A_141 = arith.constant 1 : i32
        %add3A_142 = arith.addi %scan3A_126, %add3A_141 : i32
        %select_n3A_143 = arith.constant true
        %select_n3A_144 = arith.select %select_n3A_143, %add3A_142, %scan3A_126 : i32
        %eq3A_145 = arith.constant 64 : i32
        %eq3A_146 = arith.cmpi eq, %select_n3A_144, %eq3A_145 : i32
        %select_n3A_147 = arith.constant 0 : i32
        %select_n3A_148 = arith.select %eq3A_146, %select_n3A_147, %select_n3A_144 : i32
        %add3A_149 = arith.addi %select_n3A_148, %mul3A_6 : i32
        %add3A_150 = arith.constant 1 : i32
        %add3A_151 = arith.addi %select_n3A_148, %add3A_150 : i32
        %select_n3A_152 = arith.constant true
        %select_n3A_153 = arith.select %select_n3A_152, %add3A_151, %select_n3A_148 : i32
        %eq3A_154 = arith.constant 64 : i32
        %eq3A_155 = arith.cmpi eq, %select_n3A_153, %eq3A_154 : i32
        %select_n3A_156 = arith.constant 0 : i32
        %select_n3A_157 = arith.select %eq3A_155, %select_n3A_156, %select_n3A_153 : i32
        %add3A_158 = arith.addi %select_n3A_157, %mul3A_6 : i32
        %ne3A = arith.cmpi ne, %add3A_131, %add3A_149 : i32
        %or3A = arith.constant false
        %or3A_159 = arith.ori %or3A, %ne3A : i1
        %or3A_160 = arith.constant false
        %or3A_161 = arith.ori %or3A_159, %or3A_160 : i1
        %ge3A = arith.constant 63 : i32
        %ge3A_162 = arith.cmpi sge, %scan3A_121, %ge3A : i32
        %not3A = arith.constant true
        %not3A_163 = arith.xori %ge3A_162, %not3A : i1
        %and3A = arith.andi %or3A_161, %not3A_163 : i1
        %convert_element_type3A = arith.extui %and3A : i1 to i32
        %cond3A = arith.constant 0 : i32
        %cond3A_164 = arith.cmpi ne, %convert_element_type3A, %cond3A : i32
        scf.if %cond3A_164 {
          "tpu.trace_start"() <{level = 10 : i32, message = "ep_copy_in"}> : () -> ()
          %rem3A_278 = arith.constant 2 : i32
          %rem3A_279 = arith.remui %scan3A_122, %rem3A_278 : i32
          %mul3A_280 = arith.constant 8 : i32
          %mul3A_281 = arith.muli %mul3A_280, %add3A_149 : i32
          %dma_start3A_282 = arith.constant 0 : i32
          %dma_start3A_283 = arith.constant 0 : i32
          %dma_start3A_284 = tpu.memref_slice %run_scoped3A[%rem3A_279, %dma_start3A_282, %dma_start3A_283] : memref<2x8x2048xf32, #tpu.memory_space<vmem>> -> memref<1x8x2048xf32, #tpu.memory_space<vmem>>
          %dma_start3A_285 = tpu.memref_squeeze %dma_start3A_284 : memref<1x8x2048xf32, #tpu.memory_space<vmem>> -> memref<8x2048xf32, #tpu.memory_space<vmem>>
          %dma_start3A_286 = arith.constant 0 : i32
          %dma_start3A_287 = tpu.memref_slice %arg2[%mul3A_281, %dma_start3A_286] : memref<16384x2048xf32, #tpu.memory_space<hbm>> -> memref<8x2048xf32, #tpu.memory_space<hbm>>
          %dma_start3A_288 = tpu.memref_slice %run_scoped3A_7[%rem3A_279] : memref<2x!tpu.dma_semaphore, #tpu.memory_space<semaphore_mem>> -> memref<1x!tpu.dma_semaphore, #tpu.memory_space<semaphore_mem>>
          %dma_start3A_289 = tpu.memref_squeeze %dma_start3A_288 : memref<1x!tpu.dma_semaphore, #tpu.memory_space<semaphore_mem>> -> memref<!tpu.dma_semaphore, #tpu.memory_space<semaphore_mem>>
          %dma_start3A_290 = arith.constant 0 : i32
          %dma_start3A_291 = arith.constant 0 : i32
          %dma_start3A_292 = tpu.memref_slice %run_scoped3A[%rem3A_279, %dma_start3A_290, %dma_start3A_291] : memref<2x8x2048xf32, #tpu.memory_space<vmem>> -> memref<1x8x2048xf32, #tpu.memory_space<vmem>>
          %dma_start3A_293 = tpu.memref_squeeze %dma_start3A_292 : memref<1x8x2048xf32, #tpu.memory_space<vmem>> -> memref<8x2048xf32, #tpu.memory_space<vmem>>
          %dma_start3A_294 = arith.constant 0 : i32
          %dma_start3A_295 = tpu.memref_slice %arg2[%mul3A_281, %dma_start3A_294] : memref<16384x2048xf32, #tpu.memory_space<hbm>> -> memref<8x2048xf32, #tpu.memory_space<hbm>>
          tpu.enqueue_dma source(%dma_start3A_295 : memref<8x2048xf32, #tpu.memory_space<hbm>>) target(%dma_start3A_293 : memref<8x2048xf32, #tpu.memory_space<vmem>>) target_semaphore(%dma_start3A_289 : memref<!tpu.dma_semaphore, #tpu.memory_space<semaphore_mem>>)
          "tpu.trace_stop"() : () -> ()
        } else {
        }
        %and3A_165 = arith.constant true
        %and3A_166 = arith.andi %and3A, %and3A_165 : i1
        %add3A_167 = arith.constant 1 : i32
        %add3A_168 = arith.addi %scan3A_122, %add3A_167 : i32
        %select_n3A_169 = arith.select %and3A_166, %add3A_168, %scan3A_122 : i32
        %ne3A_170 = arith.cmpi ne, %add3A_131, %add3A_149 : i32
        %or3A_171 = arith.constant false
        %or3A_172 = arith.ori %or3A_171, %ne3A_170 : i1
        %or3A_173 = arith.constant false
        %or3A_174 = arith.ori %or3A_172, %or3A_173 : i1
        %ge3A_175 = arith.constant 63 : i32
        %ge3A_176 = arith.cmpi sge, %scan3A_121, %ge3A_175 : i32
        %not3A_177 = arith.constant true
        %not3A_178 = arith.xori %ge3A_176, %not3A_177 : i1
        %and3A_179 = arith.andi %or3A_174, %not3A_178 : i1
        %ne3A_180 = arith.cmpi ne, %add3A_131, %add3A_140 : i32
        %or3A_181 = arith.constant false
        %or3A_182 = arith.ori %or3A_181, %ne3A_180 : i1
        %or3A_183 = arith.constant false
        %or3A_184 = arith.ori %or3A_182, %or3A_183 : i1
        %or3A_185 = arith.ori %or3A_184, %eq3A_128 : i1
        %convert_element_type3A_186 = arith.extui %or3A_185 : i1 to i32
        %cond3A_187 = arith.constant 0 : i32
        %cond3A_188 = arith.cmpi ne, %convert_element_type3A_186, %cond3A_187 : i32
        scf.if %cond3A_188 {
          "tpu.trace_start"() <{level = 10 : i32, message = "ep_wait_in"}> : () -> ()
          %mul3A_278 = arith.constant 8 : i32
          %mul3A_279 = arith.muli %mul3A_278, %add3A_131 : i32
          %rem3A_280 = arith.constant 2 : i32
          %rem3A_281 = arith.remui %scan3A_123, %rem3A_280 : i32
          %dma_wait3A_282 = arith.constant 0 : i32
          %dma_wait3A_283 = arith.constant 0 : i32
          %dma_wait3A_284 = tpu.memref_slice %run_scoped3A[%rem3A_281, %dma_wait3A_282, %dma_wait3A_283] : memref<2x8x2048xf32, #tpu.memory_space<vmem>> -> memref<1x8x2048xf32, #tpu.memory_space<vmem>>
          %dma_wait3A_285 = tpu.memref_squeeze %dma_wait3A_284 : memref<1x8x2048xf32, #tpu.memory_space<vmem>> -> memref<8x2048xf32, #tpu.memory_space<vmem>>
          %dma_wait3A_286 = arith.constant 0 : i32
          %dma_wait3A_287 = tpu.memref_slice %arg2[%mul3A_279, %dma_wait3A_286] : memref<16384x2048xf32, #tpu.memory_space<hbm>> -> memref<8x2048xf32, #tpu.memory_space<hbm>>
          %dma_wait3A_288 = tpu.memref_slice %run_scoped3A_7[%rem3A_281] : memref<2x!tpu.dma_semaphore, #tpu.memory_space<semaphore_mem>> -> memref<1x!tpu.dma_semaphore, #tpu.memory_space<semaphore_mem>>
          %dma_wait3A_289 = tpu.memref_squeeze %dma_wait3A_288 : memref<1x!tpu.dma_semaphore, #tpu.memory_space<semaphore_mem>> -> memref<!tpu.dma_semaphore, #tpu.memory_space<semaphore_mem>>
          %dma_wait3A_290 = arith.constant 0 : i32
          %dma_wait3A_291 = arith.constant 0 : i32
          %dma_wait3A_292 = tpu.memref_slice %run_scoped3A[%rem3A_281, %dma_wait3A_290, %dma_wait3A_291] : memref<2x8x2048xf32, #tpu.memory_space<vmem>> -> memref<1x8x2048xf32, #tpu.memory_space<vmem>>
          %dma_wait3A_293 = tpu.memref_squeeze %dma_wait3A_292 : memref<1x8x2048xf32, #tpu.memory_space<vmem>> -> memref<8x2048xf32, #tpu.memory_space<vmem>>
          %dma_wait3A_294 = arith.constant 0 : i32
          %dma_wait3A_295 = tpu.memref_slice %arg2[%mul3A_279, %dma_wait3A_294] : memref<16384x2048xf32, #tpu.memory_space<hbm>> -> memref<8x2048xf32, #tpu.memory_space<hbm>>
          tpu.wait_dma2 semaphore(%dma_wait3A_289 : memref<!tpu.dma_semaphore, #tpu.memory_space<semaphore_mem>>) src(%dma_wait3A_295 : memref<8x2048xf32, #tpu.memory_space<hbm>>) dst(%dma_wait3A_293 : memref<8x2048xf32, #tpu.memory_space<vmem>>)
          "tpu.trace_stop"() : () -> ()
        } else {
        }
        %ne3A_189 = arith.cmpi ne, %add3A_131, %add3A_140 : i32
        %or3A_190 = arith.constant false
        %or3A_191 = arith.ori %or3A_190, %ne3A_189 : i1
        %or3A_192 = arith.constant false
        %or3A_193 = arith.ori %or3A_191, %or3A_192 : i1
        %or3A_194 = arith.ori %or3A_193, %eq3A_128 : i1
        %convert_element_type3A_195 = arith.extui %or3A_194 : i1 to i32
        %cond3A_196 = arith.constant 0 : i32
        %cond3A_197 = arith.cmpi ne, %convert_element_type3A_195, %cond3A_196 : i32
        scf.if %cond3A_197 {
        } else {
        }
        %rem3A_198 = arith.constant 2 : i32
        %rem3A_199 = arith.remui %scan3A_123, %rem3A_198 : i32
        %rem3A_200 = arith.constant 2 : i32
        %rem3A_201 = arith.remui %scan3A_124, %rem3A_200 : i32
        "tpu.trace_start"() <{level = 10 : i32, message = "ep_run_kernel"}> : () -> ()
        %scan3A_202 = arith.constant 0 : i32
        %scan3A_203 = arith.constant 8 : i32
        %scan3A_204 = arith.addi %scan3A_202, %scan3A_203 : i32
        %scan3A_205 = arith.constant 1 : i32
        scf.for %scan3A_278 = %scan3A_202 to %scan3A_204 step %scan3A_205  : i32 {
          %mul3A_279 = arith.constant 1 : i32
          %mul3A_280 = arith.muli %scan3A_278, %mul3A_279 : i32
          %add3A_281 = arith.constant 0 : i32
          %add3A_282 = arith.addi %add3A_281, %mul3A_280 : i32
          %get3A = arith.constant 0 : i32
          %get3A_283 = arith.constant 0 : i32
          %get3A_284 = tpu.memref_slice %run_scoped3A[%rem3A_199, %get3A, %get3A_283] : memref<2x8x2048xf32, #tpu.memory_space<vmem>> -> memref<1x8x2048xf32, #tpu.memory_space<vmem>>
          %get3A_285 = tpu.memref_squeeze %get3A_284 : memref<1x8x2048xf32, #tpu.memory_space<vmem>> -> memref<8x2048xf32, #tpu.memory_space<vmem>>
          %get3A_286 = arith.index_cast %add3A_282 : i32 to index
          %get3A_287 = arith.constant 0 : index
          %get3A_288 = tpu.vector_load %get3A_285[%get3A_286, %get3A_287] {strides = array<i32>} : memref<8x2048xf32, #tpu.memory_space<vmem>>, vector<1x16xf32>,
          %get3A_289 = vector.shape_cast %get3A_288 : vector<1x16xf32> to vector<1x16xf32>
          %add3A_290 = arith.addf %get3A_289, %get3A_289 : vector<1x16xf32>
          %swap3A = arith.constant 0 : i32
          %swap3A_291 = arith.constant 0 : i32
          %swap3A_292 = tpu.memref_slice %run_scoped3A_8[%rem3A_201, %swap3A, %swap3A_291] : memref<2x8x2048xf32, #tpu.memory_space<vmem>> -> memref<1x8x2048xf32, #tpu.memory_space<vmem>>
          %swap3A_293 = tpu.memref_squeeze %swap3A_292 : memref<1x8x2048xf32, #tpu.memory_space<vmem>> -> memref<8x2048xf32, #tpu.memory_space<vmem>>
          %swap3A_294 = arith.index_cast %add3A_282 : i32 to index
          %swap3A_295 = arith.constant 0 : index
          %swap3A_296 = tpu.vector_load %swap3A_293[%swap3A_294, %swap3A_295] {strides = array<i32>} : memref<8x2048xf32, #tpu.memory_space<vmem>>, vector<1x16xf32>,
          %swap3A_297 = vector.shape_cast %swap3A_296 : vector<1x16xf32> to vector<1x16xf32>
          %swap3A_298 = vector.shape_cast %add3A_290 : vector<1x16xf32> to vector<1x16xf32>
          tpu.vector_store %swap3A_293[%swap3A_294, %swap3A_295], %swap3A_298 {strides = array<i32>} : memref<8x2048xf32, #tpu.memory_space<vmem>>, vector<1x16xf32>,
          %get3A_299 = arith.constant 0 : i32
          %get3A_300 = arith.constant 0 : i32
          %get3A_301 = tpu.memref_slice %run_scoped3A[%rem3A_199, %get3A_299, %get3A_300] : memref<2x8x2048xf32, #tpu.memory_space<vmem>> -> memref<1x8x2048xf32, #tpu.memory_space<vmem>>
          %get3A_302 = tpu.memref_squeeze %get3A_301 : memref<1x8x2048xf32, #tpu.memory_space<vmem>> -> memref<8x2048xf32, #tpu.memory_space<vmem>>
          %get3A_303 = arith.index_cast %add3A_282 : i32 to index
          %get3A_304 = arith.constant 16 : index
          %get3A_305 = tpu.vector_load %get3A_302[%get3A_303, %get3A_304] {strides = array<i32>} : memref<8x2048xf32, #tpu.memory_space<vmem>>, vector<1x16xf32>,
          %get3A_306 = vector.shape_cast %get3A_305 : vector<1x16xf32> to vector<1x16xf32>
          %add3A_307 = arith.addf %get3A_306, %get3A_306 : vector<1x16xf32>
          %swap3A_308 = arith.constant 0 : i32
          %swap3A_309 = arith.constant 0 : i32
          %swap3A_310 = tpu.memref_slice %run_scoped3A_8[%rem3A_201, %swap3A_308, %swap3A_309] : memref<2x8x2048xf32, #tpu.memory_space<vmem>> -> memref<1x8x2048xf32, #tpu.memory_space<vmem>>
          %swap3A_311 = tpu.memref_squeeze %swap3A_310 : memref<1x8x2048xf32, #tpu.memory_space<vmem>> -> memref<8x2048xf32, #tpu.memory_space<vmem>>
          %swap3A_312 = arith.index_cast %add3A_282 : i32 to index
          %swap3A_313 = arith.constant 16 : index
          %swap3A_314 = tpu.vector_load %swap3A_311[%swap3A_312, %swap3A_313] {strides = array<i32>} : memref<8x2048xf32, #tpu.memory_space<vmem>>, vector<1x16xf32>,
          %swap3A_315 = vector.shape_cast %swap3A_314 : vector<1x16xf32> to vector<1x16xf32>
          %swap3A_316 = vector.shape_cast %add3A_307 : vector<1x16xf32> to vector<1x16xf32>
          tpu.vector_store %swap3A_311[%swap3A_312, %swap3A_313], %swap3A_316 {strides = array<i32>} : memref<8x2048xf32, #tpu.memory_space<vmem>>, vector<1x16xf32>,
          %get3A_317 = arith.constant 0 : i32
          %get3A_318 = arith.constant 0 : i32
          %get3A_319 = tpu.memref_slice %run_scoped3A[%rem3A_199, %get3A_317, %get3A_318] : memref<2x8x2048xf32, #tpu.memory_space<vmem>> -> memref<1x8x2048xf32, #tpu.memory_space<vmem>>
          %get3A_320 = tpu.memref_squeeze %get3A_319 : memref<1x8x2048xf32, #tpu.memory_space<vmem>> -> memref<8x2048xf32, #tpu.memory_space<vmem>>
          %get3A_321 = arith.index_cast %add3A_282 : i32 to index
          %get3A_322 = arith.constant 32 : index
          %get3A_323 = tpu.vector_load %get3A_320[%get3A_321, %get3A_322] {strides = array<i32>} : memref<8x2048xf32, #tpu.memory_space<vmem>>, vector<1x16xf32>,
          %get3A_324 = vector.shape_cast %get3A_323 : vector<1x16xf32> to vector<1x16xf32>
          %add3A_325 = arith.addf %get3A_324, %get3A_324 : vector<1x16xf32>
          %swap3A_326 = arith.constant 0 : i32
          %swap3A_327 = arith.constant 0 : i32
          %swap3A_328 = tpu.memref_slice %run_scoped3A_8[%rem3A_201, %swap3A_326, %swap3A_327] : memref<2x8x2048xf32, #tpu.memory_space<vmem>> -> memref<1x8x2048xf32, #tpu.memory_space<vmem>>
          %swap3A_329 = tpu.memref_squeeze %swap3A_328 : memref<1x8x2048xf32, #tpu.memory_space<vmem>> -> memref<8x2048xf32, #tpu.memory_space<vmem>>
          %swap3A_330 = arith.index_cast %add3A_282 : i32 to index
          %swap3A_331 = arith.constant 32 : index
          %swap3A_332 = tpu.vector_load %swap3A_329[%swap3A_330, %swap3A_331] {strides = array<i32>} : memref<8x2048xf32, #tpu.memory_space<vmem>>, vector<1x16xf32>,
          %swap3A_333 = vector.shape_cast %swap3A_332 : vector<1x16xf32> to vector<1x16xf32>
          %swap3A_334 = vector.shape_cast %add3A_325 : vector<1x16xf32> to vector<1x16xf32>
          tpu.vector_store %swap3A_329[%swap3A_330, %swap3A_331], %swap3A_334 {strides = array<i32>} : memref<8x2048xf32, #tpu.memory_space<vmem>>, vector<1x16xf32>,
          %get3A_335 = arith.constant 0 : i32
          %get3A_336 = arith.constant 0 : i32
          %get3A_337 = tpu.memref_slice %run_scoped3A[%rem3A_199, %get3A_335, %get3A_336] : memref<2x8x2048xf32, #tpu.memory_space<vmem>> -> memref<1x8x2048xf32, #tpu.memory_space<vmem>>
          %get3A_338 = tpu.memref_squeeze %get3A_337 : memref<1x8x2048xf32, #tpu.memory_space<vmem>> -> memref<8x2048xf32, #tpu.memory_space<vmem>>
          %get3A_339 = arith.index_cast %add3A_282 : i32 to index
          %get3A_340 = arith.constant 48 : index
          %get3A_341 = tpu.vector_load %get3A_338[%get3A_339, %get3A_340] {strides = array<i32>} : memref<8x2048xf32, #tpu.memory_space<vmem>>, vector<1x16xf32>,
          %get3A_342 = vector.shape_cast %get3A_341 : vector<1x16xf32> to vector<1x16xf32>
          %add3A_343 = arith.addf %get3A_342, %get3A_342 : vector<1x16xf32>
          %swap3A_344 = arith.constant 0 : i32
          %swap3A_345 = arith.constant 0 : i32
          %swap3A_346 = tpu.memref_slice %run_scoped3A_8[%rem3A_201, %swap3A_344, %swap3A_345] : memref<2x8x2048xf32, #tpu.memory_space<vmem>> -> memref<1x8x2048xf32, #tpu.memory_space<vmem>>
          %swap3A_347 = tpu.memref_squeeze %swap3A_346 : memref<1x8x2048xf32, #tpu.memory_space<vmem>> -> memref<8x2048xf32, #tpu.memory_space<vmem>>
          %swap3A_348 = arith.index_cast %add3A_282 : i32 to index
          %swap3A_349 = arith.constant 48 : index
          %swap3A_350 = tpu.vector_load %swap3A_347[%swap3A_348, %swap3A_349] {strides = array<i32>} : memref<8x2048xf32, #tpu.memory_space<vmem>>, vector<1x16xf32>,
          %swap3A_351 = vector.shape_cast %swap3A_350 : vector<1x16xf32> to vector<1x16xf32>
          %swap3A_352 = vector.shape_cast %add3A_343 : vector<1x16xf32> to vector<1x16xf32>
          tpu.vector_store %swap3A_347[%swap3A_348, %swap3A_349], %swap3A_352 {strides = array<i32>} : memref<8x2048xf32, #tpu.memory_space<vmem>>, vector<1x16xf32>,
          %get3A_353 = arith.constant 0 : i32
          %get3A_354 = arith.constant 0 : i32
          %get3A_355 = tpu.memref_slice %run_scoped3A[%rem3A_199, %get3A_353, %get3A_354] : memref<2x8x2048xf32, #tpu.memory_space<vmem>> -> memref<1x8x2048xf32, #tpu.memory_space<vmem>>
          %get3A_356 = tpu.memref_squeeze %get3A_355 : memref<1x8x2048xf32, #tpu.memory_space<vmem>> -> memref<8x2048xf32, #tpu.memory_space<vmem>>
          %get3A_357 = arith.index_cast %add3A_282 : i32 to index
          %get3A_358 = arith.constant 64 : index
          %get3A_359 = tpu.vector_load %get3A_356[%get3A_357, %get3A_358] {strides = array<i32>} : memref<8x2048xf32, #tpu.memory_space<vmem>>, vector<1x16xf32>,
          %get3A_360 = vector.shape_cast %get3A_359 : vector<1x16xf32> to vector<1x16xf32>
          %add3A_361 = arith.addf %get3A_360, %get3A_360 : vector<1x16xf32>
          %swap3A_362 = arith.constant 0 : i32
          %swap3A_363 = arith.constant 0 : i32
          %swap3A_364 = tpu.memref_slice %run_scoped3A_8[%rem3A_201, %swap3A_362, %swap3A_363] : memref<2x8x2048xf32, #tpu.memory_space<vmem>> -> memref<1x8x2048xf32, #tpu.memory_space<vmem>>
          %swap3A_365 = tpu.memref_squeeze %swap3A_364 : memref<1x8x2048xf32, #tpu.memory_space<vmem>> -> memref<8x2048xf32, #tpu.memory_space<vmem>>
          %swap3A_366 = arith.index_cast %add3A_282 : i32 to index
          %swap3A_367 = arith.constant 64 : index
          %swap3A_368 = tpu.vector_load %swap3A_365[%swap3A_366, %swap3A_367] {strides = array<i32>} : memref<8x2048xf32, #tpu.memory_space<vmem>>, vector<1x16xf32>,
          %swap3A_369 = vector.shape_cast %swap3A_368 : vector<1x16xf32> to vector<1x16xf32>
          %swap3A_370 = vector.shape_cast %add3A_361 : vector<1x16xf32> to vector<1x16xf32>
          tpu.vector_store %swap3A_365[%swap3A_366, %swap3A_367], %swap3A_370 {strides = array<i32>} : memref<8x2048xf32, #tpu.memory_space<vmem>>, vector<1x16xf32>,
          %get3A_371 = arith.constant 0 : i32
          %get3A_372 = arith.constant 0 : i32
          %get3A_373 = tpu.memref_slice %run_scoped3A[%rem3A_199, %get3A_371, %get3A_372] : memref<2x8x2048xf32, #tpu.memory_space<vmem>> -> memref<1x8x2048xf32, #tpu.memory_space<vmem>>
          %get3A_374 = tpu.memref_squeeze %get3A_373 : memref<1x8x2048xf32, #tpu.memory_space<vmem>> -> memref<8x2048xf32, #tpu.memory_space<vmem>>
          %get3A_375 = arith.index_cast %add3A_282 : i32 to index
          %get3A_376 = arith.constant 80 : index
          %get3A_377 = tpu.vector_load %get3A_374[%get3A_375, %get3A_376] {strides = array<i32>} : memref<8x2048xf32, #tpu.memory_space<vmem>>, vector<1x16xf32>,
          %get3A_378 = vector.shape_cast %get3A_377 : vector<1x16xf32> to vector<1x16xf32>
          %add3A_379 = arith.addf %get3A_378, %get3A_378 : vector<1x16xf32>
          %swap3A_380 = arith.constant 0 : i32
          %swap3A_381 = arith.constant 0 : i32
          %swap3A_382 = tpu.memref_slice %run_scoped3A_8[%rem3A_201, %swap3A_380, %swap3A_381] : memref<2x8x2048xf32, #tpu.memory_space<vmem>> -> memref<1x8x2048xf32, #tpu.memory_space<vmem>>
          %swap3A_383 = tpu.memref_squeeze %swap3A_382 : memref<1x8x2048xf32, #tpu.memory_space<vmem>> -> memref<8x2048xf32, #tpu.memory_space<vmem>>
          %swap3A_384 = arith.index_cast %add3A_282 : i32 to index
          %swap3A_385 = arith.constant 80 : index
          %swap3A_386 = tpu.vector_load %swap3A_383[%swap3A_384, %swap3A_385] {strides = array<i32>} : memref<8x2048xf32, #tpu.memory_space<vmem>>, vector<1x16xf32>,
          %swap3A_387 = vector.shape_cast %swap3A_386 : vector<1x16xf32> to vector<1x16xf32>
          %swap3A_388 = vector.shape_cast %add3A_379 : vector<1x16xf32> to vector<1x16xf32>
          tpu.vector_store %swap3A_383[%swap3A_384, %swap3A_385], %swap3A_388 {strides = array<i32>} : memref<8x2048xf32, #tpu.memory_space<vmem>>, vector<1x16xf32>,
          %get3A_389 = arith.constant 0 : i32
          %get3A_390 = arith.constant 0 : i32
          %get3A_391 = tpu.memref_slice %run_scoped3A[%rem3A_199, %get3A_389, %get3A_390] : memref<2x8x2048xf32, #tpu.memory_space<vmem>> -> memref<1x8x2048xf32, #tpu.memory_space<vmem>>
          %get3A_392 = tpu.memref_squeeze %get3A_391 : memref<1x8x2048xf32, #tpu.memory_space<vmem>> -> memref<8x2048xf32, #tpu.memory_space<vmem>>
          %get3A_393 = arith.index_cast %add3A_282 : i32 to index
          %get3A_394 = arith.constant 96 : index
          %get3A_395 = tpu.vector_load %get3A_392[%get3A_393, %get3A_394] {strides = array<i32>} : memref<8x2048xf32, #tpu.memory_space<vmem>>, vector<1x16xf32>,
          %get3A_396 = vector.shape_cast %get3A_395 : vector<1x16xf32> to vector<1x16xf32>
          %add3A_397 = arith.addf %get3A_396, %get3A_396 : vector<1x16xf32>
          %swap3A_398 = arith.constant 0 : i32
          %swap3A_399 = arith.constant 0 : i32
          %swap3A_400 = tpu.memref_slice %run_scoped3A_8[%rem3A_201, %swap3A_398, %swap3A_399] : memref<2x8x2048xf32, #tpu.memory_space<vmem>> -> memref<1x8x2048xf32, #tpu.memory_space<vmem>>
          %swap3A_401 = tpu.memref_squeeze %swap3A_400 : memref<1x8x2048xf32, #tpu.memory_space<vmem>> -> memref<8x2048xf32, #tpu.memory_space<vmem>>
          %swap3A_402 = arith.index_cast %add3A_282 : i32 to index
          %swap3A_403 = arith.constant 96 : index
          %swap3A_404 = tpu.vector_load %swap3A_401[%swap3A_402, %swap3A_403] {strides = array<i32>} : memref<8x2048xf32, #tpu.memory_space<vmem>>, vector<1x16xf32>,
          %swap3A_405 = vector.shape_cast %swap3A_404 : vector<1x16xf32> to vector<1x16xf32>
          %swap3A_406 = vector.shape_cast %add3A_397 : vector<1x16xf32> to vector<1x16xf32>
          tpu.vector_store %swap3A_401[%swap3A_402, %swap3A_403], %swap3A_406 {strides = array<i32>} : memref<8x2048xf32, #tpu.memory_space<vmem>>, vector<1x16xf32>,
          %get3A_407 = arith.constant 0 : i32
          %get3A_408 = arith.constant 0 : i32
          %get3A_409 = tpu.memref_slice %run_scoped3A[%rem3A_199, %get3A_407, %get3A_408] : memref<2x8x2048xf32, #tpu.memory_space<vmem>> -> memref<1x8x2048xf32, #tpu.memory_space<vmem>>
          %get3A_410 = tpu.memref_squeeze %get3A_409 : memref<1x8x2048xf32, #tpu.memory_space<vmem>> -> memref<8x2048xf32, #tpu.memory_space<vmem>>
          %get3A_411 = arith.index_cast %add3A_282 : i32 to index
          %get3A_412 = arith.constant 112 : index
          %get3A_413 = tpu.vector_load %get3A_410[%get3A_411, %get3A_412] {strides = array<i32>} : memref<8x2048xf32, #tpu.memory_space<vmem>>, vector<1x16xf32>,
          %get3A_414 = vector.shape_cast %get3A_413 : vector<1x16xf32> to vector<1x16xf32>
          %add3A_415 = arith.addf %get3A_414, %get3A_414 : vector<1x16xf32>
          %swap3A_416 = arith.constant 0 : i32
          %swap3A_417 = arith.constant 0 : i32
          %swap3A_418 = tpu.memref_slice %run_scoped3A_8[%rem3A_201, %swap3A_416, %swap3A_417] : memref<2x8x2048xf32, #tpu.memory_space<vmem>> -> memref<1x8x2048xf32, #tpu.memory_space<vmem>>
          %swap3A_419 = tpu.memref_squeeze %swap3A_418 : memref<1x8x2048xf32, #tpu.memory_space<vmem>> -> memref<8x2048xf32, #tpu.memory_space<vmem>>
          %swap3A_420 = arith.index_cast %add3A_282 : i32 to index
          %swap3A_421 = arith.constant 112 : index
          %swap3A_422 = tpu.vector_load %swap3A_419[%swap3A_420, %swap3A_421] {strides = array<i32>} : memref<8x2048xf32, #tpu.memory_space<vmem>>, vector<1x16xf32>,
          %swap3A_423 = vector.shape_cast %swap3A_422 : vector<1x16xf32> to vector<1x16xf32>
          %swap3A_424 = vector.shape_cast %add3A_415 : vector<1x16xf32> to vector<1x16xf32>
          tpu.vector_store %swap3A_419[%swap3A_420, %swap3A_421], %swap3A_424 {strides = array<i32>} : memref<8x2048xf32, #tpu.memory_space<vmem>>, vector<1x16xf32>,
          %get3A_425 = arith.constant 0 : i32
          %get3A_426 = arith.constant 0 : i32
          %get3A_427 = tpu.memref_slice %run_scoped3A[%rem3A_199, %get3A_425, %get3A_426] : memref<2x8x2048xf32, #tpu.memory_space<vmem>> -> memref<1x8x2048xf32, #tpu.memory_space<vmem>>
          %get3A_428 = tpu.memref_squeeze %get3A_427 : memref<1x8x2048xf32, #tpu.memory_space<vmem>> -> memref<8x2048xf32, #tpu.memory_space<vmem>>
          %get3A_429 = arith.index_cast %add3A_282 : i32 to index
          %get3A_430 = arith.constant 128 : index
          %get3A_431 = tpu.vector_load %get3A_428[%get3A_429, %get3A_430] {strides = array<i32>} : memref<8x2048xf32, #tpu.memory_space<vmem>>, vector<1x16xf32>,
          %get3A_432 = vector.shape_cast %get3A_431 : vector<1x16xf32> to vector<1x16xf32>
          %add3A_433 = arith.addf %get3A_432, %get3A_432 : vector<1x16xf32>
          %swap3A_434 = arith.constant 0 : i32
          %swap3A_435 = arith.constant 0 : i32
          %swap3A_436 = tpu.memref_slice %run_scoped3A_8[%rem3A_201, %swap3A_434, %swap3A_435] : memref<2x8x2048xf32, #tpu.memory_space<vmem>> -> memref<1x8x2048xf32, #tpu.memory_space<vmem>>
          %swap3A_437 = tpu.memref_squeeze %swap3A_436 : memref<1x8x2048xf32, #tpu.memory_space<vmem>> -> memref<8x2048xf32, #tpu.memory_space<vmem>>
          %swap3A_438 = arith.index_cast %add3A_282 : i32 to index
          %swap3A_439 = arith.constant 128 : index
          %swap3A_440 = tpu.vector_load %swap3A_437[%swap3A_438, %swap3A_439] {strides = array<i32>} : memref<8x2048xf32, #tpu.memory_space<vmem>>, vector<1x16xf32>,
          %swap3A_441 = vector.shape_cast %swap3A_440 : vector<1x16xf32> to vector<1x16xf32>
          %swap3A_442 = vector.shape_cast %add3A_433 : vector<1x16xf32> to vector<1x16xf32>
          tpu.vector_store %swap3A_437[%swap3A_438, %swap3A_439], %swap3A_442 {strides = array<i32>} : memref<8x2048xf32, #tpu.memory_space<vmem>>, vector<1x16xf32>,
          %get3A_443 = arith.constant 0 : i32
          %get3A_444 = arith.constant 0 : i32
          %get3A_445 = tpu.memref_slice %run_scoped3A[%rem3A_199, %get3A_443, %get3A_444] : memref<2x8x2048xf32, #tpu.memory_space<vmem>> -> memref<1x8x2048xf32, #tpu.memory_space<vmem>>
          %get3A_446 = tpu.memref_squeeze %get3A_445 : memref<1x8x2048xf32, #tpu.memory_space<vmem>> -> memref<8x2048xf32, #tpu.memory_space<vmem>>
          %get3A_447 = arith.index_cast %add3A_282 : i32 to index
          %get3A_448 = arith.constant 144 : index
          %get3A_449 = tpu.vector_load %get3A_446[%get3A_447, %get3A_448] {strides = array<i32>} : memref<8x2048xf32, #tpu.memory_space<vmem>>, vector<1x16xf32>,
          %get3A_450 = vector.shape_cast %get3A_449 : vector<1x16xf32> to vector<1x16xf32>
          %add3A_451 = arith.addf %get3A_450, %get3A_450 : vector<1x16xf32>
          %swap3A_452 = arith.constant 0 : i32
          %swap3A_453 = arith.constant 0 : i32
          %swap3A_454 = tpu.memref_slice %run_scoped3A_8[%rem3A_201, %swap3A_452, %swap3A_453] : memref<2x8x2048xf32, #tpu.memory_space<vmem>> -> memref<1x8x2048xf32, #tpu.memory_space<vmem>>
          %swap3A_455 = tpu.memref_squeeze %swap3A_454 : memref<1x8x2048xf32, #tpu.memory_space<vmem>> -> memref<8x2048xf32, #tpu.memory_space<vmem>>
          %swap3A_456 = arith.index_cast %add3A_282 : i32 to index
          %swap3A_457 = arith.constant 144 : index
          %swap3A_458 = tpu.vector_load %swap3A_455[%swap3A_456, %swap3A_457] {strides = array<i32>} : memref<8x2048xf32, #tpu.memory_space<vmem>>, vector<1x16xf32>,
          %swap3A_459 = vector.shape_cast %swap3A_458 : vector<1x16xf32> to vector<1x16xf32>
          %swap3A_460 = vector.shape_cast %add3A_451 : vector<1x16xf32> to vector<1x16xf32>
          tpu.vector_store %swap3A_455[%swap3A_456, %swap3A_457], %swap3A_460 {strides = array<i32>} : memref<8x2048xf32, #tpu.memory_space<vmem>>, vector<1x16xf32>,
          %get3A_461 = arith.constant 0 : i32
          %get3A_462 = arith.constant 0 : i32
          %get3A_463 = tpu.memref_slice %run_scoped3A[%rem3A_199, %get3A_461, %get3A_462] : memref<2x8x2048xf32, #tpu.memory_space<vmem>> -> memref<1x8x2048xf32, #tpu.memory_space<vmem>>
          %get3A_464 = tpu.memref_squeeze %get3A_463 : memref<1x8x2048xf32, #tpu.memory_space<vmem>> -> memref<8x2048xf32, #tpu.memory_space<vmem>>
          %get3A_465 = arith.index_cast %add3A_282 : i32 to index
          %get3A_466 = arith.constant 160 : index
          %get3A_467 = tpu.vector_load %get3A_464[%get3A_465, %get3A_466] {strides = array<i32>} : memref<8x2048xf32, #tpu.memory_space<vmem>>, vector<1x16xf32>,
          %get3A_468 = vector.shape_cast %get3A_467 : vector<1x16xf32> to vector<1x16xf32>
          %add3A_469 = arith.addf %get3A_468, %get3A_468 : vector<1x16xf32>
          %swap3A_470 = arith.constant 0 : i32
          %swap3A_471 = arith.constant 0 : i32
          %swap3A_472 = tpu.memref_slice %run_scoped3A_8[%rem3A_201, %swap3A_470, %swap3A_471] : memref<2x8x2048xf32, #tpu.memory_space<vmem>> -> memref<1x8x2048xf32, #tpu.memory_space<vmem>>
          %swap3A_473 = tpu.memref_squeeze %swap3A_472 : memref<1x8x2048xf32, #tpu.memory_space<vmem>> -> memref<8x2048xf32, #tpu.memory_space<vmem>>
          %swap3A_474 = arith.index_cast %add3A_282 : i32 to index
          %swap3A_475 = arith.constant 160 : index
          %swap3A_476 = tpu.vector_load %swap3A_473[%swap3A_474, %swap3A_475] {strides = array<i32>} : memref<8x2048xf32, #tpu.memory_space<vmem>>, vector<1x16xf32>,
          %swap3A_477 = vector.shape_cast %swap3A_476 : vector<1x16xf32> to vector<1x16xf32>
          %swap3A_478 = vector.shape_cast %add3A_469 : vector<1x16xf32> to vector<1x16xf32>
          tpu.vector_store %swap3A_473[%swap3A_474, %swap3A_475], %swap3A_478 {strides = array<i32>} : memref<8x2048xf32, #tpu.memory_space<vmem>>, vector<1x16xf32>,
          %get3A_479 = arith.constant 0 : i32
          %get3A_480 = arith.constant 0 : i32
          %get3A_481 = tpu.memref_slice %run_scoped3A[%rem3A_199, %get3A_479, %get3A_480] : memref<2x8x2048xf32, #tpu.memory_space<vmem>> -> memref<1x8x2048xf32, #tpu.memory_space<vmem>>
          %get3A_482 = tpu.memref_squeeze %get3A_481 : memref<1x8x2048xf32, #tpu.memory_space<vmem>> -> memref<8x2048xf32, #tpu.memory_space<vmem>>
          %get3A_483 = arith.index_cast %add3A_282 : i32 to index
          %get3A_484 = arith.constant 176 : index
          %get3A_485 = tpu.vector_load %get3A_482[%get3A_483, %get3A_484] {strides = array<i32>} : memref<8x2048xf32, #tpu.memory_space<vmem>>, vector<1x16xf32>,
          %get3A_486 = vector.shape_cast %get3A_485 : vector<1x16xf32> to vector<1x16xf32>
          %add3A_487 = arith.addf %get3A_486, %get3A_486 : vector<1x16xf32>
          %swap3A_488 = arith.constant 0 : i32
          %swap3A_489 = arith.constant 0 : i32
          %swap3A_490 = tpu.memref_slice %run_scoped3A_8[%rem3A_201, %swap3A_488, %swap3A_489] : memref<2x8x2048xf32, #tpu.memory_space<vmem>> -> memref<1x8x2048xf32, #tpu.memory_space<vmem>>
          %swap3A_491 = tpu.memref_squeeze %swap3A_490 : memref<1x8x2048xf32, #tpu.memory_space<vmem>> -> memref<8x2048xf32, #tpu.memory_space<vmem>>
          %swap3A_492 = arith.index_cast %add3A_282 : i32 to index
          %swap3A_493 = arith.constant 176 : index
          %swap3A_494 = tpu.vector_load %swap3A_491[%swap3A_492, %swap3A_493] {strides = array<i32>} : memref<8x2048xf32, #tpu.memory_space<vmem>>, vector<1x16xf32>,
          %swap3A_495 = vector.shape_cast %swap3A_494 : vector<1x16xf32> to vector<1x16xf32>
          %swap3A_496 = vector.shape_cast %add3A_487 : vector<1x16xf32> to vector<1x16xf32>
          tpu.vector_store %swap3A_491[%swap3A_492, %swap3A_493], %swap3A_496 {strides = array<i32>} : memref<8x2048xf32, #tpu.memory_space<vmem>>, vector<1x16xf32>,
          %get3A_497 = arith.constant 0 : i32
          %get3A_498 = arith.constant 0 : i32
          %get3A_499 = tpu.memref_slice %run_scoped3A[%rem3A_199, %get3A_497, %get3A_498] : memref<2x8x2048xf32, #tpu.memory_space<vmem>> -> memref<1x8x2048xf32, #tpu.memory_space<vmem>>
          %get3A_500 = tpu.memref_squeeze %get3A_499 : memref<1x8x2048xf32, #tpu.memory_space<vmem>> -> memref<8x2048xf32, #tpu.memory_space<vmem>>
          %get3A_501 = arith.index_cast %add3A_282 : i32 to index
          %get3A_502 = arith.constant 192 : index
          %get3A_503 = tpu.vector_load %get3A_500[%get3A_501, %get3A_502] {strides = array<i32>} : memref<8x2048xf32, #tpu.memory_space<vmem>>, vector<1x16xf32>,
          %get3A_504 = vector.shape_cast %get3A_503 : vector<1x16xf32> to vector<1x16xf32>
          %add3A_505 = arith.addf %get3A_504, %get3A_504 : vector<1x16xf32>
          %swap3A_506 = arith.constant 0 : i32
          %swap3A_507 = arith.constant 0 : i32
          %swap3A_508 = tpu.memref_slice %run_scoped3A_8[%rem3A_201, %swap3A_506, %swap3A_507] : memref<2x8x2048xf32, #tpu.memory_space<vmem>> -> memref<1x8x2048xf32, #tpu.memory_space<vmem>>
          %swap3A_509 = tpu.memref_squeeze %swap3A_508 : memref<1x8x2048xf32, #tpu.memory_space<vmem>> -> memref<8x2048xf32, #tpu.memory_space<vmem>>
          %swap3A_510 = arith.index_cast %add3A_282 : i32 to index
          %swap3A_511 = arith.constant 192 : index
          %swap3A_512 = tpu.vector_load %swap3A_509[%swap3A_510, %swap3A_511] {strides = array<i32>} : memref<8x2048xf32, #tpu.memory_space<vmem>>, vector<1x16xf32>,
          %swap3A_513 = vector.shape_cast %swap3A_512 : vector<1x16xf32> to vector<1x16xf32>
          %swap3A_514 = vector.shape_cast %add3A_505 : vector<1x16xf32> to vector<1x16xf32>
          tpu.vector_store %swap3A_509[%swap3A_510, %swap3A_511], %swap3A_514 {strides = array<i32>} : memref<8x2048xf32, #tpu.memory_space<vmem>>, vector<1x16xf32>,
          %get3A_515 = arith.constant 0 : i32
          %get3A_516 = arith.constant 0 : i32
          %get3A_517 = tpu.memref_slice %run_scoped3A[%rem3A_199, %get3A_515, %get3A_516] : memref<2x8x2048xf32, #tpu.memory_space<vmem>> -> memref<1x8x2048xf32, #tpu.memory_space<vmem>>
          %get3A_518 = tpu.memref_squeeze %get3A_517 : memref<1x8x2048xf32, #tpu.memory_space<vmem>> -> memref<8x2048xf32, #tpu.memory_space<vmem>>
          %get3A_519 = arith.index_cast %add3A_282 : i32 to index
          %get3A_520 = arith.constant 208 : index
          %get3A_521 = tpu.vector_load %get3A_518[%get3A_519, %get3A_520] {strides = array<i32>} : memref<8x2048xf32, #tpu.memory_space<vmem>>, vector<1x16xf32>,
          %get3A_522 = vector.shape_cast %get3A_521 : vector<1x16xf32> to vector<1x16xf32>
          %add3A_523 = arith.addf %get3A_522, %get3A_522 : vector<1x16xf32>
          %swap3A_524 = arith.constant 0 : i32
          %swap3A_525 = arith.constant 0 : i32
          %swap3A_526 = tpu.memref_slice %run_scoped3A_8[%rem3A_201, %swap3A_524, %swap3A_525] : memref<2x8x2048xf32, #tpu.memory_space<vmem>> -> memref<1x8x2048xf32, #tpu.memory_space<vmem>>
          %swap3A_527 = tpu.memref_squeeze %swap3A_526 : memref<1x8x2048xf32, #tpu.memory_space<vmem>> -> memref<8x2048xf32, #tpu.memory_space<vmem>>
          %swap3A_528 = arith.index_cast %add3A_282 : i32 to index
          %swap3A_529 = arith.constant 208 : index
          %swap3A_530 = tpu.vector_load %swap3A_527[%swap3A_528, %swap3A_529] {strides = array<i32>} : memref<8x2048xf32, #tpu.memory_space<vmem>>, vector<1x16xf32>,
          %swap3A_531 = vector.shape_cast %swap3A_530 : vector<1x16xf32> to vector<1x16xf32>
          %swap3A_532 = vector.shape_cast %add3A_523 : vector<1x16xf32> to vector<1x16xf32>
          tpu.vector_store %swap3A_527[%swap3A_528, %swap3A_529], %swap3A_532 {strides = array<i32>} : memref<8x2048xf32, #tpu.memory_space<vmem>>, vector<1x16xf32>,
          %get3A_533 = arith.constant 0 : i32
          %get3A_534 = arith.constant 0 : i32
          %get3A_535 = tpu.memref_slice %run_scoped3A[%rem3A_199, %get3A_533, %get3A_534] : memref<2x8x2048xf32, #tpu.memory_space<vmem>> -> memref<1x8x2048xf32, #tpu.memory_space<vmem>>
          %get3A_536 = tpu.memref_squeeze %get3A_535 : memref<1x8x2048xf32, #tpu.memory_space<vmem>> -> memref<8x2048xf32, #tpu.memory_space<vmem>>
          %get3A_537 = arith.index_cast %add3A_282 : i32 to index
          %get3A_538 = arith.constant 224 : index
          %get3A_539 = tpu.vector_load %get3A_536[%get3A_537, %get3A_538] {strides = array<i32>} : memref<8x2048xf32, #tpu.memory_space<vmem>>, vector<1x16xf32>,
          %get3A_540 = vector.shape_cast %get3A_539 : vector<1x16xf32> to vector<1x16xf32>
          %add3A_541 = arith.addf %get3A_540, %get3A_540 : vector<1x16xf32>
          %swap3A_542 = arith.constant 0 : i32
          %swap3A_543 = arith.constant 0 : i32
          %swap3A_544 = tpu.memref_slice %run_scoped3A_8[%rem3A_201, %swap3A_542, %swap3A_543] : memref<2x8x2048xf32, #tpu.memory_space<vmem>> -> memref<1x8x2048xf32, #tpu.memory_space<vmem>>
          %swap3A_545 = tpu.memref_squeeze %swap3A_544 : memref<1x8x2048xf32, #tpu.memory_space<vmem>> -> memref<8x2048xf32, #tpu.memory_space<vmem>>
          %swap3A_546 = arith.index_cast %add3A_282 : i32 to index
          %swap3A_547 = arith.constant 224 : index
          %swap3A_548 = tpu.vector_load %swap3A_545[%swap3A_546, %swap3A_547] {strides = array<i32>} : memref<8x2048xf32, #tpu.memory_space<vmem>>, vector<1x16xf32>,
          %swap3A_549 = vector.shape_cast %swap3A_548 : vector<1x16xf32> to vector<1x16xf32>
          %swap3A_550 = vector.shape_cast %add3A_541 : vector<1x16xf32> to vector<1x16xf32>
          tpu.vector_store %swap3A_545[%swap3A_546, %swap3A_547], %swap3A_550 {strides = array<i32>} : memref<8x2048xf32, #tpu.memory_space<vmem>>, vector<1x16xf32>,
          %get3A_551 = arith.constant 0 : i32
          %get3A_552 = arith.constant 0 : i32
          %get3A_553 = tpu.memref_slice %run_scoped3A[%rem3A_199, %get3A_551, %get3A_552] : memref<2x8x2048xf32, #tpu.memory_space<vmem>> -> memref<1x8x2048xf32, #tpu.memory_space<vmem>>
          %get3A_554 = tpu.memref_squeeze %get3A_553 : memref<1x8x2048xf32, #tpu.memory_space<vmem>> -> memref<8x2048xf32, #tpu.memory_space<vmem>>
          %get3A_555 = arith.index_cast %add3A_282 : i32 to index
          %get3A_556 = arith.constant 240 : index
          %get3A_557 = tpu.vector_load %get3A_554[%get3A_555, %get3A_556] {strides = array<i32>} : memref<8x2048xf32, #tpu.memory_space<vmem>>, vector<1x16xf32>,
          %get3A_558 = vector.shape_cast %get3A_557 : vector<1x16xf32> to vector<1x16xf32>
          %add3A_559 = arith.addf %get3A_558, %get3A_558 : vector<1x16xf32>
          %swap3A_560 = arith.constant 0 : i32
          %swap3A_561 = arith.constant 0 : i32
          %swap3A_562 = tpu.memref_slice %run_scoped3A_8[%rem3A_201, %swap3A_560, %swap3A_561] : memref<2x8x2048xf32, #tpu.memory_space<vmem>> -> memref<1x8x2048xf32, #tpu.memory_space<vmem>>
          %swap3A_563 = tpu.memref_squeeze %swap3A_562 : memref<1x8x2048xf32, #tpu.memory_space<vmem>> -> memref<8x2048xf32, #tpu.memory_space<vmem>>
          %swap3A_564 = arith.index_cast %add3A_282 : i32 to index
          %swap3A_565 = arith.constant 240 : index
          %swap3A_566 = tpu.vector_load %swap3A_563[%swap3A_564, %swap3A_565] {strides = array<i32>} : memref<8x2048xf32, #tpu.memory_space<vmem>>, vector<1x16xf32>,
          %swap3A_567 = vector.shape_cast %swap3A_566 : vector<1x16xf32> to vector<1x16xf32>
          %swap3A_568 = vector.shape_cast %add3A_559 : vector<1x16xf32> to vector<1x16xf32>
          tpu.vector_store %swap3A_563[%swap3A_564, %swap3A_565], %swap3A_568 {strides = array<i32>} : memref<8x2048xf32, #tpu.memory_space<vmem>>, vector<1x16xf32>,
          %get3A_569 = arith.constant 0 : i32
          %get3A_570 = arith.constant 0 : i32
          %get3A_571 = tpu.memref_slice %run_scoped3A[%rem3A_199, %get3A_569, %get3A_570] : memref<2x8x2048xf32, #tpu.memory_space<vmem>> -> memref<1x8x2048xf32, #tpu.memory_space<vmem>>
          %get3A_572 = tpu.memref_squeeze %get3A_571 : memref<1x8x2048xf32, #tpu.memory_space<vmem>> -> memref<8x2048xf32, #tpu.memory_space<vmem>>
          %get3A_573 = arith.index_cast %add3A_282 : i32 to index
          %get3A_574 = arith.constant 256 : index
          %get3A_575 = tpu.vector_load %get3A_572[%get3A_573, %get3A_574] {strides = array<i32>} : memref<8x2048xf32, #tpu.memory_space<vmem>>, vector<1x16xf32>,
          %get3A_576 = vector.shape_cast %get3A_575 : vector<1x16xf32> to vector<1x16xf32>
          %add3A_577 = arith.addf %get3A_576, %get3A_576 : vector<1x16xf32>
          %swap3A_578 = arith.constant 0 : i32
          %swap3A_579 = arith.constant 0 : i32
          %swap3A_580 = tpu.memref_slice %run_scoped3A_8[%rem3A_201, %swap3A_578, %swap3A_579] : memref<2x8x2048xf32, #tpu.memory_space<vmem>> -> memref<1x8x2048xf32, #tpu.memory_space<vmem>>
          %swap3A_581 = tpu.memref_squeeze %swap3A_580 : memref<1x8x2048xf32, #tpu.memory_space<vmem>> -> memref<8x2048xf32, #tpu.memory_space<vmem>>
          %swap3A_582 = arith.index_cast %add3A_282 : i32 to index
          %swap3A_583 = arith.constant 256 : index
          %swap3A_584 = tpu.vector_load %swap3A_581[%swap3A_582, %swap3A_583] {strides = array<i32>} : memref<8x2048xf32, #tpu.memory_space<vmem>>, vector<1x16xf32>,
          %swap3A_585 = vector.shape_cast %swap3A_584 : vector<1x16xf32> to vector<1x16xf32>
          %swap3A_586 = vector.shape_cast %add3A_577 : vector<1x16xf32> to vector<1x16xf32>
          tpu.vector_store %swap3A_581[%swap3A_582, %swap3A_583], %swap3A_586 {strides = array<i32>} : memref<8x2048xf32, #tpu.memory_space<vmem>>, vector<1x16xf32>,
          %get3A_587 = arith.constant 0 : i32
          %get3A_588 = arith.constant 0 : i32
          %get3A_589 = tpu.memref_slice %run_scoped3A[%rem3A_199, %get3A_587, %get3A_588] : memref<2x8x2048xf32, #tpu.memory_space<vmem>> -> memref<1x8x2048xf32, #tpu.memory_space<vmem>>
          %get3A_590 = tpu.memref_squeeze %get3A_589 : memref<1x8x2048xf32, #tpu.memory_space<vmem>> -> memref<8x2048xf32, #tpu.memory_space<vmem>>
          %get3A_591 = arith.index_cast %add3A_282 : i32 to index
          %get3A_592 = arith.constant 272 : index
          %get3A_593 = tpu.vector_load %get3A_590[%get3A_591, %get3A_592] {strides = array<i32>} : memref<8x2048xf32, #tpu.memory_space<vmem>>, vector<1x16xf32>,
          %get3A_594 = vector.shape_cast %get3A_593 : vector<1x16xf32> to vector<1x16xf32>
          %add3A_595 = arith.addf %get3A_594, %get3A_594 : vector<1x16xf32>
          %swap3A_596 = arith.constant 0 : i32
          %swap3A_597 = arith.constant 0 : i32
          %swap3A_598 = tpu.memref_slice %run_scoped3A_8[%rem3A_201, %swap3A_596, %swap3A_597] : memref<2x8x2048xf32, #tpu.memory_space<vmem>> -> memref<1x8x2048xf32, #tpu.memory_space<vmem>>
          %swap3A_599 = tpu.memref_squeeze %swap3A_598 : memref<1x8x2048xf32, #tpu.memory_space<vmem>> -> memref<8x2048xf32, #tpu.memory_space<vmem>>
          %swap3A_600 = arith.index_cast %add3A_282 : i32 to index
          %swap3A_601 = arith.constant 272 : index
          %swap3A_602 = tpu.vector_load %swap3A_599[%swap3A_600, %swap3A_601] {strides = array<i32>} : memref<8x2048xf32, #tpu.memory_space<vmem>>, vector<1x16xf32>,
          %swap3A_603 = vector.shape_cast %swap3A_602 : vector<1x16xf32> to vector<1x16xf32>
          %swap3A_604 = vector.shape_cast %add3A_595 : vector<1x16xf32> to vector<1x16xf32>
          tpu.vector_store %swap3A_599[%swap3A_600, %swap3A_601], %swap3A_604 {strides = array<i32>} : memref<8x2048xf32, #tpu.memory_space<vmem>>, vector<1x16xf32>,
          %get3A_605 = arith.constant 0 : i32
          %get3A_606 = arith.constant 0 : i32
          %get3A_607 = tpu.memref_slice %run_scoped3A[%rem3A_199, %get3A_605, %get3A_606] : memref<2x8x2048xf32, #tpu.memory_space<vmem>> -> memref<1x8x2048xf32, #tpu.memory_space<vmem>>
          %get3A_608 = tpu.memref_squeeze %get3A_607 : memref<1x8x2048xf32, #tpu.memory_space<vmem>> -> memref<8x2048xf32, #tpu.memory_space<vmem>>
          %get3A_609 = arith.index_cast %add3A_282 : i32 to index
          %get3A_610 = arith.constant 288 : index
          %get3A_611 = tpu.vector_load %get3A_608[%get3A_609, %get3A_610] {strides = array<i32>} : memref<8x2048xf32, #tpu.memory_space<vmem>>, vector<1x16xf32>,
          %get3A_612 = vector.shape_cast %get3A_611 : vector<1x16xf32> to vector<1x16xf32>
          %add3A_613 = arith.addf %get3A_612, %get3A_612 : vector<1x16xf32>
          %swap3A_614 = arith.constant 0 : i32
          %swap3A_615 = arith.constant 0 : i32
          %swap3A_616 = tpu.memref_slice %run_scoped3A_8[%rem3A_201, %swap3A_614, %swap3A_615] : memref<2x8x2048xf32, #tpu.memory_space<vmem>> -> memref<1x8x2048xf32, #tpu.memory_space<vmem>>
          %swap3A_617 = tpu.memref_squeeze %swap3A_616 : memref<1x8x2048xf32, #tpu.memory_space<vmem>> -> memref<8x2048xf32, #tpu.memory_space<vmem>>
          %swap3A_618 = arith.index_cast %add3A_282 : i32 to index
          %swap3A_619 = arith.constant 288 : index
          %swap3A_620 = tpu.vector_load %swap3A_617[%swap3A_618, %swap3A_619] {strides = array<i32>} : memref<8x2048xf32, #tpu.memory_space<vmem>>, vector<1x16xf32>,
          %swap3A_621 = vector.shape_cast %swap3A_620 : vector<1x16xf32> to vector<1x16xf32>
          %swap3A_622 = vector.shape_cast %add3A_613 : vector<1x16xf32> to vector<1x16xf32>
          tpu.vector_store %swap3A_617[%swap3A_618, %swap3A_619], %swap3A_622 {strides = array<i32>} : memref<8x2048xf32, #tpu.memory_space<vmem>>, vector<1x16xf32>,
          %get3A_623 = arith.constant 0 : i32
          %get3A_624 = arith.constant 0 : i32
          %get3A_625 = tpu.memref_slice %run_scoped3A[%rem3A_199, %get3A_623, %get3A_624] : memref<2x8x2048xf32, #tpu.memory_space<vmem>> -> memref<1x8x2048xf32, #tpu.memory_space<vmem>>
          %get3A_626 = tpu.memref_squeeze %get3A_625 : memref<1x8x2048xf32, #tpu.memory_space<vmem>> -> memref<8x2048xf32, #tpu.memory_space<vmem>>
          %get3A_627 = arith.index_cast %add3A_282 : i32 to index
          %get3A_628 = arith.constant 304 : index
          %get3A_629 = tpu.vector_load %get3A_626[%get3A_627, %get3A_628] {strides = array<i32>} : memref<8x2048xf32, #tpu.memory_space<vmem>>, vector<1x16xf32>,
          %get3A_630 = vector.shape_cast %get3A_629 : vector<1x16xf32> to vector<1x16xf32>
          %add3A_631 = arith.addf %get3A_630, %get3A_630 : vector<1x16xf32>
          %swap3A_632 = arith.constant 0 : i32
          %swap3A_633 = arith.constant 0 : i32
          %swap3A_634 = tpu.memref_slice %run_scoped3A_8[%rem3A_201, %swap3A_632, %swap3A_633] : memref<2x8x2048xf32, #tpu.memory_space<vmem>> -> memref<1x8x2048xf32, #tpu.memory_space<vmem>>
          %swap3A_635 = tpu.memref_squeeze %swap3A_634 : memref<1x8x2048xf32, #tpu.memory_space<vmem>> -> memref<8x2048xf32, #tpu.memory_space<vmem>>
          %swap3A_636 = arith.index_cast %add3A_282 : i32 to index
          %swap3A_637 = arith.constant 304 : index
          %swap3A_638 = tpu.vector_load %swap3A_635[%swap3A_636, %swap3A_637] {strides = array<i32>} : memref<8x2048xf32, #tpu.memory_space<vmem>>, vector<1x16xf32>,
          %swap3A_639 = vector.shape_cast %swap3A_638 : vector<1x16xf32> to vector<1x16xf32>
          %swap3A_640 = vector.shape_cast %add3A_631 : vector<1x16xf32> to vector<1x16xf32>
          tpu.vector_store %swap3A_635[%swap3A_636, %swap3A_637], %swap3A_640 {strides = array<i32>} : memref<8x2048xf32, #tpu.memory_space<vmem>>, vector<1x16xf32>,
          %get3A_641 = arith.constant 0 : i32
          %get3A_642 = arith.constant 0 : i32
          %get3A_643 = tpu.memref_slice %run_scoped3A[%rem3A_199, %get3A_641, %get3A_642] : memref<2x8x2048xf32, #tpu.memory_space<vmem>> -> memref<1x8x2048xf32, #tpu.memory_space<vmem>>
          %get3A_644 = tpu.memref_squeeze %get3A_643 : memref<1x8x2048xf32, #tpu.memory_space<vmem>> -> memref<8x2048xf32, #tpu.memory_space<vmem>>
          %get3A_645 = arith.index_cast %add3A_282 : i32 to index
          %get3A_646 = arith.constant 320 : index
          %get3A_647 = tpu.vector_load %get3A_644[%get3A_645, %get3A_646] {strides = array<i32>} : memref<8x2048xf32, #tpu.memory_space<vmem>>, vector<1x16xf32>,
          %get3A_648 = vector.shape_cast %get3A_647 : vector<1x16xf32> to vector<1x16xf32>
          %add3A_649 = arith.addf %get3A_648, %get3A_648 : vector<1x16xf32>
          %swap3A_650 = arith.constant 0 : i32
          %swap3A_651 = arith.constant 0 : i32
          %swap3A_652 = tpu.memref_slice %run_scoped3A_8[%rem3A_201, %swap3A_650, %swap3A_651] : memref<2x8x2048xf32, #tpu.memory_space<vmem>> -> memref<1x8x2048xf32, #tpu.memory_space<vmem>>
          %swap3A_653 = tpu.memref_squeeze %swap3A_652 : memref<1x8x2048xf32, #tpu.memory_space<vmem>> -> memref<8x2048xf32, #tpu.memory_space<vmem>>
          %swap3A_654 = arith.index_cast %add3A_282 : i32 to index
          %swap3A_655 = arith.constant 320 : index
          %swap3A_656 = tpu.vector_load %swap3A_653[%swap3A_654, %swap3A_655] {strides = array<i32>} : memref<8x2048xf32, #tpu.memory_space<vmem>>, vector<1x16xf32>,
          %swap3A_657 = vector.shape_cast %swap3A_656 : vector<1x16xf32> to vector<1x16xf32>
          %swap3A_658 = vector.shape_cast %add3A_649 : vector<1x16xf32> to vector<1x16xf32>
          tpu.vector_store %swap3A_653[%swap3A_654, %swap3A_655], %swap3A_658 {strides = array<i32>} : memref<8x2048xf32, #tpu.memory_space<vmem>>, vector<1x16xf32>,
          %get3A_659 = arith.constant 0 : i32
          %get3A_660 = arith.constant 0 : i32
          %get3A_661 = tpu.memref_slice %run_scoped3A[%rem3A_199, %get3A_659, %get3A_660] : memref<2x8x2048xf32, #tpu.memory_space<vmem>> -> memref<1x8x2048xf32, #tpu.memory_space<vmem>>
          %get3A_662 = tpu.memref_squeeze %get3A_661 : memref<1x8x2048xf32, #tpu.memory_space<vmem>> -> memref<8x2048xf32, #tpu.memory_space<vmem>>
          %get3A_663 = arith.index_cast %add3A_282 : i32 to index
          %get3A_664 = arith.constant 336 : index
          %get3A_665 = tpu.vector_load %get3A_662[%get3A_663, %get3A_664] {strides = array<i32>} : memref<8x2048xf32, #tpu.memory_space<vmem>>, vector<1x16xf32>,
          %get3A_666 = vector.shape_cast %get3A_665 : vector<1x16xf32> to vector<1x16xf32>
          %add3A_667 = arith.addf %get3A_666, %get3A_666 : vector<1x16xf32>
          %swap3A_668 = arith.constant 0 : i32
          %swap3A_669 = arith.constant 0 : i32
          %swap3A_670 = tpu.memref_slice %run_scoped3A_8[%rem3A_201, %swap3A_668, %swap3A_669] : memref<2x8x2048xf32, #tpu.memory_space<vmem>> -> memref<1x8x2048xf32, #tpu.memory_space<vmem>>
          %swap3A_671 = tpu.memref_squeeze %swap3A_670 : memref<1x8x2048xf32, #tpu.memory_space<vmem>> -> memref<8x2048xf32, #tpu.memory_space<vmem>>
          %swap3A_672 = arith.index_cast %add3A_282 : i32 to index
          %swap3A_673 = arith.constant 336 : index
          %swap3A_674 = tpu.vector_load %swap3A_671[%swap3A_672, %swap3A_673] {strides = array<i32>} : memref<8x2048xf32, #tpu.memory_space<vmem>>, vector<1x16xf32>,
          %swap3A_675 = vector.shape_cast %swap3A_674 : vector<1x16xf32> to vector<1x16xf32>
          %swap3A_676 = vector.shape_cast %add3A_667 : vector<1x16xf32> to vector<1x16xf32>
          tpu.vector_store %swap3A_671[%swap3A_672, %swap3A_673], %swap3A_676 {strides = array<i32>} : memref<8x2048xf32, #tpu.memory_space<vmem>>, vector<1x16xf32>,
          %get3A_677 = arith.constant 0 : i32
          %get3A_678 = arith.constant 0 : i32
          %get3A_679 = tpu.memref_slice %run_scoped3A[%rem3A_199, %get3A_677, %get3A_678] : memref<2x8x2048xf32, #tpu.memory_space<vmem>> -> memref<1x8x2048xf32, #tpu.memory_space<vmem>>
          %get3A_680 = tpu.memref_squeeze %get3A_679 : memref<1x8x2048xf32, #tpu.memory_space<vmem>> -> memref<8x2048xf32, #tpu.memory_space<vmem>>
          %get3A_681 = arith.index_cast %add3A_282 : i32 to index
          %get3A_682 = arith.constant 352 : index
          %get3A_683 = tpu.vector_load %get3A_680[%get3A_681, %get3A_682] {strides = array<i32>} : memref<8x2048xf32, #tpu.memory_space<vmem>>, vector<1x16xf32>,
          %get3A_684 = vector.shape_cast %get3A_683 : vector<1x16xf32> to vector<1x16xf32>
          %add3A_685 = arith.addf %get3A_684, %get3A_684 : vector<1x16xf32>
          %swap3A_686 = arith.constant 0 : i32
          %swap3A_687 = arith.constant 0 : i32
          %swap3A_688 = tpu.memref_slice %run_scoped3A_8[%rem3A_201, %swap3A_686, %swap3A_687] : memref<2x8x2048xf32, #tpu.memory_space<vmem>> -> memref<1x8x2048xf32, #tpu.memory_space<vmem>>
          %swap3A_689 = tpu.memref_squeeze %swap3A_688 : memref<1x8x2048xf32, #tpu.memory_space<vmem>> -> memref<8x2048xf32, #tpu.memory_space<vmem>>
          %swap3A_690 = arith.index_cast %add3A_282 : i32 to index
          %swap3A_691 = arith.constant 352 : index
          %swap3A_692 = tpu.vector_load %swap3A_689[%swap3A_690, %swap3A_691] {strides = array<i32>} : memref<8x2048xf32, #tpu.memory_space<vmem>>, vector<1x16xf32>,
          %swap3A_693 = vector.shape_cast %swap3A_692 : vector<1x16xf32> to vector<1x16xf32>
          %swap3A_694 = vector.shape_cast %add3A_685 : vector<1x16xf32> to vector<1x16xf32>
          tpu.vector_store %swap3A_689[%swap3A_690, %swap3A_691], %swap3A_694 {strides = array<i32>} : memref<8x2048xf32, #tpu.memory_space<vmem>>, vector<1x16xf32>,
          %get3A_695 = arith.constant 0 : i32
          %get3A_696 = arith.constant 0 : i32
          %get3A_697 = tpu.memref_slice %run_scoped3A[%rem3A_199, %get3A_695, %get3A_696] : memref<2x8x2048xf32, #tpu.memory_space<vmem>> -> memref<1x8x2048xf32, #tpu.memory_space<vmem>>
          %get3A_698 = tpu.memref_squeeze %get3A_697 : memref<1x8x2048xf32, #tpu.memory_space<vmem>> -> memref<8x2048xf32, #tpu.memory_space<vmem>>
          %get3A_699 = arith.index_cast %add3A_282 : i32 to index
          %get3A_700 = arith.constant 368 : index
          %get3A_701 = tpu.vector_load %get3A_698[%get3A_699, %get3A_700] {strides = array<i32>} : memref<8x2048xf32, #tpu.memory_space<vmem>>, vector<1x16xf32>,
          %get3A_702 = vector.shape_cast %get3A_701 : vector<1x16xf32> to vector<1x16xf32>
          %add3A_703 = arith.addf %get3A_702, %get3A_702 : vector<1x16xf32>
          %swap3A_704 = arith.constant 0 : i32
          %swap3A_705 = arith.constant 0 : i32
          %swap3A_706 = tpu.memref_slice %run_scoped3A_8[%rem3A_201, %swap3A_704, %swap3A_705] : memref<2x8x2048xf32, #tpu.memory_space<vmem>> -> memref<1x8x2048xf32, #tpu.memory_space<vmem>>
          %swap3A_707 = tpu.memref_squeeze %swap3A_706 : memref<1x8x2048xf32, #tpu.memory_space<vmem>> -> memref<8x2048xf32, #tpu.memory_space<vmem>>
          %swap3A_708 = arith.index_cast %add3A_282 : i32 to index
          %swap3A_709 = arith.constant 368 : index
          %swap3A_710 = tpu.vector_load %swap3A_707[%swap3A_708, %swap3A_709] {strides = array<i32>} : memref<8x2048xf32, #tpu.memory_space<vmem>>, vector<1x16xf32>,
          %swap3A_711 = vector.shape_cast %swap3A_710 : vector<1x16xf32> to vector<1x16xf32>
          %swap3A_712 = vector.shape_cast %add3A_703 : vector<1x16xf32> to vector<1x16xf32>
          tpu.vector_store %swap3A_707[%swap3A_708, %swap3A_709], %swap3A_712 {strides = array<i32>} : memref<8x2048xf32, #tpu.memory_space<vmem>>, vector<1x16xf32>,
          %get3A_713 = arith.constant 0 : i32
          %get3A_714 = arith.constant 0 : i32
          %get3A_715 = tpu.memref_slice %run_scoped3A[%rem3A_199, %get3A_713, %get3A_714] : memref<2x8x2048xf32, #tpu.memory_space<vmem>> -> memref<1x8x2048xf32, #tpu.memory_space<vmem>>
          %get3A_716 = tpu.memref_squeeze %get3A_715 : memref<1x8x2048xf32, #tpu.memory_space<vmem>> -> memref<8x2048xf32, #tpu.memory_space<vmem>>
          %get3A_717 = arith.index_cast %add3A_282 : i32 to index
          %get3A_718 = arith.constant 384 : index
          %get3A_719 = tpu.vector_load %get3A_716[%get3A_717, %get3A_718] {strides = array<i32>} : memref<8x2048xf32, #tpu.memory_space<vmem>>, vector<1x16xf32>,
          %get3A_720 = vector.shape_cast %get3A_719 : vector<1x16xf32> to vector<1x16xf32>
          %add3A_721 = arith.addf %get3A_720, %get3A_720 : vector<1x16xf32>
          %swap3A_722 = arith.constant 0 : i32
          %swap3A_723 = arith.constant 0 : i32
          %swap3A_724 = tpu.memref_slice %run_scoped3A_8[%rem3A_201, %swap3A_722, %swap3A_723] : memref<2x8x2048xf32, #tpu.memory_space<vmem>> -> memref<1x8x2048xf32, #tpu.memory_space<vmem>>
          %swap3A_725 = tpu.memref_squeeze %swap3A_724 : memref<1x8x2048xf32, #tpu.memory_space<vmem>> -> memref<8x2048xf32, #tpu.memory_space<vmem>>
          %swap3A_726 = arith.index_cast %add3A_282 : i32 to index
          %swap3A_727 = arith.constant 384 : index
          %swap3A_728 = tpu.vector_load %swap3A_725[%swap3A_726, %swap3A_727] {strides = array<i32>} : memref<8x2048xf32, #tpu.memory_space<vmem>>, vector<1x16xf32>,
          %swap3A_729 = vector.shape_cast %swap3A_728 : vector<1x16xf32> to vector<1x16xf32>
          %swap3A_730 = vector.shape_cast %add3A_721 : vector<1x16xf32> to vector<1x16xf32>
          tpu.vector_store %swap3A_725[%swap3A_726, %swap3A_727], %swap3A_730 {strides = array<i32>} : memref<8x2048xf32, #tpu.memory_space<vmem>>, vector<1x16xf32>,
          %get3A_731 = arith.constant 0 : i32
          %get3A_732 = arith.constant 0 : i32
          %get3A_733 = tpu.memref_slice %run_scoped3A[%rem3A_199, %get3A_731, %get3A_732] : memref<2x8x2048xf32, #tpu.memory_space<vmem>> -> memref<1x8x2048xf32, #tpu.memory_space<vmem>>
          %get3A_734 = tpu.memref_squeeze %get3A_733 : memref<1x8x2048xf32, #tpu.memory_space<vmem>> -> memref<8x2048xf32, #tpu.memory_space<vmem>>
          %get3A_735 = arith.index_cast %add3A_282 : i32 to index
          %get3A_736 = arith.constant 400 : index
          %get3A_737 = tpu.vector_load %get3A_734[%get3A_735, %get3A_736] {strides = array<i32>} : memref<8x2048xf32, #tpu.memory_space<vmem>>, vector<1x16xf32>,
          %get3A_738 = vector.shape_cast %get3A_737 : vector<1x16xf32> to vector<1x16xf32>
          %add3A_739 = arith.addf %get3A_738, %get3A_738 : vector<1x16xf32>
          %swap3A_740 = arith.constant 0 : i32
          %swap3A_741 = arith.constant 0 : i32
          %swap3A_742 = tpu.memref_slice %run_scoped3A_8[%rem3A_201, %swap3A_740, %swap3A_741] : memref<2x8x2048xf32, #tpu.memory_space<vmem>> -> memref<1x8x2048xf32, #tpu.memory_space<vmem>>
          %swap3A_743 = tpu.memref_squeeze %swap3A_742 : memref<1x8x2048xf32, #tpu.memory_space<vmem>> -> memref<8x2048xf32, #tpu.memory_space<vmem>>
          %swap3A_744 = arith.index_cast %add3A_282 : i32 to index
          %swap3A_745 = arith.constant 400 : index
          %swap3A_746 = tpu.vector_load %swap3A_743[%swap3A_744, %swap3A_745] {strides = array<i32>} : memref<8x2048xf32, #tpu.memory_space<vmem>>, vector<1x16xf32>,
          %swap3A_747 = vector.shape_cast %swap3A_746 : vector<1x16xf32> to vector<1x16xf32>
          %swap3A_748 = vector.shape_cast %add3A_739 : vector<1x16xf32> to vector<1x16xf32>
          tpu.vector_store %swap3A_743[%swap3A_744, %swap3A_745], %swap3A_748 {strides = array<i32>} : memref<8x2048xf32, #tpu.memory_space<vmem>>, vector<1x16xf32>,
          %get3A_749 = arith.constant 0 : i32
          %get3A_750 = arith.constant 0 : i32
          %get3A_751 = tpu.memref_slice %run_scoped3A[%rem3A_199, %get3A_749, %get3A_750] : memref<2x8x2048xf32, #tpu.memory_space<vmem>> -> memref<1x8x2048xf32, #tpu.memory_space<vmem>>
          %get3A_752 = tpu.memref_squeeze %get3A_751 : memref<1x8x2048xf32, #tpu.memory_space<vmem>> -> memref<8x2048xf32, #tpu.memory_space<vmem>>
          %get3A_753 = arith.index_cast %add3A_282 : i32 to index
          %get3A_754 = arith.constant 416 : index
          %get3A_755 = tpu.vector_load %get3A_752[%get3A_753, %get3A_754] {strides = array<i32>} : memref<8x2048xf32, #tpu.memory_space<vmem>>, vector<1x16xf32>,
          %get3A_756 = vector.shape_cast %get3A_755 : vector<1x16xf32> to vector<1x16xf32>
          %add3A_757 = arith.addf %get3A_756, %get3A_756 : vector<1x16xf32>
          %swap3A_758 = arith.constant 0 : i32
          %swap3A_759 = arith.constant 0 : i32
          %swap3A_760 = tpu.memref_slice %run_scoped3A_8[%rem3A_201, %swap3A_758, %swap3A_759] : memref<2x8x2048xf32, #tpu.memory_space<vmem>> -> memref<1x8x2048xf32, #tpu.memory_space<vmem>>
          %swap3A_761 = tpu.memref_squeeze %swap3A_760 : memref<1x8x2048xf32, #tpu.memory_space<vmem>> -> memref<8x2048xf32, #tpu.memory_space<vmem>>
          %swap3A_762 = arith.index_cast %add3A_282 : i32 to index
          %swap3A_763 = arith.constant 416 : index
          %swap3A_764 = tpu.vector_load %swap3A_761[%swap3A_762, %swap3A_763] {strides = array<i32>} : memref<8x2048xf32, #tpu.memory_space<vmem>>, vector<1x16xf32>,
          %swap3A_765 = vector.shape_cast %swap3A_764 : vector<1x16xf32> to vector<1x16xf32>
          %swap3A_766 = vector.shape_cast %add3A_757 : vector<1x16xf32> to vector<1x16xf32>
          tpu.vector_store %swap3A_761[%swap3A_762, %swap3A_763], %swap3A_766 {strides = array<i32>} : memref<8x2048xf32, #tpu.memory_space<vmem>>, vector<1x16xf32>,
          %get3A_767 = arith.constant 0 : i32
          %get3A_768 = arith.constant 0 : i32
          %get3A_769 = tpu.memref_slice %run_scoped3A[%rem3A_199, %get3A_767, %get3A_768] : memref<2x8x2048xf32, #tpu.memory_space<vmem>> -> memref<1x8x2048xf32, #tpu.memory_space<vmem>>
          %get3A_770 = tpu.memref_squeeze %get3A_769 : memref<1x8x2048xf32, #tpu.memory_space<vmem>> -> memref<8x2048xf32, #tpu.memory_space<vmem>>
          %get3A_771 = arith.index_cast %add3A_282 : i32 to index
          %get3A_772 = arith.constant 432 : index
          %get3A_773 = tpu.vector_load %get3A_770[%get3A_771, %get3A_772] {strides = array<i32>} : memref<8x2048xf32, #tpu.memory_space<vmem>>, vector<1x16xf32>,
          %get3A_774 = vector.shape_cast %get3A_773 : vector<1x16xf32> to vector<1x16xf32>
          %add3A_775 = arith.addf %get3A_774, %get3A_774 : vector<1x16xf32>
          %swap3A_776 = arith.constant 0 : i32
          %swap3A_777 = arith.constant 0 : i32
          %swap3A_778 = tpu.memref_slice %run_scoped3A_8[%rem3A_201, %swap3A_776, %swap3A_777] : memref<2x8x2048xf32, #tpu.memory_space<vmem>> -> memref<1x8x2048xf32, #tpu.memory_space<vmem>>
          %swap3A_779 = tpu.memref_squeeze %swap3A_778 : memref<1x8x2048xf32, #tpu.memory_space<vmem>> -> memref<8x2048xf32, #tpu.memory_space<vmem>>
          %swap3A_780 = arith.index_cast %add3A_282 : i32 to index
          %swap3A_781 = arith.constant 432 : index
          %swap3A_782 = tpu.vector_load %swap3A_779[%swap3A_780, %swap3A_781] {strides = array<i32>} : memref<8x2048xf32, #tpu.memory_space<vmem>>, vector<1x16xf32>,
          %swap3A_783 = vector.shape_cast %swap3A_782 : vector<1x16xf32> to vector<1x16xf32>
          %swap3A_784 = vector.shape_cast %add3A_775 : vector<1x16xf32> to vector<1x16xf32>
          tpu.vector_store %swap3A_779[%swap3A_780, %swap3A_781], %swap3A_784 {strides = array<i32>} : memref<8x2048xf32, #tpu.memory_space<vmem>>, vector<1x16xf32>,
          %get3A_785 = arith.constant 0 : i32
          %get3A_786 = arith.constant 0 : i32
          %get3A_787 = tpu.memref_slice %run_scoped3A[%rem3A_199, %get3A_785, %get3A_786] : memref<2x8x2048xf32, #tpu.memory_space<vmem>> -> memref<1x8x2048xf32, #tpu.memory_space<vmem>>
          %get3A_788 = tpu.memref_squeeze %get3A_787 : memref<1x8x2048xf32, #tpu.memory_space<vmem>> -> memref<8x2048xf32, #tpu.memory_space<vmem>>
          %get3A_789 = arith.index_cast %add3A_282 : i32 to index
          %get3A_790 = arith.constant 448 : index
          %get3A_791 = tpu.vector_load %get3A_788[%get3A_789, %get3A_790] {strides = array<i32>} : memref<8x2048xf32, #tpu.memory_space<vmem>>, vector<1x16xf32>,
          %get3A_792 = vector.shape_cast %get3A_791 : vector<1x16xf32> to vector<1x16xf32>
          %add3A_793 = arith.addf %get3A_792, %get3A_792 : vector<1x16xf32>
          %swap3A_794 = arith.constant 0 : i32
          %swap3A_795 = arith.constant 0 : i32
          %swap3A_796 = tpu.memref_slice %run_scoped3A_8[%rem3A_201, %swap3A_794, %swap3A_795] : memref<2x8x2048xf32, #tpu.memory_space<vmem>> -> memref<1x8x2048xf32, #tpu.memory_space<vmem>>
          %swap3A_797 = tpu.memref_squeeze %swap3A_796 : memref<1x8x2048xf32, #tpu.memory_space<vmem>> -> memref<8x2048xf32, #tpu.memory_space<vmem>>
          %swap3A_798 = arith.index_cast %add3A_282 : i32 to index
          %swap3A_799 = arith.constant 448 : index
          %swap3A_800 = tpu.vector_load %swap3A_797[%swap3A_798, %swap3A_799] {strides = array<i32>} : memref<8x2048xf32, #tpu.memory_space<vmem>>, vector<1x16xf32>,
          %swap3A_801 = vector.shape_cast %swap3A_800 : vector<1x16xf32> to vector<1x16xf32>
          %swap3A_802 = vector.shape_cast %add3A_793 : vector<1x16xf32> to vector<1x16xf32>
          tpu.vector_store %swap3A_797[%swap3A_798, %swap3A_799], %swap3A_802 {strides = array<i32>} : memref<8x2048xf32, #tpu.memory_space<vmem>>, vector<1x16xf32>,
          %get3A_803 = arith.constant 0 : i32
          %get3A_804 = arith.constant 0 : i32
          %get3A_805 = tpu.memref_slice %run_scoped3A[%rem3A_199, %get3A_803, %get3A_804] : memref<2x8x2048xf32, #tpu.memory_space<vmem>> -> memref<1x8x2048xf32, #tpu.memory_space<vmem>>
          %get3A_806 = tpu.memref_squeeze %get3A_805 : memref<1x8x2048xf32, #tpu.memory_space<vmem>> -> memref<8x2048xf32, #tpu.memory_space<vmem>>
          %get3A_807 = arith.index_cast %add3A_282 : i32 to index
          %get3A_808 = arith.constant 464 : index
          %get3A_809 = tpu.vector_load %get3A_806[%get3A_807, %get3A_808] {strides = array<i32>} : memref<8x2048xf32, #tpu.memory_space<vmem>>, vector<1x16xf32>,
          %get3A_810 = vector.shape_cast %get3A_809 : vector<1x16xf32> to vector<1x16xf32>
          %add3A_811 = arith.addf %get3A_810, %get3A_810 : vector<1x16xf32>
          %swap3A_812 = arith.constant 0 : i32
          %swap3A_813 = arith.constant 0 : i32
          %swap3A_814 = tpu.memref_slice %run_scoped3A_8[%rem3A_201, %swap3A_812, %swap3A_813] : memref<2x8x2048xf32, #tpu.memory_space<vmem>> -> memref<1x8x2048xf32, #tpu.memory_space<vmem>>
          %swap3A_815 = tpu.memref_squeeze %swap3A_814 : memref<1x8x2048xf32, #tpu.memory_space<vmem>> -> memref<8x2048xf32, #tpu.memory_space<vmem>>
          %swap3A_816 = arith.index_cast %add3A_282 : i32 to index
          %swap3A_817 = arith.constant 464 : index
          %swap3A_818 = tpu.vector_load %swap3A_815[%swap3A_816, %swap3A_817] {strides = array<i32>} : memref<8x2048xf32, #tpu.memory_space<vmem>>, vector<1x16xf32>,
          %swap3A_819 = vector.shape_cast %swap3A_818 : vector<1x16xf32> to vector<1x16xf32>
          %swap3A_820 = vector.shape_cast %add3A_811 : vector<1x16xf32> to vector<1x16xf32>
          tpu.vector_store %swap3A_815[%swap3A_816, %swap3A_817], %swap3A_820 {strides = array<i32>} : memref<8x2048xf32, #tpu.memory_space<vmem>>, vector<1x16xf32>,
          %get3A_821 = arith.constant 0 : i32
          %get3A_822 = arith.constant 0 : i32
          %get3A_823 = tpu.memref_slice %run_scoped3A[%rem3A_199, %get3A_821, %get3A_822] : memref<2x8x2048xf32, #tpu.memory_space<vmem>> -> memref<1x8x2048xf32, #tpu.memory_space<vmem>>
          %get3A_824 = tpu.memref_squeeze %get3A_823 : memref<1x8x2048xf32, #tpu.memory_space<vmem>> -> memref<8x2048xf32, #tpu.memory_space<vmem>>
          %get3A_825 = arith.index_cast %add3A_282 : i32 to index
          %get3A_826 = arith.constant 480 : index
          %get3A_827 = tpu.vector_load %get3A_824[%get3A_825, %get3A_826] {strides = array<i32>} : memref<8x2048xf32, #tpu.memory_space<vmem>>, vector<1x16xf32>,
          %get3A_828 = vector.shape_cast %get3A_827 : vector<1x16xf32> to vector<1x16xf32>
          %add3A_829 = arith.addf %get3A_828, %get3A_828 : vector<1x16xf32>
          %swap3A_830 = arith.constant 0 : i32
          %swap3A_831 = arith.constant 0 : i32
          %swap3A_832 = tpu.memref_slice %run_scoped3A_8[%rem3A_201, %swap3A_830, %swap3A_831] : memref<2x8x2048xf32, #tpu.memory_space<vmem>> -> memref<1x8x2048xf32, #tpu.memory_space<vmem>>
          %swap3A_833 = tpu.memref_squeeze %swap3A_832 : memref<1x8x2048xf32, #tpu.memory_space<vmem>> -> memref<8x2048xf32, #tpu.memory_space<vmem>>
          %swap3A_834 = arith.index_cast %add3A_282 : i32 to index
          %swap3A_835 = arith.constant 480 : index
          %swap3A_836 = tpu.vector_load %swap3A_833[%swap3A_834, %swap3A_835] {strides = array<i32>} : memref<8x2048xf32, #tpu.memory_space<vmem>>, vector<1x16xf32>,
          %swap3A_837 = vector.shape_cast %swap3A_836 : vector<1x16xf32> to vector<1x16xf32>
          %swap3A_838 = vector.shape_cast %add3A_829 : vector<1x16xf32> to vector<1x16xf32>
          tpu.vector_store %swap3A_833[%swap3A_834, %swap3A_835], %swap3A_838 {strides = array<i32>} : memref<8x2048xf32, #tpu.memory_space<vmem>>, vector<1x16xf32>,
          %get3A_839 = arith.constant 0 : i32
          %get3A_840 = arith.constant 0 : i32
          %get3A_841 = tpu.memref_slice %run_scoped3A[%rem3A_199, %get3A_839, %get3A_840] : memref<2x8x2048xf32, #tpu.memory_space<vmem>> -> memref<1x8x2048xf32, #tpu.memory_space<vmem>>
          %get3A_842 = tpu.memref_squeeze %get3A_841 : memref<1x8x2048xf32, #tpu.memory_space<vmem>> -> memref<8x2048xf32, #tpu.memory_space<vmem>>
          %get3A_843 = arith.index_cast %add3A_282 : i32 to index
          %get3A_844 = arith.constant 496 : index
          %get3A_845 = tpu.vector_load %get3A_842[%get3A_843, %get3A_844] {strides = array<i32>} : memref<8x2048xf32, #tpu.memory_space<vmem>>, vector<1x16xf32>,
          %get3A_846 = vector.shape_cast %get3A_845 : vector<1x16xf32> to vector<1x16xf32>
          %add3A_847 = arith.addf %get3A_846, %get3A_846 : vector<1x16xf32>
          %swap3A_848 = arith.constant 0 : i32
          %swap3A_849 = arith.constant 0 : i32
          %swap3A_850 = tpu.memref_slice %run_scoped3A_8[%rem3A_201, %swap3A_848, %swap3A_849] : memref<2x8x2048xf32, #tpu.memory_space<vmem>> -> memref<1x8x2048xf32, #tpu.memory_space<vmem>>
          %swap3A_851 = tpu.memref_squeeze %swap3A_850 : memref<1x8x2048xf32, #tpu.memory_space<vmem>> -> memref<8x2048xf32, #tpu.memory_space<vmem>>
          %swap3A_852 = arith.index_cast %add3A_282 : i32 to index
          %swap3A_853 = arith.constant 496 : index
          %swap3A_854 = tpu.vector_load %swap3A_851[%swap3A_852, %swap3A_853] {strides = array<i32>} : memref<8x2048xf32, #tpu.memory_space<vmem>>, vector<1x16xf32>,
          %swap3A_855 = vector.shape_cast %swap3A_854 : vector<1x16xf32> to vector<1x16xf32>
          %swap3A_856 = vector.shape_cast %add3A_847 : vector<1x16xf32> to vector<1x16xf32>
          tpu.vector_store %swap3A_851[%swap3A_852, %swap3A_853], %swap3A_856 {strides = array<i32>} : memref<8x2048xf32, #tpu.memory_space<vmem>>, vector<1x16xf32>,
          %get3A_857 = arith.constant 0 : i32
          %get3A_858 = arith.constant 0 : i32
          %get3A_859 = tpu.memref_slice %run_scoped3A[%rem3A_199, %get3A_857, %get3A_858] : memref<2x8x2048xf32, #tpu.memory_space<vmem>> -> memref<1x8x2048xf32, #tpu.memory_space<vmem>>
          %get3A_860 = tpu.memref_squeeze %get3A_859 : memref<1x8x2048xf32, #tpu.memory_space<vmem>> -> memref<8x2048xf32, #tpu.memory_space<vmem>>
          %get3A_861 = arith.index_cast %add3A_282 : i32 to index
          %get3A_862 = arith.constant 512 : index
          %get3A_863 = tpu.vector_load %get3A_860[%get3A_861, %get3A_862] {strides = array<i32>} : memref<8x2048xf32, #tpu.memory_space<vmem>>, vector<1x16xf32>,
          %get3A_864 = vector.shape_cast %get3A_863 : vector<1x16xf32> to vector<1x16xf32>
          %add3A_865 = arith.addf %get3A_864, %get3A_864 : vector<1x16xf32>
          %swap3A_866 = arith.constant 0 : i32
          %swap3A_867 = arith.constant 0 : i32
          %swap3A_868 = tpu.memref_slice %run_scoped3A_8[%rem3A_201, %swap3A_866, %swap3A_867] : memref<2x8x2048xf32, #tpu.memory_space<vmem>> -> memref<1x8x2048xf32, #tpu.memory_space<vmem>>
          %swap3A_869 = tpu.memref_squeeze %swap3A_868 : memref<1x8x2048xf32, #tpu.memory_space<vmem>> -> memref<8x2048xf32, #tpu.memory_space<vmem>>
          %swap3A_870 = arith.index_cast %add3A_282 : i32 to index
          %swap3A_871 = arith.constant 512 : index
          %swap3A_872 = tpu.vector_load %swap3A_869[%swap3A_870, %swap3A_871] {strides = array<i32>} : memref<8x2048xf32, #tpu.memory_space<vmem>>, vector<1x16xf32>,
          %swap3A_873 = vector.shape_cast %swap3A_872 : vector<1x16xf32> to vector<1x16xf32>
          %swap3A_874 = vector.shape_cast %add3A_865 : vector<1x16xf32> to vector<1x16xf32>
          tpu.vector_store %swap3A_869[%swap3A_870, %swap3A_871], %swap3A_874 {strides = array<i32>} : memref<8x2048xf32, #tpu.memory_space<vmem>>, vector<1x16xf32>,
          %get3A_875 = arith.constant 0 : i32
          %get3A_876 = arith.constant 0 : i32
          %get3A_877 = tpu.memref_slice %run_scoped3A[%rem3A_199, %get3A_875, %get3A_876] : memref<2x8x2048xf32, #tpu.memory_space<vmem>> -> memref<1x8x2048xf32, #tpu.memory_space<vmem>>
          %get3A_878 = tpu.memref_squeeze %get3A_877 : memref<1x8x2048xf32, #tpu.memory_space<vmem>> -> memref<8x2048xf32, #tpu.memory_space<vmem>>
          %get3A_879 = arith.index_cast %add3A_282 : i32 to index
          %get3A_880 = arith.constant 528 : index
          %get3A_881 = tpu.vector_load %get3A_878[%get3A_879, %get3A_880] {strides = array<i32>} : memref<8x2048xf32, #tpu.memory_space<vmem>>, vector<1x16xf32>,
          %get3A_882 = vector.shape_cast %get3A_881 : vector<1x16xf32> to vector<1x16xf32>
          %add3A_883 = arith.addf %get3A_882, %get3A_882 : vector<1x16xf32>
          %swap3A_884 = arith.constant 0 : i32
          %swap3A_885 = arith.constant 0 : i32
          %swap3A_886 = tpu.memref_slice %run_scoped3A_8[%rem3A_201, %swap3A_884, %swap3A_885] : memref<2x8x2048xf32, #tpu.memory_space<vmem>> -> memref<1x8x2048xf32, #tpu.memory_space<vmem>>
          %swap3A_887 = tpu.memref_squeeze %swap3A_886 : memref<1x8x2048xf32, #tpu.memory_space<vmem>> -> memref<8x2048xf32, #tpu.memory_space<vmem>>
          %swap3A_888 = arith.index_cast %add3A_282 : i32 to index
          %swap3A_889 = arith.constant 528 : index
          %swap3A_890 = tpu.vector_load %swap3A_887[%swap3A_888, %swap3A_889] {strides = array<i32>} : memref<8x2048xf32, #tpu.memory_space<vmem>>, vector<1x16xf32>,
          %swap3A_891 = vector.shape_cast %swap3A_890 : vector<1x16xf32> to vector<1x16xf32>
          %swap3A_892 = vector.shape_cast %add3A_883 : vector<1x16xf32> to vector<1x16xf32>
          tpu.vector_store %swap3A_887[%swap3A_888, %swap3A_889], %swap3A_892 {strides = array<i32>} : memref<8x2048xf32, #tpu.memory_space<vmem>>, vector<1x16xf32>,
          %get3A_893 = arith.constant 0 : i32
          %get3A_894 = arith.constant 0 : i32
          %get3A_895 = tpu.memref_slice %run_scoped3A[%rem3A_199, %get3A_893, %get3A_894] : memref<2x8x2048xf32, #tpu.memory_space<vmem>> -> memref<1x8x2048xf32, #tpu.memory_space<vmem>>
          %get3A_896 = tpu.memref_squeeze %get3A_895 : memref<1x8x2048xf32, #tpu.memory_space<vmem>> -> memref<8x2048xf32, #tpu.memory_space<vmem>>
          %get3A_897 = arith.index_cast %add3A_282 : i32 to index
          %get3A_898 = arith.constant 544 : index
          %get3A_899 = tpu.vector_load %get3A_896[%get3A_897, %get3A_898] {strides = array<i32>} : memref<8x2048xf32, #tpu.memory_space<vmem>>, vector<1x16xf32>,
          %get3A_900 = vector.shape_cast %get3A_899 : vector<1x16xf32> to vector<1x16xf32>
          %add3A_901 = arith.addf %get3A_900, %get3A_900 : vector<1x16xf32>
          %swap3A_902 = arith.constant 0 : i32
          %swap3A_903 = arith.constant 0 : i32
          %swap3A_904 = tpu.memref_slice %run_scoped3A_8[%rem3A_201, %swap3A_902, %swap3A_903] : memref<2x8x2048xf32, #tpu.memory_space<vmem>> -> memref<1x8x2048xf32, #tpu.memory_space<vmem>>
          %swap3A_905 = tpu.memref_squeeze %swap3A_904 : memref<1x8x2048xf32, #tpu.memory_space<vmem>> -> memref<8x2048xf32, #tpu.memory_space<vmem>>
          %swap3A_906 = arith.index_cast %add3A_282 : i32 to index
          %swap3A_907 = arith.constant 544 : index
          %swap3A_908 = tpu.vector_load %swap3A_905[%swap3A_906, %swap3A_907] {strides = array<i32>} : memref<8x2048xf32, #tpu.memory_space<vmem>>, vector<1x16xf32>,
          %swap3A_909 = vector.shape_cast %swap3A_908 : vector<1x16xf32> to vector<1x16xf32>
          %swap3A_910 = vector.shape_cast %add3A_901 : vector<1x16xf32> to vector<1x16xf32>
          tpu.vector_store %swap3A_905[%swap3A_906, %swap3A_907], %swap3A_910 {strides = array<i32>} : memref<8x2048xf32, #tpu.memory_space<vmem>>, vector<1x16xf32>,
          %get3A_911 = arith.constant 0 : i32
          %get3A_912 = arith.constant 0 : i32
          %get3A_913 = tpu.memref_slice %run_scoped3A[%rem3A_199, %get3A_911, %get3A_912] : memref<2x8x2048xf32, #tpu.memory_space<vmem>> -> memref<1x8x2048xf32, #tpu.memory_space<vmem>>
          %get3A_914 = tpu.memref_squeeze %get3A_913 : memref<1x8x2048xf32, #tpu.memory_space<vmem>> -> memref<8x2048xf32, #tpu.memory_space<vmem>>
          %get3A_915 = arith.index_cast %add3A_282 : i32 to index
          %get3A_916 = arith.constant 560 : index
          %get3A_917 = tpu.vector_load %get3A_914[%get3A_915, %get3A_916] {strides = array<i32>} : memref<8x2048xf32, #tpu.memory_space<vmem>>, vector<1x16xf32>,
          %get3A_918 = vector.shape_cast %get3A_917 : vector<1x16xf32> to vector<1x16xf32>
          %add3A_919 = arith.addf %get3A_918, %get3A_918 : vector<1x16xf32>
          %swap3A_920 = arith.constant 0 : i32
          %swap3A_921 = arith.constant 0 : i32
          %swap3A_922 = tpu.memref_slice %run_scoped3A_8[%rem3A_201, %swap3A_920, %swap3A_921] : memref<2x8x2048xf32, #tpu.memory_space<vmem>> -> memref<1x8x2048xf32, #tpu.memory_space<vmem>>
          %swap3A_923 = tpu.memref_squeeze %swap3A_922 : memref<1x8x2048xf32, #tpu.memory_space<vmem>> -> memref<8x2048xf32, #tpu.memory_space<vmem>>
          %swap3A_924 = arith.index_cast %add3A_282 : i32 to index
          %swap3A_925 = arith.constant 560 : index
          %swap3A_926 = tpu.vector_load %swap3A_923[%swap3A_924, %swap3A_925] {strides = array<i32>} : memref<8x2048xf32, #tpu.memory_space<vmem>>, vector<1x16xf32>,
          %swap3A_927 = vector.shape_cast %swap3A_926 : vector<1x16xf32> to vector<1x16xf32>
          %swap3A_928 = vector.shape_cast %add3A_919 : vector<1x16xf32> to vector<1x16xf32>
          tpu.vector_store %swap3A_923[%swap3A_924, %swap3A_925], %swap3A_928 {strides = array<i32>} : memref<8x2048xf32, #tpu.memory_space<vmem>>, vector<1x16xf32>,
          %get3A_929 = arith.constant 0 : i32
          %get3A_930 = arith.constant 0 : i32
          %get3A_931 = tpu.memref_slice %run_scoped3A[%rem3A_199, %get3A_929, %get3A_930] : memref<2x8x2048xf32, #tpu.memory_space<vmem>> -> memref<1x8x2048xf32, #tpu.memory_space<vmem>>
          %get3A_932 = tpu.memref_squeeze %get3A_931 : memref<1x8x2048xf32, #tpu.memory_space<vmem>> -> memref<8x2048xf32, #tpu.memory_space<vmem>>
          %get3A_933 = arith.index_cast %add3A_282 : i32 to index
          %get3A_934 = arith.constant 576 : index
          %get3A_935 = tpu.vector_load %get3A_932[%get3A_933, %get3A_934] {strides = array<i32>} : memref<8x2048xf32, #tpu.memory_space<vmem>>, vector<1x16xf32>,
          %get3A_936 = vector.shape_cast %get3A_935 : vector<1x16xf32> to vector<1x16xf32>
          %add3A_937 = arith.addf %get3A_936, %get3A_936 : vector<1x16xf32>
          %swap3A_938 = arith.constant 0 : i32
          %swap3A_939 = arith.constant 0 : i32
          %swap3A_940 = tpu.memref_slice %run_scoped3A_8[%rem3A_201, %swap3A_938, %swap3A_939] : memref<2x8x2048xf32, #tpu.memory_space<vmem>> -> memref<1x8x2048xf32, #tpu.memory_space<vmem>>
          %swap3A_941 = tpu.memref_squeeze %swap3A_940 : memref<1x8x2048xf32, #tpu.memory_space<vmem>> -> memref<8x2048xf32, #tpu.memory_space<vmem>>
          %swap3A_942 = arith.index_cast %add3A_282 : i32 to index
          %swap3A_943 = arith.constant 576 : index
          %swap3A_944 = tpu.vector_load %swap3A_941[%swap3A_942, %swap3A_943] {strides = array<i32>} : memref<8x2048xf32, #tpu.memory_space<vmem>>, vector<1x16xf32>,
          %swap3A_945 = vector.shape_cast %swap3A_944 : vector<1x16xf32> to vector<1x16xf32>
          %swap3A_946 = vector.shape_cast %add3A_937 : vector<1x16xf32> to vector<1x16xf32>
          tpu.vector_store %swap3A_941[%swap3A_942, %swap3A_943], %swap3A_946 {strides = array<i32>} : memref<8x2048xf32, #tpu.memory_space<vmem>>, vector<1x16xf32>,
          %get3A_947 = arith.constant 0 : i32
          %get3A_948 = arith.constant 0 : i32
          %get3A_949 = tpu.memref_slice %run_scoped3A[%rem3A_199, %get3A_947, %get3A_948] : memref<2x8x2048xf32, #tpu.memory_space<vmem>> -> memref<1x8x2048xf32, #tpu.memory_space<vmem>>
          %get3A_950 = tpu.memref_squeeze %get3A_949 : memref<1x8x2048xf32, #tpu.memory_space<vmem>> -> memref<8x2048xf32, #tpu.memory_space<vmem>>
          %get3A_951 = arith.index_cast %add3A_282 : i32 to index
          %get3A_952 = arith.constant 592 : index
          %get3A_953 = tpu.vector_load %get3A_950[%get3A_951, %get3A_952] {strides = array<i32>} : memref<8x2048xf32, #tpu.memory_space<vmem>>, vector<1x16xf32>,
          %get3A_954 = vector.shape_cast %get3A_953 : vector<1x16xf32> to vector<1x16xf32>
          %add3A_955 = arith.addf %get3A_954, %get3A_954 : vector<1x16xf32>
          %swap3A_956 = arith.constant 0 : i32
          %swap3A_957 = arith.constant 0 : i32
          %swap3A_958 = tpu.memref_slice %run_scoped3A_8[%rem3A_201, %swap3A_956, %swap3A_957] : memref<2x8x2048xf32, #tpu.memory_space<vmem>> -> memref<1x8x2048xf32, #tpu.memory_space<vmem>>
          %swap3A_959 = tpu.memref_squeeze %swap3A_958 : memref<1x8x2048xf32, #tpu.memory_space<vmem>> -> memref<8x2048xf32, #tpu.memory_space<vmem>>
          %swap3A_960 = arith.index_cast %add3A_282 : i32 to index
          %swap3A_961 = arith.constant 592 : index
          %swap3A_962 = tpu.vector_load %swap3A_959[%swap3A_960, %swap3A_961] {strides = array<i32>} : memref<8x2048xf32, #tpu.memory_space<vmem>>, vector<1x16xf32>,
          %swap3A_963 = vector.shape_cast %swap3A_962 : vector<1x16xf32> to vector<1x16xf32>
          %swap3A_964 = vector.shape_cast %add3A_955 : vector<1x16xf32> to vector<1x16xf32>
          tpu.vector_store %swap3A_959[%swap3A_960, %swap3A_961], %swap3A_964 {strides = array<i32>} : memref<8x2048xf32, #tpu.memory_space<vmem>>, vector<1x16xf32>,
          %get3A_965 = arith.constant 0 : i32
          %get3A_966 = arith.constant 0 : i32
          %get3A_967 = tpu.memref_slice %run_scoped3A[%rem3A_199, %get3A_965, %get3A_966] : memref<2x8x2048xf32, #tpu.memory_space<vmem>> -> memref<1x8x2048xf32, #tpu.memory_space<vmem>>
          %get3A_968 = tpu.memref_squeeze %get3A_967 : memref<1x8x2048xf32, #tpu.memory_space<vmem>> -> memref<8x2048xf32, #tpu.memory_space<vmem>>
          %get3A_969 = arith.index_cast %add3A_282 : i32 to index
          %get3A_970 = arith.constant 608 : index
          %get3A_971 = tpu.vector_load %get3A_968[%get3A_969, %get3A_970] {strides = array<i32>} : memref<8x2048xf32, #tpu.memory_space<vmem>>, vector<1x16xf32>,
          %get3A_972 = vector.shape_cast %get3A_971 : vector<1x16xf32> to vector<1x16xf32>
          %add3A_973 = arith.addf %get3A_972, %get3A_972 : vector<1x16xf32>
          %swap3A_974 = arith.constant 0 : i32
          %swap3A_975 = arith.constant 0 : i32
          %swap3A_976 = tpu.memref_slice %run_scoped3A_8[%rem3A_201, %swap3A_974, %swap3A_975] : memref<2x8x2048xf32, #tpu.memory_space<vmem>> -> memref<1x8x2048xf32, #tpu.memory_space<vmem>>
          %swap3A_977 = tpu.memref_squeeze %swap3A_976 : memref<1x8x2048xf32, #tpu.memory_space<vmem>> -> memref<8x2048xf32, #tpu.memory_space<vmem>>
          %swap3A_978 = arith.index_cast %add3A_282 : i32 to index
          %swap3A_979 = arith.constant 608 : index
          %swap3A_980 = tpu.vector_load %swap3A_977[%swap3A_978, %swap3A_979] {strides = array<i32>} : memref<8x2048xf32, #tpu.memory_space<vmem>>, vector<1x16xf32>,
          %swap3A_981 = vector.shape_cast %swap3A_980 : vector<1x16xf32> to vector<1x16xf32>
          %swap3A_982 = vector.shape_cast %add3A_973 : vector<1x16xf32> to vector<1x16xf32>
          tpu.vector_store %swap3A_977[%swap3A_978, %swap3A_979], %swap3A_982 {strides = array<i32>} : memref<8x2048xf32, #tpu.memory_space<vmem>>, vector<1x16xf32>,
          %get3A_983 = arith.constant 0 : i32
          %get3A_984 = arith.constant 0 : i32
          %get3A_985 = tpu.memref_slice %run_scoped3A[%rem3A_199, %get3A_983, %get3A_984] : memref<2x8x2048xf32, #tpu.memory_space<vmem>> -> memref<1x8x2048xf32, #tpu.memory_space<vmem>>
          %get3A_986 = tpu.memref_squeeze %get3A_985 : memref<1x8x2048xf32, #tpu.memory_space<vmem>> -> memref<8x2048xf32, #tpu.memory_space<vmem>>
          %get3A_987 = arith.index_cast %add3A_282 : i32 to index
          %get3A_988 = arith.constant 624 : index
          %get3A_989 = tpu.vector_load %get3A_986[%get3A_987, %get3A_988] {strides = array<i32>} : memref<8x2048xf32, #tpu.memory_space<vmem>>, vector<1x16xf32>,
          %get3A_990 = vector.shape_cast %get3A_989 : vector<1x16xf32> to vector<1x16xf32>
          %add3A_991 = arith.addf %get3A_990, %get3A_990 : vector<1x16xf32>
          %swap3A_992 = arith.constant 0 : i32
          %swap3A_993 = arith.constant 0 : i32
          %swap3A_994 = tpu.memref_slice %run_scoped3A_8[%rem3A_201, %swap3A_992, %swap3A_993] : memref<2x8x2048xf32, #tpu.memory_space<vmem>> -> memref<1x8x2048xf32, #tpu.memory_space<vmem>>
          %swap3A_995 = tpu.memref_squeeze %swap3A_994 : memref<1x8x2048xf32, #tpu.memory_space<vmem>> -> memref<8x2048xf32, #tpu.memory_space<vmem>>
          %swap3A_996 = arith.index_cast %add3A_282 : i32 to index
          %swap3A_997 = arith.constant 624 : index
          %swap3A_998 = tpu.vector_load %swap3A_995[%swap3A_996, %swap3A_997] {strides = array<i32>} : memref<8x2048xf32, #tpu.memory_space<vmem>>, vector<1x16xf32>,
          %swap3A_999 = vector.shape_cast %swap3A_998 : vector<1x16xf32> to vector<1x16xf32>
          %swap3A_1000 = vector.shape_cast %add3A_991 : vector<1x16xf32> to vector<1x16xf32>
          tpu.vector_store %swap3A_995[%swap3A_996, %swap3A_997], %swap3A_1000 {strides = array<i32>} : memref<8x2048xf32, #tpu.memory_space<vmem>>, vector<1x16xf32>,
          %get3A_1001 = arith.constant 0 : i32
          %get3A_1002 = arith.constant 0 : i32
          %get3A_1003 = tpu.memref_slice %run_scoped3A[%rem3A_199, %get3A_1001, %get3A_1002] : memref<2x8x2048xf32, #tpu.memory_space<vmem>> -> memref<1x8x2048xf32, #tpu.memory_space<vmem>>
          %get3A_1004 = tpu.memref_squeeze %get3A_1003 : memref<1x8x2048xf32, #tpu.memory_space<vmem>> -> memref<8x2048xf32, #tpu.memory_space<vmem>>
          %get3A_1005 = arith.index_cast %add3A_282 : i32 to index
          %get3A_1006 = arith.constant 640 : index
          %get3A_1007 = tpu.vector_load %get3A_1004[%get3A_1005, %get3A_1006] {strides = array<i32>} : memref<8x2048xf32, #tpu.memory_space<vmem>>, vector<1x16xf32>,
          %get3A_1008 = vector.shape_cast %get3A_1007 : vector<1x16xf32> to vector<1x16xf32>
          %add3A_1009 = arith.addf %get3A_1008, %get3A_1008 : vector<1x16xf32>
          %swap3A_1010 = arith.constant 0 : i32
          %swap3A_1011 = arith.constant 0 : i32
          %swap3A_1012 = tpu.memref_slice %run_scoped3A_8[%rem3A_201, %swap3A_1010, %swap3A_1011] : memref<2x8x2048xf32, #tpu.memory_space<vmem>> -> memref<1x8x2048xf32, #tpu.memory_space<vmem>>
          %swap3A_1013 = tpu.memref_squeeze %swap3A_1012 : memref<1x8x2048xf32, #tpu.memory_space<vmem>> -> memref<8x2048xf32, #tpu.memory_space<vmem>>
          %swap3A_1014 = arith.index_cast %add3A_282 : i32 to index
          %swap3A_1015 = arith.constant 640 : index
          %swap3A_1016 = tpu.vector_load %swap3A_1013[%swap3A_1014, %swap3A_1015] {strides = array<i32>} : memref<8x2048xf32, #tpu.memory_space<vmem>>, vector<1x16xf32>,
          %swap3A_1017 = vector.shape_cast %swap3A_1016 : vector<1x16xf32> to vector<1x16xf32>
          %swap3A_1018 = vector.shape_cast %add3A_1009 : vector<1x16xf32> to vector<1x16xf32>
          tpu.vector_store %swap3A_1013[%swap3A_1014, %swap3A_1015], %swap3A_1018 {strides = array<i32>} : memref<8x2048xf32, #tpu.memory_space<vmem>>, vector<1x16xf32>,
          %get3A_1019 = arith.constant 0 : i32
          %get3A_1020 = arith.constant 0 : i32
          %get3A_1021 = tpu.memref_slice %run_scoped3A[%rem3A_199, %get3A_1019, %get3A_1020] : memref<2x8x2048xf32, #tpu.memory_space<vmem>> -> memref<1x8x2048xf32, #tpu.memory_space<vmem>>
          %get3A_1022 = tpu.memref_squeeze %get3A_1021 : memref<1x8x2048xf32, #tpu.memory_space<vmem>> -> memref<8x2048xf32, #tpu.memory_space<vmem>>
          %get3A_1023 = arith.index_cast %add3A_282 : i32 to index
          %get3A_1024 = arith.constant 656 : index
          %get3A_1025 = tpu.vector_load %get3A_1022[%get3A_1023, %get3A_1024] {strides = array<i32>} : memref<8x2048xf32, #tpu.memory_space<vmem>>, vector<1x16xf32>,
          %get3A_1026 = vector.shape_cast %get3A_1025 : vector<1x16xf32> to vector<1x16xf32>
          %add3A_1027 = arith.addf %get3A_1026, %get3A_1026 : vector<1x16xf32>
          %swap3A_1028 = arith.constant 0 : i32
          %swap3A_1029 = arith.constant 0 : i32
          %swap3A_1030 = tpu.memref_slice %run_scoped3A_8[%rem3A_201, %swap3A_1028, %swap3A_1029] : memref<2x8x2048xf32, #tpu.memory_space<vmem>> -> memref<1x8x2048xf32, #tpu.memory_space<vmem>>
          %swap3A_1031 = tpu.memref_squeeze %swap3A_1030 : memref<1x8x2048xf32, #tpu.memory_space<vmem>> -> memref<8x2048xf32, #tpu.memory_space<vmem>>
          %swap3A_1032 = arith.index_cast %add3A_282 : i32 to index
          %swap3A_1033 = arith.constant 656 : index
          %swap3A_1034 = tpu.vector_load %swap3A_1031[%swap3A_1032, %swap3A_1033] {strides = array<i32>} : memref<8x2048xf32, #tpu.memory_space<vmem>>, vector<1x16xf32>,
          %swap3A_1035 = vector.shape_cast %swap3A_1034 : vector<1x16xf32> to vector<1x16xf32>
          %swap3A_1036 = vector.shape_cast %add3A_1027 : vector<1x16xf32> to vector<1x16xf32>
          tpu.vector_store %swap3A_1031[%swap3A_1032, %swap3A_1033], %swap3A_1036 {strides = array<i32>} : memref<8x2048xf32, #tpu.memory_space<vmem>>, vector<1x16xf32>,
          %get3A_1037 = arith.constant 0 : i32
          %get3A_1038 = arith.constant 0 : i32
          %get3A_1039 = tpu.memref_slice %run_scoped3A[%rem3A_199, %get3A_1037, %get3A_1038] : memref<2x8x2048xf32, #tpu.memory_space<vmem>> -> memref<1x8x2048xf32, #tpu.memory_space<vmem>>
          %get3A_1040 = tpu.memref_squeeze %get3A_1039 : memref<1x8x2048xf32, #tpu.memory_space<vmem>> -> memref<8x2048xf32, #tpu.memory_space<vmem>>
          %get3A_1041 = arith.index_cast %add3A_282 : i32 to index
          %get3A_1042 = arith.constant 672 : index
          %get3A_1043 = tpu.vector_load %get3A_1040[%get3A_1041, %get3A_1042] {strides = array<i32>} : memref<8x2048xf32, #tpu.memory_space<vmem>>, vector<1x16xf32>,
          %get3A_1044 = vector.shape_cast %get3A_1043 : vector<1x16xf32> to vector<1x16xf32>
          %add3A_1045 = arith.addf %get3A_1044, %get3A_1044 : vector<1x16xf32>
          %swap3A_1046 = arith.constant 0 : i32
          %swap3A_1047 = arith.constant 0 : i32
          %swap3A_1048 = tpu.memref_slice %run_scoped3A_8[%rem3A_201, %swap3A_1046, %swap3A_1047] : memref<2x8x2048xf32, #tpu.memory_space<vmem>> -> memref<1x8x2048xf32, #tpu.memory_space<vmem>>
          %swap3A_1049 = tpu.memref_squeeze %swap3A_1048 : memref<1x8x2048xf32, #tpu.memory_space<vmem>> -> memref<8x2048xf32, #tpu.memory_space<vmem>>
          %swap3A_1050 = arith.index_cast %add3A_282 : i32 to index
          %swap3A_1051 = arith.constant 672 : index
          %swap3A_1052 = tpu.vector_load %swap3A_1049[%swap3A_1050, %swap3A_1051] {strides = array<i32>} : memref<8x2048xf32, #tpu.memory_space<vmem>>, vector<1x16xf32>,
          %swap3A_1053 = vector.shape_cast %swap3A_1052 : vector<1x16xf32> to vector<1x16xf32>
          %swap3A_1054 = vector.shape_cast %add3A_1045 : vector<1x16xf32> to vector<1x16xf32>
          tpu.vector_store %swap3A_1049[%swap3A_1050, %swap3A_1051], %swap3A_1054 {strides = array<i32>} : memref<8x2048xf32, #tpu.memory_space<vmem>>, vector<1x16xf32>,
          %get3A_1055 = arith.constant 0 : i32
          %get3A_1056 = arith.constant 0 : i32
          %get3A_1057 = tpu.memref_slice %run_scoped3A[%rem3A_199, %get3A_1055, %get3A_1056] : memref<2x8x2048xf32, #tpu.memory_space<vmem>> -> memref<1x8x2048xf32, #tpu.memory_space<vmem>>
          %get3A_1058 = tpu.memref_squeeze %get3A_1057 : memref<1x8x2048xf32, #tpu.memory_space<vmem>> -> memref<8x2048xf32, #tpu.memory_space<vmem>>
          %get3A_1059 = arith.index_cast %add3A_282 : i32 to index
          %get3A_1060 = arith.constant 688 : index
          %get3A_1061 = tpu.vector_load %get3A_1058[%get3A_1059, %get3A_1060] {strides = array<i32>} : memref<8x2048xf32, #tpu.memory_space<vmem>>, vector<1x16xf32>,
          %get3A_1062 = vector.shape_cast %get3A_1061 : vector<1x16xf32> to vector<1x16xf32>
          %add3A_1063 = arith.addf %get3A_1062, %get3A_1062 : vector<1x16xf32>
          %swap3A_1064 = arith.constant 0 : i32
          %swap3A_1065 = arith.constant 0 : i32
          %swap3A_1066 = tpu.memref_slice %run_scoped3A_8[%rem3A_201, %swap3A_1064, %swap3A_1065] : memref<2x8x2048xf32, #tpu.memory_space<vmem>> -> memref<1x8x2048xf32, #tpu.memory_space<vmem>>
          %swap3A_1067 = tpu.memref_squeeze %swap3A_1066 : memref<1x8x2048xf32, #tpu.memory_space<vmem>> -> memref<8x2048xf32, #tpu.memory_space<vmem>>
          %swap3A_1068 = arith.index_cast %add3A_282 : i32 to index
          %swap3A_1069 = arith.constant 688 : index
          %swap3A_1070 = tpu.vector_load %swap3A_1067[%swap3A_1068, %swap3A_1069] {strides = array<i32>} : memref<8x2048xf32, #tpu.memory_space<vmem>>, vector<1x16xf32>,
          %swap3A_1071 = vector.shape_cast %swap3A_1070 : vector<1x16xf32> to vector<1x16xf32>
          %swap3A_1072 = vector.shape_cast %add3A_1063 : vector<1x16xf32> to vector<1x16xf32>
          tpu.vector_store %swap3A_1067[%swap3A_1068, %swap3A_1069], %swap3A_1072 {strides = array<i32>} : memref<8x2048xf32, #tpu.memory_space<vmem>>, vector<1x16xf32>,
          %get3A_1073 = arith.constant 0 : i32
          %get3A_1074 = arith.constant 0 : i32
          %get3A_1075 = tpu.memref_slice %run_scoped3A[%rem3A_199, %get3A_1073, %get3A_1074] : memref<2x8x2048xf32, #tpu.memory_space<vmem>> -> memref<1x8x2048xf32, #tpu.memory_space<vmem>>
          %get3A_1076 = tpu.memref_squeeze %get3A_1075 : memref<1x8x2048xf32, #tpu.memory_space<vmem>> -> memref<8x2048xf32, #tpu.memory_space<vmem>>
          %get3A_1077 = arith.index_cast %add3A_282 : i32 to index
          %get3A_1078 = arith.constant 704 : index
          %get3A_1079 = tpu.vector_load %get3A_1076[%get3A_1077, %get3A_1078] {strides = array<i32>} : memref<8x2048xf32, #tpu.memory_space<vmem>>, vector<1x16xf32>,
          %get3A_1080 = vector.shape_cast %get3A_1079 : vector<1x16xf32> to vector<1x16xf32>
          %add3A_1081 = arith.addf %get3A_1080, %get3A_1080 : vector<1x16xf32>
          %swap3A_1082 = arith.constant 0 : i32
          %swap3A_1083 = arith.constant 0 : i32
          %swap3A_1084 = tpu.memref_slice %run_scoped3A_8[%rem3A_201, %swap3A_1082, %swap3A_1083] : memref<2x8x2048xf32, #tpu.memory_space<vmem>> -> memref<1x8x2048xf32, #tpu.memory_space<vmem>>
          %swap3A_1085 = tpu.memref_squeeze %swap3A_1084 : memref<1x8x2048xf32, #tpu.memory_space<vmem>> -> memref<8x2048xf32, #tpu.memory_space<vmem>>
          %swap3A_1086 = arith.index_cast %add3A_282 : i32 to index
          %swap3A_1087 = arith.constant 704 : index
          %swap3A_1088 = tpu.vector_load %swap3A_1085[%swap3A_1086, %swap3A_1087] {strides = array<i32>} : memref<8x2048xf32, #tpu.memory_space<vmem>>, vector<1x16xf32>,
          %swap3A_1089 = vector.shape_cast %swap3A_1088 : vector<1x16xf32> to vector<1x16xf32>
          %swap3A_1090 = vector.shape_cast %add3A_1081 : vector<1x16xf32> to vector<1x16xf32>
          tpu.vector_store %swap3A_1085[%swap3A_1086, %swap3A_1087], %swap3A_1090 {strides = array<i32>} : memref<8x2048xf32, #tpu.memory_space<vmem>>, vector<1x16xf32>,
          %get3A_1091 = arith.constant 0 : i32
          %get3A_1092 = arith.constant 0 : i32
          %get3A_1093 = tpu.memref_slice %run_scoped3A[%rem3A_199, %get3A_1091, %get3A_1092] : memref<2x8x2048xf32, #tpu.memory_space<vmem>> -> memref<1x8x2048xf32, #tpu.memory_space<vmem>>
          %get3A_1094 = tpu.memref_squeeze %get3A_1093 : memref<1x8x2048xf32, #tpu.memory_space<vmem>> -> memref<8x2048xf32, #tpu.memory_space<vmem>>
          %get3A_1095 = arith.index_cast %add3A_282 : i32 to index
          %get3A_1096 = arith.constant 720 : index
          %get3A_1097 = tpu.vector_load %get3A_1094[%get3A_1095, %get3A_1096] {strides = array<i32>} : memref<8x2048xf32, #tpu.memory_space<vmem>>, vector<1x16xf32>,
          %get3A_1098 = vector.shape_cast %get3A_1097 : vector<1x16xf32> to vector<1x16xf32>
          %add3A_1099 = arith.addf %get3A_1098, %get3A_1098 : vector<1x16xf32>
          %swap3A_1100 = arith.constant 0 : i32
          %swap3A_1101 = arith.constant 0 : i32
          %swap3A_1102 = tpu.memref_slice %run_scoped3A_8[%rem3A_201, %swap3A_1100, %swap3A_1101] : memref<2x8x2048xf32, #tpu.memory_space<vmem>> -> memref<1x8x2048xf32, #tpu.memory_space<vmem>>
          %swap3A_1103 = tpu.memref_squeeze %swap3A_1102 : memref<1x8x2048xf32, #tpu.memory_space<vmem>> -> memref<8x2048xf32, #tpu.memory_space<vmem>>
          %swap3A_1104 = arith.index_cast %add3A_282 : i32 to index
          %swap3A_1105 = arith.constant 720 : index
          %swap3A_1106 = tpu.vector_load %swap3A_1103[%swap3A_1104, %swap3A_1105] {strides = array<i32>} : memref<8x2048xf32, #tpu.memory_space<vmem>>, vector<1x16xf32>,
          %swap3A_1107 = vector.shape_cast %swap3A_1106 : vector<1x16xf32> to vector<1x16xf32>
          %swap3A_1108 = vector.shape_cast %add3A_1099 : vector<1x16xf32> to vector<1x16xf32>
          tpu.vector_store %swap3A_1103[%swap3A_1104, %swap3A_1105], %swap3A_1108 {strides = array<i32>} : memref<8x2048xf32, #tpu.memory_space<vmem>>, vector<1x16xf32>,
          %get3A_1109 = arith.constant 0 : i32
          %get3A_1110 = arith.constant 0 : i32
          %get3A_1111 = tpu.memref_slice %run_scoped3A[%rem3A_199, %get3A_1109, %get3A_1110] : memref<2x8x2048xf32, #tpu.memory_space<vmem>> -> memref<1x8x2048xf32, #tpu.memory_space<vmem>>
          %get3A_1112 = tpu.memref_squeeze %get3A_1111 : memref<1x8x2048xf32, #tpu.memory_space<vmem>> -> memref<8x2048xf32, #tpu.memory_space<vmem>>
          %get3A_1113 = arith.index_cast %add3A_282 : i32 to index
          %get3A_1114 = arith.constant 736 : index
          %get3A_1115 = tpu.vector_load %get3A_1112[%get3A_1113, %get3A_1114] {strides = array<i32>} : memref<8x2048xf32, #tpu.memory_space<vmem>>, vector<1x16xf32>,
          %get3A_1116 = vector.shape_cast %get3A_1115 : vector<1x16xf32> to vector<1x16xf32>
          %add3A_1117 = arith.addf %get3A_1116, %get3A_1116 : vector<1x16xf32>
          %swap3A_1118 = arith.constant 0 : i32
          %swap3A_1119 = arith.constant 0 : i32
          %swap3A_1120 = tpu.memref_slice %run_scoped3A_8[%rem3A_201, %swap3A_1118, %swap3A_1119] : memref<2x8x2048xf32, #tpu.memory_space<vmem>> -> memref<1x8x2048xf32, #tpu.memory_space<vmem>>
          %swap3A_1121 = tpu.memref_squeeze %swap3A_1120 : memref<1x8x2048xf32, #tpu.memory_space<vmem>> -> memref<8x2048xf32, #tpu.memory_space<vmem>>
          %swap3A_1122 = arith.index_cast %add3A_282 : i32 to index
          %swap3A_1123 = arith.constant 736 : index
          %swap3A_1124 = tpu.vector_load %swap3A_1121[%swap3A_1122, %swap3A_1123] {strides = array<i32>} : memref<8x2048xf32, #tpu.memory_space<vmem>>, vector<1x16xf32>,
          %swap3A_1125 = vector.shape_cast %swap3A_1124 : vector<1x16xf32> to vector<1x16xf32>
          %swap3A_1126 = vector.shape_cast %add3A_1117 : vector<1x16xf32> to vector<1x16xf32>
          tpu.vector_store %swap3A_1121[%swap3A_1122, %swap3A_1123], %swap3A_1126 {strides = array<i32>} : memref<8x2048xf32, #tpu.memory_space<vmem>>, vector<1x16xf32>,
          %get3A_1127 = arith.constant 0 : i32
          %get3A_1128 = arith.constant 0 : i32
          %get3A_1129 = tpu.memref_slice %run_scoped3A[%rem3A_199, %get3A_1127, %get3A_1128] : memref<2x8x2048xf32, #tpu.memory_space<vmem>> -> memref<1x8x2048xf32, #tpu.memory_space<vmem>>
          %get3A_1130 = tpu.memref_squeeze %get3A_1129 : memref<1x8x2048xf32, #tpu.memory_space<vmem>> -> memref<8x2048xf32, #tpu.memory_space<vmem>>
          %get3A_1131 = arith.index_cast %add3A_282 : i32 to index
          %get3A_1132 = arith.constant 752 : index
          %get3A_1133 = tpu.vector_load %get3A_1130[%get3A_1131, %get3A_1132] {strides = array<i32>} : memref<8x2048xf32, #tpu.memory_space<vmem>>, vector<1x16xf32>,
          %get3A_1134 = vector.shape_cast %get3A_1133 : vector<1x16xf32> to vector<1x16xf32>
          %add3A_1135 = arith.addf %get3A_1134, %get3A_1134 : vector<1x16xf32>
          %swap3A_1136 = arith.constant 0 : i32
          %swap3A_1137 = arith.constant 0 : i32
          %swap3A_1138 = tpu.memref_slice %run_scoped3A_8[%rem3A_201, %swap3A_1136, %swap3A_1137] : memref<2x8x2048xf32, #tpu.memory_space<vmem>> -> memref<1x8x2048xf32, #tpu.memory_space<vmem>>
          %swap3A_1139 = tpu.memref_squeeze %swap3A_1138 : memref<1x8x2048xf32, #tpu.memory_space<vmem>> -> memref<8x2048xf32, #tpu.memory_space<vmem>>
          %swap3A_1140 = arith.index_cast %add3A_282 : i32 to index
          %swap3A_1141 = arith.constant 752 : index
          %swap3A_1142 = tpu.vector_load %swap3A_1139[%swap3A_1140, %swap3A_1141] {strides = array<i32>} : memref<8x2048xf32, #tpu.memory_space<vmem>>, vector<1x16xf32>,
          %swap3A_1143 = vector.shape_cast %swap3A_1142 : vector<1x16xf32> to vector<1x16xf32>
          %swap3A_1144 = vector.shape_cast %add3A_1135 : vector<1x16xf32> to vector<1x16xf32>
          tpu.vector_store %swap3A_1139[%swap3A_1140, %swap3A_1141], %swap3A_1144 {strides = array<i32>} : memref<8x2048xf32, #tpu.memory_space<vmem>>, vector<1x16xf32>,
          %get3A_1145 = arith.constant 0 : i32
          %get3A_1146 = arith.constant 0 : i32
          %get3A_1147 = tpu.memref_slice %run_scoped3A[%rem3A_199, %get3A_1145, %get3A_1146] : memref<2x8x2048xf32, #tpu.memory_space<vmem>> -> memref<1x8x2048xf32, #tpu.memory_space<vmem>>
          %get3A_1148 = tpu.memref_squeeze %get3A_1147 : memref<1x8x2048xf32, #tpu.memory_space<vmem>> -> memref<8x2048xf32, #tpu.memory_space<vmem>>
          %get3A_1149 = arith.index_cast %add3A_282 : i32 to index
          %get3A_1150 = arith.constant 768 : index
          %get3A_1151 = tpu.vector_load %get3A_1148[%get3A_1149, %get3A_1150] {strides = array<i32>} : memref<8x2048xf32, #tpu.memory_space<vmem>>, vector<1x16xf32>,
          %get3A_1152 = vector.shape_cast %get3A_1151 : vector<1x16xf32> to vector<1x16xf32>
          %add3A_1153 = arith.addf %get3A_1152, %get3A_1152 : vector<1x16xf32>
          %swap3A_1154 = arith.constant 0 : i32
          %swap3A_1155 = arith.constant 0 : i32
          %swap3A_1156 = tpu.memref_slice %run_scoped3A_8[%rem3A_201, %swap3A_1154, %swap3A_1155] : memref<2x8x2048xf32, #tpu.memory_space<vmem>> -> memref<1x8x2048xf32, #tpu.memory_space<vmem>>
          %swap3A_1157 = tpu.memref_squeeze %swap3A_1156 : memref<1x8x2048xf32, #tpu.memory_space<vmem>> -> memref<8x2048xf32, #tpu.memory_space<vmem>>
          %swap3A_1158 = arith.index_cast %add3A_282 : i32 to index
          %swap3A_1159 = arith.constant 768 : index
          %swap3A_1160 = tpu.vector_load %swap3A_1157[%swap3A_1158, %swap3A_1159] {strides = array<i32>} : memref<8x2048xf32, #tpu.memory_space<vmem>>, vector<1x16xf32>,
          %swap3A_1161 = vector.shape_cast %swap3A_1160 : vector<1x16xf32> to vector<1x16xf32>
          %swap3A_1162 = vector.shape_cast %add3A_1153 : vector<1x16xf32> to vector<1x16xf32>
          tpu.vector_store %swap3A_1157[%swap3A_1158, %swap3A_1159], %swap3A_1162 {strides = array<i32>} : memref<8x2048xf32, #tpu.memory_space<vmem>>, vector<1x16xf32>,
          %get3A_1163 = arith.constant 0 : i32
          %get3A_1164 = arith.constant 0 : i32
          %get3A_1165 = tpu.memref_slice %run_scoped3A[%rem3A_199, %get3A_1163, %get3A_1164] : memref<2x8x2048xf32, #tpu.memory_space<vmem>> -> memref<1x8x2048xf32, #tpu.memory_space<vmem>>
          %get3A_1166 = tpu.memref_squeeze %get3A_1165 : memref<1x8x2048xf32, #tpu.memory_space<vmem>> -> memref<8x2048xf32, #tpu.memory_space<vmem>>
          %get3A_1167 = arith.index_cast %add3A_282 : i32 to index
          %get3A_1168 = arith.constant 784 : index
          %get3A_1169 = tpu.vector_load %get3A_1166[%get3A_1167, %get3A_1168] {strides = array<i32>} : memref<8x2048xf32, #tpu.memory_space<vmem>>, vector<1x16xf32>,
          %get3A_1170 = vector.shape_cast %get3A_1169 : vector<1x16xf32> to vector<1x16xf32>
          %add3A_1171 = arith.addf %get3A_1170, %get3A_1170 : vector<1x16xf32>
          %swap3A_1172 = arith.constant 0 : i32
          %swap3A_1173 = arith.constant 0 : i32
          %swap3A_1174 = tpu.memref_slice %run_scoped3A_8[%rem3A_201, %swap3A_1172, %swap3A_1173] : memref<2x8x2048xf32, #tpu.memory_space<vmem>> -> memref<1x8x2048xf32, #tpu.memory_space<vmem>>
          %swap3A_1175 = tpu.memref_squeeze %swap3A_1174 : memref<1x8x2048xf32, #tpu.memory_space<vmem>> -> memref<8x2048xf32, #tpu.memory_space<vmem>>
          %swap3A_1176 = arith.index_cast %add3A_282 : i32 to index
          %swap3A_1177 = arith.constant 784 : index
          %swap3A_1178 = tpu.vector_load %swap3A_1175[%swap3A_1176, %swap3A_1177] {strides = array<i32>} : memref<8x2048xf32, #tpu.memory_space<vmem>>, vector<1x16xf32>,
          %swap3A_1179 = vector.shape_cast %swap3A_1178 : vector<1x16xf32> to vector<1x16xf32>
          %swap3A_1180 = vector.shape_cast %add3A_1171 : vector<1x16xf32> to vector<1x16xf32>
          tpu.vector_store %swap3A_1175[%swap3A_1176, %swap3A_1177], %swap3A_1180 {strides = array<i32>} : memref<8x2048xf32, #tpu.memory_space<vmem>>, vector<1x16xf32>,
          %get3A_1181 = arith.constant 0 : i32
          %get3A_1182 = arith.constant 0 : i32
          %get3A_1183 = tpu.memref_slice %run_scoped3A[%rem3A_199, %get3A_1181, %get3A_1182] : memref<2x8x2048xf32, #tpu.memory_space<vmem>> -> memref<1x8x2048xf32, #tpu.memory_space<vmem>>
          %get3A_1184 = tpu.memref_squeeze %get3A_1183 : memref<1x8x2048xf32, #tpu.memory_space<vmem>> -> memref<8x2048xf32, #tpu.memory_space<vmem>>
          %get3A_1185 = arith.index_cast %add3A_282 : i32 to index
          %get3A_1186 = arith.constant 800 : index
          %get3A_1187 = tpu.vector_load %get3A_1184[%get3A_1185, %get3A_1186] {strides = array<i32>} : memref<8x2048xf32, #tpu.memory_space<vmem>>, vector<1x16xf32>,
          %get3A_1188 = vector.shape_cast %get3A_1187 : vector<1x16xf32> to vector<1x16xf32>
          %add3A_1189 = arith.addf %get3A_1188, %get3A_1188 : vector<1x16xf32>
          %swap3A_1190 = arith.constant 0 : i32
          %swap3A_1191 = arith.constant 0 : i32
          %swap3A_1192 = tpu.memref_slice %run_scoped3A_8[%rem3A_201, %swap3A_1190, %swap3A_1191] : memref<2x8x2048xf32, #tpu.memory_space<vmem>> -> memref<1x8x2048xf32, #tpu.memory_space<vmem>>
          %swap3A_1193 = tpu.memref_squeeze %swap3A_1192 : memref<1x8x2048xf32, #tpu.memory_space<vmem>> -> memref<8x2048xf32, #tpu.memory_space<vmem>>
          %swap3A_1194 = arith.index_cast %add3A_282 : i32 to index
          %swap3A_1195 = arith.constant 800 : index
          %swap3A_1196 = tpu.vector_load %swap3A_1193[%swap3A_1194, %swap3A_1195] {strides = array<i32>} : memref<8x2048xf32, #tpu.memory_space<vmem>>, vector<1x16xf32>,
          %swap3A_1197 = vector.shape_cast %swap3A_1196 : vector<1x16xf32> to vector<1x16xf32>
          %swap3A_1198 = vector.shape_cast %add3A_1189 : vector<1x16xf32> to vector<1x16xf32>
          tpu.vector_store %swap3A_1193[%swap3A_1194, %swap3A_1195], %swap3A_1198 {strides = array<i32>} : memref<8x2048xf32, #tpu.memory_space<vmem>>, vector<1x16xf32>,
          %get3A_1199 = arith.constant 0 : i32
          %get3A_1200 = arith.constant 0 : i32
          %get3A_1201 = tpu.memref_slice %run_scoped3A[%rem3A_199, %get3A_1199, %get3A_1200] : memref<2x8x2048xf32, #tpu.memory_space<vmem>> -> memref<1x8x2048xf32, #tpu.memory_space<vmem>>
          %get3A_1202 = tpu.memref_squeeze %get3A_1201 : memref<1x8x2048xf32, #tpu.memory_space<vmem>> -> memref<8x2048xf32, #tpu.memory_space<vmem>>
          %get3A_1203 = arith.index_cast %add3A_282 : i32 to index
          %get3A_1204 = arith.constant 816 : index
          %get3A_1205 = tpu.vector_load %get3A_1202[%get3A_1203, %get3A_1204] {strides = array<i32>} : memref<8x2048xf32, #tpu.memory_space<vmem>>, vector<1x16xf32>,
          %get3A_1206 = vector.shape_cast %get3A_1205 : vector<1x16xf32> to vector<1x16xf32>
          %add3A_1207 = arith.addf %get3A_1206, %get3A_1206 : vector<1x16xf32>
          %swap3A_1208 = arith.constant 0 : i32
          %swap3A_1209 = arith.constant 0 : i32
          %swap3A_1210 = tpu.memref_slice %run_scoped3A_8[%rem3A_201, %swap3A_1208, %swap3A_1209] : memref<2x8x2048xf32, #tpu.memory_space<vmem>> -> memref<1x8x2048xf32, #tpu.memory_space<vmem>>
          %swap3A_1211 = tpu.memref_squeeze %swap3A_1210 : memref<1x8x2048xf32, #tpu.memory_space<vmem>> -> memref<8x2048xf32, #tpu.memory_space<vmem>>
          %swap3A_1212 = arith.index_cast %add3A_282 : i32 to index
          %swap3A_1213 = arith.constant 816 : index
          %swap3A_1214 = tpu.vector_load %swap3A_1211[%swap3A_1212, %swap3A_1213] {strides = array<i32>} : memref<8x2048xf32, #tpu.memory_space<vmem>>, vector<1x16xf32>,
          %swap3A_1215 = vector.shape_cast %swap3A_1214 : vector<1x16xf32> to vector<1x16xf32>
          %swap3A_1216 = vector.shape_cast %add3A_1207 : vector<1x16xf32> to vector<1x16xf32>
          tpu.vector_store %swap3A_1211[%swap3A_1212, %swap3A_1213], %swap3A_1216 {strides = array<i32>} : memref<8x2048xf32, #tpu.memory_space<vmem>>, vector<1x16xf32>,
          %get3A_1217 = arith.constant 0 : i32
          %get3A_1218 = arith.constant 0 : i32
          %get3A_1219 = tpu.memref_slice %run_scoped3A[%rem3A_199, %get3A_1217, %get3A_1218] : memref<2x8x2048xf32, #tpu.memory_space<vmem>> -> memref<1x8x2048xf32, #tpu.memory_space<vmem>>
          %get3A_1220 = tpu.memref_squeeze %get3A_1219 : memref<1x8x2048xf32, #tpu.memory_space<vmem>> -> memref<8x2048xf32, #tpu.memory_space<vmem>>
          %get3A_1221 = arith.index_cast %add3A_282 : i32 to index
          %get3A_1222 = arith.constant 832 : index
          %get3A_1223 = tpu.vector_load %get3A_1220[%get3A_1221, %get3A_1222] {strides = array<i32>} : memref<8x2048xf32, #tpu.memory_space<vmem>>, vector<1x16xf32>,
          %get3A_1224 = vector.shape_cast %get3A_1223 : vector<1x16xf32> to vector<1x16xf32>
          %add3A_1225 = arith.addf %get3A_1224, %get3A_1224 : vector<1x16xf32>
          %swap3A_1226 = arith.constant 0 : i32
          %swap3A_1227 = arith.constant 0 : i32
          %swap3A_1228 = tpu.memref_slice %run_scoped3A_8[%rem3A_201, %swap3A_1226, %swap3A_1227] : memref<2x8x2048xf32, #tpu.memory_space<vmem>> -> memref<1x8x2048xf32, #tpu.memory_space<vmem>>
          %swap3A_1229 = tpu.memref_squeeze %swap3A_1228 : memref<1x8x2048xf32, #tpu.memory_space<vmem>> -> memref<8x2048xf32, #tpu.memory_space<vmem>>
          %swap3A_1230 = arith.index_cast %add3A_282 : i32 to index
          %swap3A_1231 = arith.constant 832 : index
          %swap3A_1232 = tpu.vector_load %swap3A_1229[%swap3A_1230, %swap3A_1231] {strides = array<i32>} : memref<8x2048xf32, #tpu.memory_space<vmem>>, vector<1x16xf32>,
          %swap3A_1233 = vector.shape_cast %swap3A_1232 : vector<1x16xf32> to vector<1x16xf32>
          %swap3A_1234 = vector.shape_cast %add3A_1225 : vector<1x16xf32> to vector<1x16xf32>
          tpu.vector_store %swap3A_1229[%swap3A_1230, %swap3A_1231], %swap3A_1234 {strides = array<i32>} : memref<8x2048xf32, #tpu.memory_space<vmem>>, vector<1x16xf32>,
          %get3A_1235 = arith.constant 0 : i32
          %get3A_1236 = arith.constant 0 : i32
          %get3A_1237 = tpu.memref_slice %run_scoped3A[%rem3A_199, %get3A_1235, %get3A_1236] : memref<2x8x2048xf32, #tpu.memory_space<vmem>> -> memref<1x8x2048xf32, #tpu.memory_space<vmem>>
          %get3A_1238 = tpu.memref_squeeze %get3A_1237 : memref<1x8x2048xf32, #tpu.memory_space<vmem>> -> memref<8x2048xf32, #tpu.memory_space<vmem>>
          %get3A_1239 = arith.index_cast %add3A_282 : i32 to index
          %get3A_1240 = arith.constant 848 : index
          %get3A_1241 = tpu.vector_load %get3A_1238[%get3A_1239, %get3A_1240] {strides = array<i32>} : memref<8x2048xf32, #tpu.memory_space<vmem>>, vector<1x16xf32>,
          %get3A_1242 = vector.shape_cast %get3A_1241 : vector<1x16xf32> to vector<1x16xf32>
          %add3A_1243 = arith.addf %get3A_1242, %get3A_1242 : vector<1x16xf32>
          %swap3A_1244 = arith.constant 0 : i32
          %swap3A_1245 = arith.constant 0 : i32
          %swap3A_1246 = tpu.memref_slice %run_scoped3A_8[%rem3A_201, %swap3A_1244, %swap3A_1245] : memref<2x8x2048xf32, #tpu.memory_space<vmem>> -> memref<1x8x2048xf32, #tpu.memory_space<vmem>>
          %swap3A_1247 = tpu.memref_squeeze %swap3A_1246 : memref<1x8x2048xf32, #tpu.memory_space<vmem>> -> memref<8x2048xf32, #tpu.memory_space<vmem>>
          %swap3A_1248 = arith.index_cast %add3A_282 : i32 to index
          %swap3A_1249 = arith.constant 848 : index
          %swap3A_1250 = tpu.vector_load %swap3A_1247[%swap3A_1248, %swap3A_1249] {strides = array<i32>} : memref<8x2048xf32, #tpu.memory_space<vmem>>, vector<1x16xf32>,
          %swap3A_1251 = vector.shape_cast %swap3A_1250 : vector<1x16xf32> to vector<1x16xf32>
          %swap3A_1252 = vector.shape_cast %add3A_1243 : vector<1x16xf32> to vector<1x16xf32>
          tpu.vector_store %swap3A_1247[%swap3A_1248, %swap3A_1249], %swap3A_1252 {strides = array<i32>} : memref<8x2048xf32, #tpu.memory_space<vmem>>, vector<1x16xf32>,
          %get3A_1253 = arith.constant 0 : i32
          %get3A_1254 = arith.constant 0 : i32
          %get3A_1255 = tpu.memref_slice %run_scoped3A[%rem3A_199, %get3A_1253, %get3A_1254] : memref<2x8x2048xf32, #tpu.memory_space<vmem>> -> memref<1x8x2048xf32, #tpu.memory_space<vmem>>
          %get3A_1256 = tpu.memref_squeeze %get3A_1255 : memref<1x8x2048xf32, #tpu.memory_space<vmem>> -> memref<8x2048xf32, #tpu.memory_space<vmem>>
          %get3A_1257 = arith.index_cast %add3A_282 : i32 to index
          %get3A_1258 = arith.constant 864 : index
          %get3A_1259 = tpu.vector_load %get3A_1256[%get3A_1257, %get3A_1258] {strides = array<i32>} : memref<8x2048xf32, #tpu.memory_space<vmem>>, vector<1x16xf32>,
          %get3A_1260 = vector.shape_cast %get3A_1259 : vector<1x16xf32> to vector<1x16xf32>
          %add3A_1261 = arith.addf %get3A_1260, %get3A_1260 : vector<1x16xf32>
          %swap3A_1262 = arith.constant 0 : i32
          %swap3A_1263 = arith.constant 0 : i32
          %swap3A_1264 = tpu.memref_slice %run_scoped3A_8[%rem3A_201, %swap3A_1262, %swap3A_1263] : memref<2x8x2048xf32, #tpu.memory_space<vmem>> -> memref<1x8x2048xf32, #tpu.memory_space<vmem>>
          %swap3A_1265 = tpu.memref_squeeze %swap3A_1264 : memref<1x8x2048xf32, #tpu.memory_space<vmem>> -> memref<8x2048xf32, #tpu.memory_space<vmem>>
          %swap3A_1266 = arith.index_cast %add3A_282 : i32 to index
          %swap3A_1267 = arith.constant 864 : index
          %swap3A_1268 = tpu.vector_load %swap3A_1265[%swap3A_1266, %swap3A_1267] {strides = array<i32>} : memref<8x2048xf32, #tpu.memory_space<vmem>>, vector<1x16xf32>,
          %swap3A_1269 = vector.shape_cast %swap3A_1268 : vector<1x16xf32> to vector<1x16xf32>
          %swap3A_1270 = vector.shape_cast %add3A_1261 : vector<1x16xf32> to vector<1x16xf32>
          tpu.vector_store %swap3A_1265[%swap3A_1266, %swap3A_1267], %swap3A_1270 {strides = array<i32>} : memref<8x2048xf32, #tpu.memory_space<vmem>>, vector<1x16xf32>,
          %get3A_1271 = arith.constant 0 : i32
          %get3A_1272 = arith.constant 0 : i32
          %get3A_1273 = tpu.memref_slice %run_scoped3A[%rem3A_199, %get3A_1271, %get3A_1272] : memref<2x8x2048xf32, #tpu.memory_space<vmem>> -> memref<1x8x2048xf32, #tpu.memory_space<vmem>>
          %get3A_1274 = tpu.memref_squeeze %get3A_1273 : memref<1x8x2048xf32, #tpu.memory_space<vmem>> -> memref<8x2048xf32, #tpu.memory_space<vmem>>
          %get3A_1275 = arith.index_cast %add3A_282 : i32 to index
          %get3A_1276 = arith.constant 880 : index
          %get3A_1277 = tpu.vector_load %get3A_1274[%get3A_1275, %get3A_1276] {strides = array<i32>} : memref<8x2048xf32, #tpu.memory_space<vmem>>, vector<1x16xf32>,
          %get3A_1278 = vector.shape_cast %get3A_1277 : vector<1x16xf32> to vector<1x16xf32>
          %add3A_1279 = arith.addf %get3A_1278, %get3A_1278 : vector<1x16xf32>
          %swap3A_1280 = arith.constant 0 : i32
          %swap3A_1281 = arith.constant 0 : i32
          %swap3A_1282 = tpu.memref_slice %run_scoped3A_8[%rem3A_201, %swap3A_1280, %swap3A_1281] : memref<2x8x2048xf32, #tpu.memory_space<vmem>> -> memref<1x8x2048xf32, #tpu.memory_space<vmem>>
          %swap3A_1283 = tpu.memref_squeeze %swap3A_1282 : memref<1x8x2048xf32, #tpu.memory_space<vmem>> -> memref<8x2048xf32, #tpu.memory_space<vmem>>
          %swap3A_1284 = arith.index_cast %add3A_282 : i32 to index
          %swap3A_1285 = arith.constant 880 : index
          %swap3A_1286 = tpu.vector_load %swap3A_1283[%swap3A_1284, %swap3A_1285] {strides = array<i32>} : memref<8x2048xf32, #tpu.memory_space<vmem>>, vector<1x16xf32>,
          %swap3A_1287 = vector.shape_cast %swap3A_1286 : vector<1x16xf32> to vector<1x16xf32>
          %swap3A_1288 = vector.shape_cast %add3A_1279 : vector<1x16xf32> to vector<1x16xf32>
          tpu.vector_store %swap3A_1283[%swap3A_1284, %swap3A_1285], %swap3A_1288 {strides = array<i32>} : memref<8x2048xf32, #tpu.memory_space<vmem>>, vector<1x16xf32>,
          %get3A_1289 = arith.constant 0 : i32
          %get3A_1290 = arith.constant 0 : i32
          %get3A_1291 = tpu.memref_slice %run_scoped3A[%rem3A_199, %get3A_1289, %get3A_1290] : memref<2x8x2048xf32, #tpu.memory_space<vmem>> -> memref<1x8x2048xf32, #tpu.memory_space<vmem>>
          %get3A_1292 = tpu.memref_squeeze %get3A_1291 : memref<1x8x2048xf32, #tpu.memory_space<vmem>> -> memref<8x2048xf32, #tpu.memory_space<vmem>>
          %get3A_1293 = arith.index_cast %add3A_282 : i32 to index
          %get3A_1294 = arith.constant 896 : index
          %get3A_1295 = tpu.vector_load %get3A_1292[%get3A_1293, %get3A_1294] {strides = array<i32>} : memref<8x2048xf32, #tpu.memory_space<vmem>>, vector<1x16xf32>,
          %get3A_1296 = vector.shape_cast %get3A_1295 : vector<1x16xf32> to vector<1x16xf32>
          %add3A_1297 = arith.addf %get3A_1296, %get3A_1296 : vector<1x16xf32>
          %swap3A_1298 = arith.constant 0 : i32
          %swap3A_1299 = arith.constant 0 : i32
          %swap3A_1300 = tpu.memref_slice %run_scoped3A_8[%rem3A_201, %swap3A_1298, %swap3A_1299] : memref<2x8x2048xf32, #tpu.memory_space<vmem>> -> memref<1x8x2048xf32, #tpu.memory_space<vmem>>
          %swap3A_1301 = tpu.memref_squeeze %swap3A_1300 : memref<1x8x2048xf32, #tpu.memory_space<vmem>> -> memref<8x2048xf32, #tpu.memory_space<vmem>>
          %swap3A_1302 = arith.index_cast %add3A_282 : i32 to index
          %swap3A_1303 = arith.constant 896 : index
          %swap3A_1304 = tpu.vector_load %swap3A_1301[%swap3A_1302, %swap3A_1303] {strides = array<i32>} : memref<8x2048xf32, #tpu.memory_space<vmem>>, vector<1x16xf32>,
          %swap3A_1305 = vector.shape_cast %swap3A_1304 : vector<1x16xf32> to vector<1x16xf32>
          %swap3A_1306 = vector.shape_cast %add3A_1297 : vector<1x16xf32> to vector<1x16xf32>
          tpu.vector_store %swap3A_1301[%swap3A_1302, %swap3A_1303], %swap3A_1306 {strides = array<i32>} : memref<8x2048xf32, #tpu.memory_space<vmem>>, vector<1x16xf32>,
          %get3A_1307 = arith.constant 0 : i32
          %get3A_1308 = arith.constant 0 : i32
          %get3A_1309 = tpu.memref_slice %run_scoped3A[%rem3A_199, %get3A_1307, %get3A_1308] : memref<2x8x2048xf32, #tpu.memory_space<vmem>> -> memref<1x8x2048xf32, #tpu.memory_space<vmem>>
          %get3A_1310 = tpu.memref_squeeze %get3A_1309 : memref<1x8x2048xf32, #tpu.memory_space<vmem>> -> memref<8x2048xf32, #tpu.memory_space<vmem>>
          %get3A_1311 = arith.index_cast %add3A_282 : i32 to index
          %get3A_1312 = arith.constant 912 : index
          %get3A_1313 = tpu.vector_load %get3A_1310[%get3A_1311, %get3A_1312] {strides = array<i32>} : memref<8x2048xf32, #tpu.memory_space<vmem>>, vector<1x16xf32>,
          %get3A_1314 = vector.shape_cast %get3A_1313 : vector<1x16xf32> to vector<1x16xf32>
          %add3A_1315 = arith.addf %get3A_1314, %get3A_1314 : vector<1x16xf32>
          %swap3A_1316 = arith.constant 0 : i32
          %swap3A_1317 = arith.constant 0 : i32
          %swap3A_1318 = tpu.memref_slice %run_scoped3A_8[%rem3A_201, %swap3A_1316, %swap3A_1317] : memref<2x8x2048xf32, #tpu.memory_space<vmem>> -> memref<1x8x2048xf32, #tpu.memory_space<vmem>>
          %swap3A_1319 = tpu.memref_squeeze %swap3A_1318 : memref<1x8x2048xf32, #tpu.memory_space<vmem>> -> memref<8x2048xf32, #tpu.memory_space<vmem>>
          %swap3A_1320 = arith.index_cast %add3A_282 : i32 to index
          %swap3A_1321 = arith.constant 912 : index
          %swap3A_1322 = tpu.vector_load %swap3A_1319[%swap3A_1320, %swap3A_1321] {strides = array<i32>} : memref<8x2048xf32, #tpu.memory_space<vmem>>, vector<1x16xf32>,
          %swap3A_1323 = vector.shape_cast %swap3A_1322 : vector<1x16xf32> to vector<1x16xf32>
          %swap3A_1324 = vector.shape_cast %add3A_1315 : vector<1x16xf32> to vector<1x16xf32>
          tpu.vector_store %swap3A_1319[%swap3A_1320, %swap3A_1321], %swap3A_1324 {strides = array<i32>} : memref<8x2048xf32, #tpu.memory_space<vmem>>, vector<1x16xf32>,
          %get3A_1325 = arith.constant 0 : i32
          %get3A_1326 = arith.constant 0 : i32
          %get3A_1327 = tpu.memref_slice %run_scoped3A[%rem3A_199, %get3A_1325, %get3A_1326] : memref<2x8x2048xf32, #tpu.memory_space<vmem>> -> memref<1x8x2048xf32, #tpu.memory_space<vmem>>
          %get3A_1328 = tpu.memref_squeeze %get3A_1327 : memref<1x8x2048xf32, #tpu.memory_space<vmem>> -> memref<8x2048xf32, #tpu.memory_space<vmem>>
          %get3A_1329 = arith.index_cast %add3A_282 : i32 to index
          %get3A_1330 = arith.constant 928 : index
          %get3A_1331 = tpu.vector_load %get3A_1328[%get3A_1329, %get3A_1330] {strides = array<i32>} : memref<8x2048xf32, #tpu.memory_space<vmem>>, vector<1x16xf32>,
          %get3A_1332 = vector.shape_cast %get3A_1331 : vector<1x16xf32> to vector<1x16xf32>
          %add3A_1333 = arith.addf %get3A_1332, %get3A_1332 : vector<1x16xf32>
          %swap3A_1334 = arith.constant 0 : i32
          %swap3A_1335 = arith.constant 0 : i32
          %swap3A_1336 = tpu.memref_slice %run_scoped3A_8[%rem3A_201, %swap3A_1334, %swap3A_1335] : memref<2x8x2048xf32, #tpu.memory_space<vmem>> -> memref<1x8x2048xf32, #tpu.memory_space<vmem>>
          %swap3A_1337 = tpu.memref_squeeze %swap3A_1336 : memref<1x8x2048xf32, #tpu.memory_space<vmem>> -> memref<8x2048xf32, #tpu.memory_space<vmem>>
          %swap3A_1338 = arith.index_cast %add3A_282 : i32 to index
          %swap3A_1339 = arith.constant 928 : index
          %swap3A_1340 = tpu.vector_load %swap3A_1337[%swap3A_1338, %swap3A_1339] {strides = array<i32>} : memref<8x2048xf32, #tpu.memory_space<vmem>>, vector<1x16xf32>,
          %swap3A_1341 = vector.shape_cast %swap3A_1340 : vector<1x16xf32> to vector<1x16xf32>
          %swap3A_1342 = vector.shape_cast %add3A_1333 : vector<1x16xf32> to vector<1x16xf32>
          tpu.vector_store %swap3A_1337[%swap3A_1338, %swap3A_1339], %swap3A_1342 {strides = array<i32>} : memref<8x2048xf32, #tpu.memory_space<vmem>>, vector<1x16xf32>,
          %get3A_1343 = arith.constant 0 : i32
          %get3A_1344 = arith.constant 0 : i32
          %get3A_1345 = tpu.memref_slice %run_scoped3A[%rem3A_199, %get3A_1343, %get3A_1344] : memref<2x8x2048xf32, #tpu.memory_space<vmem>> -> memref<1x8x2048xf32, #tpu.memory_space<vmem>>
          %get3A_1346 = tpu.memref_squeeze %get3A_1345 : memref<1x8x2048xf32, #tpu.memory_space<vmem>> -> memref<8x2048xf32, #tpu.memory_space<vmem>>
          %get3A_1347 = arith.index_cast %add3A_282 : i32 to index
          %get3A_1348 = arith.constant 944 : index
          %get3A_1349 = tpu.vector_load %get3A_1346[%get3A_1347, %get3A_1348] {strides = array<i32>} : memref<8x2048xf32, #tpu.memory_space<vmem>>, vector<1x16xf32>,
          %get3A_1350 = vector.shape_cast %get3A_1349 : vector<1x16xf32> to vector<1x16xf32>
          %add3A_1351 = arith.addf %get3A_1350, %get3A_1350 : vector<1x16xf32>
          %swap3A_1352 = arith.constant 0 : i32
          %swap3A_1353 = arith.constant 0 : i32
          %swap3A_1354 = tpu.memref_slice %run_scoped3A_8[%rem3A_201, %swap3A_1352, %swap3A_1353] : memref<2x8x2048xf32, #tpu.memory_space<vmem>> -> memref<1x8x2048xf32, #tpu.memory_space<vmem>>
          %swap3A_1355 = tpu.memref_squeeze %swap3A_1354 : memref<1x8x2048xf32, #tpu.memory_space<vmem>> -> memref<8x2048xf32, #tpu.memory_space<vmem>>
          %swap3A_1356 = arith.index_cast %add3A_282 : i32 to index
          %swap3A_1357 = arith.constant 944 : index
          %swap3A_1358 = tpu.vector_load %swap3A_1355[%swap3A_1356, %swap3A_1357] {strides = array<i32>} : memref<8x2048xf32, #tpu.memory_space<vmem>>, vector<1x16xf32>,
          %swap3A_1359 = vector.shape_cast %swap3A_1358 : vector<1x16xf32> to vector<1x16xf32>
          %swap3A_1360 = vector.shape_cast %add3A_1351 : vector<1x16xf32> to vector<1x16xf32>
          tpu.vector_store %swap3A_1355[%swap3A_1356, %swap3A_1357], %swap3A_1360 {strides = array<i32>} : memref<8x2048xf32, #tpu.memory_space<vmem>>, vector<1x16xf32>,
          %get3A_1361 = arith.constant 0 : i32
          %get3A_1362 = arith.constant 0 : i32
          %get3A_1363 = tpu.memref_slice %run_scoped3A[%rem3A_199, %get3A_1361, %get3A_1362] : memref<2x8x2048xf32, #tpu.memory_space<vmem>> -> memref<1x8x2048xf32, #tpu.memory_space<vmem>>
          %get3A_1364 = tpu.memref_squeeze %get3A_1363 : memref<1x8x2048xf32, #tpu.memory_space<vmem>> -> memref<8x2048xf32, #tpu.memory_space<vmem>>
          %get3A_1365 = arith.index_cast %add3A_282 : i32 to index
          %get3A_1366 = arith.constant 960 : index
          %get3A_1367 = tpu.vector_load %get3A_1364[%get3A_1365, %get3A_1366] {strides = array<i32>} : memref<8x2048xf32, #tpu.memory_space<vmem>>, vector<1x16xf32>,
          %get3A_1368 = vector.shape_cast %get3A_1367 : vector<1x16xf32> to vector<1x16xf32>
          %add3A_1369 = arith.addf %get3A_1368, %get3A_1368 : vector<1x16xf32>
          %swap3A_1370 = arith.constant 0 : i32
          %swap3A_1371 = arith.constant 0 : i32
          %swap3A_1372 = tpu.memref_slice %run_scoped3A_8[%rem3A_201, %swap3A_1370, %swap3A_1371] : memref<2x8x2048xf32, #tpu.memory_space<vmem>> -> memref<1x8x2048xf32, #tpu.memory_space<vmem>>
          %swap3A_1373 = tpu.memref_squeeze %swap3A_1372 : memref<1x8x2048xf32, #tpu.memory_space<vmem>> -> memref<8x2048xf32, #tpu.memory_space<vmem>>
          %swap3A_1374 = arith.index_cast %add3A_282 : i32 to index
          %swap3A_1375 = arith.constant 960 : index
          %swap3A_1376 = tpu.vector_load %swap3A_1373[%swap3A_1374, %swap3A_1375] {strides = array<i32>} : memref<8x2048xf32, #tpu.memory_space<vmem>>, vector<1x16xf32>,
          %swap3A_1377 = vector.shape_cast %swap3A_1376 : vector<1x16xf32> to vector<1x16xf32>
          %swap3A_1378 = vector.shape_cast %add3A_1369 : vector<1x16xf32> to vector<1x16xf32>
          tpu.vector_store %swap3A_1373[%swap3A_1374, %swap3A_1375], %swap3A_1378 {strides = array<i32>} : memref<8x2048xf32, #tpu.memory_space<vmem>>, vector<1x16xf32>,
          %get3A_1379 = arith.constant 0 : i32
          %get3A_1380 = arith.constant 0 : i32
          %get3A_1381 = tpu.memref_slice %run_scoped3A[%rem3A_199, %get3A_1379, %get3A_1380] : memref<2x8x2048xf32, #tpu.memory_space<vmem>> -> memref<1x8x2048xf32, #tpu.memory_space<vmem>>
          %get3A_1382 = tpu.memref_squeeze %get3A_1381 : memref<1x8x2048xf32, #tpu.memory_space<vmem>> -> memref<8x2048xf32, #tpu.memory_space<vmem>>
          %get3A_1383 = arith.index_cast %add3A_282 : i32 to index
          %get3A_1384 = arith.constant 976 : index
          %get3A_1385 = tpu.vector_load %get3A_1382[%get3A_1383, %get3A_1384] {strides = array<i32>} : memref<8x2048xf32, #tpu.memory_space<vmem>>, vector<1x16xf32>,
          %get3A_1386 = vector.shape_cast %get3A_1385 : vector<1x16xf32> to vector<1x16xf32>
          %add3A_1387 = arith.addf %get3A_1386, %get3A_1386 : vector<1x16xf32>
          %swap3A_1388 = arith.constant 0 : i32
          %swap3A_1389 = arith.constant 0 : i32
          %swap3A_1390 = tpu.memref_slice %run_scoped3A_8[%rem3A_201, %swap3A_1388, %swap3A_1389] : memref<2x8x2048xf32, #tpu.memory_space<vmem>> -> memref<1x8x2048xf32, #tpu.memory_space<vmem>>
          %swap3A_1391 = tpu.memref_squeeze %swap3A_1390 : memref<1x8x2048xf32, #tpu.memory_space<vmem>> -> memref<8x2048xf32, #tpu.memory_space<vmem>>
          %swap3A_1392 = arith.index_cast %add3A_282 : i32 to index
          %swap3A_1393 = arith.constant 976 : index
          %swap3A_1394 = tpu.vector_load %swap3A_1391[%swap3A_1392, %swap3A_1393] {strides = array<i32>} : memref<8x2048xf32, #tpu.memory_space<vmem>>, vector<1x16xf32>,
          %swap3A_1395 = vector.shape_cast %swap3A_1394 : vector<1x16xf32> to vector<1x16xf32>
          %swap3A_1396 = vector.shape_cast %add3A_1387 : vector<1x16xf32> to vector<1x16xf32>
          tpu.vector_store %swap3A_1391[%swap3A_1392, %swap3A_1393], %swap3A_1396 {strides = array<i32>} : memref<8x2048xf32, #tpu.memory_space<vmem>>, vector<1x16xf32>,
          %get3A_1397 = arith.constant 0 : i32
          %get3A_1398 = arith.constant 0 : i32
          %get3A_1399 = tpu.memref_slice %run_scoped3A[%rem3A_199, %get3A_1397, %get3A_1398] : memref<2x8x2048xf32, #tpu.memory_space<vmem>> -> memref<1x8x2048xf32, #tpu.memory_space<vmem>>
          %get3A_1400 = tpu.memref_squeeze %get3A_1399 : memref<1x8x2048xf32, #tpu.memory_space<vmem>> -> memref<8x2048xf32, #tpu.memory_space<vmem>>
          %get3A_1401 = arith.index_cast %add3A_282 : i32 to index
          %get3A_1402 = arith.constant 992 : index
          %get3A_1403 = tpu.vector_load %get3A_1400[%get3A_1401, %get3A_1402] {strides = array<i32>} : memref<8x2048xf32, #tpu.memory_space<vmem>>, vector<1x16xf32>,
          %get3A_1404 = vector.shape_cast %get3A_1403 : vector<1x16xf32> to vector<1x16xf32>
          %add3A_1405 = arith.addf %get3A_1404, %get3A_1404 : vector<1x16xf32>
          %swap3A_1406 = arith.constant 0 : i32
          %swap3A_1407 = arith.constant 0 : i32
          %swap3A_1408 = tpu.memref_slice %run_scoped3A_8[%rem3A_201, %swap3A_1406, %swap3A_1407] : memref<2x8x2048xf32, #tpu.memory_space<vmem>> -> memref<1x8x2048xf32, #tpu.memory_space<vmem>>
          %swap3A_1409 = tpu.memref_squeeze %swap3A_1408 : memref<1x8x2048xf32, #tpu.memory_space<vmem>> -> memref<8x2048xf32, #tpu.memory_space<vmem>>
          %swap3A_1410 = arith.index_cast %add3A_282 : i32 to index
          %swap3A_1411 = arith.constant 992 : index
          %swap3A_1412 = tpu.vector_load %swap3A_1409[%swap3A_1410, %swap3A_1411] {strides = array<i32>} : memref<8x2048xf32, #tpu.memory_space<vmem>>, vector<1x16xf32>,
          %swap3A_1413 = vector.shape_cast %swap3A_1412 : vector<1x16xf32> to vector<1x16xf32>
          %swap3A_1414 = vector.shape_cast %add3A_1405 : vector<1x16xf32> to vector<1x16xf32>
          tpu.vector_store %swap3A_1409[%swap3A_1410, %swap3A_1411], %swap3A_1414 {strides = array<i32>} : memref<8x2048xf32, #tpu.memory_space<vmem>>, vector<1x16xf32>,
          %get3A_1415 = arith.constant 0 : i32
          %get3A_1416 = arith.constant 0 : i32
          %get3A_1417 = tpu.memref_slice %run_scoped3A[%rem3A_199, %get3A_1415, %get3A_1416] : memref<2x8x2048xf32, #tpu.memory_space<vmem>> -> memref<1x8x2048xf32, #tpu.memory_space<vmem>>
          %get3A_1418 = tpu.memref_squeeze %get3A_1417 : memref<1x8x2048xf32, #tpu.memory_space<vmem>> -> memref<8x2048xf32, #tpu.memory_space<vmem>>
          %get3A_1419 = arith.index_cast %add3A_282 : i32 to index
          %get3A_1420 = arith.constant 1008 : index
          %get3A_1421 = tpu.vector_load %get3A_1418[%get3A_1419, %get3A_1420] {strides = array<i32>} : memref<8x2048xf32, #tpu.memory_space<vmem>>, vector<1x16xf32>,
          %get3A_1422 = vector.shape_cast %get3A_1421 : vector<1x16xf32> to vector<1x16xf32>
          %add3A_1423 = arith.addf %get3A_1422, %get3A_1422 : vector<1x16xf32>
          %swap3A_1424 = arith.constant 0 : i32
          %swap3A_1425 = arith.constant 0 : i32
          %swap3A_1426 = tpu.memref_slice %run_scoped3A_8[%rem3A_201, %swap3A_1424, %swap3A_1425] : memref<2x8x2048xf32, #tpu.memory_space<vmem>> -> memref<1x8x2048xf32, #tpu.memory_space<vmem>>
          %swap3A_1427 = tpu.memref_squeeze %swap3A_1426 : memref<1x8x2048xf32, #tpu.memory_space<vmem>> -> memref<8x2048xf32, #tpu.memory_space<vmem>>
          %swap3A_1428 = arith.index_cast %add3A_282 : i32 to index
          %swap3A_1429 = arith.constant 1008 : index
          %swap3A_1430 = tpu.vector_load %swap3A_1427[%swap3A_1428, %swap3A_1429] {strides = array<i32>} : memref<8x2048xf32, #tpu.memory_space<vmem>>, vector<1x16xf32>,
          %swap3A_1431 = vector.shape_cast %swap3A_1430 : vector<1x16xf32> to vector<1x16xf32>
          %swap3A_1432 = vector.shape_cast %add3A_1423 : vector<1x16xf32> to vector<1x16xf32>
          tpu.vector_store %swap3A_1427[%swap3A_1428, %swap3A_1429], %swap3A_1432 {strides = array<i32>} : memref<8x2048xf32, #tpu.memory_space<vmem>>, vector<1x16xf32>,
          %get3A_1433 = arith.constant 0 : i32
          %get3A_1434 = arith.constant 0 : i32
          %get3A_1435 = tpu.memref_slice %run_scoped3A[%rem3A_199, %get3A_1433, %get3A_1434] : memref<2x8x2048xf32, #tpu.memory_space<vmem>> -> memref<1x8x2048xf32, #tpu.memory_space<vmem>>
          %get3A_1436 = tpu.memref_squeeze %get3A_1435 : memref<1x8x2048xf32, #tpu.memory_space<vmem>> -> memref<8x2048xf32, #tpu.memory_space<vmem>>
          %get3A_1437 = arith.index_cast %add3A_282 : i32 to index
          %get3A_1438 = arith.constant 1024 : index
          %get3A_1439 = tpu.vector_load %get3A_1436[%get3A_1437, %get3A_1438] {strides = array<i32>} : memref<8x2048xf32, #tpu.memory_space<vmem>>, vector<1x16xf32>,
          %get3A_1440 = vector.shape_cast %get3A_1439 : vector<1x16xf32> to vector<1x16xf32>
          %add3A_1441 = arith.addf %get3A_1440, %get3A_1440 : vector<1x16xf32>
          %swap3A_1442 = arith.constant 0 : i32
          %swap3A_1443 = arith.constant 0 : i32
          %swap3A_1444 = tpu.memref_slice %run_scoped3A_8[%rem3A_201, %swap3A_1442, %swap3A_1443] : memref<2x8x2048xf32, #tpu.memory_space<vmem>> -> memref<1x8x2048xf32, #tpu.memory_space<vmem>>
          %swap3A_1445 = tpu.memref_squeeze %swap3A_1444 : memref<1x8x2048xf32, #tpu.memory_space<vmem>> -> memref<8x2048xf32, #tpu.memory_space<vmem>>
          %swap3A_1446 = arith.index_cast %add3A_282 : i32 to index
          %swap3A_1447 = arith.constant 1024 : index
          %swap3A_1448 = tpu.vector_load %swap3A_1445[%swap3A_1446, %swap3A_1447] {strides = array<i32>} : memref<8x2048xf32, #tpu.memory_space<vmem>>, vector<1x16xf32>,
          %swap3A_1449 = vector.shape_cast %swap3A_1448 : vector<1x16xf32> to vector<1x16xf32>
          %swap3A_1450 = vector.shape_cast %add3A_1441 : vector<1x16xf32> to vector<1x16xf32>
          tpu.vector_store %swap3A_1445[%swap3A_1446, %swap3A_1447], %swap3A_1450 {strides = array<i32>} : memref<8x2048xf32, #tpu.memory_space<vmem>>, vector<1x16xf32>,
          %get3A_1451 = arith.constant 0 : i32
          %get3A_1452 = arith.constant 0 : i32
          %get3A_1453 = tpu.memref_slice %run_scoped3A[%rem3A_199, %get3A_1451, %get3A_1452] : memref<2x8x2048xf32, #tpu.memory_space<vmem>> -> memref<1x8x2048xf32, #tpu.memory_space<vmem>>
          %get3A_1454 = tpu.memref_squeeze %get3A_1453 : memref<1x8x2048xf32, #tpu.memory_space<vmem>> -> memref<8x2048xf32, #tpu.memory_space<vmem>>
          %get3A_1455 = arith.index_cast %add3A_282 : i32 to index
          %get3A_1456 = arith.constant 1040 : index
          %get3A_1457 = tpu.vector_load %get3A_1454[%get3A_1455, %get3A_1456] {strides = array<i32>} : memref<8x2048xf32, #tpu.memory_space<vmem>>, vector<1x16xf32>,
          %get3A_1458 = vector.shape_cast %get3A_1457 : vector<1x16xf32> to vector<1x16xf32>
          %add3A_1459 = arith.addf %get3A_1458, %get3A_1458 : vector<1x16xf32>
          %swap3A_1460 = arith.constant 0 : i32
          %swap3A_1461 = arith.constant 0 : i32
          %swap3A_1462 = tpu.memref_slice %run_scoped3A_8[%rem3A_201, %swap3A_1460, %swap3A_1461] : memref<2x8x2048xf32, #tpu.memory_space<vmem>> -> memref<1x8x2048xf32, #tpu.memory_space<vmem>>
          %swap3A_1463 = tpu.memref_squeeze %swap3A_1462 : memref<1x8x2048xf32, #tpu.memory_space<vmem>> -> memref<8x2048xf32, #tpu.memory_space<vmem>>
          %swap3A_1464 = arith.index_cast %add3A_282 : i32 to index
          %swap3A_1465 = arith.constant 1040 : index
          %swap3A_1466 = tpu.vector_load %swap3A_1463[%swap3A_1464, %swap3A_1465] {strides = array<i32>} : memref<8x2048xf32, #tpu.memory_space<vmem>>, vector<1x16xf32>,
          %swap3A_1467 = vector.shape_cast %swap3A_1466 : vector<1x16xf32> to vector<1x16xf32>
          %swap3A_1468 = vector.shape_cast %add3A_1459 : vector<1x16xf32> to vector<1x16xf32>
          tpu.vector_store %swap3A_1463[%swap3A_1464, %swap3A_1465], %swap3A_1468 {strides = array<i32>} : memref<8x2048xf32, #tpu.memory_space<vmem>>, vector<1x16xf32>,
          %get3A_1469 = arith.constant 0 : i32
          %get3A_1470 = arith.constant 0 : i32
          %get3A_1471 = tpu.memref_slice %run_scoped3A[%rem3A_199, %get3A_1469, %get3A_1470] : memref<2x8x2048xf32, #tpu.memory_space<vmem>> -> memref<1x8x2048xf32, #tpu.memory_space<vmem>>
          %get3A_1472 = tpu.memref_squeeze %get3A_1471 : memref<1x8x2048xf32, #tpu.memory_space<vmem>> -> memref<8x2048xf32, #tpu.memory_space<vmem>>
          %get3A_1473 = arith.index_cast %add3A_282 : i32 to index
          %get3A_1474 = arith.constant 1056 : index
          %get3A_1475 = tpu.vector_load %get3A_1472[%get3A_1473, %get3A_1474] {strides = array<i32>} : memref<8x2048xf32, #tpu.memory_space<vmem>>, vector<1x16xf32>,
          %get3A_1476 = vector.shape_cast %get3A_1475 : vector<1x16xf32> to vector<1x16xf32>
          %add3A_1477 = arith.addf %get3A_1476, %get3A_1476 : vector<1x16xf32>
          %swap3A_1478 = arith.constant 0 : i32
          %swap3A_1479 = arith.constant 0 : i32
          %swap3A_1480 = tpu.memref_slice %run_scoped3A_8[%rem3A_201, %swap3A_1478, %swap3A_1479] : memref<2x8x2048xf32, #tpu.memory_space<vmem>> -> memref<1x8x2048xf32, #tpu.memory_space<vmem>>
          %swap3A_1481 = tpu.memref_squeeze %swap3A_1480 : memref<1x8x2048xf32, #tpu.memory_space<vmem>> -> memref<8x2048xf32, #tpu.memory_space<vmem>>
          %swap3A_1482 = arith.index_cast %add3A_282 : i32 to index
          %swap3A_1483 = arith.constant 1056 : index
          %swap3A_1484 = tpu.vector_load %swap3A_1481[%swap3A_1482, %swap3A_1483] {strides = array<i32>} : memref<8x2048xf32, #tpu.memory_space<vmem>>, vector<1x16xf32>,
          %swap3A_1485 = vector.shape_cast %swap3A_1484 : vector<1x16xf32> to vector<1x16xf32>
          %swap3A_1486 = vector.shape_cast %add3A_1477 : vector<1x16xf32> to vector<1x16xf32>
          tpu.vector_store %swap3A_1481[%swap3A_1482, %swap3A_1483], %swap3A_1486 {strides = array<i32>} : memref<8x2048xf32, #tpu.memory_space<vmem>>, vector<1x16xf32>,
          %get3A_1487 = arith.constant 0 : i32
          %get3A_1488 = arith.constant 0 : i32
          %get3A_1489 = tpu.memref_slice %run_scoped3A[%rem3A_199, %get3A_1487, %get3A_1488] : memref<2x8x2048xf32, #tpu.memory_space<vmem>> -> memref<1x8x2048xf32, #tpu.memory_space<vmem>>
          %get3A_1490 = tpu.memref_squeeze %get3A_1489 : memref<1x8x2048xf32, #tpu.memory_space<vmem>> -> memref<8x2048xf32, #tpu.memory_space<vmem>>
          %get3A_1491 = arith.index_cast %add3A_282 : i32 to index
          %get3A_1492 = arith.constant 1072 : index
          %get3A_1493 = tpu.vector_load %get3A_1490[%get3A_1491, %get3A_1492] {strides = array<i32>} : memref<8x2048xf32, #tpu.memory_space<vmem>>, vector<1x16xf32>,
          %get3A_1494 = vector.shape_cast %get3A_1493 : vector<1x16xf32> to vector<1x16xf32>
          %add3A_1495 = arith.addf %get3A_1494, %get3A_1494 : vector<1x16xf32>
          %swap3A_1496 = arith.constant 0 : i32
          %swap3A_1497 = arith.constant 0 : i32
          %swap3A_1498 = tpu.memref_slice %run_scoped3A_8[%rem3A_201, %swap3A_1496, %swap3A_1497] : memref<2x8x2048xf32, #tpu.memory_space<vmem>> -> memref<1x8x2048xf32, #tpu.memory_space<vmem>>
          %swap3A_1499 = tpu.memref_squeeze %swap3A_1498 : memref<1x8x2048xf32, #tpu.memory_space<vmem>> -> memref<8x2048xf32, #tpu.memory_space<vmem>>
          %swap3A_1500 = arith.index_cast %add3A_282 : i32 to index
          %swap3A_1501 = arith.constant 1072 : index
          %swap3A_1502 = tpu.vector_load %swap3A_1499[%swap3A_1500, %swap3A_1501] {strides = array<i32>} : memref<8x2048xf32, #tpu.memory_space<vmem>>, vector<1x16xf32>,
          %swap3A_1503 = vector.shape_cast %swap3A_1502 : vector<1x16xf32> to vector<1x16xf32>
          %swap3A_1504 = vector.shape_cast %add3A_1495 : vector<1x16xf32> to vector<1x16xf32>
          tpu.vector_store %swap3A_1499[%swap3A_1500, %swap3A_1501], %swap3A_1504 {strides = array<i32>} : memref<8x2048xf32, #tpu.memory_space<vmem>>, vector<1x16xf32>,
          %get3A_1505 = arith.constant 0 : i32
          %get3A_1506 = arith.constant 0 : i32
          %get3A_1507 = tpu.memref_slice %run_scoped3A[%rem3A_199, %get3A_1505, %get3A_1506] : memref<2x8x2048xf32, #tpu.memory_space<vmem>> -> memref<1x8x2048xf32, #tpu.memory_space<vmem>>
          %get3A_1508 = tpu.memref_squeeze %get3A_1507 : memref<1x8x2048xf32, #tpu.memory_space<vmem>> -> memref<8x2048xf32, #tpu.memory_space<vmem>>
          %get3A_1509 = arith.index_cast %add3A_282 : i32 to index
          %get3A_1510 = arith.constant 1088 : index
          %get3A_1511 = tpu.vector_load %get3A_1508[%get3A_1509, %get3A_1510] {strides = array<i32>} : memref<8x2048xf32, #tpu.memory_space<vmem>>, vector<1x16xf32>,
          %get3A_1512 = vector.shape_cast %get3A_1511 : vector<1x16xf32> to vector<1x16xf32>
          %add3A_1513 = arith.addf %get3A_1512, %get3A_1512 : vector<1x16xf32>
          %swap3A_1514 = arith.constant 0 : i32
          %swap3A_1515 = arith.constant 0 : i32
          %swap3A_1516 = tpu.memref_slice %run_scoped3A_8[%rem3A_201, %swap3A_1514, %swap3A_1515] : memref<2x8x2048xf32, #tpu.memory_space<vmem>> -> memref<1x8x2048xf32, #tpu.memory_space<vmem>>
          %swap3A_1517 = tpu.memref_squeeze %swap3A_1516 : memref<1x8x2048xf32, #tpu.memory_space<vmem>> -> memref<8x2048xf32, #tpu.memory_space<vmem>>
          %swap3A_1518 = arith.index_cast %add3A_282 : i32 to index
          %swap3A_1519 = arith.constant 1088 : index
          %swap3A_1520 = tpu.vector_load %swap3A_1517[%swap3A_1518, %swap3A_1519] {strides = array<i32>} : memref<8x2048xf32, #tpu.memory_space<vmem>>, vector<1x16xf32>,
          %swap3A_1521 = vector.shape_cast %swap3A_1520 : vector<1x16xf32> to vector<1x16xf32>
          %swap3A_1522 = vector.shape_cast %add3A_1513 : vector<1x16xf32> to vector<1x16xf32>
          tpu.vector_store %swap3A_1517[%swap3A_1518, %swap3A_1519], %swap3A_1522 {strides = array<i32>} : memref<8x2048xf32, #tpu.memory_space<vmem>>, vector<1x16xf32>,
          %get3A_1523 = arith.constant 0 : i32
          %get3A_1524 = arith.constant 0 : i32
          %get3A_1525 = tpu.memref_slice %run_scoped3A[%rem3A_199, %get3A_1523, %get3A_1524] : memref<2x8x2048xf32, #tpu.memory_space<vmem>> -> memref<1x8x2048xf32, #tpu.memory_space<vmem>>
          %get3A_1526 = tpu.memref_squeeze %get3A_1525 : memref<1x8x2048xf32, #tpu.memory_space<vmem>> -> memref<8x2048xf32, #tpu.memory_space<vmem>>
          %get3A_1527 = arith.index_cast %add3A_282 : i32 to index
          %get3A_1528 = arith.constant 1104 : index
          %get3A_1529 = tpu.vector_load %get3A_1526[%get3A_1527, %get3A_1528] {strides = array<i32>} : memref<8x2048xf32, #tpu.memory_space<vmem>>, vector<1x16xf32>,
          %get3A_1530 = vector.shape_cast %get3A_1529 : vector<1x16xf32> to vector<1x16xf32>
          %add3A_1531 = arith.addf %get3A_1530, %get3A_1530 : vector<1x16xf32>
          %swap3A_1532 = arith.constant 0 : i32
          %swap3A_1533 = arith.constant 0 : i32
          %swap3A_1534 = tpu.memref_slice %run_scoped3A_8[%rem3A_201, %swap3A_1532, %swap3A_1533] : memref<2x8x2048xf32, #tpu.memory_space<vmem>> -> memref<1x8x2048xf32, #tpu.memory_space<vmem>>
          %swap3A_1535 = tpu.memref_squeeze %swap3A_1534 : memref<1x8x2048xf32, #tpu.memory_space<vmem>> -> memref<8x2048xf32, #tpu.memory_space<vmem>>
          %swap3A_1536 = arith.index_cast %add3A_282 : i32 to index
          %swap3A_1537 = arith.constant 1104 : index
          %swap3A_1538 = tpu.vector_load %swap3A_1535[%swap3A_1536, %swap3A_1537] {strides = array<i32>} : memref<8x2048xf32, #tpu.memory_space<vmem>>, vector<1x16xf32>,
          %swap3A_1539 = vector.shape_cast %swap3A_1538 : vector<1x16xf32> to vector<1x16xf32>
          %swap3A_1540 = vector.shape_cast %add3A_1531 : vector<1x16xf32> to vector<1x16xf32>
          tpu.vector_store %swap3A_1535[%swap3A_1536, %swap3A_1537], %swap3A_1540 {strides = array<i32>} : memref<8x2048xf32, #tpu.memory_space<vmem>>, vector<1x16xf32>,
          %get3A_1541 = arith.constant 0 : i32
          %get3A_1542 = arith.constant 0 : i32
          %get3A_1543 = tpu.memref_slice %run_scoped3A[%rem3A_199, %get3A_1541, %get3A_1542] : memref<2x8x2048xf32, #tpu.memory_space<vmem>> -> memref<1x8x2048xf32, #tpu.memory_space<vmem>>
          %get3A_1544 = tpu.memref_squeeze %get3A_1543 : memref<1x8x2048xf32, #tpu.memory_space<vmem>> -> memref<8x2048xf32, #tpu.memory_space<vmem>>
          %get3A_1545 = arith.index_cast %add3A_282 : i32 to index
          %get3A_1546 = arith.constant 1120 : index
          %get3A_1547 = tpu.vector_load %get3A_1544[%get3A_1545, %get3A_1546] {strides = array<i32>} : memref<8x2048xf32, #tpu.memory_space<vmem>>, vector<1x16xf32>,
          %get3A_1548 = vector.shape_cast %get3A_1547 : vector<1x16xf32> to vector<1x16xf32>
          %add3A_1549 = arith.addf %get3A_1548, %get3A_1548 : vector<1x16xf32>
          %swap3A_1550 = arith.constant 0 : i32
          %swap3A_1551 = arith.constant 0 : i32
          %swap3A_1552 = tpu.memref_slice %run_scoped3A_8[%rem3A_201, %swap3A_1550, %swap3A_1551] : memref<2x8x2048xf32, #tpu.memory_space<vmem>> -> memref<1x8x2048xf32, #tpu.memory_space<vmem>>
          %swap3A_1553 = tpu.memref_squeeze %swap3A_1552 : memref<1x8x2048xf32, #tpu.memory_space<vmem>> -> memref<8x2048xf32, #tpu.memory_space<vmem>>
          %swap3A_1554 = arith.index_cast %add3A_282 : i32 to index
          %swap3A_1555 = arith.constant 1120 : index
          %swap3A_1556 = tpu.vector_load %swap3A_1553[%swap3A_1554, %swap3A_1555] {strides = array<i32>} : memref<8x2048xf32, #tpu.memory_space<vmem>>, vector<1x16xf32>,
          %swap3A_1557 = vector.shape_cast %swap3A_1556 : vector<1x16xf32> to vector<1x16xf32>
          %swap3A_1558 = vector.shape_cast %add3A_1549 : vector<1x16xf32> to vector<1x16xf32>
          tpu.vector_store %swap3A_1553[%swap3A_1554, %swap3A_1555], %swap3A_1558 {strides = array<i32>} : memref<8x2048xf32, #tpu.memory_space<vmem>>, vector<1x16xf32>,
          %get3A_1559 = arith.constant 0 : i32
          %get3A_1560 = arith.constant 0 : i32
          %get3A_1561 = tpu.memref_slice %run_scoped3A[%rem3A_199, %get3A_1559, %get3A_1560] : memref<2x8x2048xf32, #tpu.memory_space<vmem>> -> memref<1x8x2048xf32, #tpu.memory_space<vmem>>
          %get3A_1562 = tpu.memref_squeeze %get3A_1561 : memref<1x8x2048xf32, #tpu.memory_space<vmem>> -> memref<8x2048xf32, #tpu.memory_space<vmem>>
          %get3A_1563 = arith.index_cast %add3A_282 : i32 to index
          %get3A_1564 = arith.constant 1136 : index
          %get3A_1565 = tpu.vector_load %get3A_1562[%get3A_1563, %get3A_1564] {strides = array<i32>} : memref<8x2048xf32, #tpu.memory_space<vmem>>, vector<1x16xf32>,
          %get3A_1566 = vector.shape_cast %get3A_1565 : vector<1x16xf32> to vector<1x16xf32>
          %add3A_1567 = arith.addf %get3A_1566, %get3A_1566 : vector<1x16xf32>
          %swap3A_1568 = arith.constant 0 : i32
          %swap3A_1569 = arith.constant 0 : i32
          %swap3A_1570 = tpu.memref_slice %run_scoped3A_8[%rem3A_201, %swap3A_1568, %swap3A_1569] : memref<2x8x2048xf32, #tpu.memory_space<vmem>> -> memref<1x8x2048xf32, #tpu.memory_space<vmem>>
          %swap3A_1571 = tpu.memref_squeeze %swap3A_1570 : memref<1x8x2048xf32, #tpu.memory_space<vmem>> -> memref<8x2048xf32, #tpu.memory_space<vmem>>
          %swap3A_1572 = arith.index_cast %add3A_282 : i32 to index
          %swap3A_1573 = arith.constant 1136 : index
          %swap3A_1574 = tpu.vector_load %swap3A_1571[%swap3A_1572, %swap3A_1573] {strides = array<i32>} : memref<8x2048xf32, #tpu.memory_space<vmem>>, vector<1x16xf32>,
          %swap3A_1575 = vector.shape_cast %swap3A_1574 : vector<1x16xf32> to vector<1x16xf32>
          %swap3A_1576 = vector.shape_cast %add3A_1567 : vector<1x16xf32> to vector<1x16xf32>
          tpu.vector_store %swap3A_1571[%swap3A_1572, %swap3A_1573], %swap3A_1576 {strides = array<i32>} : memref<8x2048xf32, #tpu.memory_space<vmem>>, vector<1x16xf32>,
          %get3A_1577 = arith.constant 0 : i32
          %get3A_1578 = arith.constant 0 : i32
          %get3A_1579 = tpu.memref_slice %run_scoped3A[%rem3A_199, %get3A_1577, %get3A_1578] : memref<2x8x2048xf32, #tpu.memory_space<vmem>> -> memref<1x8x2048xf32, #tpu.memory_space<vmem>>
          %get3A_1580 = tpu.memref_squeeze %get3A_1579 : memref<1x8x2048xf32, #tpu.memory_space<vmem>> -> memref<8x2048xf32, #tpu.memory_space<vmem>>
          %get3A_1581 = arith.index_cast %add3A_282 : i32 to index
          %get3A_1582 = arith.constant 1152 : index
          %get3A_1583 = tpu.vector_load %get3A_1580[%get3A_1581, %get3A_1582] {strides = array<i32>} : memref<8x2048xf32, #tpu.memory_space<vmem>>, vector<1x16xf32>,
          %get3A_1584 = vector.shape_cast %get3A_1583 : vector<1x16xf32> to vector<1x16xf32>
          %add3A_1585 = arith.addf %get3A_1584, %get3A_1584 : vector<1x16xf32>
          %swap3A_1586 = arith.constant 0 : i32
          %swap3A_1587 = arith.constant 0 : i32
          %swap3A_1588 = tpu.memref_slice %run_scoped3A_8[%rem3A_201, %swap3A_1586, %swap3A_1587] : memref<2x8x2048xf32, #tpu.memory_space<vmem>> -> memref<1x8x2048xf32, #tpu.memory_space<vmem>>
          %swap3A_1589 = tpu.memref_squeeze %swap3A_1588 : memref<1x8x2048xf32, #tpu.memory_space<vmem>> -> memref<8x2048xf32, #tpu.memory_space<vmem>>
          %swap3A_1590 = arith.index_cast %add3A_282 : i32 to index
          %swap3A_1591 = arith.constant 1152 : index
          %swap3A_1592 = tpu.vector_load %swap3A_1589[%swap3A_1590, %swap3A_1591] {strides = array<i32>} : memref<8x2048xf32, #tpu.memory_space<vmem>>, vector<1x16xf32>,
          %swap3A_1593 = vector.shape_cast %swap3A_1592 : vector<1x16xf32> to vector<1x16xf32>
          %swap3A_1594 = vector.shape_cast %add3A_1585 : vector<1x16xf32> to vector<1x16xf32>
          tpu.vector_store %swap3A_1589[%swap3A_1590, %swap3A_1591], %swap3A_1594 {strides = array<i32>} : memref<8x2048xf32, #tpu.memory_space<vmem>>, vector<1x16xf32>,
          %get3A_1595 = arith.constant 0 : i32
          %get3A_1596 = arith.constant 0 : i32
          %get3A_1597 = tpu.memref_slice %run_scoped3A[%rem3A_199, %get3A_1595, %get3A_1596] : memref<2x8x2048xf32, #tpu.memory_space<vmem>> -> memref<1x8x2048xf32, #tpu.memory_space<vmem>>
          %get3A_1598 = tpu.memref_squeeze %get3A_1597 : memref<1x8x2048xf32, #tpu.memory_space<vmem>> -> memref<8x2048xf32, #tpu.memory_space<vmem>>
          %get3A_1599 = arith.index_cast %add3A_282 : i32 to index
          %get3A_1600 = arith.constant 1168 : index
          %get3A_1601 = tpu.vector_load %get3A_1598[%get3A_1599, %get3A_1600] {strides = array<i32>} : memref<8x2048xf32, #tpu.memory_space<vmem>>, vector<1x16xf32>,
          %get3A_1602 = vector.shape_cast %get3A_1601 : vector<1x16xf32> to vector<1x16xf32>
          %add3A_1603 = arith.addf %get3A_1602, %get3A_1602 : vector<1x16xf32>
          %swap3A_1604 = arith.constant 0 : i32
          %swap3A_1605 = arith.constant 0 : i32
          %swap3A_1606 = tpu.memref_slice %run_scoped3A_8[%rem3A_201, %swap3A_1604, %swap3A_1605] : memref<2x8x2048xf32, #tpu.memory_space<vmem>> -> memref<1x8x2048xf32, #tpu.memory_space<vmem>>
          %swap3A_1607 = tpu.memref_squeeze %swap3A_1606 : memref<1x8x2048xf32, #tpu.memory_space<vmem>> -> memref<8x2048xf32, #tpu.memory_space<vmem>>
          %swap3A_1608 = arith.index_cast %add3A_282 : i32 to index
          %swap3A_1609 = arith.constant 1168 : index
          %swap3A_1610 = tpu.vector_load %swap3A_1607[%swap3A_1608, %swap3A_1609] {strides = array<i32>} : memref<8x2048xf32, #tpu.memory_space<vmem>>, vector<1x16xf32>,
          %swap3A_1611 = vector.shape_cast %swap3A_1610 : vector<1x16xf32> to vector<1x16xf32>
          %swap3A_1612 = vector.shape_cast %add3A_1603 : vector<1x16xf32> to vector<1x16xf32>
          tpu.vector_store %swap3A_1607[%swap3A_1608, %swap3A_1609], %swap3A_1612 {strides = array<i32>} : memref<8x2048xf32, #tpu.memory_space<vmem>>, vector<1x16xf32>,
          %get3A_1613 = arith.constant 0 : i32
          %get3A_1614 = arith.constant 0 : i32
          %get3A_1615 = tpu.memref_slice %run_scoped3A[%rem3A_199, %get3A_1613, %get3A_1614] : memref<2x8x2048xf32, #tpu.memory_space<vmem>> -> memref<1x8x2048xf32, #tpu.memory_space<vmem>>
          %get3A_1616 = tpu.memref_squeeze %get3A_1615 : memref<1x8x2048xf32, #tpu.memory_space<vmem>> -> memref<8x2048xf32, #tpu.memory_space<vmem>>
          %get3A_1617 = arith.index_cast %add3A_282 : i32 to index
          %get3A_1618 = arith.constant 1184 : index
          %get3A_1619 = tpu.vector_load %get3A_1616[%get3A_1617, %get3A_1618] {strides = array<i32>} : memref<8x2048xf32, #tpu.memory_space<vmem>>, vector<1x16xf32>,
          %get3A_1620 = vector.shape_cast %get3A_1619 : vector<1x16xf32> to vector<1x16xf32>
          %add3A_1621 = arith.addf %get3A_1620, %get3A_1620 : vector<1x16xf32>
          %swap3A_1622 = arith.constant 0 : i32
          %swap3A_1623 = arith.constant 0 : i32
          %swap3A_1624 = tpu.memref_slice %run_scoped3A_8[%rem3A_201, %swap3A_1622, %swap3A_1623] : memref<2x8x2048xf32, #tpu.memory_space<vmem>> -> memref<1x8x2048xf32, #tpu.memory_space<vmem>>
          %swap3A_1625 = tpu.memref_squeeze %swap3A_1624 : memref<1x8x2048xf32, #tpu.memory_space<vmem>> -> memref<8x2048xf32, #tpu.memory_space<vmem>>
          %swap3A_1626 = arith.index_cast %add3A_282 : i32 to index
          %swap3A_1627 = arith.constant 1184 : index
          %swap3A_1628 = tpu.vector_load %swap3A_1625[%swap3A_1626, %swap3A_1627] {strides = array<i32>} : memref<8x2048xf32, #tpu.memory_space<vmem>>, vector<1x16xf32>,
          %swap3A_1629 = vector.shape_cast %swap3A_1628 : vector<1x16xf32> to vector<1x16xf32>
          %swap3A_1630 = vector.shape_cast %add3A_1621 : vector<1x16xf32> to vector<1x16xf32>
          tpu.vector_store %swap3A_1625[%swap3A_1626, %swap3A_1627], %swap3A_1630 {strides = array<i32>} : memref<8x2048xf32, #tpu.memory_space<vmem>>, vector<1x16xf32>,
          %get3A_1631 = arith.constant 0 : i32
          %get3A_1632 = arith.constant 0 : i32
          %get3A_1633 = tpu.memref_slice %run_scoped3A[%rem3A_199, %get3A_1631, %get3A_1632] : memref<2x8x2048xf32, #tpu.memory_space<vmem>> -> memref<1x8x2048xf32, #tpu.memory_space<vmem>>
          %get3A_1634 = tpu.memref_squeeze %get3A_1633 : memref<1x8x2048xf32, #tpu.memory_space<vmem>> -> memref<8x2048xf32, #tpu.memory_space<vmem>>
          %get3A_1635 = arith.index_cast %add3A_282 : i32 to index
          %get3A_1636 = arith.constant 1200 : index
          %get3A_1637 = tpu.vector_load %get3A_1634[%get3A_1635, %get3A_1636] {strides = array<i32>} : memref<8x2048xf32, #tpu.memory_space<vmem>>, vector<1x16xf32>,
          %get3A_1638 = vector.shape_cast %get3A_1637 : vector<1x16xf32> to vector<1x16xf32>
          %add3A_1639 = arith.addf %get3A_1638, %get3A_1638 : vector<1x16xf32>
          %swap3A_1640 = arith.constant 0 : i32
          %swap3A_1641 = arith.constant 0 : i32
          %swap3A_1642 = tpu.memref_slice %run_scoped3A_8[%rem3A_201, %swap3A_1640, %swap3A_1641] : memref<2x8x2048xf32, #tpu.memory_space<vmem>> -> memref<1x8x2048xf32, #tpu.memory_space<vmem>>
          %swap3A_1643 = tpu.memref_squeeze %swap3A_1642 : memref<1x8x2048xf32, #tpu.memory_space<vmem>> -> memref<8x2048xf32, #tpu.memory_space<vmem>>
          %swap3A_1644 = arith.index_cast %add3A_282 : i32 to index
          %swap3A_1645 = arith.constant 1200 : index
          %swap3A_1646 = tpu.vector_load %swap3A_1643[%swap3A_1644, %swap3A_1645] {strides = array<i32>} : memref<8x2048xf32, #tpu.memory_space<vmem>>, vector<1x16xf32>,
          %swap3A_1647 = vector.shape_cast %swap3A_1646 : vector<1x16xf32> to vector<1x16xf32>
          %swap3A_1648 = vector.shape_cast %add3A_1639 : vector<1x16xf32> to vector<1x16xf32>
          tpu.vector_store %swap3A_1643[%swap3A_1644, %swap3A_1645], %swap3A_1648 {strides = array<i32>} : memref<8x2048xf32, #tpu.memory_space<vmem>>, vector<1x16xf32>,
          %get3A_1649 = arith.constant 0 : i32
          %get3A_1650 = arith.constant 0 : i32
          %get3A_1651 = tpu.memref_slice %run_scoped3A[%rem3A_199, %get3A_1649, %get3A_1650] : memref<2x8x2048xf32, #tpu.memory_space<vmem>> -> memref<1x8x2048xf32, #tpu.memory_space<vmem>>
          %get3A_1652 = tpu.memref_squeeze %get3A_1651 : memref<1x8x2048xf32, #tpu.memory_space<vmem>> -> memref<8x2048xf32, #tpu.memory_space<vmem>>
          %get3A_1653 = arith.index_cast %add3A_282 : i32 to index
          %get3A_1654 = arith.constant 1216 : index
          %get3A_1655 = tpu.vector_load %get3A_1652[%get3A_1653, %get3A_1654] {strides = array<i32>} : memref<8x2048xf32, #tpu.memory_space<vmem>>, vector<1x16xf32>,
          %get3A_1656 = vector.shape_cast %get3A_1655 : vector<1x16xf32> to vector<1x16xf32>
          %add3A_1657 = arith.addf %get3A_1656, %get3A_1656 : vector<1x16xf32>
          %swap3A_1658 = arith.constant 0 : i32
          %swap3A_1659 = arith.constant 0 : i32
          %swap3A_1660 = tpu.memref_slice %run_scoped3A_8[%rem3A_201, %swap3A_1658, %swap3A_1659] : memref<2x8x2048xf32, #tpu.memory_space<vmem>> -> memref<1x8x2048xf32, #tpu.memory_space<vmem>>
          %swap3A_1661 = tpu.memref_squeeze %swap3A_1660 : memref<1x8x2048xf32, #tpu.memory_space<vmem>> -> memref<8x2048xf32, #tpu.memory_space<vmem>>
          %swap3A_1662 = arith.index_cast %add3A_282 : i32 to index
          %swap3A_1663 = arith.constant 1216 : index
          %swap3A_1664 = tpu.vector_load %swap3A_1661[%swap3A_1662, %swap3A_1663] {strides = array<i32>} : memref<8x2048xf32, #tpu.memory_space<vmem>>, vector<1x16xf32>,
          %swap3A_1665 = vector.shape_cast %swap3A_1664 : vector<1x16xf32> to vector<1x16xf32>
          %swap3A_1666 = vector.shape_cast %add3A_1657 : vector<1x16xf32> to vector<1x16xf32>
          tpu.vector_store %swap3A_1661[%swap3A_1662, %swap3A_1663], %swap3A_1666 {strides = array<i32>} : memref<8x2048xf32, #tpu.memory_space<vmem>>, vector<1x16xf32>,
          %get3A_1667 = arith.constant 0 : i32
          %get3A_1668 = arith.constant 0 : i32
          %get3A_1669 = tpu.memref_slice %run_scoped3A[%rem3A_199, %get3A_1667, %get3A_1668] : memref<2x8x2048xf32, #tpu.memory_space<vmem>> -> memref<1x8x2048xf32, #tpu.memory_space<vmem>>
          %get3A_1670 = tpu.memref_squeeze %get3A_1669 : memref<1x8x2048xf32, #tpu.memory_space<vmem>> -> memref<8x2048xf32, #tpu.memory_space<vmem>>
          %get3A_1671 = arith.index_cast %add3A_282 : i32 to index
          %get3A_1672 = arith.constant 1232 : index
          %get3A_1673 = tpu.vector_load %get3A_1670[%get3A_1671, %get3A_1672] {strides = array<i32>} : memref<8x2048xf32, #tpu.memory_space<vmem>>, vector<1x16xf32>,
          %get3A_1674 = vector.shape_cast %get3A_1673 : vector<1x16xf32> to vector<1x16xf32>
          %add3A_1675 = arith.addf %get3A_1674, %get3A_1674 : vector<1x16xf32>
          %swap3A_1676 = arith.constant 0 : i32
          %swap3A_1677 = arith.constant 0 : i32
          %swap3A_1678 = tpu.memref_slice %run_scoped3A_8[%rem3A_201, %swap3A_1676, %swap3A_1677] : memref<2x8x2048xf32, #tpu.memory_space<vmem>> -> memref<1x8x2048xf32, #tpu.memory_space<vmem>>
          %swap3A_1679 = tpu.memref_squeeze %swap3A_1678 : memref<1x8x2048xf32, #tpu.memory_space<vmem>> -> memref<8x2048xf32, #tpu.memory_space<vmem>>
          %swap3A_1680 = arith.index_cast %add3A_282 : i32 to index
          %swap3A_1681 = arith.constant 1232 : index
          %swap3A_1682 = tpu.vector_load %swap3A_1679[%swap3A_1680, %swap3A_1681] {strides = array<i32>} : memref<8x2048xf32, #tpu.memory_space<vmem>>, vector<1x16xf32>,
          %swap3A_1683 = vector.shape_cast %swap3A_1682 : vector<1x16xf32> to vector<1x16xf32>
          %swap3A_1684 = vector.shape_cast %add3A_1675 : vector<1x16xf32> to vector<1x16xf32>
          tpu.vector_store %swap3A_1679[%swap3A_1680, %swap3A_1681], %swap3A_1684 {strides = array<i32>} : memref<8x2048xf32, #tpu.memory_space<vmem>>, vector<1x16xf32>,
          %get3A_1685 = arith.constant 0 : i32
          %get3A_1686 = arith.constant 0 : i32
          %get3A_1687 = tpu.memref_slice %run_scoped3A[%rem3A_199, %get3A_1685, %get3A_1686] : memref<2x8x2048xf32, #tpu.memory_space<vmem>> -> memref<1x8x2048xf32, #tpu.memory_space<vmem>>
          %get3A_1688 = tpu.memref_squeeze %get3A_1687 : memref<1x8x2048xf32, #tpu.memory_space<vmem>> -> memref<8x2048xf32, #tpu.memory_space<vmem>>
          %get3A_1689 = arith.index_cast %add3A_282 : i32 to index
          %get3A_1690 = arith.constant 1248 : index
          %get3A_1691 = tpu.vector_load %get3A_1688[%get3A_1689, %get3A_1690] {strides = array<i32>} : memref<8x2048xf32, #tpu.memory_space<vmem>>, vector<1x16xf32>,
          %get3A_1692 = vector.shape_cast %get3A_1691 : vector<1x16xf32> to vector<1x16xf32>
          %add3A_1693 = arith.addf %get3A_1692, %get3A_1692 : vector<1x16xf32>
          %swap3A_1694 = arith.constant 0 : i32
          %swap3A_1695 = arith.constant 0 : i32
          %swap3A_1696 = tpu.memref_slice %run_scoped3A_8[%rem3A_201, %swap3A_1694, %swap3A_1695] : memref<2x8x2048xf32, #tpu.memory_space<vmem>> -> memref<1x8x2048xf32, #tpu.memory_space<vmem>>
          %swap3A_1697 = tpu.memref_squeeze %swap3A_1696 : memref<1x8x2048xf32, #tpu.memory_space<vmem>> -> memref<8x2048xf32, #tpu.memory_space<vmem>>
          %swap3A_1698 = arith.index_cast %add3A_282 : i32 to index
          %swap3A_1699 = arith.constant 1248 : index
          %swap3A_1700 = tpu.vector_load %swap3A_1697[%swap3A_1698, %swap3A_1699] {strides = array<i32>} : memref<8x2048xf32, #tpu.memory_space<vmem>>, vector<1x16xf32>,
          %swap3A_1701 = vector.shape_cast %swap3A_1700 : vector<1x16xf32> to vector<1x16xf32>
          %swap3A_1702 = vector.shape_cast %add3A_1693 : vector<1x16xf32> to vector<1x16xf32>
          tpu.vector_store %swap3A_1697[%swap3A_1698, %swap3A_1699], %swap3A_1702 {strides = array<i32>} : memref<8x2048xf32, #tpu.memory_space<vmem>>, vector<1x16xf32>,
          %get3A_1703 = arith.constant 0 : i32
          %get3A_1704 = arith.constant 0 : i32
          %get3A_1705 = tpu.memref_slice %run_scoped3A[%rem3A_199, %get3A_1703, %get3A_1704] : memref<2x8x2048xf32, #tpu.memory_space<vmem>> -> memref<1x8x2048xf32, #tpu.memory_space<vmem>>
          %get3A_1706 = tpu.memref_squeeze %get3A_1705 : memref<1x8x2048xf32, #tpu.memory_space<vmem>> -> memref<8x2048xf32, #tpu.memory_space<vmem>>
          %get3A_1707 = arith.index_cast %add3A_282 : i32 to index
          %get3A_1708 = arith.constant 1264 : index
          %get3A_1709 = tpu.vector_load %get3A_1706[%get3A_1707, %get3A_1708] {strides = array<i32>} : memref<8x2048xf32, #tpu.memory_space<vmem>>, vector<1x16xf32>,
          %get3A_1710 = vector.shape_cast %get3A_1709 : vector<1x16xf32> to vector<1x16xf32>
          %add3A_1711 = arith.addf %get3A_1710, %get3A_1710 : vector<1x16xf32>
          %swap3A_1712 = arith.constant 0 : i32
          %swap3A_1713 = arith.constant 0 : i32
          %swap3A_1714 = tpu.memref_slice %run_scoped3A_8[%rem3A_201, %swap3A_1712, %swap3A_1713] : memref<2x8x2048xf32, #tpu.memory_space<vmem>> -> memref<1x8x2048xf32, #tpu.memory_space<vmem>>
          %swap3A_1715 = tpu.memref_squeeze %swap3A_1714 : memref<1x8x2048xf32, #tpu.memory_space<vmem>> -> memref<8x2048xf32, #tpu.memory_space<vmem>>
          %swap3A_1716 = arith.index_cast %add3A_282 : i32 to index
          %swap3A_1717 = arith.constant 1264 : index
          %swap3A_1718 = tpu.vector_load %swap3A_1715[%swap3A_1716, %swap3A_1717] {strides = array<i32>} : memref<8x2048xf32, #tpu.memory_space<vmem>>, vector<1x16xf32>,
          %swap3A_1719 = vector.shape_cast %swap3A_1718 : vector<1x16xf32> to vector<1x16xf32>
          %swap3A_1720 = vector.shape_cast %add3A_1711 : vector<1x16xf32> to vector<1x16xf32>
          tpu.vector_store %swap3A_1715[%swap3A_1716, %swap3A_1717], %swap3A_1720 {strides = array<i32>} : memref<8x2048xf32, #tpu.memory_space<vmem>>, vector<1x16xf32>,
          %get3A_1721 = arith.constant 0 : i32
          %get3A_1722 = arith.constant 0 : i32
          %get3A_1723 = tpu.memref_slice %run_scoped3A[%rem3A_199, %get3A_1721, %get3A_1722] : memref<2x8x2048xf32, #tpu.memory_space<vmem>> -> memref<1x8x2048xf32, #tpu.memory_space<vmem>>
          %get3A_1724 = tpu.memref_squeeze %get3A_1723 : memref<1x8x2048xf32, #tpu.memory_space<vmem>> -> memref<8x2048xf32, #tpu.memory_space<vmem>>
          %get3A_1725 = arith.index_cast %add3A_282 : i32 to index
          %get3A_1726 = arith.constant 1280 : index
          %get3A_1727 = tpu.vector_load %get3A_1724[%get3A_1725, %get3A_1726] {strides = array<i32>} : memref<8x2048xf32, #tpu.memory_space<vmem>>, vector<1x16xf32>,
          %get3A_1728 = vector.shape_cast %get3A_1727 : vector<1x16xf32> to vector<1x16xf32>
          %add3A_1729 = arith.addf %get3A_1728, %get3A_1728 : vector<1x16xf32>
          %swap3A_1730 = arith.constant 0 : i32
          %swap3A_1731 = arith.constant 0 : i32
          %swap3A_1732 = tpu.memref_slice %run_scoped3A_8[%rem3A_201, %swap3A_1730, %swap3A_1731] : memref<2x8x2048xf32, #tpu.memory_space<vmem>> -> memref<1x8x2048xf32, #tpu.memory_space<vmem>>
          %swap3A_1733 = tpu.memref_squeeze %swap3A_1732 : memref<1x8x2048xf32, #tpu.memory_space<vmem>> -> memref<8x2048xf32, #tpu.memory_space<vmem>>
          %swap3A_1734 = arith.index_cast %add3A_282 : i32 to index
          %swap3A_1735 = arith.constant 1280 : index
          %swap3A_1736 = tpu.vector_load %swap3A_1733[%swap3A_1734, %swap3A_1735] {strides = array<i32>} : memref<8x2048xf32, #tpu.memory_space<vmem>>, vector<1x16xf32>,
          %swap3A_1737 = vector.shape_cast %swap3A_1736 : vector<1x16xf32> to vector<1x16xf32>
          %swap3A_1738 = vector.shape_cast %add3A_1729 : vector<1x16xf32> to vector<1x16xf32>
          tpu.vector_store %swap3A_1733[%swap3A_1734, %swap3A_1735], %swap3A_1738 {strides = array<i32>} : memref<8x2048xf32, #tpu.memory_space<vmem>>, vector<1x16xf32>,
          %get3A_1739 = arith.constant 0 : i32
          %get3A_1740 = arith.constant 0 : i32
          %get3A_1741 = tpu.memref_slice %run_scoped3A[%rem3A_199, %get3A_1739, %get3A_1740] : memref<2x8x2048xf32, #tpu.memory_space<vmem>> -> memref<1x8x2048xf32, #tpu.memory_space<vmem>>
          %get3A_1742 = tpu.memref_squeeze %get3A_1741 : memref<1x8x2048xf32, #tpu.memory_space<vmem>> -> memref<8x2048xf32, #tpu.memory_space<vmem>>
          %get3A_1743 = arith.index_cast %add3A_282 : i32 to index
          %get3A_1744 = arith.constant 1296 : index
          %get3A_1745 = tpu.vector_load %get3A_1742[%get3A_1743, %get3A_1744] {strides = array<i32>} : memref<8x2048xf32, #tpu.memory_space<vmem>>, vector<1x16xf32>,
          %get3A_1746 = vector.shape_cast %get3A_1745 : vector<1x16xf32> to vector<1x16xf32>
          %add3A_1747 = arith.addf %get3A_1746, %get3A_1746 : vector<1x16xf32>
          %swap3A_1748 = arith.constant 0 : i32
          %swap3A_1749 = arith.constant 0 : i32
          %swap3A_1750 = tpu.memref_slice %run_scoped3A_8[%rem3A_201, %swap3A_1748, %swap3A_1749] : memref<2x8x2048xf32, #tpu.memory_space<vmem>> -> memref<1x8x2048xf32, #tpu.memory_space<vmem>>
          %swap3A_1751 = tpu.memref_squeeze %swap3A_1750 : memref<1x8x2048xf32, #tpu.memory_space<vmem>> -> memref<8x2048xf32, #tpu.memory_space<vmem>>
          %swap3A_1752 = arith.index_cast %add3A_282 : i32 to index
          %swap3A_1753 = arith.constant 1296 : index
          %swap3A_1754 = tpu.vector_load %swap3A_1751[%swap3A_1752, %swap3A_1753] {strides = array<i32>} : memref<8x2048xf32, #tpu.memory_space<vmem>>, vector<1x16xf32>,
          %swap3A_1755 = vector.shape_cast %swap3A_1754 : vector<1x16xf32> to vector<1x16xf32>
          %swap3A_1756 = vector.shape_cast %add3A_1747 : vector<1x16xf32> to vector<1x16xf32>
          tpu.vector_store %swap3A_1751[%swap3A_1752, %swap3A_1753], %swap3A_1756 {strides = array<i32>} : memref<8x2048xf32, #tpu.memory_space<vmem>>, vector<1x16xf32>,
          %get3A_1757 = arith.constant 0 : i32
          %get3A_1758 = arith.constant 0 : i32
          %get3A_1759 = tpu.memref_slice %run_scoped3A[%rem3A_199, %get3A_1757, %get3A_1758] : memref<2x8x2048xf32, #tpu.memory_space<vmem>> -> memref<1x8x2048xf32, #tpu.memory_space<vmem>>
          %get3A_1760 = tpu.memref_squeeze %get3A_1759 : memref<1x8x2048xf32, #tpu.memory_space<vmem>> -> memref<8x2048xf32, #tpu.memory_space<vmem>>
          %get3A_1761 = arith.index_cast %add3A_282 : i32 to index
          %get3A_1762 = arith.constant 1312 : index
          %get3A_1763 = tpu.vector_load %get3A_1760[%get3A_1761, %get3A_1762] {strides = array<i32>} : memref<8x2048xf32, #tpu.memory_space<vmem>>, vector<1x16xf32>,
          %get3A_1764 = vector.shape_cast %get3A_1763 : vector<1x16xf32> to vector<1x16xf32>
          %add3A_1765 = arith.addf %get3A_1764, %get3A_1764 : vector<1x16xf32>
          %swap3A_1766 = arith.constant 0 : i32
          %swap3A_1767 = arith.constant 0 : i32
          %swap3A_1768 = tpu.memref_slice %run_scoped3A_8[%rem3A_201, %swap3A_1766, %swap3A_1767] : memref<2x8x2048xf32, #tpu.memory_space<vmem>> -> memref<1x8x2048xf32, #tpu.memory_space<vmem>>
          %swap3A_1769 = tpu.memref_squeeze %swap3A_1768 : memref<1x8x2048xf32, #tpu.memory_space<vmem>> -> memref<8x2048xf32, #tpu.memory_space<vmem>>
          %swap3A_1770 = arith.index_cast %add3A_282 : i32 to index
          %swap3A_1771 = arith.constant 1312 : index
          %swap3A_1772 = tpu.vector_load %swap3A_1769[%swap3A_1770, %swap3A_1771] {strides = array<i32>} : memref<8x2048xf32, #tpu.memory_space<vmem>>, vector<1x16xf32>,
          %swap3A_1773 = vector.shape_cast %swap3A_1772 : vector<1x16xf32> to vector<1x16xf32>
          %swap3A_1774 = vector.shape_cast %add3A_1765 : vector<1x16xf32> to vector<1x16xf32>
          tpu.vector_store %swap3A_1769[%swap3A_1770, %swap3A_1771], %swap3A_1774 {strides = array<i32>} : memref<8x2048xf32, #tpu.memory_space<vmem>>, vector<1x16xf32>,
          %get3A_1775 = arith.constant 0 : i32
          %get3A_1776 = arith.constant 0 : i32
          %get3A_1777 = tpu.memref_slice %run_scoped3A[%rem3A_199, %get3A_1775, %get3A_1776] : memref<2x8x2048xf32, #tpu.memory_space<vmem>> -> memref<1x8x2048xf32, #tpu.memory_space<vmem>>
          %get3A_1778 = tpu.memref_squeeze %get3A_1777 : memref<1x8x2048xf32, #tpu.memory_space<vmem>> -> memref<8x2048xf32, #tpu.memory_space<vmem>>
          %get3A_1779 = arith.index_cast %add3A_282 : i32 to index
          %get3A_1780 = arith.constant 1328 : index
          %get3A_1781 = tpu.vector_load %get3A_1778[%get3A_1779, %get3A_1780] {strides = array<i32>} : memref<8x2048xf32, #tpu.memory_space<vmem>>, vector<1x16xf32>,
          %get3A_1782 = vector.shape_cast %get3A_1781 : vector<1x16xf32> to vector<1x16xf32>
          %add3A_1783 = arith.addf %get3A_1782, %get3A_1782 : vector<1x16xf32>
          %swap3A_1784 = arith.constant 0 : i32
          %swap3A_1785 = arith.constant 0 : i32
          %swap3A_1786 = tpu.memref_slice %run_scoped3A_8[%rem3A_201, %swap3A_1784, %swap3A_1785] : memref<2x8x2048xf32, #tpu.memory_space<vmem>> -> memref<1x8x2048xf32, #tpu.memory_space<vmem>>
          %swap3A_1787 = tpu.memref_squeeze %swap3A_1786 : memref<1x8x2048xf32, #tpu.memory_space<vmem>> -> memref<8x2048xf32, #tpu.memory_space<vmem>>
          %swap3A_1788 = arith.index_cast %add3A_282 : i32 to index
          %swap3A_1789 = arith.constant 1328 : index
          %swap3A_1790 = tpu.vector_load %swap3A_1787[%swap3A_1788, %swap3A_1789] {strides = array<i32>} : memref<8x2048xf32, #tpu.memory_space<vmem>>, vector<1x16xf32>,
          %swap3A_1791 = vector.shape_cast %swap3A_1790 : vector<1x16xf32> to vector<1x16xf32>
          %swap3A_1792 = vector.shape_cast %add3A_1783 : vector<1x16xf32> to vector<1x16xf32>
          tpu.vector_store %swap3A_1787[%swap3A_1788, %swap3A_1789], %swap3A_1792 {strides = array<i32>} : memref<8x2048xf32, #tpu.memory_space<vmem>>, vector<1x16xf32>,
          %get3A_1793 = arith.constant 0 : i32
          %get3A_1794 = arith.constant 0 : i32
          %get3A_1795 = tpu.memref_slice %run_scoped3A[%rem3A_199, %get3A_1793, %get3A_1794] : memref<2x8x2048xf32, #tpu.memory_space<vmem>> -> memref<1x8x2048xf32, #tpu.memory_space<vmem>>
          %get3A_1796 = tpu.memref_squeeze %get3A_1795 : memref<1x8x2048xf32, #tpu.memory_space<vmem>> -> memref<8x2048xf32, #tpu.memory_space<vmem>>
          %get3A_1797 = arith.index_cast %add3A_282 : i32 to index
          %get3A_1798 = arith.constant 1344 : index
          %get3A_1799 = tpu.vector_load %get3A_1796[%get3A_1797, %get3A_1798] {strides = array<i32>} : memref<8x2048xf32, #tpu.memory_space<vmem>>, vector<1x16xf32>,
          %get3A_1800 = vector.shape_cast %get3A_1799 : vector<1x16xf32> to vector<1x16xf32>
          %add3A_1801 = arith.addf %get3A_1800, %get3A_1800 : vector<1x16xf32>
          %swap3A_1802 = arith.constant 0 : i32
          %swap3A_1803 = arith.constant 0 : i32
          %swap3A_1804 = tpu.memref_slice %run_scoped3A_8[%rem3A_201, %swap3A_1802, %swap3A_1803] : memref<2x8x2048xf32, #tpu.memory_space<vmem>> -> memref<1x8x2048xf32, #tpu.memory_space<vmem>>
          %swap3A_1805 = tpu.memref_squeeze %swap3A_1804 : memref<1x8x2048xf32, #tpu.memory_space<vmem>> -> memref<8x2048xf32, #tpu.memory_space<vmem>>
          %swap3A_1806 = arith.index_cast %add3A_282 : i32 to index
          %swap3A_1807 = arith.constant 1344 : index
          %swap3A_1808 = tpu.vector_load %swap3A_1805[%swap3A_1806, %swap3A_1807] {strides = array<i32>} : memref<8x2048xf32, #tpu.memory_space<vmem>>, vector<1x16xf32>,
          %swap3A_1809 = vector.shape_cast %swap3A_1808 : vector<1x16xf32> to vector<1x16xf32>
          %swap3A_1810 = vector.shape_cast %add3A_1801 : vector<1x16xf32> to vector<1x16xf32>
          tpu.vector_store %swap3A_1805[%swap3A_1806, %swap3A_1807], %swap3A_1810 {strides = array<i32>} : memref<8x2048xf32, #tpu.memory_space<vmem>>, vector<1x16xf32>,
          %get3A_1811 = arith.constant 0 : i32
          %get3A_1812 = arith.constant 0 : i32
          %get3A_1813 = tpu.memref_slice %run_scoped3A[%rem3A_199, %get3A_1811, %get3A_1812] : memref<2x8x2048xf32, #tpu.memory_space<vmem>> -> memref<1x8x2048xf32, #tpu.memory_space<vmem>>
          %get3A_1814 = tpu.memref_squeeze %get3A_1813 : memref<1x8x2048xf32, #tpu.memory_space<vmem>> -> memref<8x2048xf32, #tpu.memory_space<vmem>>
          %get3A_1815 = arith.index_cast %add3A_282 : i32 to index
          %get3A_1816 = arith.constant 1360 : index
          %get3A_1817 = tpu.vector_load %get3A_1814[%get3A_1815, %get3A_1816] {strides = array<i32>} : memref<8x2048xf32, #tpu.memory_space<vmem>>, vector<1x16xf32>,
          %get3A_1818 = vector.shape_cast %get3A_1817 : vector<1x16xf32> to vector<1x16xf32>
          %add3A_1819 = arith.addf %get3A_1818, %get3A_1818 : vector<1x16xf32>
          %swap3A_1820 = arith.constant 0 : i32
          %swap3A_1821 = arith.constant 0 : i32
          %swap3A_1822 = tpu.memref_slice %run_scoped3A_8[%rem3A_201, %swap3A_1820, %swap3A_1821] : memref<2x8x2048xf32, #tpu.memory_space<vmem>> -> memref<1x8x2048xf32, #tpu.memory_space<vmem>>
          %swap3A_1823 = tpu.memref_squeeze %swap3A_1822 : memref<1x8x2048xf32, #tpu.memory_space<vmem>> -> memref<8x2048xf32, #tpu.memory_space<vmem>>
          %swap3A_1824 = arith.index_cast %add3A_282 : i32 to index
          %swap3A_1825 = arith.constant 1360 : index
          %swap3A_1826 = tpu.vector_load %swap3A_1823[%swap3A_1824, %swap3A_1825] {strides = array<i32>} : memref<8x2048xf32, #tpu.memory_space<vmem>>, vector<1x16xf32>,
          %swap3A_1827 = vector.shape_cast %swap3A_1826 : vector<1x16xf32> to vector<1x16xf32>
          %swap3A_1828 = vector.shape_cast %add3A_1819 : vector<1x16xf32> to vector<1x16xf32>
          tpu.vector_store %swap3A_1823[%swap3A_1824, %swap3A_1825], %swap3A_1828 {strides = array<i32>} : memref<8x2048xf32, #tpu.memory_space<vmem>>, vector<1x16xf32>,
          %get3A_1829 = arith.constant 0 : i32
          %get3A_1830 = arith.constant 0 : i32
          %get3A_1831 = tpu.memref_slice %run_scoped3A[%rem3A_199, %get3A_1829, %get3A_1830] : memref<2x8x2048xf32, #tpu.memory_space<vmem>> -> memref<1x8x2048xf32, #tpu.memory_space<vmem>>
          %get3A_1832 = tpu.memref_squeeze %get3A_1831 : memref<1x8x2048xf32, #tpu.memory_space<vmem>> -> memref<8x2048xf32, #tpu.memory_space<vmem>>
          %get3A_1833 = arith.index_cast %add3A_282 : i32 to index
          %get3A_1834 = arith.constant 1376 : index
          %get3A_1835 = tpu.vector_load %get3A_1832[%get3A_1833, %get3A_1834] {strides = array<i32>} : memref<8x2048xf32, #tpu.memory_space<vmem>>, vector<1x16xf32>,
          %get3A_1836 = vector.shape_cast %get3A_1835 : vector<1x16xf32> to vector<1x16xf32>
          %add3A_1837 = arith.addf %get3A_1836, %get3A_1836 : vector<1x16xf32>
          %swap3A_1838 = arith.constant 0 : i32
          %swap3A_1839 = arith.constant 0 : i32
          %swap3A_1840 = tpu.memref_slice %run_scoped3A_8[%rem3A_201, %swap3A_1838, %swap3A_1839] : memref<2x8x2048xf32, #tpu.memory_space<vmem>> -> memref<1x8x2048xf32, #tpu.memory_space<vmem>>
          %swap3A_1841 = tpu.memref_squeeze %swap3A_1840 : memref<1x8x2048xf32, #tpu.memory_space<vmem>> -> memref<8x2048xf32, #tpu.memory_space<vmem>>
          %swap3A_1842 = arith.index_cast %add3A_282 : i32 to index
          %swap3A_1843 = arith.constant 1376 : index
          %swap3A_1844 = tpu.vector_load %swap3A_1841[%swap3A_1842, %swap3A_1843] {strides = array<i32>} : memref<8x2048xf32, #tpu.memory_space<vmem>>, vector<1x16xf32>,
          %swap3A_1845 = vector.shape_cast %swap3A_1844 : vector<1x16xf32> to vector<1x16xf32>
          %swap3A_1846 = vector.shape_cast %add3A_1837 : vector<1x16xf32> to vector<1x16xf32>
          tpu.vector_store %swap3A_1841[%swap3A_1842, %swap3A_1843], %swap3A_1846 {strides = array<i32>} : memref<8x2048xf32, #tpu.memory_space<vmem>>, vector<1x16xf32>,
          %get3A_1847 = arith.constant 0 : i32
          %get3A_1848 = arith.constant 0 : i32
          %get3A_1849 = tpu.memref_slice %run_scoped3A[%rem3A_199, %get3A_1847, %get3A_1848] : memref<2x8x2048xf32, #tpu.memory_space<vmem>> -> memref<1x8x2048xf32, #tpu.memory_space<vmem>>
          %get3A_1850 = tpu.memref_squeeze %get3A_1849 : memref<1x8x2048xf32, #tpu.memory_space<vmem>> -> memref<8x2048xf32, #tpu.memory_space<vmem>>
          %get3A_1851 = arith.index_cast %add3A_282 : i32 to index
          %get3A_1852 = arith.constant 1392 : index
          %get3A_1853 = tpu.vector_load %get3A_1850[%get3A_1851, %get3A_1852] {strides = array<i32>} : memref<8x2048xf32, #tpu.memory_space<vmem>>, vector<1x16xf32>,
          %get3A_1854 = vector.shape_cast %get3A_1853 : vector<1x16xf32> to vector<1x16xf32>
          %add3A_1855 = arith.addf %get3A_1854, %get3A_1854 : vector<1x16xf32>
          %swap3A_1856 = arith.constant 0 : i32
          %swap3A_1857 = arith.constant 0 : i32
          %swap3A_1858 = tpu.memref_slice %run_scoped3A_8[%rem3A_201, %swap3A_1856, %swap3A_1857] : memref<2x8x2048xf32, #tpu.memory_space<vmem>> -> memref<1x8x2048xf32, #tpu.memory_space<vmem>>
          %swap3A_1859 = tpu.memref_squeeze %swap3A_1858 : memref<1x8x2048xf32, #tpu.memory_space<vmem>> -> memref<8x2048xf32, #tpu.memory_space<vmem>>
          %swap3A_1860 = arith.index_cast %add3A_282 : i32 to index
          %swap3A_1861 = arith.constant 1392 : index
          %swap3A_1862 = tpu.vector_load %swap3A_1859[%swap3A_1860, %swap3A_1861] {strides = array<i32>} : memref<8x2048xf32, #tpu.memory_space<vmem>>, vector<1x16xf32>,
          %swap3A_1863 = vector.shape_cast %swap3A_1862 : vector<1x16xf32> to vector<1x16xf32>
          %swap3A_1864 = vector.shape_cast %add3A_1855 : vector<1x16xf32> to vector<1x16xf32>
          tpu.vector_store %swap3A_1859[%swap3A_1860, %swap3A_1861], %swap3A_1864 {strides = array<i32>} : memref<8x2048xf32, #tpu.memory_space<vmem>>, vector<1x16xf32>,
          %get3A_1865 = arith.constant 0 : i32
          %get3A_1866 = arith.constant 0 : i32
          %get3A_1867 = tpu.memref_slice %run_scoped3A[%rem3A_199, %get3A_1865, %get3A_1866] : memref<2x8x2048xf32, #tpu.memory_space<vmem>> -> memref<1x8x2048xf32, #tpu.memory_space<vmem>>
          %get3A_1868 = tpu.memref_squeeze %get3A_1867 : memref<1x8x2048xf32, #tpu.memory_space<vmem>> -> memref<8x2048xf32, #tpu.memory_space<vmem>>
          %get3A_1869 = arith.index_cast %add3A_282 : i32 to index
          %get3A_1870 = arith.constant 1408 : index
          %get3A_1871 = tpu.vector_load %get3A_1868[%get3A_1869, %get3A_1870] {strides = array<i32>} : memref<8x2048xf32, #tpu.memory_space<vmem>>, vector<1x16xf32>,
          %get3A_1872 = vector.shape_cast %get3A_1871 : vector<1x16xf32> to vector<1x16xf32>
          %add3A_1873 = arith.addf %get3A_1872, %get3A_1872 : vector<1x16xf32>
          %swap3A_1874 = arith.constant 0 : i32
          %swap3A_1875 = arith.constant 0 : i32
          %swap3A_1876 = tpu.memref_slice %run_scoped3A_8[%rem3A_201, %swap3A_1874, %swap3A_1875] : memref<2x8x2048xf32, #tpu.memory_space<vmem>> -> memref<1x8x2048xf32, #tpu.memory_space<vmem>>
          %swap3A_1877 = tpu.memref_squeeze %swap3A_1876 : memref<1x8x2048xf32, #tpu.memory_space<vmem>> -> memref<8x2048xf32, #tpu.memory_space<vmem>>
          %swap3A_1878 = arith.index_cast %add3A_282 : i32 to index
          %swap3A_1879 = arith.constant 1408 : index
          %swap3A_1880 = tpu.vector_load %swap3A_1877[%swap3A_1878, %swap3A_1879] {strides = array<i32>} : memref<8x2048xf32, #tpu.memory_space<vmem>>, vector<1x16xf32>,
          %swap3A_1881 = vector.shape_cast %swap3A_1880 : vector<1x16xf32> to vector<1x16xf32>
          %swap3A_1882 = vector.shape_cast %add3A_1873 : vector<1x16xf32> to vector<1x16xf32>
          tpu.vector_store %swap3A_1877[%swap3A_1878, %swap3A_1879], %swap3A_1882 {strides = array<i32>} : memref<8x2048xf32, #tpu.memory_space<vmem>>, vector<1x16xf32>,
          %get3A_1883 = arith.constant 0 : i32
          %get3A_1884 = arith.constant 0 : i32
          %get3A_1885 = tpu.memref_slice %run_scoped3A[%rem3A_199, %get3A_1883, %get3A_1884] : memref<2x8x2048xf32, #tpu.memory_space<vmem>> -> memref<1x8x2048xf32, #tpu.memory_space<vmem>>
          %get3A_1886 = tpu.memref_squeeze %get3A_1885 : memref<1x8x2048xf32, #tpu.memory_space<vmem>> -> memref<8x2048xf32, #tpu.memory_space<vmem>>
          %get3A_1887 = arith.index_cast %add3A_282 : i32 to index
          %get3A_1888 = arith.constant 1424 : index
          %get3A_1889 = tpu.vector_load %get3A_1886[%get3A_1887, %get3A_1888] {strides = array<i32>} : memref<8x2048xf32, #tpu.memory_space<vmem>>, vector<1x16xf32>,
          %get3A_1890 = vector.shape_cast %get3A_1889 : vector<1x16xf32> to vector<1x16xf32>
          %add3A_1891 = arith.addf %get3A_1890, %get3A_1890 : vector<1x16xf32>
          %swap3A_1892 = arith.constant 0 : i32
          %swap3A_1893 = arith.constant 0 : i32
          %swap3A_1894 = tpu.memref_slice %run_scoped3A_8[%rem3A_201, %swap3A_1892, %swap3A_1893] : memref<2x8x2048xf32, #tpu.memory_space<vmem>> -> memref<1x8x2048xf32, #tpu.memory_space<vmem>>
          %swap3A_1895 = tpu.memref_squeeze %swap3A_1894 : memref<1x8x2048xf32, #tpu.memory_space<vmem>> -> memref<8x2048xf32, #tpu.memory_space<vmem>>
          %swap3A_1896 = arith.index_cast %add3A_282 : i32 to index
          %swap3A_1897 = arith.constant 1424 : index
          %swap3A_1898 = tpu.vector_load %swap3A_1895[%swap3A_1896, %swap3A_1897] {strides = array<i32>} : memref<8x2048xf32, #tpu.memory_space<vmem>>, vector<1x16xf32>,
          %swap3A_1899 = vector.shape_cast %swap3A_1898 : vector<1x16xf32> to vector<1x16xf32>
          %swap3A_1900 = vector.shape_cast %add3A_1891 : vector<1x16xf32> to vector<1x16xf32>
          tpu.vector_store %swap3A_1895[%swap3A_1896, %swap3A_1897], %swap3A_1900 {strides = array<i32>} : memref<8x2048xf32, #tpu.memory_space<vmem>>, vector<1x16xf32>,
          %get3A_1901 = arith.constant 0 : i32
          %get3A_1902 = arith.constant 0 : i32
          %get3A_1903 = tpu.memref_slice %run_scoped3A[%rem3A_199, %get3A_1901, %get3A_1902] : memref<2x8x2048xf32, #tpu.memory_space<vmem>> -> memref<1x8x2048xf32, #tpu.memory_space<vmem>>
          %get3A_1904 = tpu.memref_squeeze %get3A_1903 : memref<1x8x2048xf32, #tpu.memory_space<vmem>> -> memref<8x2048xf32, #tpu.memory_space<vmem>>
          %get3A_1905 = arith.index_cast %add3A_282 : i32 to index
          %get3A_1906 = arith.constant 1440 : index
          %get3A_1907 = tpu.vector_load %get3A_1904[%get3A_1905, %get3A_1906] {strides = array<i32>} : memref<8x2048xf32, #tpu.memory_space<vmem>>, vector<1x16xf32>,
          %get3A_1908 = vector.shape_cast %get3A_1907 : vector<1x16xf32> to vector<1x16xf32>
          %add3A_1909 = arith.addf %get3A_1908, %get3A_1908 : vector<1x16xf32>
          %swap3A_1910 = arith.constant 0 : i32
          %swap3A_1911 = arith.constant 0 : i32
          %swap3A_1912 = tpu.memref_slice %run_scoped3A_8[%rem3A_201, %swap3A_1910, %swap3A_1911] : memref<2x8x2048xf32, #tpu.memory_space<vmem>> -> memref<1x8x2048xf32, #tpu.memory_space<vmem>>
          %swap3A_1913 = tpu.memref_squeeze %swap3A_1912 : memref<1x8x2048xf32, #tpu.memory_space<vmem>> -> memref<8x2048xf32, #tpu.memory_space<vmem>>
          %swap3A_1914 = arith.index_cast %add3A_282 : i32 to index
          %swap3A_1915 = arith.constant 1440 : index
          %swap3A_1916 = tpu.vector_load %swap3A_1913[%swap3A_1914, %swap3A_1915] {strides = array<i32>} : memref<8x2048xf32, #tpu.memory_space<vmem>>, vector<1x16xf32>,
          %swap3A_1917 = vector.shape_cast %swap3A_1916 : vector<1x16xf32> to vector<1x16xf32>
          %swap3A_1918 = vector.shape_cast %add3A_1909 : vector<1x16xf32> to vector<1x16xf32>
          tpu.vector_store %swap3A_1913[%swap3A_1914, %swap3A_1915], %swap3A_1918 {strides = array<i32>} : memref<8x2048xf32, #tpu.memory_space<vmem>>, vector<1x16xf32>,
          %get3A_1919 = arith.constant 0 : i32
          %get3A_1920 = arith.constant 0 : i32
          %get3A_1921 = tpu.memref_slice %run_scoped3A[%rem3A_199, %get3A_1919, %get3A_1920] : memref<2x8x2048xf32, #tpu.memory_space<vmem>> -> memref<1x8x2048xf32, #tpu.memory_space<vmem>>
          %get3A_1922 = tpu.memref_squeeze %get3A_1921 : memref<1x8x2048xf32, #tpu.memory_space<vmem>> -> memref<8x2048xf32, #tpu.memory_space<vmem>>
          %get3A_1923 = arith.index_cast %add3A_282 : i32 to index
          %get3A_1924 = arith.constant 1456 : index
          %get3A_1925 = tpu.vector_load %get3A_1922[%get3A_1923, %get3A_1924] {strides = array<i32>} : memref<8x2048xf32, #tpu.memory_space<vmem>>, vector<1x16xf32>,
          %get3A_1926 = vector.shape_cast %get3A_1925 : vector<1x16xf32> to vector<1x16xf32>
          %add3A_1927 = arith.addf %get3A_1926, %get3A_1926 : vector<1x16xf32>
          %swap3A_1928 = arith.constant 0 : i32
          %swap3A_1929 = arith.constant 0 : i32
          %swap3A_1930 = tpu.memref_slice %run_scoped3A_8[%rem3A_201, %swap3A_1928, %swap3A_1929] : memref<2x8x2048xf32, #tpu.memory_space<vmem>> -> memref<1x8x2048xf32, #tpu.memory_space<vmem>>
          %swap3A_1931 = tpu.memref_squeeze %swap3A_1930 : memref<1x8x2048xf32, #tpu.memory_space<vmem>> -> memref<8x2048xf32, #tpu.memory_space<vmem>>
          %swap3A_1932 = arith.index_cast %add3A_282 : i32 to index
          %swap3A_1933 = arith.constant 1456 : index
          %swap3A_1934 = tpu.vector_load %swap3A_1931[%swap3A_1932, %swap3A_1933] {strides = array<i32>} : memref<8x2048xf32, #tpu.memory_space<vmem>>, vector<1x16xf32>,
          %swap3A_1935 = vector.shape_cast %swap3A_1934 : vector<1x16xf32> to vector<1x16xf32>
          %swap3A_1936 = vector.shape_cast %add3A_1927 : vector<1x16xf32> to vector<1x16xf32>
          tpu.vector_store %swap3A_1931[%swap3A_1932, %swap3A_1933], %swap3A_1936 {strides = array<i32>} : memref<8x2048xf32, #tpu.memory_space<vmem>>, vector<1x16xf32>,
          %get3A_1937 = arith.constant 0 : i32
          %get3A_1938 = arith.constant 0 : i32
          %get3A_1939 = tpu.memref_slice %run_scoped3A[%rem3A_199, %get3A_1937, %get3A_1938] : memref<2x8x2048xf32, #tpu.memory_space<vmem>> -> memref<1x8x2048xf32, #tpu.memory_space<vmem>>
          %get3A_1940 = tpu.memref_squeeze %get3A_1939 : memref<1x8x2048xf32, #tpu.memory_space<vmem>> -> memref<8x2048xf32, #tpu.memory_space<vmem>>
          %get3A_1941 = arith.index_cast %add3A_282 : i32 to index
          %get3A_1942 = arith.constant 1472 : index
          %get3A_1943 = tpu.vector_load %get3A_1940[%get3A_1941, %get3A_1942] {strides = array<i32>} : memref<8x2048xf32, #tpu.memory_space<vmem>>, vector<1x16xf32>,
          %get3A_1944 = vector.shape_cast %get3A_1943 : vector<1x16xf32> to vector<1x16xf32>
          %add3A_1945 = arith.addf %get3A_1944, %get3A_1944 : vector<1x16xf32>
          %swap3A_1946 = arith.constant 0 : i32
          %swap3A_1947 = arith.constant 0 : i32
          %swap3A_1948 = tpu.memref_slice %run_scoped3A_8[%rem3A_201, %swap3A_1946, %swap3A_1947] : memref<2x8x2048xf32, #tpu.memory_space<vmem>> -> memref<1x8x2048xf32, #tpu.memory_space<vmem>>
          %swap3A_1949 = tpu.memref_squeeze %swap3A_1948 : memref<1x8x2048xf32, #tpu.memory_space<vmem>> -> memref<8x2048xf32, #tpu.memory_space<vmem>>
          %swap3A_1950 = arith.index_cast %add3A_282 : i32 to index
          %swap3A_1951 = arith.constant 1472 : index
          %swap3A_1952 = tpu.vector_load %swap3A_1949[%swap3A_1950, %swap3A_1951] {strides = array<i32>} : memref<8x2048xf32, #tpu.memory_space<vmem>>, vector<1x16xf32>,
          %swap3A_1953 = vector.shape_cast %swap3A_1952 : vector<1x16xf32> to vector<1x16xf32>
          %swap3A_1954 = vector.shape_cast %add3A_1945 : vector<1x16xf32> to vector<1x16xf32>
          tpu.vector_store %swap3A_1949[%swap3A_1950, %swap3A_1951], %swap3A_1954 {strides = array<i32>} : memref<8x2048xf32, #tpu.memory_space<vmem>>, vector<1x16xf32>,
          %get3A_1955 = arith.constant 0 : i32
          %get3A_1956 = arith.constant 0 : i32
          %get3A_1957 = tpu.memref_slice %run_scoped3A[%rem3A_199, %get3A_1955, %get3A_1956] : memref<2x8x2048xf32, #tpu.memory_space<vmem>> -> memref<1x8x2048xf32, #tpu.memory_space<vmem>>
          %get3A_1958 = tpu.memref_squeeze %get3A_1957 : memref<1x8x2048xf32, #tpu.memory_space<vmem>> -> memref<8x2048xf32, #tpu.memory_space<vmem>>
          %get3A_1959 = arith.index_cast %add3A_282 : i32 to index
          %get3A_1960 = arith.constant 1488 : index
          %get3A_1961 = tpu.vector_load %get3A_1958[%get3A_1959, %get3A_1960] {strides = array<i32>} : memref<8x2048xf32, #tpu.memory_space<vmem>>, vector<1x16xf32>,
          %get3A_1962 = vector.shape_cast %get3A_1961 : vector<1x16xf32> to vector<1x16xf32>
          %add3A_1963 = arith.addf %get3A_1962, %get3A_1962 : vector<1x16xf32>
          %swap3A_1964 = arith.constant 0 : i32
          %swap3A_1965 = arith.constant 0 : i32
          %swap3A_1966 = tpu.memref_slice %run_scoped3A_8[%rem3A_201, %swap3A_1964, %swap3A_1965] : memref<2x8x2048xf32, #tpu.memory_space<vmem>> -> memref<1x8x2048xf32, #tpu.memory_space<vmem>>
          %swap3A_1967 = tpu.memref_squeeze %swap3A_1966 : memref<1x8x2048xf32, #tpu.memory_space<vmem>> -> memref<8x2048xf32, #tpu.memory_space<vmem>>
          %swap3A_1968 = arith.index_cast %add3A_282 : i32 to index
          %swap3A_1969 = arith.constant 1488 : index
          %swap3A_1970 = tpu.vector_load %swap3A_1967[%swap3A_1968, %swap3A_1969] {strides = array<i32>} : memref<8x2048xf32, #tpu.memory_space<vmem>>, vector<1x16xf32>,
          %swap3A_1971 = vector.shape_cast %swap3A_1970 : vector<1x16xf32> to vector<1x16xf32>
          %swap3A_1972 = vector.shape_cast %add3A_1963 : vector<1x16xf32> to vector<1x16xf32>
          tpu.vector_store %swap3A_1967[%swap3A_1968, %swap3A_1969], %swap3A_1972 {strides = array<i32>} : memref<8x2048xf32, #tpu.memory_space<vmem>>, vector<1x16xf32>,
          %get3A_1973 = arith.constant 0 : i32
          %get3A_1974 = arith.constant 0 : i32
          %get3A_1975 = tpu.memref_slice %run_scoped3A[%rem3A_199, %get3A_1973, %get3A_1974] : memref<2x8x2048xf32, #tpu.memory_space<vmem>> -> memref<1x8x2048xf32, #tpu.memory_space<vmem>>
          %get3A_1976 = tpu.memref_squeeze %get3A_1975 : memref<1x8x2048xf32, #tpu.memory_space<vmem>> -> memref<8x2048xf32, #tpu.memory_space<vmem>>
          %get3A_1977 = arith.index_cast %add3A_282 : i32 to index
          %get3A_1978 = arith.constant 1504 : index
          %get3A_1979 = tpu.vector_load %get3A_1976[%get3A_1977, %get3A_1978] {strides = array<i32>} : memref<8x2048xf32, #tpu.memory_space<vmem>>, vector<1x16xf32>,
          %get3A_1980 = vector.shape_cast %get3A_1979 : vector<1x16xf32> to vector<1x16xf32>
          %add3A_1981 = arith.addf %get3A_1980, %get3A_1980 : vector<1x16xf32>
          %swap3A_1982 = arith.constant 0 : i32
          %swap3A_1983 = arith.constant 0 : i32
          %swap3A_1984 = tpu.memref_slice %run_scoped3A_8[%rem3A_201, %swap3A_1982, %swap3A_1983] : memref<2x8x2048xf32, #tpu.memory_space<vmem>> -> memref<1x8x2048xf32, #tpu.memory_space<vmem>>
          %swap3A_1985 = tpu.memref_squeeze %swap3A_1984 : memref<1x8x2048xf32, #tpu.memory_space<vmem>> -> memref<8x2048xf32, #tpu.memory_space<vmem>>
          %swap3A_1986 = arith.index_cast %add3A_282 : i32 to index
          %swap3A_1987 = arith.constant 1504 : index
          %swap3A_1988 = tpu.vector_load %swap3A_1985[%swap3A_1986, %swap3A_1987] {strides = array<i32>} : memref<8x2048xf32, #tpu.memory_space<vmem>>, vector<1x16xf32>,
          %swap3A_1989 = vector.shape_cast %swap3A_1988 : vector<1x16xf32> to vector<1x16xf32>
          %swap3A_1990 = vector.shape_cast %add3A_1981 : vector<1x16xf32> to vector<1x16xf32>
          tpu.vector_store %swap3A_1985[%swap3A_1986, %swap3A_1987], %swap3A_1990 {strides = array<i32>} : memref<8x2048xf32, #tpu.memory_space<vmem>>, vector<1x16xf32>,
          %get3A_1991 = arith.constant 0 : i32
          %get3A_1992 = arith.constant 0 : i32
          %get3A_1993 = tpu.memref_slice %run_scoped3A[%rem3A_199, %get3A_1991, %get3A_1992] : memref<2x8x2048xf32, #tpu.memory_space<vmem>> -> memref<1x8x2048xf32, #tpu.memory_space<vmem>>
          %get3A_1994 = tpu.memref_squeeze %get3A_1993 : memref<1x8x2048xf32, #tpu.memory_space<vmem>> -> memref<8x2048xf32, #tpu.memory_space<vmem>>
          %get3A_1995 = arith.index_cast %add3A_282 : i32 to index
          %get3A_1996 = arith.constant 1520 : index
          %get3A_1997 = tpu.vector_load %get3A_1994[%get3A_1995, %get3A_1996] {strides = array<i32>} : memref<8x2048xf32, #tpu.memory_space<vmem>>, vector<1x16xf32>,
          %get3A_1998 = vector.shape_cast %get3A_1997 : vector<1x16xf32> to vector<1x16xf32>
          %add3A_1999 = arith.addf %get3A_1998, %get3A_1998 : vector<1x16xf32>
          %swap3A_2000 = arith.constant 0 : i32
          %swap3A_2001 = arith.constant 0 : i32
          %swap3A_2002 = tpu.memref_slice %run_scoped3A_8[%rem3A_201, %swap3A_2000, %swap3A_2001] : memref<2x8x2048xf32, #tpu.memory_space<vmem>> -> memref<1x8x2048xf32, #tpu.memory_space<vmem>>
          %swap3A_2003 = tpu.memref_squeeze %swap3A_2002 : memref<1x8x2048xf32, #tpu.memory_space<vmem>> -> memref<8x2048xf32, #tpu.memory_space<vmem>>
          %swap3A_2004 = arith.index_cast %add3A_282 : i32 to index
          %swap3A_2005 = arith.constant 1520 : index
          %swap3A_2006 = tpu.vector_load %swap3A_2003[%swap3A_2004, %swap3A_2005] {strides = array<i32>} : memref<8x2048xf32, #tpu.memory_space<vmem>>, vector<1x16xf32>,
          %swap3A_2007 = vector.shape_cast %swap3A_2006 : vector<1x16xf32> to vector<1x16xf32>
          %swap3A_2008 = vector.shape_cast %add3A_1999 : vector<1x16xf32> to vector<1x16xf32>
          tpu.vector_store %swap3A_2003[%swap3A_2004, %swap3A_2005], %swap3A_2008 {strides = array<i32>} : memref<8x2048xf32, #tpu.memory_space<vmem>>, vector<1x16xf32>,
          %get3A_2009 = arith.constant 0 : i32
          %get3A_2010 = arith.constant 0 : i32
          %get3A_2011 = tpu.memref_slice %run_scoped3A[%rem3A_199, %get3A_2009, %get3A_2010] : memref<2x8x2048xf32, #tpu.memory_space<vmem>> -> memref<1x8x2048xf32, #tpu.memory_space<vmem>>
          %get3A_2012 = tpu.memref_squeeze %get3A_2011 : memref<1x8x2048xf32, #tpu.memory_space<vmem>> -> memref<8x2048xf32, #tpu.memory_space<vmem>>
          %get3A_2013 = arith.index_cast %add3A_282 : i32 to index
          %get3A_2014 = arith.constant 1536 : index
          %get3A_2015 = tpu.vector_load %get3A_2012[%get3A_2013, %get3A_2014] {strides = array<i32>} : memref<8x2048xf32, #tpu.memory_space<vmem>>, vector<1x16xf32>,
          %get3A_2016 = vector.shape_cast %get3A_2015 : vector<1x16xf32> to vector<1x16xf32>
          %add3A_2017 = arith.addf %get3A_2016, %get3A_2016 : vector<1x16xf32>
          %swap3A_2018 = arith.constant 0 : i32
          %swap3A_2019 = arith.constant 0 : i32
          %swap3A_2020 = tpu.memref_slice %run_scoped3A_8[%rem3A_201, %swap3A_2018, %swap3A_2019] : memref<2x8x2048xf32, #tpu.memory_space<vmem>> -> memref<1x8x2048xf32, #tpu.memory_space<vmem>>
          %swap3A_2021 = tpu.memref_squeeze %swap3A_2020 : memref<1x8x2048xf32, #tpu.memory_space<vmem>> -> memref<8x2048xf32, #tpu.memory_space<vmem>>
          %swap3A_2022 = arith.index_cast %add3A_282 : i32 to index
          %swap3A_2023 = arith.constant 1536 : index
          %swap3A_2024 = tpu.vector_load %swap3A_2021[%swap3A_2022, %swap3A_2023] {strides = array<i32>} : memref<8x2048xf32, #tpu.memory_space<vmem>>, vector<1x16xf32>,
          %swap3A_2025 = vector.shape_cast %swap3A_2024 : vector<1x16xf32> to vector<1x16xf32>
          %swap3A_2026 = vector.shape_cast %add3A_2017 : vector<1x16xf32> to vector<1x16xf32>
          tpu.vector_store %swap3A_2021[%swap3A_2022, %swap3A_2023], %swap3A_2026 {strides = array<i32>} : memref<8x2048xf32, #tpu.memory_space<vmem>>, vector<1x16xf32>,
          %get3A_2027 = arith.constant 0 : i32
          %get3A_2028 = arith.constant 0 : i32
          %get3A_2029 = tpu.memref_slice %run_scoped3A[%rem3A_199, %get3A_2027, %get3A_2028] : memref<2x8x2048xf32, #tpu.memory_space<vmem>> -> memref<1x8x2048xf32, #tpu.memory_space<vmem>>
          %get3A_2030 = tpu.memref_squeeze %get3A_2029 : memref<1x8x2048xf32, #tpu.memory_space<vmem>> -> memref<8x2048xf32, #tpu.memory_space<vmem>>
          %get3A_2031 = arith.index_cast %add3A_282 : i32 to index
          %get3A_2032 = arith.constant 1552 : index
          %get3A_2033 = tpu.vector_load %get3A_2030[%get3A_2031, %get3A_2032] {strides = array<i32>} : memref<8x2048xf32, #tpu.memory_space<vmem>>, vector<1x16xf32>,
          %get3A_2034 = vector.shape_cast %get3A_2033 : vector<1x16xf32> to vector<1x16xf32>
          %add3A_2035 = arith.addf %get3A_2034, %get3A_2034 : vector<1x16xf32>
          %swap3A_2036 = arith.constant 0 : i32
          %swap3A_2037 = arith.constant 0 : i32
          %swap3A_2038 = tpu.memref_slice %run_scoped3A_8[%rem3A_201, %swap3A_2036, %swap3A_2037] : memref<2x8x2048xf32, #tpu.memory_space<vmem>> -> memref<1x8x2048xf32, #tpu.memory_space<vmem>>
          %swap3A_2039 = tpu.memref_squeeze %swap3A_2038 : memref<1x8x2048xf32, #tpu.memory_space<vmem>> -> memref<8x2048xf32, #tpu.memory_space<vmem>>
          %swap3A_2040 = arith.index_cast %add3A_282 : i32 to index
          %swap3A_2041 = arith.constant 1552 : index
          %swap3A_2042 = tpu.vector_load %swap3A_2039[%swap3A_2040, %swap3A_2041] {strides = array<i32>} : memref<8x2048xf32, #tpu.memory_space<vmem>>, vector<1x16xf32>,
          %swap3A_2043 = vector.shape_cast %swap3A_2042 : vector<1x16xf32> to vector<1x16xf32>
          %swap3A_2044 = vector.shape_cast %add3A_2035 : vector<1x16xf32> to vector<1x16xf32>
          tpu.vector_store %swap3A_2039[%swap3A_2040, %swap3A_2041], %swap3A_2044 {strides = array<i32>} : memref<8x2048xf32, #tpu.memory_space<vmem>>, vector<1x16xf32>,
          %get3A_2045 = arith.constant 0 : i32
          %get3A_2046 = arith.constant 0 : i32
          %get3A_2047 = tpu.memref_slice %run_scoped3A[%rem3A_199, %get3A_2045, %get3A_2046] : memref<2x8x2048xf32, #tpu.memory_space<vmem>> -> memref<1x8x2048xf32, #tpu.memory_space<vmem>>
          %get3A_2048 = tpu.memref_squeeze %get3A_2047 : memref<1x8x2048xf32, #tpu.memory_space<vmem>> -> memref<8x2048xf32, #tpu.memory_space<vmem>>
          %get3A_2049 = arith.index_cast %add3A_282 : i32 to index
          %get3A_2050 = arith.constant 1568 : index
          %get3A_2051 = tpu.vector_load %get3A_2048[%get3A_2049, %get3A_2050] {strides = array<i32>} : memref<8x2048xf32, #tpu.memory_space<vmem>>, vector<1x16xf32>,
          %get3A_2052 = vector.shape_cast %get3A_2051 : vector<1x16xf32> to vector<1x16xf32>
          %add3A_2053 = arith.addf %get3A_2052, %get3A_2052 : vector<1x16xf32>
          %swap3A_2054 = arith.constant 0 : i32
          %swap3A_2055 = arith.constant 0 : i32
          %swap3A_2056 = tpu.memref_slice %run_scoped3A_8[%rem3A_201, %swap3A_2054, %swap3A_2055] : memref<2x8x2048xf32, #tpu.memory_space<vmem>> -> memref<1x8x2048xf32, #tpu.memory_space<vmem>>
          %swap3A_2057 = tpu.memref_squeeze %swap3A_2056 : memref<1x8x2048xf32, #tpu.memory_space<vmem>> -> memref<8x2048xf32, #tpu.memory_space<vmem>>
          %swap3A_2058 = arith.index_cast %add3A_282 : i32 to index
          %swap3A_2059 = arith.constant 1568 : index
          %swap3A_2060 = tpu.vector_load %swap3A_2057[%swap3A_2058, %swap3A_2059] {strides = array<i32>} : memref<8x2048xf32, #tpu.memory_space<vmem>>, vector<1x16xf32>,
          %swap3A_2061 = vector.shape_cast %swap3A_2060 : vector<1x16xf32> to vector<1x16xf32>
          %swap3A_2062 = vector.shape_cast %add3A_2053 : vector<1x16xf32> to vector<1x16xf32>
          tpu.vector_store %swap3A_2057[%swap3A_2058, %swap3A_2059], %swap3A_2062 {strides = array<i32>} : memref<8x2048xf32, #tpu.memory_space<vmem>>, vector<1x16xf32>,
          %get3A_2063 = arith.constant 0 : i32
          %get3A_2064 = arith.constant 0 : i32
          %get3A_2065 = tpu.memref_slice %run_scoped3A[%rem3A_199, %get3A_2063, %get3A_2064] : memref<2x8x2048xf32, #tpu.memory_space<vmem>> -> memref<1x8x2048xf32, #tpu.memory_space<vmem>>
          %get3A_2066 = tpu.memref_squeeze %get3A_2065 : memref<1x8x2048xf32, #tpu.memory_space<vmem>> -> memref<8x2048xf32, #tpu.memory_space<vmem>>
          %get3A_2067 = arith.index_cast %add3A_282 : i32 to index
          %get3A_2068 = arith.constant 1584 : index
          %get3A_2069 = tpu.vector_load %get3A_2066[%get3A_2067, %get3A_2068] {strides = array<i32>} : memref<8x2048xf32, #tpu.memory_space<vmem>>, vector<1x16xf32>,
          %get3A_2070 = vector.shape_cast %get3A_2069 : vector<1x16xf32> to vector<1x16xf32>
          %add3A_2071 = arith.addf %get3A_2070, %get3A_2070 : vector<1x16xf32>
          %swap3A_2072 = arith.constant 0 : i32
          %swap3A_2073 = arith.constant 0 : i32
          %swap3A_2074 = tpu.memref_slice %run_scoped3A_8[%rem3A_201, %swap3A_2072, %swap3A_2073] : memref<2x8x2048xf32, #tpu.memory_space<vmem>> -> memref<1x8x2048xf32, #tpu.memory_space<vmem>>
          %swap3A_2075 = tpu.memref_squeeze %swap3A_2074 : memref<1x8x2048xf32, #tpu.memory_space<vmem>> -> memref<8x2048xf32, #tpu.memory_space<vmem>>
          %swap3A_2076 = arith.index_cast %add3A_282 : i32 to index
          %swap3A_2077 = arith.constant 1584 : index
          %swap3A_2078 = tpu.vector_load %swap3A_2075[%swap3A_2076, %swap3A_2077] {strides = array<i32>} : memref<8x2048xf32, #tpu.memory_space<vmem>>, vector<1x16xf32>,
          %swap3A_2079 = vector.shape_cast %swap3A_2078 : vector<1x16xf32> to vector<1x16xf32>
          %swap3A_2080 = vector.shape_cast %add3A_2071 : vector<1x16xf32> to vector<1x16xf32>
          tpu.vector_store %swap3A_2075[%swap3A_2076, %swap3A_2077], %swap3A_2080 {strides = array<i32>} : memref<8x2048xf32, #tpu.memory_space<vmem>>, vector<1x16xf32>,
          %get3A_2081 = arith.constant 0 : i32
          %get3A_2082 = arith.constant 0 : i32
          %get3A_2083 = tpu.memref_slice %run_scoped3A[%rem3A_199, %get3A_2081, %get3A_2082] : memref<2x8x2048xf32, #tpu.memory_space<vmem>> -> memref<1x8x2048xf32, #tpu.memory_space<vmem>>
          %get3A_2084 = tpu.memref_squeeze %get3A_2083 : memref<1x8x2048xf32, #tpu.memory_space<vmem>> -> memref<8x2048xf32, #tpu.memory_space<vmem>>
          %get3A_2085 = arith.index_cast %add3A_282 : i32 to index
          %get3A_2086 = arith.constant 1600 : index
          %get3A_2087 = tpu.vector_load %get3A_2084[%get3A_2085, %get3A_2086] {strides = array<i32>} : memref<8x2048xf32, #tpu.memory_space<vmem>>, vector<1x16xf32>,
          %get3A_2088 = vector.shape_cast %get3A_2087 : vector<1x16xf32> to vector<1x16xf32>
          %add3A_2089 = arith.addf %get3A_2088, %get3A_2088 : vector<1x16xf32>
          %swap3A_2090 = arith.constant 0 : i32
          %swap3A_2091 = arith.constant 0 : i32
          %swap3A_2092 = tpu.memref_slice %run_scoped3A_8[%rem3A_201, %swap3A_2090, %swap3A_2091] : memref<2x8x2048xf32, #tpu.memory_space<vmem>> -> memref<1x8x2048xf32, #tpu.memory_space<vmem>>
          %swap3A_2093 = tpu.memref_squeeze %swap3A_2092 : memref<1x8x2048xf32, #tpu.memory_space<vmem>> -> memref<8x2048xf32, #tpu.memory_space<vmem>>
          %swap3A_2094 = arith.index_cast %add3A_282 : i32 to index
          %swap3A_2095 = arith.constant 1600 : index
          %swap3A_2096 = tpu.vector_load %swap3A_2093[%swap3A_2094, %swap3A_2095] {strides = array<i32>} : memref<8x2048xf32, #tpu.memory_space<vmem>>, vector<1x16xf32>,
          %swap3A_2097 = vector.shape_cast %swap3A_2096 : vector<1x16xf32> to vector<1x16xf32>
          %swap3A_2098 = vector.shape_cast %add3A_2089 : vector<1x16xf32> to vector<1x16xf32>
          tpu.vector_store %swap3A_2093[%swap3A_2094, %swap3A_2095], %swap3A_2098 {strides = array<i32>} : memref<8x2048xf32, #tpu.memory_space<vmem>>, vector<1x16xf32>,
          %get3A_2099 = arith.constant 0 : i32
          %get3A_2100 = arith.constant 0 : i32
          %get3A_2101 = tpu.memref_slice %run_scoped3A[%rem3A_199, %get3A_2099, %get3A_2100] : memref<2x8x2048xf32, #tpu.memory_space<vmem>> -> memref<1x8x2048xf32, #tpu.memory_space<vmem>>
          %get3A_2102 = tpu.memref_squeeze %get3A_2101 : memref<1x8x2048xf32, #tpu.memory_space<vmem>> -> memref<8x2048xf32, #tpu.memory_space<vmem>>
          %get3A_2103 = arith.index_cast %add3A_282 : i32 to index
          %get3A_2104 = arith.constant 1616 : index
          %get3A_2105 = tpu.vector_load %get3A_2102[%get3A_2103, %get3A_2104] {strides = array<i32>} : memref<8x2048xf32, #tpu.memory_space<vmem>>, vector<1x16xf32>,
          %get3A_2106 = vector.shape_cast %get3A_2105 : vector<1x16xf32> to vector<1x16xf32>
          %add3A_2107 = arith.addf %get3A_2106, %get3A_2106 : vector<1x16xf32>
          %swap3A_2108 = arith.constant 0 : i32
          %swap3A_2109 = arith.constant 0 : i32
          %swap3A_2110 = tpu.memref_slice %run_scoped3A_8[%rem3A_201, %swap3A_2108, %swap3A_2109] : memref<2x8x2048xf32, #tpu.memory_space<vmem>> -> memref<1x8x2048xf32, #tpu.memory_space<vmem>>
          %swap3A_2111 = tpu.memref_squeeze %swap3A_2110 : memref<1x8x2048xf32, #tpu.memory_space<vmem>> -> memref<8x2048xf32, #tpu.memory_space<vmem>>
          %swap3A_2112 = arith.index_cast %add3A_282 : i32 to index
          %swap3A_2113 = arith.constant 1616 : index
          %swap3A_2114 = tpu.vector_load %swap3A_2111[%swap3A_2112, %swap3A_2113] {strides = array<i32>} : memref<8x2048xf32, #tpu.memory_space<vmem>>, vector<1x16xf32>,
          %swap3A_2115 = vector.shape_cast %swap3A_2114 : vector<1x16xf32> to vector<1x16xf32>
          %swap3A_2116 = vector.shape_cast %add3A_2107 : vector<1x16xf32> to vector<1x16xf32>
          tpu.vector_store %swap3A_2111[%swap3A_2112, %swap3A_2113], %swap3A_2116 {strides = array<i32>} : memref<8x2048xf32, #tpu.memory_space<vmem>>, vector<1x16xf32>,
          %get3A_2117 = arith.constant 0 : i32
          %get3A_2118 = arith.constant 0 : i32
          %get3A_2119 = tpu.memref_slice %run_scoped3A[%rem3A_199, %get3A_2117, %get3A_2118] : memref<2x8x2048xf32, #tpu.memory_space<vmem>> -> memref<1x8x2048xf32, #tpu.memory_space<vmem>>
          %get3A_2120 = tpu.memref_squeeze %get3A_2119 : memref<1x8x2048xf32, #tpu.memory_space<vmem>> -> memref<8x2048xf32, #tpu.memory_space<vmem>>
          %get3A_2121 = arith.index_cast %add3A_282 : i32 to index
          %get3A_2122 = arith.constant 1632 : index
          %get3A_2123 = tpu.vector_load %get3A_2120[%get3A_2121, %get3A_2122] {strides = array<i32>} : memref<8x2048xf32, #tpu.memory_space<vmem>>, vector<1x16xf32>,
          %get3A_2124 = vector.shape_cast %get3A_2123 : vector<1x16xf32> to vector<1x16xf32>
          %add3A_2125 = arith.addf %get3A_2124, %get3A_2124 : vector<1x16xf32>
          %swap3A_2126 = arith.constant 0 : i32
          %swap3A_2127 = arith.constant 0 : i32
          %swap3A_2128 = tpu.memref_slice %run_scoped3A_8[%rem3A_201, %swap3A_2126, %swap3A_2127] : memref<2x8x2048xf32, #tpu.memory_space<vmem>> -> memref<1x8x2048xf32, #tpu.memory_space<vmem>>
          %swap3A_2129 = tpu.memref_squeeze %swap3A_2128 : memref<1x8x2048xf32, #tpu.memory_space<vmem>> -> memref<8x2048xf32, #tpu.memory_space<vmem>>
          %swap3A_2130 = arith.index_cast %add3A_282 : i32 to index
          %swap3A_2131 = arith.constant 1632 : index
          %swap3A_2132 = tpu.vector_load %swap3A_2129[%swap3A_2130, %swap3A_2131] {strides = array<i32>} : memref<8x2048xf32, #tpu.memory_space<vmem>>, vector<1x16xf32>,
          %swap3A_2133 = vector.shape_cast %swap3A_2132 : vector<1x16xf32> to vector<1x16xf32>
          %swap3A_2134 = vector.shape_cast %add3A_2125 : vector<1x16xf32> to vector<1x16xf32>
          tpu.vector_store %swap3A_2129[%swap3A_2130, %swap3A_2131], %swap3A_2134 {strides = array<i32>} : memref<8x2048xf32, #tpu.memory_space<vmem>>, vector<1x16xf32>,
          %get3A_2135 = arith.constant 0 : i32
          %get3A_2136 = arith.constant 0 : i32
          %get3A_2137 = tpu.memref_slice %run_scoped3A[%rem3A_199, %get3A_2135, %get3A_2136] : memref<2x8x2048xf32, #tpu.memory_space<vmem>> -> memref<1x8x2048xf32, #tpu.memory_space<vmem>>
          %get3A_2138 = tpu.memref_squeeze %get3A_2137 : memref<1x8x2048xf32, #tpu.memory_space<vmem>> -> memref<8x2048xf32, #tpu.memory_space<vmem>>
          %get3A_2139 = arith.index_cast %add3A_282 : i32 to index
          %get3A_2140 = arith.constant 1648 : index
          %get3A_2141 = tpu.vector_load %get3A_2138[%get3A_2139, %get3A_2140] {strides = array<i32>} : memref<8x2048xf32, #tpu.memory_space<vmem>>, vector<1x16xf32>,
          %get3A_2142 = vector.shape_cast %get3A_2141 : vector<1x16xf32> to vector<1x16xf32>
          %add3A_2143 = arith.addf %get3A_2142, %get3A_2142 : vector<1x16xf32>
          %swap3A_2144 = arith.constant 0 : i32
          %swap3A_2145 = arith.constant 0 : i32
          %swap3A_2146 = tpu.memref_slice %run_scoped3A_8[%rem3A_201, %swap3A_2144, %swap3A_2145] : memref<2x8x2048xf32, #tpu.memory_space<vmem>> -> memref<1x8x2048xf32, #tpu.memory_space<vmem>>
          %swap3A_2147 = tpu.memref_squeeze %swap3A_2146 : memref<1x8x2048xf32, #tpu.memory_space<vmem>> -> memref<8x2048xf32, #tpu.memory_space<vmem>>
          %swap3A_2148 = arith.index_cast %add3A_282 : i32 to index
          %swap3A_2149 = arith.constant 1648 : index
          %swap3A_2150 = tpu.vector_load %swap3A_2147[%swap3A_2148, %swap3A_2149] {strides = array<i32>} : memref<8x2048xf32, #tpu.memory_space<vmem>>, vector<1x16xf32>,
          %swap3A_2151 = vector.shape_cast %swap3A_2150 : vector<1x16xf32> to vector<1x16xf32>
          %swap3A_2152 = vector.shape_cast %add3A_2143 : vector<1x16xf32> to vector<1x16xf32>
          tpu.vector_store %swap3A_2147[%swap3A_2148, %swap3A_2149], %swap3A_2152 {strides = array<i32>} : memref<8x2048xf32, #tpu.memory_space<vmem>>, vector<1x16xf32>,
          %get3A_2153 = arith.constant 0 : i32
          %get3A_2154 = arith.constant 0 : i32
          %get3A_2155 = tpu.memref_slice %run_scoped3A[%rem3A_199, %get3A_2153, %get3A_2154] : memref<2x8x2048xf32, #tpu.memory_space<vmem>> -> memref<1x8x2048xf32, #tpu.memory_space<vmem>>
          %get3A_2156 = tpu.memref_squeeze %get3A_2155 : memref<1x8x2048xf32, #tpu.memory_space<vmem>> -> memref<8x2048xf32, #tpu.memory_space<vmem>>
          %get3A_2157 = arith.index_cast %add3A_282 : i32 to index
          %get3A_2158 = arith.constant 1664 : index
          %get3A_2159 = tpu.vector_load %get3A_2156[%get3A_2157, %get3A_2158] {strides = array<i32>} : memref<8x2048xf32, #tpu.memory_space<vmem>>, vector<1x16xf32>,
          %get3A_2160 = vector.shape_cast %get3A_2159 : vector<1x16xf32> to vector<1x16xf32>
          %add3A_2161 = arith.addf %get3A_2160, %get3A_2160 : vector<1x16xf32>
          %swap3A_2162 = arith.constant 0 : i32
          %swap3A_2163 = arith.constant 0 : i32
          %swap3A_2164 = tpu.memref_slice %run_scoped3A_8[%rem3A_201, %swap3A_2162, %swap3A_2163] : memref<2x8x2048xf32, #tpu.memory_space<vmem>> -> memref<1x8x2048xf32, #tpu.memory_space<vmem>>
          %swap3A_2165 = tpu.memref_squeeze %swap3A_2164 : memref<1x8x2048xf32, #tpu.memory_space<vmem>> -> memref<8x2048xf32, #tpu.memory_space<vmem>>
          %swap3A_2166 = arith.index_cast %add3A_282 : i32 to index
          %swap3A_2167 = arith.constant 1664 : index
          %swap3A_2168 = tpu.vector_load %swap3A_2165[%swap3A_2166, %swap3A_2167] {strides = array<i32>} : memref<8x2048xf32, #tpu.memory_space<vmem>>, vector<1x16xf32>,
          %swap3A_2169 = vector.shape_cast %swap3A_2168 : vector<1x16xf32> to vector<1x16xf32>
          %swap3A_2170 = vector.shape_cast %add3A_2161 : vector<1x16xf32> to vector<1x16xf32>
          tpu.vector_store %swap3A_2165[%swap3A_2166, %swap3A_2167], %swap3A_2170 {strides = array<i32>} : memref<8x2048xf32, #tpu.memory_space<vmem>>, vector<1x16xf32>,
          %get3A_2171 = arith.constant 0 : i32
          %get3A_2172 = arith.constant 0 : i32
          %get3A_2173 = tpu.memref_slice %run_scoped3A[%rem3A_199, %get3A_2171, %get3A_2172] : memref<2x8x2048xf32, #tpu.memory_space<vmem>> -> memref<1x8x2048xf32, #tpu.memory_space<vmem>>
          %get3A_2174 = tpu.memref_squeeze %get3A_2173 : memref<1x8x2048xf32, #tpu.memory_space<vmem>> -> memref<8x2048xf32, #tpu.memory_space<vmem>>
          %get3A_2175 = arith.index_cast %add3A_282 : i32 to index
          %get3A_2176 = arith.constant 1680 : index
          %get3A_2177 = tpu.vector_load %get3A_2174[%get3A_2175, %get3A_2176] {strides = array<i32>} : memref<8x2048xf32, #tpu.memory_space<vmem>>, vector<1x16xf32>,
          %get3A_2178 = vector.shape_cast %get3A_2177 : vector<1x16xf32> to vector<1x16xf32>
          %add3A_2179 = arith.addf %get3A_2178, %get3A_2178 : vector<1x16xf32>
          %swap3A_2180 = arith.constant 0 : i32
          %swap3A_2181 = arith.constant 0 : i32
          %swap3A_2182 = tpu.memref_slice %run_scoped3A_8[%rem3A_201, %swap3A_2180, %swap3A_2181] : memref<2x8x2048xf32, #tpu.memory_space<vmem>> -> memref<1x8x2048xf32, #tpu.memory_space<vmem>>
          %swap3A_2183 = tpu.memref_squeeze %swap3A_2182 : memref<1x8x2048xf32, #tpu.memory_space<vmem>> -> memref<8x2048xf32, #tpu.memory_space<vmem>>
          %swap3A_2184 = arith.index_cast %add3A_282 : i32 to index
          %swap3A_2185 = arith.constant 1680 : index
          %swap3A_2186 = tpu.vector_load %swap3A_2183[%swap3A_2184, %swap3A_2185] {strides = array<i32>} : memref<8x2048xf32, #tpu.memory_space<vmem>>, vector<1x16xf32>,
          %swap3A_2187 = vector.shape_cast %swap3A_2186 : vector<1x16xf32> to vector<1x16xf32>
          %swap3A_2188 = vector.shape_cast %add3A_2179 : vector<1x16xf32> to vector<1x16xf32>
          tpu.vector_store %swap3A_2183[%swap3A_2184, %swap3A_2185], %swap3A_2188 {strides = array<i32>} : memref<8x2048xf32, #tpu.memory_space<vmem>>, vector<1x16xf32>,
          %get3A_2189 = arith.constant 0 : i32
          %get3A_2190 = arith.constant 0 : i32
          %get3A_2191 = tpu.memref_slice %run_scoped3A[%rem3A_199, %get3A_2189, %get3A_2190] : memref<2x8x2048xf32, #tpu.memory_space<vmem>> -> memref<1x8x2048xf32, #tpu.memory_space<vmem>>
          %get3A_2192 = tpu.memref_squeeze %get3A_2191 : memref<1x8x2048xf32, #tpu.memory_space<vmem>> -> memref<8x2048xf32, #tpu.memory_space<vmem>>
          %get3A_2193 = arith.index_cast %add3A_282 : i32 to index
          %get3A_2194 = arith.constant 1696 : index
          %get3A_2195 = tpu.vector_load %get3A_2192[%get3A_2193, %get3A_2194] {strides = array<i32>} : memref<8x2048xf32, #tpu.memory_space<vmem>>, vector<1x16xf32>,
          %get3A_2196 = vector.shape_cast %get3A_2195 : vector<1x16xf32> to vector<1x16xf32>
          %add3A_2197 = arith.addf %get3A_2196, %get3A_2196 : vector<1x16xf32>
          %swap3A_2198 = arith.constant 0 : i32
          %swap3A_2199 = arith.constant 0 : i32
          %swap3A_2200 = tpu.memref_slice %run_scoped3A_8[%rem3A_201, %swap3A_2198, %swap3A_2199] : memref<2x8x2048xf32, #tpu.memory_space<vmem>> -> memref<1x8x2048xf32, #tpu.memory_space<vmem>>
          %swap3A_2201 = tpu.memref_squeeze %swap3A_2200 : memref<1x8x2048xf32, #tpu.memory_space<vmem>> -> memref<8x2048xf32, #tpu.memory_space<vmem>>
          %swap3A_2202 = arith.index_cast %add3A_282 : i32 to index
          %swap3A_2203 = arith.constant 1696 : index
          %swap3A_2204 = tpu.vector_load %swap3A_2201[%swap3A_2202, %swap3A_2203] {strides = array<i32>} : memref<8x2048xf32, #tpu.memory_space<vmem>>, vector<1x16xf32>,
          %swap3A_2205 = vector.shape_cast %swap3A_2204 : vector<1x16xf32> to vector<1x16xf32>
          %swap3A_2206 = vector.shape_cast %add3A_2197 : vector<1x16xf32> to vector<1x16xf32>
          tpu.vector_store %swap3A_2201[%swap3A_2202, %swap3A_2203], %swap3A_2206 {strides = array<i32>} : memref<8x2048xf32, #tpu.memory_space<vmem>>, vector<1x16xf32>,
          %get3A_2207 = arith.constant 0 : i32
          %get3A_2208 = arith.constant 0 : i32
          %get3A_2209 = tpu.memref_slice %run_scoped3A[%rem3A_199, %get3A_2207, %get3A_2208] : memref<2x8x2048xf32, #tpu.memory_space<vmem>> -> memref<1x8x2048xf32, #tpu.memory_space<vmem>>
          %get3A_2210 = tpu.memref_squeeze %get3A_2209 : memref<1x8x2048xf32, #tpu.memory_space<vmem>> -> memref<8x2048xf32, #tpu.memory_space<vmem>>
          %get3A_2211 = arith.index_cast %add3A_282 : i32 to index
          %get3A_2212 = arith.constant 1712 : index
          %get3A_2213 = tpu.vector_load %get3A_2210[%get3A_2211, %get3A_2212] {strides = array<i32>} : memref<8x2048xf32, #tpu.memory_space<vmem>>, vector<1x16xf32>,
          %get3A_2214 = vector.shape_cast %get3A_2213 : vector<1x16xf32> to vector<1x16xf32>
          %add3A_2215 = arith.addf %get3A_2214, %get3A_2214 : vector<1x16xf32>
          %swap3A_2216 = arith.constant 0 : i32
          %swap3A_2217 = arith.constant 0 : i32
          %swap3A_2218 = tpu.memref_slice %run_scoped3A_8[%rem3A_201, %swap3A_2216, %swap3A_2217] : memref<2x8x2048xf32, #tpu.memory_space<vmem>> -> memref<1x8x2048xf32, #tpu.memory_space<vmem>>
          %swap3A_2219 = tpu.memref_squeeze %swap3A_2218 : memref<1x8x2048xf32, #tpu.memory_space<vmem>> -> memref<8x2048xf32, #tpu.memory_space<vmem>>
          %swap3A_2220 = arith.index_cast %add3A_282 : i32 to index
          %swap3A_2221 = arith.constant 1712 : index
          %swap3A_2222 = tpu.vector_load %swap3A_2219[%swap3A_2220, %swap3A_2221] {strides = array<i32>} : memref<8x2048xf32, #tpu.memory_space<vmem>>, vector<1x16xf32>,
          %swap3A_2223 = vector.shape_cast %swap3A_2222 : vector<1x16xf32> to vector<1x16xf32>
          %swap3A_2224 = vector.shape_cast %add3A_2215 : vector<1x16xf32> to vector<1x16xf32>
          tpu.vector_store %swap3A_2219[%swap3A_2220, %swap3A_2221], %swap3A_2224 {strides = array<i32>} : memref<8x2048xf32, #tpu.memory_space<vmem>>, vector<1x16xf32>,
          %get3A_2225 = arith.constant 0 : i32
          %get3A_2226 = arith.constant 0 : i32
          %get3A_2227 = tpu.memref_slice %run_scoped3A[%rem3A_199, %get3A_2225, %get3A_2226] : memref<2x8x2048xf32, #tpu.memory_space<vmem>> -> memref<1x8x2048xf32, #tpu.memory_space<vmem>>
          %get3A_2228 = tpu.memref_squeeze %get3A_2227 : memref<1x8x2048xf32, #tpu.memory_space<vmem>> -> memref<8x2048xf32, #tpu.memory_space<vmem>>
          %get3A_2229 = arith.index_cast %add3A_282 : i32 to index
          %get3A_2230 = arith.constant 1728 : index
          %get3A_2231 = tpu.vector_load %get3A_2228[%get3A_2229, %get3A_2230] {strides = array<i32>} : memref<8x2048xf32, #tpu.memory_space<vmem>>, vector<1x16xf32>,
          %get3A_2232 = vector.shape_cast %get3A_2231 : vector<1x16xf32> to vector<1x16xf32>
          %add3A_2233 = arith.addf %get3A_2232, %get3A_2232 : vector<1x16xf32>
          %swap3A_2234 = arith.constant 0 : i32
          %swap3A_2235 = arith.constant 0 : i32
          %swap3A_2236 = tpu.memref_slice %run_scoped3A_8[%rem3A_201, %swap3A_2234, %swap3A_2235] : memref<2x8x2048xf32, #tpu.memory_space<vmem>> -> memref<1x8x2048xf32, #tpu.memory_space<vmem>>
          %swap3A_2237 = tpu.memref_squeeze %swap3A_2236 : memref<1x8x2048xf32, #tpu.memory_space<vmem>> -> memref<8x2048xf32, #tpu.memory_space<vmem>>
          %swap3A_2238 = arith.index_cast %add3A_282 : i32 to index
          %swap3A_2239 = arith.constant 1728 : index
          %swap3A_2240 = tpu.vector_load %swap3A_2237[%swap3A_2238, %swap3A_2239] {strides = array<i32>} : memref<8x2048xf32, #tpu.memory_space<vmem>>, vector<1x16xf32>,
          %swap3A_2241 = vector.shape_cast %swap3A_2240 : vector<1x16xf32> to vector<1x16xf32>
          %swap3A_2242 = vector.shape_cast %add3A_2233 : vector<1x16xf32> to vector<1x16xf32>
          tpu.vector_store %swap3A_2237[%swap3A_2238, %swap3A_2239], %swap3A_2242 {strides = array<i32>} : memref<8x2048xf32, #tpu.memory_space<vmem>>, vector<1x16xf32>,
          %get3A_2243 = arith.constant 0 : i32
          %get3A_2244 = arith.constant 0 : i32
          %get3A_2245 = tpu.memref_slice %run_scoped3A[%rem3A_199, %get3A_2243, %get3A_2244] : memref<2x8x2048xf32, #tpu.memory_space<vmem>> -> memref<1x8x2048xf32, #tpu.memory_space<vmem>>
          %get3A_2246 = tpu.memref_squeeze %get3A_2245 : memref<1x8x2048xf32, #tpu.memory_space<vmem>> -> memref<8x2048xf32, #tpu.memory_space<vmem>>
          %get3A_2247 = arith.index_cast %add3A_282 : i32 to index
          %get3A_2248 = arith.constant 1744 : index
          %get3A_2249 = tpu.vector_load %get3A_2246[%get3A_2247, %get3A_2248] {strides = array<i32>} : memref<8x2048xf32, #tpu.memory_space<vmem>>, vector<1x16xf32>,
          %get3A_2250 = vector.shape_cast %get3A_2249 : vector<1x16xf32> to vector<1x16xf32>
          %add3A_2251 = arith.addf %get3A_2250, %get3A_2250 : vector<1x16xf32>
          %swap3A_2252 = arith.constant 0 : i32
          %swap3A_2253 = arith.constant 0 : i32
          %swap3A_2254 = tpu.memref_slice %run_scoped3A_8[%rem3A_201, %swap3A_2252, %swap3A_2253] : memref<2x8x2048xf32, #tpu.memory_space<vmem>> -> memref<1x8x2048xf32, #tpu.memory_space<vmem>>
          %swap3A_2255 = tpu.memref_squeeze %swap3A_2254 : memref<1x8x2048xf32, #tpu.memory_space<vmem>> -> memref<8x2048xf32, #tpu.memory_space<vmem>>
          %swap3A_2256 = arith.index_cast %add3A_282 : i32 to index
          %swap3A_2257 = arith.constant 1744 : index
          %swap3A_2258 = tpu.vector_load %swap3A_2255[%swap3A_2256, %swap3A_2257] {strides = array<i32>} : memref<8x2048xf32, #tpu.memory_space<vmem>>, vector<1x16xf32>,
          %swap3A_2259 = vector.shape_cast %swap3A_2258 : vector<1x16xf32> to vector<1x16xf32>
          %swap3A_2260 = vector.shape_cast %add3A_2251 : vector<1x16xf32> to vector<1x16xf32>
          tpu.vector_store %swap3A_2255[%swap3A_2256, %swap3A_2257], %swap3A_2260 {strides = array<i32>} : memref<8x2048xf32, #tpu.memory_space<vmem>>, vector<1x16xf32>,
          %get3A_2261 = arith.constant 0 : i32
          %get3A_2262 = arith.constant 0 : i32
          %get3A_2263 = tpu.memref_slice %run_scoped3A[%rem3A_199, %get3A_2261, %get3A_2262] : memref<2x8x2048xf32, #tpu.memory_space<vmem>> -> memref<1x8x2048xf32, #tpu.memory_space<vmem>>
          %get3A_2264 = tpu.memref_squeeze %get3A_2263 : memref<1x8x2048xf32, #tpu.memory_space<vmem>> -> memref<8x2048xf32, #tpu.memory_space<vmem>>
          %get3A_2265 = arith.index_cast %add3A_282 : i32 to index
          %get3A_2266 = arith.constant 1760 : index
          %get3A_2267 = tpu.vector_load %get3A_2264[%get3A_2265, %get3A_2266] {strides = array<i32>} : memref<8x2048xf32, #tpu.memory_space<vmem>>, vector<1x16xf32>,
          %get3A_2268 = vector.shape_cast %get3A_2267 : vector<1x16xf32> to vector<1x16xf32>
          %add3A_2269 = arith.addf %get3A_2268, %get3A_2268 : vector<1x16xf32>
          %swap3A_2270 = arith.constant 0 : i32
          %swap3A_2271 = arith.constant 0 : i32
          %swap3A_2272 = tpu.memref_slice %run_scoped3A_8[%rem3A_201, %swap3A_2270, %swap3A_2271] : memref<2x8x2048xf32, #tpu.memory_space<vmem>> -> memref<1x8x2048xf32, #tpu.memory_space<vmem>>
          %swap3A_2273 = tpu.memref_squeeze %swap3A_2272 : memref<1x8x2048xf32, #tpu.memory_space<vmem>> -> memref<8x2048xf32, #tpu.memory_space<vmem>>
          %swap3A_2274 = arith.index_cast %add3A_282 : i32 to index
          %swap3A_2275 = arith.constant 1760 : index
          %swap3A_2276 = tpu.vector_load %swap3A_2273[%swap3A_2274, %swap3A_2275] {strides = array<i32>} : memref<8x2048xf32, #tpu.memory_space<vmem>>, vector<1x16xf32>,
          %swap3A_2277 = vector.shape_cast %swap3A_2276 : vector<1x16xf32> to vector<1x16xf32>
          %swap3A_2278 = vector.shape_cast %add3A_2269 : vector<1x16xf32> to vector<1x16xf32>
          tpu.vector_store %swap3A_2273[%swap3A_2274, %swap3A_2275], %swap3A_2278 {strides = array<i32>} : memref<8x2048xf32, #tpu.memory_space<vmem>>, vector<1x16xf32>,
          %get3A_2279 = arith.constant 0 : i32
          %get3A_2280 = arith.constant 0 : i32
          %get3A_2281 = tpu.memref_slice %run_scoped3A[%rem3A_199, %get3A_2279, %get3A_2280] : memref<2x8x2048xf32, #tpu.memory_space<vmem>> -> memref<1x8x2048xf32, #tpu.memory_space<vmem>>
          %get3A_2282 = tpu.memref_squeeze %get3A_2281 : memref<1x8x2048xf32, #tpu.memory_space<vmem>> -> memref<8x2048xf32, #tpu.memory_space<vmem>>
          %get3A_2283 = arith.index_cast %add3A_282 : i32 to index
          %get3A_2284 = arith.constant 1776 : index
          %get3A_2285 = tpu.vector_load %get3A_2282[%get3A_2283, %get3A_2284] {strides = array<i32>} : memref<8x2048xf32, #tpu.memory_space<vmem>>, vector<1x16xf32>,
          %get3A_2286 = vector.shape_cast %get3A_2285 : vector<1x16xf32> to vector<1x16xf32>
          %add3A_2287 = arith.addf %get3A_2286, %get3A_2286 : vector<1x16xf32>
          %swap3A_2288 = arith.constant 0 : i32
          %swap3A_2289 = arith.constant 0 : i32
          %swap3A_2290 = tpu.memref_slice %run_scoped3A_8[%rem3A_201, %swap3A_2288, %swap3A_2289] : memref<2x8x2048xf32, #tpu.memory_space<vmem>> -> memref<1x8x2048xf32, #tpu.memory_space<vmem>>
          %swap3A_2291 = tpu.memref_squeeze %swap3A_2290 : memref<1x8x2048xf32, #tpu.memory_space<vmem>> -> memref<8x2048xf32, #tpu.memory_space<vmem>>
          %swap3A_2292 = arith.index_cast %add3A_282 : i32 to index
          %swap3A_2293 = arith.constant 1776 : index
          %swap3A_2294 = tpu.vector_load %swap3A_2291[%swap3A_2292, %swap3A_2293] {strides = array<i32>} : memref<8x2048xf32, #tpu.memory_space<vmem>>, vector<1x16xf32>,
          %swap3A_2295 = vector.shape_cast %swap3A_2294 : vector<1x16xf32> to vector<1x16xf32>
          %swap3A_2296 = vector.shape_cast %add3A_2287 : vector<1x16xf32> to vector<1x16xf32>
          tpu.vector_store %swap3A_2291[%swap3A_2292, %swap3A_2293], %swap3A_2296 {strides = array<i32>} : memref<8x2048xf32, #tpu.memory_space<vmem>>, vector<1x16xf32>,
          %get3A_2297 = arith.constant 0 : i32
          %get3A_2298 = arith.constant 0 : i32
          %get3A_2299 = tpu.memref_slice %run_scoped3A[%rem3A_199, %get3A_2297, %get3A_2298] : memref<2x8x2048xf32, #tpu.memory_space<vmem>> -> memref<1x8x2048xf32, #tpu.memory_space<vmem>>
          %get3A_2300 = tpu.memref_squeeze %get3A_2299 : memref<1x8x2048xf32, #tpu.memory_space<vmem>> -> memref<8x2048xf32, #tpu.memory_space<vmem>>
          %get3A_2301 = arith.index_cast %add3A_282 : i32 to index
          %get3A_2302 = arith.constant 1792 : index
          %get3A_2303 = tpu.vector_load %get3A_2300[%get3A_2301, %get3A_2302] {strides = array<i32>} : memref<8x2048xf32, #tpu.memory_space<vmem>>, vector<1x16xf32>,
          %get3A_2304 = vector.shape_cast %get3A_2303 : vector<1x16xf32> to vector<1x16xf32>
          %add3A_2305 = arith.addf %get3A_2304, %get3A_2304 : vector<1x16xf32>
          %swap3A_2306 = arith.constant 0 : i32
          %swap3A_2307 = arith.constant 0 : i32
          %swap3A_2308 = tpu.memref_slice %run_scoped3A_8[%rem3A_201, %swap3A_2306, %swap3A_2307] : memref<2x8x2048xf32, #tpu.memory_space<vmem>> -> memref<1x8x2048xf32, #tpu.memory_space<vmem>>
          %swap3A_2309 = tpu.memref_squeeze %swap3A_2308 : memref<1x8x2048xf32, #tpu.memory_space<vmem>> -> memref<8x2048xf32, #tpu.memory_space<vmem>>
          %swap3A_2310 = arith.index_cast %add3A_282 : i32 to index
          %swap3A_2311 = arith.constant 1792 : index
          %swap3A_2312 = tpu.vector_load %swap3A_2309[%swap3A_2310, %swap3A_2311] {strides = array<i32>} : memref<8x2048xf32, #tpu.memory_space<vmem>>, vector<1x16xf32>,
          %swap3A_2313 = vector.shape_cast %swap3A_2312 : vector<1x16xf32> to vector<1x16xf32>
          %swap3A_2314 = vector.shape_cast %add3A_2305 : vector<1x16xf32> to vector<1x16xf32>
          tpu.vector_store %swap3A_2309[%swap3A_2310, %swap3A_2311], %swap3A_2314 {strides = array<i32>} : memref<8x2048xf32, #tpu.memory_space<vmem>>, vector<1x16xf32>,
          %get3A_2315 = arith.constant 0 : i32
          %get3A_2316 = arith.constant 0 : i32
          %get3A_2317 = tpu.memref_slice %run_scoped3A[%rem3A_199, %get3A_2315, %get3A_2316] : memref<2x8x2048xf32, #tpu.memory_space<vmem>> -> memref<1x8x2048xf32, #tpu.memory_space<vmem>>
          %get3A_2318 = tpu.memref_squeeze %get3A_2317 : memref<1x8x2048xf32, #tpu.memory_space<vmem>> -> memref<8x2048xf32, #tpu.memory_space<vmem>>
          %get3A_2319 = arith.index_cast %add3A_282 : i32 to index
          %get3A_2320 = arith.constant 1808 : index
          %get3A_2321 = tpu.vector_load %get3A_2318[%get3A_2319, %get3A_2320] {strides = array<i32>} : memref<8x2048xf32, #tpu.memory_space<vmem>>, vector<1x16xf32>,
          %get3A_2322 = vector.shape_cast %get3A_2321 : vector<1x16xf32> to vector<1x16xf32>
          %add3A_2323 = arith.addf %get3A_2322, %get3A_2322 : vector<1x16xf32>
          %swap3A_2324 = arith.constant 0 : i32
          %swap3A_2325 = arith.constant 0 : i32
          %swap3A_2326 = tpu.memref_slice %run_scoped3A_8[%rem3A_201, %swap3A_2324, %swap3A_2325] : memref<2x8x2048xf32, #tpu.memory_space<vmem>> -> memref<1x8x2048xf32, #tpu.memory_space<vmem>>
          %swap3A_2327 = tpu.memref_squeeze %swap3A_2326 : memref<1x8x2048xf32, #tpu.memory_space<vmem>> -> memref<8x2048xf32, #tpu.memory_space<vmem>>
          %swap3A_2328 = arith.index_cast %add3A_282 : i32 to index
          %swap3A_2329 = arith.constant 1808 : index
          %swap3A_2330 = tpu.vector_load %swap3A_2327[%swap3A_2328, %swap3A_2329] {strides = array<i32>} : memref<8x2048xf32, #tpu.memory_space<vmem>>, vector<1x16xf32>,
          %swap3A_2331 = vector.shape_cast %swap3A_2330 : vector<1x16xf32> to vector<1x16xf32>
          %swap3A_2332 = vector.shape_cast %add3A_2323 : vector<1x16xf32> to vector<1x16xf32>
          tpu.vector_store %swap3A_2327[%swap3A_2328, %swap3A_2329], %swap3A_2332 {strides = array<i32>} : memref<8x2048xf32, #tpu.memory_space<vmem>>, vector<1x16xf32>,
          %get3A_2333 = arith.constant 0 : i32
          %get3A_2334 = arith.constant 0 : i32
          %get3A_2335 = tpu.memref_slice %run_scoped3A[%rem3A_199, %get3A_2333, %get3A_2334] : memref<2x8x2048xf32, #tpu.memory_space<vmem>> -> memref<1x8x2048xf32, #tpu.memory_space<vmem>>
          %get3A_2336 = tpu.memref_squeeze %get3A_2335 : memref<1x8x2048xf32, #tpu.memory_space<vmem>> -> memref<8x2048xf32, #tpu.memory_space<vmem>>
          %get3A_2337 = arith.index_cast %add3A_282 : i32 to index
          %get3A_2338 = arith.constant 1824 : index
          %get3A_2339 = tpu.vector_load %get3A_2336[%get3A_2337, %get3A_2338] {strides = array<i32>} : memref<8x2048xf32, #tpu.memory_space<vmem>>, vector<1x16xf32>,
          %get3A_2340 = vector.shape_cast %get3A_2339 : vector<1x16xf32> to vector<1x16xf32>
          %add3A_2341 = arith.addf %get3A_2340, %get3A_2340 : vector<1x16xf32>
          %swap3A_2342 = arith.constant 0 : i32
          %swap3A_2343 = arith.constant 0 : i32
          %swap3A_2344 = tpu.memref_slice %run_scoped3A_8[%rem3A_201, %swap3A_2342, %swap3A_2343] : memref<2x8x2048xf32, #tpu.memory_space<vmem>> -> memref<1x8x2048xf32, #tpu.memory_space<vmem>>
          %swap3A_2345 = tpu.memref_squeeze %swap3A_2344 : memref<1x8x2048xf32, #tpu.memory_space<vmem>> -> memref<8x2048xf32, #tpu.memory_space<vmem>>
          %swap3A_2346 = arith.index_cast %add3A_282 : i32 to index
          %swap3A_2347 = arith.constant 1824 : index
          %swap3A_2348 = tpu.vector_load %swap3A_2345[%swap3A_2346, %swap3A_2347] {strides = array<i32>} : memref<8x2048xf32, #tpu.memory_space<vmem>>, vector<1x16xf32>,
          %swap3A_2349 = vector.shape_cast %swap3A_2348 : vector<1x16xf32> to vector<1x16xf32>
          %swap3A_2350 = vector.shape_cast %add3A_2341 : vector<1x16xf32> to vector<1x16xf32>
          tpu.vector_store %swap3A_2345[%swap3A_2346, %swap3A_2347], %swap3A_2350 {strides = array<i32>} : memref<8x2048xf32, #tpu.memory_space<vmem>>, vector<1x16xf32>,
          %get3A_2351 = arith.constant 0 : i32
          %get3A_2352 = arith.constant 0 : i32
          %get3A_2353 = tpu.memref_slice %run_scoped3A[%rem3A_199, %get3A_2351, %get3A_2352] : memref<2x8x2048xf32, #tpu.memory_space<vmem>> -> memref<1x8x2048xf32, #tpu.memory_space<vmem>>
          %get3A_2354 = tpu.memref_squeeze %get3A_2353 : memref<1x8x2048xf32, #tpu.memory_space<vmem>> -> memref<8x2048xf32, #tpu.memory_space<vmem>>
          %get3A_2355 = arith.index_cast %add3A_282 : i32 to index
          %get3A_2356 = arith.constant 1840 : index
          %get3A_2357 = tpu.vector_load %get3A_2354[%get3A_2355, %get3A_2356] {strides = array<i32>} : memref<8x2048xf32, #tpu.memory_space<vmem>>, vector<1x16xf32>,
          %get3A_2358 = vector.shape_cast %get3A_2357 : vector<1x16xf32> to vector<1x16xf32>
          %add3A_2359 = arith.addf %get3A_2358, %get3A_2358 : vector<1x16xf32>
          %swap3A_2360 = arith.constant 0 : i32
          %swap3A_2361 = arith.constant 0 : i32
          %swap3A_2362 = tpu.memref_slice %run_scoped3A_8[%rem3A_201, %swap3A_2360, %swap3A_2361] : memref<2x8x2048xf32, #tpu.memory_space<vmem>> -> memref<1x8x2048xf32, #tpu.memory_space<vmem>>
          %swap3A_2363 = tpu.memref_squeeze %swap3A_2362 : memref<1x8x2048xf32, #tpu.memory_space<vmem>> -> memref<8x2048xf32, #tpu.memory_space<vmem>>
          %swap3A_2364 = arith.index_cast %add3A_282 : i32 to index
          %swap3A_2365 = arith.constant 1840 : index
          %swap3A_2366 = tpu.vector_load %swap3A_2363[%swap3A_2364, %swap3A_2365] {strides = array<i32>} : memref<8x2048xf32, #tpu.memory_space<vmem>>, vector<1x16xf32>,
          %swap3A_2367 = vector.shape_cast %swap3A_2366 : vector<1x16xf32> to vector<1x16xf32>
          %swap3A_2368 = vector.shape_cast %add3A_2359 : vector<1x16xf32> to vector<1x16xf32>
          tpu.vector_store %swap3A_2363[%swap3A_2364, %swap3A_2365], %swap3A_2368 {strides = array<i32>} : memref<8x2048xf32, #tpu.memory_space<vmem>>, vector<1x16xf32>,
          %get3A_2369 = arith.constant 0 : i32
          %get3A_2370 = arith.constant 0 : i32
          %get3A_2371 = tpu.memref_slice %run_scoped3A[%rem3A_199, %get3A_2369, %get3A_2370] : memref<2x8x2048xf32, #tpu.memory_space<vmem>> -> memref<1x8x2048xf32, #tpu.memory_space<vmem>>
          %get3A_2372 = tpu.memref_squeeze %get3A_2371 : memref<1x8x2048xf32, #tpu.memory_space<vmem>> -> memref<8x2048xf32, #tpu.memory_space<vmem>>
          %get3A_2373 = arith.index_cast %add3A_282 : i32 to index
          %get3A_2374 = arith.constant 1856 : index
          %get3A_2375 = tpu.vector_load %get3A_2372[%get3A_2373, %get3A_2374] {strides = array<i32>} : memref<8x2048xf32, #tpu.memory_space<vmem>>, vector<1x16xf32>,
          %get3A_2376 = vector.shape_cast %get3A_2375 : vector<1x16xf32> to vector<1x16xf32>
          %add3A_2377 = arith.addf %get3A_2376, %get3A_2376 : vector<1x16xf32>
          %swap3A_2378 = arith.constant 0 : i32
          %swap3A_2379 = arith.constant 0 : i32
          %swap3A_2380 = tpu.memref_slice %run_scoped3A_8[%rem3A_201, %swap3A_2378, %swap3A_2379] : memref<2x8x2048xf32, #tpu.memory_space<vmem>> -> memref<1x8x2048xf32, #tpu.memory_space<vmem>>
          %swap3A_2381 = tpu.memref_squeeze %swap3A_2380 : memref<1x8x2048xf32, #tpu.memory_space<vmem>> -> memref<8x2048xf32, #tpu.memory_space<vmem>>
          %swap3A_2382 = arith.index_cast %add3A_282 : i32 to index
          %swap3A_2383 = arith.constant 1856 : index
          %swap3A_2384 = tpu.vector_load %swap3A_2381[%swap3A_2382, %swap3A_2383] {strides = array<i32>} : memref<8x2048xf32, #tpu.memory_space<vmem>>, vector<1x16xf32>,
          %swap3A_2385 = vector.shape_cast %swap3A_2384 : vector<1x16xf32> to vector<1x16xf32>
          %swap3A_2386 = vector.shape_cast %add3A_2377 : vector<1x16xf32> to vector<1x16xf32>
          tpu.vector_store %swap3A_2381[%swap3A_2382, %swap3A_2383], %swap3A_2386 {strides = array<i32>} : memref<8x2048xf32, #tpu.memory_space<vmem>>, vector<1x16xf32>,
          %get3A_2387 = arith.constant 0 : i32
          %get3A_2388 = arith.constant 0 : i32
          %get3A_2389 = tpu.memref_slice %run_scoped3A[%rem3A_199, %get3A_2387, %get3A_2388] : memref<2x8x2048xf32, #tpu.memory_space<vmem>> -> memref<1x8x2048xf32, #tpu.memory_space<vmem>>
          %get3A_2390 = tpu.memref_squeeze %get3A_2389 : memref<1x8x2048xf32, #tpu.memory_space<vmem>> -> memref<8x2048xf32, #tpu.memory_space<vmem>>
          %get3A_2391 = arith.index_cast %add3A_282 : i32 to index
          %get3A_2392 = arith.constant 1872 : index
          %get3A_2393 = tpu.vector_load %get3A_2390[%get3A_2391, %get3A_2392] {strides = array<i32>} : memref<8x2048xf32, #tpu.memory_space<vmem>>, vector<1x16xf32>,
          %get3A_2394 = vector.shape_cast %get3A_2393 : vector<1x16xf32> to vector<1x16xf32>
          %add3A_2395 = arith.addf %get3A_2394, %get3A_2394 : vector<1x16xf32>
          %swap3A_2396 = arith.constant 0 : i32
          %swap3A_2397 = arith.constant 0 : i32
          %swap3A_2398 = tpu.memref_slice %run_scoped3A_8[%rem3A_201, %swap3A_2396, %swap3A_2397] : memref<2x8x2048xf32, #tpu.memory_space<vmem>> -> memref<1x8x2048xf32, #tpu.memory_space<vmem>>
          %swap3A_2399 = tpu.memref_squeeze %swap3A_2398 : memref<1x8x2048xf32, #tpu.memory_space<vmem>> -> memref<8x2048xf32, #tpu.memory_space<vmem>>
          %swap3A_2400 = arith.index_cast %add3A_282 : i32 to index
          %swap3A_2401 = arith.constant 1872 : index
          %swap3A_2402 = tpu.vector_load %swap3A_2399[%swap3A_2400, %swap3A_2401] {strides = array<i32>} : memref<8x2048xf32, #tpu.memory_space<vmem>>, vector<1x16xf32>,
          %swap3A_2403 = vector.shape_cast %swap3A_2402 : vector<1x16xf32> to vector<1x16xf32>
          %swap3A_2404 = vector.shape_cast %add3A_2395 : vector<1x16xf32> to vector<1x16xf32>
          tpu.vector_store %swap3A_2399[%swap3A_2400, %swap3A_2401], %swap3A_2404 {strides = array<i32>} : memref<8x2048xf32, #tpu.memory_space<vmem>>, vector<1x16xf32>,
          %get3A_2405 = arith.constant 0 : i32
          %get3A_2406 = arith.constant 0 : i32
          %get3A_2407 = tpu.memref_slice %run_scoped3A[%rem3A_199, %get3A_2405, %get3A_2406] : memref<2x8x2048xf32, #tpu.memory_space<vmem>> -> memref<1x8x2048xf32, #tpu.memory_space<vmem>>
          %get3A_2408 = tpu.memref_squeeze %get3A_2407 : memref<1x8x2048xf32, #tpu.memory_space<vmem>> -> memref<8x2048xf32, #tpu.memory_space<vmem>>
          %get3A_2409 = arith.index_cast %add3A_282 : i32 to index
          %get3A_2410 = arith.constant 1888 : index
          %get3A_2411 = tpu.vector_load %get3A_2408[%get3A_2409, %get3A_2410] {strides = array<i32>} : memref<8x2048xf32, #tpu.memory_space<vmem>>, vector<1x16xf32>,
          %get3A_2412 = vector.shape_cast %get3A_2411 : vector<1x16xf32> to vector<1x16xf32>
          %add3A_2413 = arith.addf %get3A_2412, %get3A_2412 : vector<1x16xf32>
          %swap3A_2414 = arith.constant 0 : i32
          %swap3A_2415 = arith.constant 0 : i32
          %swap3A_2416 = tpu.memref_slice %run_scoped3A_8[%rem3A_201, %swap3A_2414, %swap3A_2415] : memref<2x8x2048xf32, #tpu.memory_space<vmem>> -> memref<1x8x2048xf32, #tpu.memory_space<vmem>>
          %swap3A_2417 = tpu.memref_squeeze %swap3A_2416 : memref<1x8x2048xf32, #tpu.memory_space<vmem>> -> memref<8x2048xf32, #tpu.memory_space<vmem>>
          %swap3A_2418 = arith.index_cast %add3A_282 : i32 to index
          %swap3A_2419 = arith.constant 1888 : index
          %swap3A_2420 = tpu.vector_load %swap3A_2417[%swap3A_2418, %swap3A_2419] {strides = array<i32>} : memref<8x2048xf32, #tpu.memory_space<vmem>>, vector<1x16xf32>,
          %swap3A_2421 = vector.shape_cast %swap3A_2420 : vector<1x16xf32> to vector<1x16xf32>
          %swap3A_2422 = vector.shape_cast %add3A_2413 : vector<1x16xf32> to vector<1x16xf32>
          tpu.vector_store %swap3A_2417[%swap3A_2418, %swap3A_2419], %swap3A_2422 {strides = array<i32>} : memref<8x2048xf32, #tpu.memory_space<vmem>>, vector<1x16xf32>,
          %get3A_2423 = arith.constant 0 : i32
          %get3A_2424 = arith.constant 0 : i32
          %get3A_2425 = tpu.memref_slice %run_scoped3A[%rem3A_199, %get3A_2423, %get3A_2424] : memref<2x8x2048xf32, #tpu.memory_space<vmem>> -> memref<1x8x2048xf32, #tpu.memory_space<vmem>>
          %get3A_2426 = tpu.memref_squeeze %get3A_2425 : memref<1x8x2048xf32, #tpu.memory_space<vmem>> -> memref<8x2048xf32, #tpu.memory_space<vmem>>
          %get3A_2427 = arith.index_cast %add3A_282 : i32 to index
          %get3A_2428 = arith.constant 1904 : index
          %get3A_2429 = tpu.vector_load %get3A_2426[%get3A_2427, %get3A_2428] {strides = array<i32>} : memref<8x2048xf32, #tpu.memory_space<vmem>>, vector<1x16xf32>,
          %get3A_2430 = vector.shape_cast %get3A_2429 : vector<1x16xf32> to vector<1x16xf32>
          %add3A_2431 = arith.addf %get3A_2430, %get3A_2430 : vector<1x16xf32>
          %swap3A_2432 = arith.constant 0 : i32
          %swap3A_2433 = arith.constant 0 : i32
          %swap3A_2434 = tpu.memref_slice %run_scoped3A_8[%rem3A_201, %swap3A_2432, %swap3A_2433] : memref<2x8x2048xf32, #tpu.memory_space<vmem>> -> memref<1x8x2048xf32, #tpu.memory_space<vmem>>
          %swap3A_2435 = tpu.memref_squeeze %swap3A_2434 : memref<1x8x2048xf32, #tpu.memory_space<vmem>> -> memref<8x2048xf32, #tpu.memory_space<vmem>>
          %swap3A_2436 = arith.index_cast %add3A_282 : i32 to index
          %swap3A_2437 = arith.constant 1904 : index
          %swap3A_2438 = tpu.vector_load %swap3A_2435[%swap3A_2436, %swap3A_2437] {strides = array<i32>} : memref<8x2048xf32, #tpu.memory_space<vmem>>, vector<1x16xf32>,
          %swap3A_2439 = vector.shape_cast %swap3A_2438 : vector<1x16xf32> to vector<1x16xf32>
          %swap3A_2440 = vector.shape_cast %add3A_2431 : vector<1x16xf32> to vector<1x16xf32>
          tpu.vector_store %swap3A_2435[%swap3A_2436, %swap3A_2437], %swap3A_2440 {strides = array<i32>} : memref<8x2048xf32, #tpu.memory_space<vmem>>, vector<1x16xf32>,
          %get3A_2441 = arith.constant 0 : i32
          %get3A_2442 = arith.constant 0 : i32
          %get3A_2443 = tpu.memref_slice %run_scoped3A[%rem3A_199, %get3A_2441, %get3A_2442] : memref<2x8x2048xf32, #tpu.memory_space<vmem>> -> memref<1x8x2048xf32, #tpu.memory_space<vmem>>
          %get3A_2444 = tpu.memref_squeeze %get3A_2443 : memref<1x8x2048xf32, #tpu.memory_space<vmem>> -> memref<8x2048xf32, #tpu.memory_space<vmem>>
          %get3A_2445 = arith.index_cast %add3A_282 : i32 to index
          %get3A_2446 = arith.constant 1920 : index
          %get3A_2447 = tpu.vector_load %get3A_2444[%get3A_2445, %get3A_2446] {strides = array<i32>} : memref<8x2048xf32, #tpu.memory_space<vmem>>, vector<1x16xf32>,
          %get3A_2448 = vector.shape_cast %get3A_2447 : vector<1x16xf32> to vector<1x16xf32>
          %add3A_2449 = arith.addf %get3A_2448, %get3A_2448 : vector<1x16xf32>
          %swap3A_2450 = arith.constant 0 : i32
          %swap3A_2451 = arith.constant 0 : i32
          %swap3A_2452 = tpu.memref_slice %run_scoped3A_8[%rem3A_201, %swap3A_2450, %swap3A_2451] : memref<2x8x2048xf32, #tpu.memory_space<vmem>> -> memref<1x8x2048xf32, #tpu.memory_space<vmem>>
          %swap3A_2453 = tpu.memref_squeeze %swap3A_2452 : memref<1x8x2048xf32, #tpu.memory_space<vmem>> -> memref<8x2048xf32, #tpu.memory_space<vmem>>
          %swap3A_2454 = arith.index_cast %add3A_282 : i32 to index
          %swap3A_2455 = arith.constant 1920 : index
          %swap3A_2456 = tpu.vector_load %swap3A_2453[%swap3A_2454, %swap3A_2455] {strides = array<i32>} : memref<8x2048xf32, #tpu.memory_space<vmem>>, vector<1x16xf32>,
          %swap3A_2457 = vector.shape_cast %swap3A_2456 : vector<1x16xf32> to vector<1x16xf32>
          %swap3A_2458 = vector.shape_cast %add3A_2449 : vector<1x16xf32> to vector<1x16xf32>
          tpu.vector_store %swap3A_2453[%swap3A_2454, %swap3A_2455], %swap3A_2458 {strides = array<i32>} : memref<8x2048xf32, #tpu.memory_space<vmem>>, vector<1x16xf32>,
          %get3A_2459 = arith.constant 0 : i32
          %get3A_2460 = arith.constant 0 : i32
          %get3A_2461 = tpu.memref_slice %run_scoped3A[%rem3A_199, %get3A_2459, %get3A_2460] : memref<2x8x2048xf32, #tpu.memory_space<vmem>> -> memref<1x8x2048xf32, #tpu.memory_space<vmem>>
          %get3A_2462 = tpu.memref_squeeze %get3A_2461 : memref<1x8x2048xf32, #tpu.memory_space<vmem>> -> memref<8x2048xf32, #tpu.memory_space<vmem>>
          %get3A_2463 = arith.index_cast %add3A_282 : i32 to index
          %get3A_2464 = arith.constant 1936 : index
          %get3A_2465 = tpu.vector_load %get3A_2462[%get3A_2463, %get3A_2464] {strides = array<i32>} : memref<8x2048xf32, #tpu.memory_space<vmem>>, vector<1x16xf32>,
          %get3A_2466 = vector.shape_cast %get3A_2465 : vector<1x16xf32> to vector<1x16xf32>
          %add3A_2467 = arith.addf %get3A_2466, %get3A_2466 : vector<1x16xf32>
          %swap3A_2468 = arith.constant 0 : i32
          %swap3A_2469 = arith.constant 0 : i32
          %swap3A_2470 = tpu.memref_slice %run_scoped3A_8[%rem3A_201, %swap3A_2468, %swap3A_2469] : memref<2x8x2048xf32, #tpu.memory_space<vmem>> -> memref<1x8x2048xf32, #tpu.memory_space<vmem>>
          %swap3A_2471 = tpu.memref_squeeze %swap3A_2470 : memref<1x8x2048xf32, #tpu.memory_space<vmem>> -> memref<8x2048xf32, #tpu.memory_space<vmem>>
          %swap3A_2472 = arith.index_cast %add3A_282 : i32 to index
          %swap3A_2473 = arith.constant 1936 : index
          %swap3A_2474 = tpu.vector_load %swap3A_2471[%swap3A_2472, %swap3A_2473] {strides = array<i32>} : memref<8x2048xf32, #tpu.memory_space<vmem>>, vector<1x16xf32>,
          %swap3A_2475 = vector.shape_cast %swap3A_2474 : vector<1x16xf32> to vector<1x16xf32>
          %swap3A_2476 = vector.shape_cast %add3A_2467 : vector<1x16xf32> to vector<1x16xf32>
          tpu.vector_store %swap3A_2471[%swap3A_2472, %swap3A_2473], %swap3A_2476 {strides = array<i32>} : memref<8x2048xf32, #tpu.memory_space<vmem>>, vector<1x16xf32>,
          %get3A_2477 = arith.constant 0 : i32
          %get3A_2478 = arith.constant 0 : i32
          %get3A_2479 = tpu.memref_slice %run_scoped3A[%rem3A_199, %get3A_2477, %get3A_2478] : memref<2x8x2048xf32, #tpu.memory_space<vmem>> -> memref<1x8x2048xf32, #tpu.memory_space<vmem>>
          %get3A_2480 = tpu.memref_squeeze %get3A_2479 : memref<1x8x2048xf32, #tpu.memory_space<vmem>> -> memref<8x2048xf32, #tpu.memory_space<vmem>>
          %get3A_2481 = arith.index_cast %add3A_282 : i32 to index
          %get3A_2482 = arith.constant 1952 : index
          %get3A_2483 = tpu.vector_load %get3A_2480[%get3A_2481, %get3A_2482] {strides = array<i32>} : memref<8x2048xf32, #tpu.memory_space<vmem>>, vector<1x16xf32>,
          %get3A_2484 = vector.shape_cast %get3A_2483 : vector<1x16xf32> to vector<1x16xf32>
          %add3A_2485 = arith.addf %get3A_2484, %get3A_2484 : vector<1x16xf32>
          %swap3A_2486 = arith.constant 0 : i32
          %swap3A_2487 = arith.constant 0 : i32
          %swap3A_2488 = tpu.memref_slice %run_scoped3A_8[%rem3A_201, %swap3A_2486, %swap3A_2487] : memref<2x8x2048xf32, #tpu.memory_space<vmem>> -> memref<1x8x2048xf32, #tpu.memory_space<vmem>>
          %swap3A_2489 = tpu.memref_squeeze %swap3A_2488 : memref<1x8x2048xf32, #tpu.memory_space<vmem>> -> memref<8x2048xf32, #tpu.memory_space<vmem>>
          %swap3A_2490 = arith.index_cast %add3A_282 : i32 to index
          %swap3A_2491 = arith.constant 1952 : index
          %swap3A_2492 = tpu.vector_load %swap3A_2489[%swap3A_2490, %swap3A_2491] {strides = array<i32>} : memref<8x2048xf32, #tpu.memory_space<vmem>>, vector<1x16xf32>,
          %swap3A_2493 = vector.shape_cast %swap3A_2492 : vector<1x16xf32> to vector<1x16xf32>
          %swap3A_2494 = vector.shape_cast %add3A_2485 : vector<1x16xf32> to vector<1x16xf32>
          tpu.vector_store %swap3A_2489[%swap3A_2490, %swap3A_2491], %swap3A_2494 {strides = array<i32>} : memref<8x2048xf32, #tpu.memory_space<vmem>>, vector<1x16xf32>,
          %get3A_2495 = arith.constant 0 : i32
          %get3A_2496 = arith.constant 0 : i32
          %get3A_2497 = tpu.memref_slice %run_scoped3A[%rem3A_199, %get3A_2495, %get3A_2496] : memref<2x8x2048xf32, #tpu.memory_space<vmem>> -> memref<1x8x2048xf32, #tpu.memory_space<vmem>>
          %get3A_2498 = tpu.memref_squeeze %get3A_2497 : memref<1x8x2048xf32, #tpu.memory_space<vmem>> -> memref<8x2048xf32, #tpu.memory_space<vmem>>
          %get3A_2499 = arith.index_cast %add3A_282 : i32 to index
          %get3A_2500 = arith.constant 1968 : index
          %get3A_2501 = tpu.vector_load %get3A_2498[%get3A_2499, %get3A_2500] {strides = array<i32>} : memref<8x2048xf32, #tpu.memory_space<vmem>>, vector<1x16xf32>,
          %get3A_2502 = vector.shape_cast %get3A_2501 : vector<1x16xf32> to vector<1x16xf32>
          %add3A_2503 = arith.addf %get3A_2502, %get3A_2502 : vector<1x16xf32>
          %swap3A_2504 = arith.constant 0 : i32
          %swap3A_2505 = arith.constant 0 : i32
          %swap3A_2506 = tpu.memref_slice %run_scoped3A_8[%rem3A_201, %swap3A_2504, %swap3A_2505] : memref<2x8x2048xf32, #tpu.memory_space<vmem>> -> memref<1x8x2048xf32, #tpu.memory_space<vmem>>
          %swap3A_2507 = tpu.memref_squeeze %swap3A_2506 : memref<1x8x2048xf32, #tpu.memory_space<vmem>> -> memref<8x2048xf32, #tpu.memory_space<vmem>>
          %swap3A_2508 = arith.index_cast %add3A_282 : i32 to index
          %swap3A_2509 = arith.constant 1968 : index
          %swap3A_2510 = tpu.vector_load %swap3A_2507[%swap3A_2508, %swap3A_2509] {strides = array<i32>} : memref<8x2048xf32, #tpu.memory_space<vmem>>, vector<1x16xf32>,
          %swap3A_2511 = vector.shape_cast %swap3A_2510 : vector<1x16xf32> to vector<1x16xf32>
          %swap3A_2512 = vector.shape_cast %add3A_2503 : vector<1x16xf32> to vector<1x16xf32>
          tpu.vector_store %swap3A_2507[%swap3A_2508, %swap3A_2509], %swap3A_2512 {strides = array<i32>} : memref<8x2048xf32, #tpu.memory_space<vmem>>, vector<1x16xf32>,
          %get3A_2513 = arith.constant 0 : i32
          %get3A_2514 = arith.constant 0 : i32
          %get3A_2515 = tpu.memref_slice %run_scoped3A[%rem3A_199, %get3A_2513, %get3A_2514] : memref<2x8x2048xf32, #tpu.memory_space<vmem>> -> memref<1x8x2048xf32, #tpu.memory_space<vmem>>
          %get3A_2516 = tpu.memref_squeeze %get3A_2515 : memref<1x8x2048xf32, #tpu.memory_space<vmem>> -> memref<8x2048xf32, #tpu.memory_space<vmem>>
          %get3A_2517 = arith.index_cast %add3A_282 : i32 to index
          %get3A_2518 = arith.constant 1984 : index
          %get3A_2519 = tpu.vector_load %get3A_2516[%get3A_2517, %get3A_2518] {strides = array<i32>} : memref<8x2048xf32, #tpu.memory_space<vmem>>, vector<1x16xf32>,
          %get3A_2520 = vector.shape_cast %get3A_2519 : vector<1x16xf32> to vector<1x16xf32>
          %add3A_2521 = arith.addf %get3A_2520, %get3A_2520 : vector<1x16xf32>
          %swap3A_2522 = arith.constant 0 : i32
          %swap3A_2523 = arith.constant 0 : i32
          %swap3A_2524 = tpu.memref_slice %run_scoped3A_8[%rem3A_201, %swap3A_2522, %swap3A_2523] : memref<2x8x2048xf32, #tpu.memory_space<vmem>> -> memref<1x8x2048xf32, #tpu.memory_space<vmem>>
          %swap3A_2525 = tpu.memref_squeeze %swap3A_2524 : memref<1x8x2048xf32, #tpu.memory_space<vmem>> -> memref<8x2048xf32, #tpu.memory_space<vmem>>
          %swap3A_2526 = arith.index_cast %add3A_282 : i32 to index
          %swap3A_2527 = arith.constant 1984 : index
          %swap3A_2528 = tpu.vector_load %swap3A_2525[%swap3A_2526, %swap3A_2527] {strides = array<i32>} : memref<8x2048xf32, #tpu.memory_space<vmem>>, vector<1x16xf32>,
          %swap3A_2529 = vector.shape_cast %swap3A_2528 : vector<1x16xf32> to vector<1x16xf32>
          %swap3A_2530 = vector.shape_cast %add3A_2521 : vector<1x16xf32> to vector<1x16xf32>
          tpu.vector_store %swap3A_2525[%swap3A_2526, %swap3A_2527], %swap3A_2530 {strides = array<i32>} : memref<8x2048xf32, #tpu.memory_space<vmem>>, vector<1x16xf32>,
          %get3A_2531 = arith.constant 0 : i32
          %get3A_2532 = arith.constant 0 : i32
          %get3A_2533 = tpu.memref_slice %run_scoped3A[%rem3A_199, %get3A_2531, %get3A_2532] : memref<2x8x2048xf32, #tpu.memory_space<vmem>> -> memref<1x8x2048xf32, #tpu.memory_space<vmem>>
          %get3A_2534 = tpu.memref_squeeze %get3A_2533 : memref<1x8x2048xf32, #tpu.memory_space<vmem>> -> memref<8x2048xf32, #tpu.memory_space<vmem>>
          %get3A_2535 = arith.index_cast %add3A_282 : i32 to index
          %get3A_2536 = arith.constant 2000 : index
          %get3A_2537 = tpu.vector_load %get3A_2534[%get3A_2535, %get3A_2536] {strides = array<i32>} : memref<8x2048xf32, #tpu.memory_space<vmem>>, vector<1x16xf32>,
          %get3A_2538 = vector.shape_cast %get3A_2537 : vector<1x16xf32> to vector<1x16xf32>
          %add3A_2539 = arith.addf %get3A_2538, %get3A_2538 : vector<1x16xf32>
          %swap3A_2540 = arith.constant 0 : i32
          %swap3A_2541 = arith.constant 0 : i32
          %swap3A_2542 = tpu.memref_slice %run_scoped3A_8[%rem3A_201, %swap3A_2540, %swap3A_2541] : memref<2x8x2048xf32, #tpu.memory_space<vmem>> -> memref<1x8x2048xf32, #tpu.memory_space<vmem>>
          %swap3A_2543 = tpu.memref_squeeze %swap3A_2542 : memref<1x8x2048xf32, #tpu.memory_space<vmem>> -> memref<8x2048xf32, #tpu.memory_space<vmem>>
          %swap3A_2544 = arith.index_cast %add3A_282 : i32 to index
          %swap3A_2545 = arith.constant 2000 : index
          %swap3A_2546 = tpu.vector_load %swap3A_2543[%swap3A_2544, %swap3A_2545] {strides = array<i32>} : memref<8x2048xf32, #tpu.memory_space<vmem>>, vector<1x16xf32>,
          %swap3A_2547 = vector.shape_cast %swap3A_2546 : vector<1x16xf32> to vector<1x16xf32>
          %swap3A_2548 = vector.shape_cast %add3A_2539 : vector<1x16xf32> to vector<1x16xf32>
          tpu.vector_store %swap3A_2543[%swap3A_2544, %swap3A_2545], %swap3A_2548 {strides = array<i32>} : memref<8x2048xf32, #tpu.memory_space<vmem>>, vector<1x16xf32>,
          %get3A_2549 = arith.constant 0 : i32
          %get3A_2550 = arith.constant 0 : i32
          %get3A_2551 = tpu.memref_slice %run_scoped3A[%rem3A_199, %get3A_2549, %get3A_2550] : memref<2x8x2048xf32, #tpu.memory_space<vmem>> -> memref<1x8x2048xf32, #tpu.memory_space<vmem>>
          %get3A_2552 = tpu.memref_squeeze %get3A_2551 : memref<1x8x2048xf32, #tpu.memory_space<vmem>> -> memref<8x2048xf32, #tpu.memory_space<vmem>>
          %get3A_2553 = arith.index_cast %add3A_282 : i32 to index
          %get3A_2554 = arith.constant 2016 : index
          %get3A_2555 = tpu.vector_load %get3A_2552[%get3A_2553, %get3A_2554] {strides = array<i32>} : memref<8x2048xf32, #tpu.memory_space<vmem>>, vector<1x16xf32>,
          %get3A_2556 = vector.shape_cast %get3A_2555 : vector<1x16xf32> to vector<1x16xf32>
          %add3A_2557 = arith.addf %get3A_2556, %get3A_2556 : vector<1x16xf32>
          %swap3A_2558 = arith.constant 0 : i32
          %swap3A_2559 = arith.constant 0 : i32
          %swap3A_2560 = tpu.memref_slice %run_scoped3A_8[%rem3A_201, %swap3A_2558, %swap3A_2559] : memref<2x8x2048xf32, #tpu.memory_space<vmem>> -> memref<1x8x2048xf32, #tpu.memory_space<vmem>>
          %swap3A_2561 = tpu.memref_squeeze %swap3A_2560 : memref<1x8x2048xf32, #tpu.memory_space<vmem>> -> memref<8x2048xf32, #tpu.memory_space<vmem>>
          %swap3A_2562 = arith.index_cast %add3A_282 : i32 to index
          %swap3A_2563 = arith.constant 2016 : index
          %swap3A_2564 = tpu.vector_load %swap3A_2561[%swap3A_2562, %swap3A_2563] {strides = array<i32>} : memref<8x2048xf32, #tpu.memory_space<vmem>>, vector<1x16xf32>,
          %swap3A_2565 = vector.shape_cast %swap3A_2564 : vector<1x16xf32> to vector<1x16xf32>
          %swap3A_2566 = vector.shape_cast %add3A_2557 : vector<1x16xf32> to vector<1x16xf32>
          tpu.vector_store %swap3A_2561[%swap3A_2562, %swap3A_2563], %swap3A_2566 {strides = array<i32>} : memref<8x2048xf32, #tpu.memory_space<vmem>>, vector<1x16xf32>,
          %get3A_2567 = arith.constant 0 : i32
          %get3A_2568 = arith.constant 0 : i32
          %get3A_2569 = tpu.memref_slice %run_scoped3A[%rem3A_199, %get3A_2567, %get3A_2568] : memref<2x8x2048xf32, #tpu.memory_space<vmem>> -> memref<1x8x2048xf32, #tpu.memory_space<vmem>>
          %get3A_2570 = tpu.memref_squeeze %get3A_2569 : memref<1x8x2048xf32, #tpu.memory_space<vmem>> -> memref<8x2048xf32, #tpu.memory_space<vmem>>
          %get3A_2571 = arith.index_cast %add3A_282 : i32 to index
          %get3A_2572 = arith.constant 2032 : index
          %get3A_2573 = tpu.vector_load %get3A_2570[%get3A_2571, %get3A_2572] {strides = array<i32>} : memref<8x2048xf32, #tpu.memory_space<vmem>>, vector<1x16xf32>,
          %get3A_2574 = vector.shape_cast %get3A_2573 : vector<1x16xf32> to vector<1x16xf32>
          %add3A_2575 = arith.addf %get3A_2574, %get3A_2574 : vector<1x16xf32>
          %swap3A_2576 = arith.constant 0 : i32
          %swap3A_2577 = arith.constant 0 : i32
          %swap3A_2578 = tpu.memref_slice %run_scoped3A_8[%rem3A_201, %swap3A_2576, %swap3A_2577] : memref<2x8x2048xf32, #tpu.memory_space<vmem>> -> memref<1x8x2048xf32, #tpu.memory_space<vmem>>
          %swap3A_2579 = tpu.memref_squeeze %swap3A_2578 : memref<1x8x2048xf32, #tpu.memory_space<vmem>> -> memref<8x2048xf32, #tpu.memory_space<vmem>>
          %swap3A_2580 = arith.index_cast %add3A_282 : i32 to index
          %swap3A_2581 = arith.constant 2032 : index
          %swap3A_2582 = tpu.vector_load %swap3A_2579[%swap3A_2580, %swap3A_2581] {strides = array<i32>} : memref<8x2048xf32, #tpu.memory_space<vmem>>, vector<1x16xf32>,
          %swap3A_2583 = vector.shape_cast %swap3A_2582 : vector<1x16xf32> to vector<1x16xf32>
          %swap3A_2584 = vector.shape_cast %add3A_2575 : vector<1x16xf32> to vector<1x16xf32>
          tpu.vector_store %swap3A_2579[%swap3A_2580, %swap3A_2581], %swap3A_2584 {strides = array<i32>} : memref<8x2048xf32, #tpu.memory_space<vmem>>, vector<1x16xf32>,
        }
        %scan3A_206 = arith.constant 8 : i32
        "tpu.trace_stop"() : () -> ()
        %ne3A_207 = arith.cmpi ne, %add3A_131, %add3A_149 : i32
        %or3A_208 = arith.constant false
        %or3A_209 = arith.ori %or3A_208, %ne3A_207 : i1
        %or3A_210 = arith.constant false
        %or3A_211 = arith.ori %or3A_209, %or3A_210 : i1
        %or3A_212 = arith.ori %or3A_211, %eq3A_130 : i1
        %convert_element_type3A_213 = arith.extui %or3A_212 : i1 to i32
        %cond3A_214 = arith.constant 0 : i32
        %cond3A_215 = arith.cmpi ne, %convert_element_type3A_213, %cond3A_214 : i32
        scf.if %cond3A_215 {
        } else {
        }
        %and3A_216 = arith.constant false
        %and3A_217 = arith.andi %or3A_212, %and3A_216 : i1
        %ne3A_218 = arith.cmpi ne, %add3A_131, %add3A_149 : i32
        %or3A_219 = arith.constant false
        %or3A_220 = arith.ori %or3A_219, %ne3A_218 : i1
        %or3A_221 = arith.constant false
        %or3A_222 = arith.ori %or3A_220, %or3A_221 : i1
        %or3A_223 = arith.ori %or3A_222, %eq3A_130 : i1
        %convert_element_type3A_224 = arith.extui %or3A_223 : i1 to i32
        %cond3A_225 = arith.constant 0 : i32
        %cond3A_226 = arith.cmpi ne, %convert_element_type3A_224, %cond3A_225 : i32
        scf.if %cond3A_226 {
          "tpu.trace_start"() <{level = 10 : i32, message = "ep_copy_out"}> : () -> ()
          %rem3A_278 = arith.constant 2 : i32
          %rem3A_279 = arith.remui %scan3A_124, %rem3A_278 : i32
          %mul3A_280 = arith.constant 8 : i32
          %mul3A_281 = arith.muli %mul3A_280, %add3A_131 : i32
          %dma_start3A_282 = arith.constant 0 : i32
          %dma_start3A_283 = arith.constant 0 : i32
          %dma_start3A_284 = tpu.memref_slice %run_scoped3A_8[%rem3A_279, %dma_start3A_282, %dma_start3A_283] : memref<2x8x2048xf32, #tpu.memory_space<vmem>> -> memref<1x8x2048xf32, #tpu.memory_space<vmem>>
          %dma_start3A_285 = tpu.memref_squeeze %dma_start3A_284 : memref<1x8x2048xf32, #tpu.memory_space<vmem>> -> memref<8x2048xf32, #tpu.memory_space<vmem>>
          %dma_start3A_286 = arith.constant 0 : i32
          %dma_start3A_287 = tpu.memref_slice %arg3[%mul3A_281, %dma_start3A_286] : memref<16384x2048xf32, #tpu.memory_space<hbm>> -> memref<8x2048xf32, #tpu.memory_space<hbm>>
          %dma_start3A_288 = tpu.memref_slice %run_scoped3A_9[%rem3A_279] : memref<2x!tpu.dma_semaphore, #tpu.memory_space<semaphore_mem>> -> memref<1x!tpu.dma_semaphore, #tpu.memory_space<semaphore_mem>>
          %dma_start3A_289 = tpu.memref_squeeze %dma_start3A_288 : memref<1x!tpu.dma_semaphore, #tpu.memory_space<semaphore_mem>> -> memref<!tpu.dma_semaphore, #tpu.memory_space<semaphore_mem>>
          %dma_start3A_290 = arith.constant 0 : i32
          %dma_start3A_291 = tpu.memref_slice %arg3[%mul3A_281, %dma_start3A_290] : memref<16384x2048xf32, #tpu.memory_space<hbm>> -> memref<8x2048xf32, #tpu.memory_space<hbm>>
          %dma_start3A_292 = arith.constant 0 : i32
          %dma_start3A_293 = arith.constant 0 : i32
          %dma_start3A_294 = tpu.memref_slice %run_scoped3A_8[%rem3A_279, %dma_start3A_292, %dma_start3A_293] : memref<2x8x2048xf32, #tpu.memory_space<vmem>> -> memref<1x8x2048xf32, #tpu.memory_space<vmem>>
          %dma_start3A_295 = tpu.memref_squeeze %dma_start3A_294 : memref<1x8x2048xf32, #tpu.memory_space<vmem>> -> memref<8x2048xf32, #tpu.memory_space<vmem>>
          tpu.enqueue_dma source(%dma_start3A_295 : memref<8x2048xf32, #tpu.memory_space<vmem>>) target(%dma_start3A_291 : memref<8x2048xf32, #tpu.memory_space<hbm>>) target_semaphore(%dma_start3A_289 : memref<!tpu.dma_semaphore, #tpu.memory_space<semaphore_mem>>)
          "tpu.trace_stop"() : () -> ()
        } else {
        }
        %and3A_227 = arith.constant true
        %and3A_228 = arith.andi %or3A_223, %and3A_227 : i1
        %add3A_229 = arith.constant 1 : i32
        %add3A_230 = arith.addi %scan3A_124, %add3A_229 : i32
        %select_n3A_231 = arith.select %and3A_228, %add3A_230, %scan3A_124 : i32
        %ne3A_232 = arith.cmpi ne, %add3A_131, %add3A_140 : i32
        %or3A_233 = arith.constant false
        %or3A_234 = arith.ori %or3A_233, %ne3A_232 : i1
        %or3A_235 = arith.constant false
        %or3A_236 = arith.ori %or3A_234, %or3A_235 : i1
        %not3A_237 = arith.constant true
        %not3A_238 = arith.xori %eq3A_128, %not3A_237 : i1
        %and3A_239 = arith.andi %or3A_236, %not3A_238 : i1
        %convert_element_type3A_240 = arith.extui %and3A_239 : i1 to i32
        %cond3A_241 = arith.constant 0 : i32
        %cond3A_242 = arith.cmpi ne, %convert_element_type3A_240, %cond3A_241 : i32
        scf.if %cond3A_242 {
        } else {
        }
        %and3A_243 = arith.constant false
        %and3A_244 = arith.andi %and3A_239, %and3A_243 : i1
        %ne3A_245 = arith.cmpi ne, %add3A_131, %add3A_140 : i32
        %or3A_246 = arith.constant false
        %or3A_247 = arith.ori %or3A_246, %ne3A_245 : i1
        %or3A_248 = arith.constant false
        %or3A_249 = arith.ori %or3A_247, %or3A_248 : i1
        %not3A_250 = arith.constant true
        %not3A_251 = arith.xori %eq3A_128, %not3A_250 : i1
        %and3A_252 = arith.andi %or3A_249, %not3A_251 : i1
        %convert_element_type3A_253 = arith.extui %and3A_252 : i1 to i32
        %cond3A_254 = arith.constant 0 : i32
        %cond3A_255 = arith.cmpi ne, %convert_element_type3A_253, %cond3A_254 : i32
        scf.if %cond3A_255 {
          "tpu.trace_start"() <{level = 10 : i32, message = "ep_wait_out"}> : () -> ()
          %rem3A_278 = arith.constant 2 : i32
          %rem3A_279 = arith.remui %scan3A_125, %rem3A_278 : i32
          %mul3A_280 = arith.constant 8 : i32
          %mul3A_281 = arith.muli %mul3A_280, %add3A_140 : i32
          %dma_wait3A_282 = arith.constant 0 : i32
          %dma_wait3A_283 = arith.constant 0 : i32
          %dma_wait3A_284 = tpu.memref_slice %run_scoped3A_8[%rem3A_279, %dma_wait3A_282, %dma_wait3A_283] : memref<2x8x2048xf32, #tpu.memory_space<vmem>> -> memref<1x8x2048xf32, #tpu.memory_space<vmem>>
          %dma_wait3A_285 = tpu.memref_squeeze %dma_wait3A_284 : memref<1x8x2048xf32, #tpu.memory_space<vmem>> -> memref<8x2048xf32, #tpu.memory_space<vmem>>
          %dma_wait3A_286 = arith.constant 0 : i32
          %dma_wait3A_287 = tpu.memref_slice %arg3[%mul3A_281, %dma_wait3A_286] : memref<16384x2048xf32, #tpu.memory_space<hbm>> -> memref<8x2048xf32, #tpu.memory_space<hbm>>
          %dma_wait3A_288 = tpu.memref_slice %run_scoped3A_9[%rem3A_279] : memref<2x!tpu.dma_semaphore, #tpu.memory_space<semaphore_mem>> -> memref<1x!tpu.dma_semaphore, #tpu.memory_space<semaphore_mem>>
          %dma_wait3A_289 = tpu.memref_squeeze %dma_wait3A_288 : memref<1x!tpu.dma_semaphore, #tpu.memory_space<semaphore_mem>> -> memref<!tpu.dma_semaphore, #tpu.memory_space<semaphore_mem>>
          %dma_wait3A_290 = arith.constant 0 : i32
          %dma_wait3A_291 = tpu.memref_slice %arg3[%mul3A_281, %dma_wait3A_290] : memref<16384x2048xf32, #tpu.memory_space<hbm>> -> memref<8x2048xf32, #tpu.memory_space<hbm>>
          %dma_wait3A_292 = arith.constant 0 : i32
          %dma_wait3A_293 = arith.constant 0 : i32
          %dma_wait3A_294 = tpu.memref_slice %run_scoped3A_8[%rem3A_279, %dma_wait3A_292, %dma_wait3A_293] : memref<2x8x2048xf32, #tpu.memory_space<vmem>> -> memref<1x8x2048xf32, #tpu.memory_space<vmem>>
          %dma_wait3A_295 = tpu.memref_squeeze %dma_wait3A_294 : memref<1x8x2048xf32, #tpu.memory_space<vmem>> -> memref<8x2048xf32, #tpu.memory_space<vmem>>
          tpu.wait_dma2 semaphore(%dma_wait3A_289 : memref<!tpu.dma_semaphore, #tpu.memory_space<semaphore_mem>>) src(%dma_wait3A_295 : memref<8x2048xf32, #tpu.memory_space<vmem>>) dst(%dma_wait3A_291 : memref<8x2048xf32, #tpu.memory_space<hbm>>)
          "tpu.trace_stop"() : () -> ()
        } else {
        }
        %and3A_256 = arith.constant true
        %and3A_257 = arith.andi %and3A_252, %and3A_256 : i1
        %add3A_258 = arith.constant 1 : i32
        %add3A_259 = arith.addi %scan3A_125, %add3A_258 : i32
        %select_n3A_260 = arith.select %and3A_257, %add3A_259, %scan3A_125 : i32
        %ne3A_261 = arith.cmpi ne, %add3A_131, %add3A_149 : i32
        %or3A_262 = arith.constant false
        %or3A_263 = arith.ori %or3A_262, %ne3A_261 : i1
        %or3A_264 = arith.constant false
        %or3A_265 = arith.ori %or3A_263, %or3A_264 : i1
        %or3A_266 = arith.ori %or3A_265, %eq3A_130 : i1
        %add3A_267 = arith.constant 1 : i32
        %add3A_268 = arith.addi %scan3A_123, %add3A_267 : i32
        %select_n3A_269 = arith.select %or3A_266, %add3A_268, %scan3A_123 : i32
        %add3A_270 = arith.constant 1 : i32
        %add3A_271 = arith.addi %scan3A_126, %add3A_270 : i32
        %select_n3A_272 = arith.constant true
        %select_n3A_273 = arith.select %select_n3A_272, %add3A_271, %scan3A_126 : i32
        %eq3A_274 = arith.constant 64 : i32
        %eq3A_275 = arith.cmpi eq, %select_n3A_273, %eq3A_274 : i32
        %select_n3A_276 = arith.constant 0 : i32
        %select_n3A_277 = arith.select %eq3A_275, %select_n3A_276, %select_n3A_273 : i32
        scf.yield %select_n3A_169, %select_n3A_269, %select_n3A_231, %select_n3A_260, %select_n3A_277 : i32, i32, i32, i32, i32
      }
      %scan3A_68 = arith.constant 64 : i32
      %sub3A = arith.constant 1 : i32
      %sub3A_69 = arith.subi %scan3A_67#4, %sub3A : i32
      %select_n3A_70 = arith.constant true
      %select_n3A_71 = arith.select %select_n3A_70, %sub3A_69, %scan3A_67#4 : i32
      %eq3A_72 = arith.constant -1 : i32
      %eq3A_73 = arith.cmpi eq, %select_n3A_71, %eq3A_72 : i32
      %select_n3A_74 = arith.constant 63 : i32
      %select_n3A_75 = arith.select %eq3A_73, %select_n3A_74, %select_n3A_71 : i32
      %add3A_76 = arith.addi %select_n3A_75, %mul3A_6 : i32
      %sub3A_77 = arith.constant 1 : i32
      %sub3A_78 = arith.subi %select_n3A_75, %sub3A_77 : i32
      %select_n3A_79 = arith.constant true
      %select_n3A_80 = arith.select %select_n3A_79, %sub3A_78, %select_n3A_75 : i32
      %eq3A_81 = arith.constant -1 : i32
      %eq3A_82 = arith.cmpi eq, %select_n3A_80, %eq3A_81 : i32
      %select_n3A_83 = arith.constant 63 : i32
      %select_n3A_84 = arith.select %eq3A_82, %select_n3A_83, %select_n3A_80 : i32
      %add3A_85 = arith.addi %select_n3A_84, %mul3A_6 : i32
      %add3A_86 = arith.constant 1 : i32
      %add3A_87 = arith.addi %select_n3A_75, %add3A_86 : i32
      %select_n3A_88 = arith.constant true
      %select_n3A_89 = arith.select %select_n3A_88, %add3A_87, %select_n3A_75 : i32
      %eq3A_90 = arith.constant 64 : i32
      %eq3A_91 = arith.cmpi eq, %select_n3A_89, %eq3A_90 : i32
      %select_n3A_92 = arith.constant 0 : i32
      %select_n3A_93 = arith.select %eq3A_91, %select_n3A_92, %select_n3A_89 : i32
      %add3A_94 = arith.addi %select_n3A_93, %mul3A_6 : i32
      %add3A_95 = arith.constant 1 : i32
      %add3A_96 = arith.addi %select_n3A_93, %add3A_95 : i32
      %select_n3A_97 = arith.constant true
      %select_n3A_98 = arith.select %select_n3A_97, %add3A_96, %select_n3A_93 : i32
      %eq3A_99 = arith.constant 64 : i32
      %eq3A_100 = arith.cmpi eq, %select_n3A_98, %eq3A_99 : i32
      %select_n3A_101 = arith.constant 0 : i32
      %select_n3A_102 = arith.select %eq3A_100, %select_n3A_101, %select_n3A_98 : i32
      %add3A_103 = arith.addi %select_n3A_102, %mul3A_6 : i32
      "tpu.trace_start"() <{level = 10 : i32, message = "ep_finalize"}> : () -> ()
      %rem3A_104 = arith.constant 2 : i32
      %rem3A_105 = arith.remui %scan3A_67#3, %rem3A_104 : i32
      %mul3A_106 = arith.constant 8 : i32
      %mul3A_107 = arith.muli %mul3A_106, %add3A_76 : i32
      %dma_wait3A = arith.constant 0 : i32
      %dma_wait3A_108 = arith.constant 0 : i32
      %dma_wait3A_109 = tpu.memref_slice %run_scoped3A_8[%rem3A_105, %dma_wait3A, %dma_wait3A_108] : memref<2x8x2048xf32, #tpu.memory_space<vmem>> -> memref<1x8x2048xf32, #tpu.memory_space<vmem>>
      %dma_wait3A_110 = tpu.memref_squeeze %dma_wait3A_109 : memref<1x8x2048xf32, #tpu.memory_space<vmem>> -> memref<8x2048xf32, #tpu.memory_space<vmem>>
      %dma_wait3A_111 = arith.constant 0 : i32
      %dma_wait3A_112 = tpu.memref_slice %arg3[%mul3A_107, %dma_wait3A_111] : memref<16384x2048xf32, #tpu.memory_space<hbm>> -> memref<8x2048xf32, #tpu.memory_space<hbm>>
      %dma_wait3A_113 = tpu.memref_slice %run_scoped3A_9[%rem3A_105] : memref<2x!tpu.dma_semaphore, #tpu.memory_space<semaphore_mem>> -> memref<1x!tpu.dma_semaphore, #tpu.memory_space<semaphore_mem>>
      %dma_wait3A_114 = tpu.memref_squeeze %dma_wait3A_113 : memref<1x!tpu.dma_semaphore, #tpu.memory_space<semaphore_mem>> -> memref<!tpu.dma_semaphore, #tpu.memory_space<semaphore_mem>>
      %dma_wait3A_115 = arith.constant 0 : i32
      %dma_wait3A_116 = tpu.memref_slice %arg3[%mul3A_107, %dma_wait3A_115] : memref<16384x2048xf32, #tpu.memory_space<hbm>> -> memref<8x2048xf32, #tpu.memory_space<hbm>>
      %dma_wait3A_117 = arith.constant 0 : i32
      %dma_wait3A_118 = arith.constant 0 : i32
      %dma_wait3A_119 = tpu.memref_slice %run_scoped3A_8[%rem3A_105, %dma_wait3A_117, %dma_wait3A_118] : memref<2x8x2048xf32, #tpu.memory_space<vmem>> -> memref<1x8x2048xf32, #tpu.memory_space<vmem>>
      %dma_wait3A_120 = tpu.memref_squeeze %dma_wait3A_119 : memref<1x8x2048xf32, #tpu.memory_space<vmem>> -> memref<8x2048xf32, #tpu.memory_space<vmem>>
      tpu.wait_dma2 semaphore(%dma_wait3A_114 : memref<!tpu.dma_semaphore, #tpu.memory_space<semaphore_mem>>) src(%dma_wait3A_120 : memref<8x2048xf32, #tpu.memory_space<vmem>>) dst(%dma_wait3A_116 : memref<8x2048xf32, #tpu.memory_space<hbm>>)
      "tpu.trace_stop"() : () -> ()
      tpu.yield
    }) : () -> ()
    return
  }
}

</mosaic_0001>

<sc_bundles>
// kernel: kernel.3.cloned.1.call-start
scs
__scs_entry_jumppad:
0x0: {  	(pc) =	sbr.rel $0x88, $3  }
0x1: {  	(tag) =	ssettag $0x0;
	lr =	simm.s32 $0x1  }
0x2: {  	[smem:$0x3FA0] =	sst lr;
	_ =	strace $0xD0000000  }
0x3: {  	_ = 	snop  }
0x4: {  	_ = 	snop  }
0x5: {  	_ = 	snop  }
0x6: {  	_ = 	snop  }
0x7: {  	_ = 	snop  }
__scs_overlays_trampoline_lowered:
0x8: {  	[smem:$0x3FAF] =	sst s0  }
0x9: {  	[smem:$0x3FB0] =	sst s1  }
0xa: {  	[smem:$0x3FB1] =	sst s2  }
0xb: {  	[smem:$0x3FB2] =	sst s3  }
0xc: {  	[smem:$0x3FB3] =	sst s4  }
0xd: {  	[smem:$0x3FB4] =	sst s5  }
0xe: {  	[smem:$0x3FB5] =	sst s6  }
0xf: {  	[smem:$0x3FB6] =	sst s7  }
0x10: {  	[smem:$0x3FB7] =	sst s8  }
0x11: {  	[smem:$0x3FB8] =	sst s9;
	s0 =	simm.s32 @!p0 $0x0  }
0x12: {  	s1 =	sld [smem:$0x3F9E];
	s0 =	simm.s32 @p0 $0x1  }
0x13: {  	[smem:$0x3FB9] =	sst s0;
	s0 =	simm.s32 @!p1 $0x0  }
0x14: {  	s2 =	sld [smem:$0x3F9D];
	s0 =	simm.s32 @p1 $0x1  }
0x15: {  	[smem:$0x3FBA] =	sst s0;
	s0 =	simm.s32 @!p2 $0x0  }
0x16: {  	s3 =	sld [smem:$0x3FDB];
	s0 =	simm.s32 @p2 $0x1  }
0x17: {  	s4 =	simm.s32 $0x1BF5;
	[smem:$0x3FBC] =	sst s0  }
0x18: {  	s0 =	sld [smem:$0x3F9F];
	_ =	swait.ge [sflag:s4], $0x0  }
0x19: {  	s7 =	sld [smem:$0x3FA0]  }
0x1a: {  	s8 =	sadd.s32 $0xFFFFE003, lr  }
0x1b: {  	s9 =	sadd.s32 $0xFFFFFEF7, lr;
	s5 =	simm.s32 $0xFFFFFFFF;
	p2 =	slt.u32 s8, $0xFFFFF086  }
0x1c: {  	p1 =	slt.u32 s9, $0xF7A;
	s5 =	simm.s32 @!p2 $0x0  }
0x1d: {  	s5 =	simm.s32 @p1 $0x1;
	p0 =	seq.s32 s7, s2  }
0x1e: {  	s7 =	smul.u32 @!p0 $0xF7A, s2;
	p2 =	seq.s32 @!p0 s5, $0x0  }
0x1f: {  	s9 =	smul.u32 $0xF7A, s1;
	s8 =	simm.s32 @!p0 $0x1BF5;
	p2 =	por !p2, p0  }
0x20: {  	[sflag:s8] =	ssyncset.s32 @!p0 $0xFFFFF086;
	s6 =	sadd.s32 @!p0 s3, s7;
	s7 =	simm.s32 @!p0 $0x108  }
0x21: {  	s3 =	sadd.s32 s3, s9;
	s6 =	sadd.s32 @!p0 $0x88, s6;
	s7 =	simm.s32 @p2 $0x1082  }
0x22: {  	[simem:s7], [sflag:s8] =	dma.local @!p0 [hbm:s6], $0xF7A  }
0x23: {  	s9 =	sor.u32 $0xD0000000, s2;
	s6 =	simm.s32 $0x108;
	_ =	swait.ge @!p0 [sflag:s8], $0x0  }
0x24: {  	s3 =	sadd.s32 $0x88, s3;
	s6 =	simm.s32 @!p1 $0x1082;
	[sflag:s4] =	ssyncset.s32 $0xFFFFF086  }
0x25: {  	[simem:s6], [sflag:s4] =	dma.local [hbm:s3], $0xF7A  }
0x26: {  	[smem:$0x3FA0] =	sst s1;
	(tag) =	ssettag s2;
	_ =	strace s9  }
0x27: {  	s1 =	sld [smem:$0x3FB0]  }
0x28: {  	s2 =	sld [smem:$0x3FB1]  }
0x29: {  	s4 =	sld [smem:$0x3FB3]  }
0x2a: {  	p0 =	seq.s32 s5, $0x0;
	s5 =	sld [smem:$0x3FB4]  }
0x2b: {  	s6 =	sld [smem:$0x3FB5]  }
0x2c: {  	s7 =	sld [smem:$0x3FB6]  }
0x2d: {  	s3 =	simm.s32 $0x108;
	s8 =	sld [smem:$0x3FB7]  }
0x2e: {  	s3 =	simm.s32 @!p0 $0x1082;
	s9 =	sld [smem:$0x3FB8]  }
0x2f: {  	lr =	sadd.s32 s0, s3;
	s0 =	sld [smem:$0x3FAF]  }
0x30: {  	s3 =	sld [smem:$0x3FB2]  }
0x31: {  	[smem:$0x3FBB] =	sst s10  }
0x32: {  	s10 =	sld [smem:$0x3FB9];
	_ =	sdelay $0x3  }
0x33: {  	p0 =	seq.s32 s10, $0x1;
	s10 =	sld [smem:$0x3FBB];
	_ =	sdelay $0x3  }
0x34: {  	[smem:$0x3FBB] =	sst s10  }
0x35: {  	s10 =	sld [smem:$0x3FBA];
	_ =	sdelay $0x3  }
0x36: {  	p1 =	seq.s32 s10, $0x1;
	s10 =	sld [smem:$0x3FBB];
	_ =	sdelay $0x3  }
0x37: {  	[smem:$0x3FBB] =	sst s10  }
0x38: {  	s10 =	sld [smem:$0x3FBC]  }
0x39: {  	_ = 	snop;
	(pc) =	sbr.ind lr, $3  }
0x3a: {  	_ = 	snop  }
0x3b: {  	_ = 	snop  }
0x3c: {  	p2 =	seq.s32 s10, $0x1;
	s10 =	sld [smem:$0x3FBB]  }
0x3d: {  	_ =	shalt  }
0x3e: {  	_ =	shalt  }
0x3f: {  	_ =	shalt  }
0x40: {  	_ =	shalt  }
0x41: {  	_ =	shalt  }
0x42: {  	_ =	shalt  }
0x43: {  	_ =	shalt  }
0x44: {  	_ =	shalt  }
0x45: {  	_ =	shalt  }
0x46: {  	_ =	shalt  }
0x47: {  	_ =	shalt  }
0x48: {  	_ =	shalt  }
0x49: {  	_ =	shalt  }
0x4a: {  	_ =	shalt  }
0x4b: {  	_ =	shalt  }
0x4c: {  	_ =	shalt  }
0x4d: {  	_ =	shalt  }
0x4e: {  	_ =	shalt  }
0x4f: {  	_ =	shalt  }
0x50: {  	_ =	shalt  }
0x51: {  	_ =	shalt  }
0x52: {  	_ =	shalt  }
0x53: {  	_ =	shalt  }
0x54: {  	_ =	shalt  }
0x55: {  	_ =	shalt  }
0x56: {  	_ =	shalt  }
0x57: {  	_ =	shalt  }
0x58: {  	_ =	shalt  }
0x59: {  	_ =	shalt  }
0x5a: {  	_ =	shalt  }
0x5b: {  	_ =	shalt  }
0x5c: {  	_ =	shalt  }
0x5d: {  	_ =	shalt  }
0x5e: {  	_ =	shalt  }
0x5f: {  	_ =	shalt  }
0x60: {  	_ =	shalt  }
0x61: {  	_ =	shalt  }
0x62: {  	_ =	shalt  }
0x63: {  	_ =	shalt  }
0x64: {  	_ =	shalt  }
0x65: {  	_ =	shalt  }
0x66: {  	_ =	shalt  }
0x67: {  	_ =	shalt  }
0x68: {  	_ =	shalt  }
0x69: {  	_ =	shalt  }
0x6a: {  	_ =	shalt  }
0x6b: {  	_ =	shalt  }
0x6c: {  	_ =	shalt  }
0x6d: {  	_ =	shalt  }
0x6e: {  	_ =	shalt  }
0x6f: {  	_ =	shalt  }
0x70: {  	_ =	shalt  }
0x71: {  	_ =	shalt  }
0x72: {  	_ =	shalt  }
0x73: {  	_ =	shalt  }
0x74: {  	_ =	shalt  }
0x75: {  	_ =	shalt  }
0x76: {  	_ =	shalt  }
0x77: {  	_ =	shalt  }
0x78: {  	_ =	shalt  }
0x79: {  	_ =	shalt  }
0x7a: {  	_ =	shalt  }
0x7b: {  	_ =	shalt  }
0x7c: {  	_ =	shalt  }
0x7d: {  	_ =	shalt  }
0x7e: {  	_ =	shalt  }
0x7f: {  	_ =	shalt  }
0x80: {  	_ =	shalt  }
0x81: {  	_ =	shalt  }
0x82: {  	_ =	shalt  }
0x83: {  	_ =	shalt  }
0x84: {  	_ =	shalt  }
0x85: {  	_ =	shalt  }
0x86: {  	_ =	shalt  }
0x87: {  	_ =	shalt  }
.Lfunc_end0:
.L_simem_size_0:
called_computation_lowered:
.L_overlay_start_0:
0x88: {  	s2 =	sld [smem:$0x3FD9]  }
0x89: {  	s3 =	sld [smem:$0x3FFE];
	_ =	sdelay $0x1  }
0x8a: {  	s1 =	srdreg.scid  }
0x8b: {  	s0 =	sand.u32 $0x1, s1  }
0x8c: {  	s18 =	sshll.u32 s0, $0xA;
	s2 =	sadd.s32 s3, s2  }
0x8d: {  	s2 =	sadd.s32 s2, s18  }
0x8e: {  	[smem:$0x3FC7] =	sst s2  }
0x8f: {  	_ = 	snop  }
0x90: {  	s2 =	sld [smem:$0x3FC9]  }
0x91: {  	s19 =	sld [smem:$0x3FD0];
	(tm) =	ssettm $0x1  }
0x92: {  	s4 =	sld [smem:$0x3FFB];
	_ =	sdelay $0x3  }
0x93: {  	_ =	strace s4  }
0x94: {  	s4 =	sld [smem:$0x3FFC];
	_ =	sdelay $0x3  }
0x95: {  	_ =	strace s4  }
0x96: {  	s4 =	sld [smem:$0x3FFD];
	_ =	sdelay $0x3  }
0x97: {  	_ =	strace s4  }
0x98: {  	_ =	strace $0x8FFFFFFF  }
0x99: {  	s20 =	sld [smem:$0x3FDB];
	_ =	sdelay $0x1  }
0x9a: {  	s5 =	simm.s32 $_scs_section_size  }
0x9b: {  	s6 =	simm.s32 $_size__tile_overlayer_lowered;
	s7 =	simm.s32 $_tile_overlayer_lowered  }
0x9c: {  	s23 =	simm.s32 $0x1BFF;
	s22 =	sshll.u32 s7, $0x1;
	s4 =	sadd.s32 s5, s20  }
0x9d: {  	s8 =	simm.s32 $0x0;
	s21 =	sshll.u32 s6, $0x1;
	s6 =	sadd.s32 s22, s4  }
0x9e: {  	[timem:s8], [sflag:s23] =	dma.local [hbm:s6], s21  }
0x9f: {  	_ =	swait.ge [sflag:s23], s21  }
0xa0: {  	s5 =	ssub.s32 $0x0, s21;
	[sflag:s23] =	ssyncset.done $0x0  }
0xa1: {  	[sflag:s23] =	ssyncadd.s32 s5;
	_ =	sdelay $0x1  }
0xa2: {  	s24 =	simm.s32 $0x1B8B  }
0xa3: {  	_ =	swait.ge [sflag:s24], $0x1  }
0xa4: {  	[sflag:s24] =	ssyncset.done $0x0  }
0xa5: {  	s25 =	simm.s32 $0x1B8E;
	[sflag:s24] =	ssyncadd.s32 $0xFFFFFFFF  }
0xa6: {  	s26 =	simm.s32 $execute0_lowered;
	[smem:$0x3FD2] =	sst s25  }
0xa7: {  	s5 =	sshll.u32 s26, $0x1;
	_ =	strace $0x80000046;
	[dreg:$0x1] =	wrdreg $0xFFFFFFFF  }
0xa8: {  	s28 =	simm.s32 $_size_execute0_lowered;
	s4 =	sadd.s32 s4, s5;
	[dreg:$0x0] =	wrdreg $0x0  }
0xa9: {  	s5 =	sshll.u32 s28, $0x1;
	[dreg:$0x2] =	wrdreg s4  }
0xaa: {  	[dreg:$0x3] =	wrdreg s5  }
0xab: {  	[dreg:$0x4] =	wrdreg $0xC0  }
0xac: {  	_ =	task [dreg:s8], $0x5FFFF  }
0xad: {  	[dreg:$0x1] =	wrdreg $0xFFFFFFFF  }
0xae: {  	[dreg:$0x0] =	wrdreg $0x60  }
0xaf: {  	[dreg:$0x2] =	wrdreg s2  }
0xb0: {  	[dreg:$0x3] =	wrdreg s19  }
0xb1: {  	[dreg:$0x4] =	wrdreg $0x9  }
0xb2: {  	_ =	task.clear_ibuf [dreg:s8], $0x5FFFF;
	_ =	strace $0x90000046  }
0xb3: {  	s29 =	simm.s32 $0x9;
	_ =	strace $0x8000004F  }
0xb4: {  	_ =	swait.ge [sflag:s29], $0x1  }
0xb5: {  	[sflag:s29] =	ssyncadd.s32 $0xFFFFFFFF  }
0xb6: {  	_ =	strace $0x9000004F  }
0xb7: {  	_ =	sfence  }
0xb8: {  	s30 =	sld [smem:$0x0];
	_ =	sdelay $0x2  }
0xb9: {  	s31 =	sshll.u32 s1, $0xD;
	s1 =	sshrl.u32 s1, $0x2  }
0xba: {  	s3 =	sand.u32 $0x4000, s31;
	s1 =	sadd.s32 s1, s30  }
0xbb: {  	s0 =	sor.u32 s3, s0;
	s1 =	sshll.u32 s1, $0x11  }
0xbc: {  	s0 =	sor.u32 s1, s0  }
0xbd: {  	s0 =	sadd.s32 $0x8F2B, s0  }
0xbe: {  	[sflag:s0] =	ssyncadd.remote.s32 $0x1  }
0xbf: {  	_ =	sfence.sel $0xFFFF  }
0xc0: {  	[dreg:$0x0] =	wrdreg $0xFFFFFFFF;
	(pc) =	sbr.abs _section_cstart, $3  }
0xc1: {  	[dreg:$0x1] =	wrdreg $0xFFFFFFFF  }
0xc2: {  	_ =	task.clear_ibuf [dreg:s8], $0x2FFFF;
	_ =	strace $0x9FFFFFFF  }
0xc3: {  	(tm) =	ssettm $0x7FFFFFFF  }
tec
execute0_lowered:
.L_overlay_start_1:
0x0: {  	(tag) =	ssettag $0x1  }
0x1: {  	s1 =	rddreg [dreg:$0x0]  }
0x2: {  	s2 =	rddreg [dreg:$0x1]  }
0x3: {  	s3 =	srdreg.scid;
	s0 =	rddreg [dreg:$0x2];
	s4 =	simm.s32 $0x0  }
0x4: {  	s9 =	simm.s32 $0x0;
	s5 =	sand.u32 $0x1, s3;
	s3 =	stileid.u32  }
0x5: {  	[smem:$0x7FF] =	sst s4;
	s6 =	sshll.u32 s5, $0x4;
	s5 =	ssub.s32 $0x2, s5  }
0x6: {  	_ =	strace $0x80000047;
	s6 =	sor.u32 s3, s6;
	s7 =	sshrl.u32 s5, $0x1  }
0x7: {  	s8 =	sshll.u32 s6, $0x11;
	s7 =	ssub.s32 s5, s7;
	s5 =	sshll.u32 s6, $0x6  }
0x8: {  	s6 =	sadd.s32 s1, s8;
	s7 =	smax.u32 s7, $0x1;
	s8 =	simm.s32 $0x4  }
.LBB2_1:
0x9: {  	_ =	strace $0x80000048;
	s10 =	simm.s32 $0x0  }
0xa: {  	s11 =	simm.s32 $0x0;
	s12 =	simm.s32 $0x0;
	s13 =	simm.s32 $0x0  }
0xb: {  	[tilespmem:s4], [sflag:$0x1] =	stream.linear.gather [hbm4b:s6+s4], $0x4000, $0x200038;
	[tilespmem:$0x10000] =	vst v63  }
0xc: {  	s14 =	simm.s32 $0x1;
	s15 =	simm.s32 $0x0;
	_ =	strace $0x90000048  }
.LBB2_2:
0xd: {  	s18 =	smov.u32 s10;
	s10 =	sadd.s32 $0x1, s10  }
0xe: {  	p0 =	seq.s32 s10, $0x40  }
0xf: {  	s10 =	simm.s32 @p0 $0x0  }
0x10: {  	p6 =	sne.s32 s15, $0x3F;
	p1 =	sne.s32 s18, s10  }
0x11: {  	p0 =	por !p6, !p1  }
0x12: {  	p0 =	por !p0, !p0  }
0x13: {  	s16 =	sadd.s32 @p0 s5, s10  }
0x14: {  	_ =	strace @p0 $0x80000049;
	s16 =	sshll.u32 @p0 s16, $0xB  }
0x15: {  	s17 =	sand.u32 @p0 $0x1, s14;
	s20 =	simm.s32 @p0 $0x0;
	s16 =	sand.u32 @p0 $0x1FFFF800, s16  }
0x16: {  	s19 =	sshll.u32 @p0 s17, $0xE;
	s17 =	sadd.s32 @p0 $0x1, s17;
	s16 =	sadd.s32 @p0 s1, s16  }
0x17: {  	[tilespmem:s19], [sflag:s17] =	stream.linear.gather @p0 [hbm4b:s16+s20], $0x4000, $0x200038;
	[tilespmem:$0x10000] =	vst v63  }
0x18: {  	s26 =	sand.u32 $0x1, s13;
	_ =	strace @p0 $0x90000049  }
0x19: {  	s29 =	sshll.u32 s13, $0xE;
	s28 =	sadd.s32 $0x1, s26;
	_ =	strace $0x8000004A  }
0x1a: {  	s31 =	sand.u32 $0x4000, s29;
	_ =	swait.ge [sflag:s28], $0x4000  }
0x1b: {  	v0 =	vmov s31;
	s16 =	sand.u32 $0x1, s12;
	[sflag:s28] =	ssyncset.done $0x0  }
0x1c: {  	s30 =	sshll.u32 s16, $0xE;
	[sflag:s28] =	ssyncadd.s32 $0xFFFFC000  }
0x1d: {  	s17 =	sor.u32 $0x8000, s30;
	_ =	strace $0x9000004A  }
0x1e: {  	s18 =	sadd.s32 s5, s18;
	s19 =	simm.s32 $0x0;
	v1 =	vmov s17;
	_ =	strace $0x8000004B  }
.LBB2_3:
0x1f: {  	s20 =	sshll.u32 s19, $0x7  }
0x20: {  	v2 =	vld.idx.msk [tilespmem:v0+s20+$0x0 ss:$0x1], $0xffff;
	_ =	sdelay $0x4  }
0x21: {  	v2 =	vadd.f32 v2, v2;
	_ =	sdelay $0x1  }
0x22: {  	s21 =	sor.u32 $0x10, s20;
	[tilespmem:v1+s20+$0x0 ss:$0x1] =	vst.idx.msk $0xffff, v2  }
0x23: {  	v2 =	vld.idx.msk [tilespmem:v0+s21+$0x0 ss:$0x1], $0xffff;
	_ =	sdelay $0x4  }
0x24: {  	v2 =	vadd.f32 v2, v2;
	_ =	sdelay $0x1  }
0x25: {  	s23 =	sor.u32 $0x20, s20;
	[tilespmem:v1+s21+$0x0 ss:$0x1] =	vst.idx.msk $0xffff, v2  }
0x26: {  	v2 =	vld.idx.msk [tilespmem:v0+s23+$0x0 ss:$0x1], $0xffff;
	_ =	sdelay $0x4  }
0x27: {  	v2 =	vadd.f32 v2, v2;
	_ =	sdelay $0x1  }
0x28: {  	s24 =	sor.u32 $0x30, s20;
	[tilespmem:v1+s23+$0x0 ss:$0x1] =	vst.idx.msk $0xffff, v2  }
0x29: {  	v2 =	vld.idx.msk [tilespmem:v0+s24+$0x0 ss:$0x1], $0xffff;
	_ =	sdelay $0x4  }
0x2a: {  	v2 =	vadd.f32 v2, v2;
	_ =	sdelay $0x1  }
0x2b: {  	s25 =	sor.u32 $0x40, s20;
	[tilespmem:v1+s24+$0x0 ss:$0x1] =	vst.idx.msk $0xffff, v2  }
0x2c: {  	v2 =	vld.idx.msk [tilespmem:v0+s25+$0x0 ss:$0x1], $0xffff;
	_ =	sdelay $0x4  }
0x2d: {  	v2 =	vadd.f32 v2, v2;
	_ =	sdelay $0x1  }
0x2e: {  	s26 =	sor.u32 $0x50, s20;
	[tilespmem:v1+s25+$0x0 ss:$0x1] =	vst.idx.msk $0xffff, v2  }
0x2f: {  	v2 =	vld.idx.msk [tilespmem:v0+s26+$0x0 ss:$0x1], $0xffff;
	_ =	sdelay $0x4  }
0x30: {  	v2 =	vadd.f32 v2, v2;
	_ =	sdelay $0x1  }
0x31: {  	s28 =	sor.u32 $0x60, s20;
	[tilespmem:v1+s26+$0x0 ss:$0x1] =	vst.idx.msk $0xffff, v2  }
0x32: {  	v2 =	vld.idx.msk [tilespmem:v0+s28+$0x0 ss:$0x1], $0xffff;
	_ =	sdelay $0x4  }
0x33: {  	v2 =	vadd.f32 v2, v2;
	_ =	sdelay $0x1  }
0x34: {  	s29 =	sor.u32 $0x70, s20;
	[tilespmem:v1+s28+$0x0 ss:$0x1] =	vst.idx.msk $0xffff, v2  }
0x35: {  	v2 =	vld.idx.msk [tilespmem:v0+s29+$0x0 ss:$0x1], $0xffff;
	_ =	sdelay $0x4  }
0x36: {  	v2 =	vadd.f32 v2, v2;
	_ =	sdelay $0x1  }
0x37: {  	s30 =	sor.u32 $0x400, s20;
	[tilespmem:v1+s29+$0x0 ss:$0x1] =	vst.idx.msk $0xffff, v2  }
0x38: {  	v2 =	vld.idx.msk [tilespmem:v0+s30+$0x0 ss:$0x1], $0xffff;
	_ =	sdelay $0x4  }
0x39: {  	v2 =	vadd.f32 v2, v2;
	_ =	sdelay $0x1  }
0x3a: {  	s31 =	sor.u32 $0x410, s20;
	[tilespmem:v1+s30+$0x0 ss:$0x1] =	vst.idx.msk $0xffff, v2  }
0x3b: {  	v2 =	vld.idx.msk [tilespmem:v0+s31+$0x0 ss:$0x1], $0xffff;
	_ =	sdelay $0x4  }
0x3c: {  	v2 =	vadd.f32 v2, v2;
	_ =	sdelay $0x1  }
0x3d: {  	s22 =	sor.u32 $0x420, s20;
	[tilespmem:v1+s31+$0x0 ss:$0x1] =	vst.idx.msk $0xffff, v2  }
0x3e: {  	v2 =	vld.idx.msk [tilespmem:v0+s22+$0x0 ss:$0x1], $0xffff;
	_ =	sdelay $0x4  }
0x3f: {  	v2 =	vadd.f32 v2, v2;
	_ =	sdelay $0x1  }
0x40: {  	s23 =	sor.u32 $0x430, s20;
	[tilespmem:v1+s22+$0x0 ss:$0x1] =	vst.idx.msk $0xffff, v2  }
0x41: {  	v2 =	vld.idx.msk [tilespmem:v0+s23+$0x0 ss:$0x1], $0xffff;
	_ =	sdelay $0x4  }
0x42: {  	v2 =	vadd.f32 v2, v2;
	_ =	sdelay $0x1  }
0x43: {  	s24 =	sor.u32 $0x440, s20;
	[tilespmem:v1+s23+$0x0 ss:$0x1] =	vst.idx.msk $0xffff, v2  }
0x44: {  	v2 =	vld.idx.msk [tilespmem:v0+s24+$0x0 ss:$0x1], $0xffff;
	_ =	sdelay $0x4  }
0x45: {  	v2 =	vadd.f32 v2, v2;
	_ =	sdelay $0x1  }
0x46: {  	s25 =	sor.u32 $0x450, s20;
	[tilespmem:v1+s24+$0x0 ss:$0x1] =	vst.idx.msk $0xffff, v2  }
0x47: {  	v2 =	vld.idx.msk [tilespmem:v0+s25+$0x0 ss:$0x1], $0xffff;
	_ =	sdelay $0x4  }
0x48: {  	v2 =	vadd.f32 v2, v2;
	_ =	sdelay $0x1  }
0x49: {  	s26 =	sor.u32 $0x460, s20;
	[tilespmem:v1+s25+$0x0 ss:$0x1] =	vst.idx.msk $0xffff, v2  }
0x4a: {  	v2 =	vld.idx.msk [tilespmem:v0+s26+$0x0 ss:$0x1], $0xffff;
	_ =	sdelay $0x4  }
0x4b: {  	v2 =	vadd.f32 v2, v2;
	_ =	sdelay $0x1  }
0x4c: {  	s28 =	sor.u32 $0x470, s20;
	[tilespmem:v1+s26+$0x0 ss:$0x1] =	vst.idx.msk $0xffff, v2  }
0x4d: {  	v2 =	vld.idx.msk [tilespmem:v0+s28+$0x0 ss:$0x1], $0xffff;
	_ =	sdelay $0x4  }
0x4e: {  	v2 =	vadd.f32 v2, v2;
	_ =	sdelay $0x1  }
0x4f: {  	s29 =	sor.u32 $0x800, s20;
	[tilespmem:v1+s28+$0x0 ss:$0x1] =	vst.idx.msk $0xffff, v2  }
0x50: {  	v2 =	vld.idx.msk [tilespmem:v0+s29+$0x0 ss:$0x1], $0xffff;
	_ =	sdelay $0x4  }
0x51: {  	v2 =	vadd.f32 v2, v2;
	_ =	sdelay $0x1  }
0x52: {  	s30 =	sor.u32 $0x810, s20;
	[tilespmem:v1+s29+$0x0 ss:$0x1] =	vst.idx.msk $0xffff, v2  }
0x53: {  	v2 =	vld.idx.msk [tilespmem:v0+s30+$0x0 ss:$0x1], $0xffff;
	_ =	sdelay $0x4  }
0x54: {  	v2 =	vadd.f32 v2, v2;
	_ =	sdelay $0x1  }
0x55: {  	s31 =	sor.u32 $0x820, s20;
	[tilespmem:v1+s30+$0x0 ss:$0x1] =	vst.idx.msk $0xffff, v2  }
0x56: {  	v2 =	vld.idx.msk [tilespmem:v0+s31+$0x0 ss:$0x1], $0xffff;
	_ =	sdelay $0x4  }
0x57: {  	v2 =	vadd.f32 v2, v2;
	_ =	sdelay $0x1  }
0x58: {  	s22 =	sor.u32 $0x830, s20;
	[tilespmem:v1+s31+$0x0 ss:$0x1] =	vst.idx.msk $0xffff, v2  }
0x59: {  	v2 =	vld.idx.msk [tilespmem:v0+s22+$0x0 ss:$0x1], $0xffff;
	_ =	sdelay $0x4  }
0x5a: {  	v2 =	vadd.f32 v2, v2;
	_ =	sdelay $0x1  }
0x5b: {  	s23 =	sor.u32 $0x840, s20;
	[tilespmem:v1+s22+$0x0 ss:$0x1] =	vst.idx.msk $0xffff, v2  }
0x5c: {  	v2 =	vld.idx.msk [tilespmem:v0+s23+$0x0 ss:$0x1], $0xffff;
	_ =	sdelay $0x4  }
0x5d: {  	v2 =	vadd.f32 v2, v2;
	_ =	sdelay $0x1  }
0x5e: {  	s24 =	sor.u32 $0x850, s20;
	[tilespmem:v1+s23+$0x0 ss:$0x1] =	vst.idx.msk $0xffff, v2  }
0x5f: {  	v2 =	vld.idx.msk [tilespmem:v0+s24+$0x0 ss:$0x1], $0xffff;
	_ =	sdelay $0x4  }
0x60: {  	v2 =	vadd.f32 v2, v2;
	_ =	sdelay $0x1  }
0x61: {  	s25 =	sor.u32 $0x860, s20;
	[tilespmem:v1+s24+$0x0 ss:$0x1] =	vst.idx.msk $0xffff, v2  }
0x62: {  	v2 =	vld.idx.msk [tilespmem:v0+s25+$0x0 ss:$0x1], $0xffff;
	_ =	sdelay $0x4  }
0x63: {  	v2 =	vadd.f32 v2, v2;
	_ =	sdelay $0x1  }
0x64: {  	s26 =	sor.u32 $0x870, s20;
	[tilespmem:v1+s25+$0x0 ss:$0x1] =	vst.idx.msk $0xffff, v2  }
0x65: {  	v2 =	vld.idx.msk [tilespmem:v0+s26+$0x0 ss:$0x1], $0xffff;
	_ =	sdelay $0x4  }
0x66: {  	v2 =	vadd.f32 v2, v2;
	_ =	sdelay $0x1  }
0x67: {  	s28 =	sor.u32 $0xC00, s20;
	[tilespmem:v1+s26+$0x0 ss:$0x1] =	vst.idx.msk $0xffff, v2  }
0x68: {  	v2 =	vld.idx.msk [tilespmem:v0+s28+$0x0 ss:$0x1], $0xffff;
	_ =	sdelay $0x4  }
0x69: {  	v2 =	vadd.f32 v2, v2;
	_ =	sdelay $0x1  }
0x6a: {  	s29 =	sor.u32 $0xC10, s20;
	[tilespmem:v1+s28+$0x0 ss:$0x1] =	vst.idx.msk $0xffff, v2  }
0x6b: {  	v2 =	vld.idx.msk [tilespmem:v0+s29+$0x0 ss:$0x1], $0xffff;
	_ =	sdelay $0x4  }
0x6c: {  	v2 =	vadd.f32 v2, v2;
	_ =	sdelay $0x1  }
0x6d: {  	s30 =	sor.u32 $0xC20, s20;
	[tilespmem:v1+s29+$0x0 ss:$0x1] =	vst.idx.msk $0xffff, v2  }
0x6e: {  	v2 =	vld.idx.msk [tilespmem:v0+s30+$0x0 ss:$0x1], $0xffff;
	_ =	sdelay $0x4  }
0x6f: {  	v2 =	vadd.f32 v2, v2;
	_ =	sdelay $0x1  }
0x70: {  	s31 =	sor.u32 $0xC30, s20;
	[tilespmem:v1+s30+$0x0 ss:$0x1] =	vst.idx.msk $0xffff, v2  }
0x71: {  	v2 =	vld.idx.msk [tilespmem:v0+s31+$0x0 ss:$0x1], $0xffff;
	_ =	sdelay $0x4  }
0x72: {  	v2 =	vadd.f32 v2, v2;
	_ =	sdelay $0x1  }
0x73: {  	s22 =	sor.u32 $0xC40, s20;
	[tilespmem:v1+s31+$0x0 ss:$0x1] =	vst.idx.msk $0xffff, v2  }
0x74: {  	v2 =	vld.idx.msk [tilespmem:v0+s22+$0x0 ss:$0x1], $0xffff;
	_ =	sdelay $0x4  }
0x75: {  	v2 =	vadd.f32 v2, v2;
	_ =	sdelay $0x1  }
0x76: {  	s23 =	sor.u32 $0xC50, s20;
	[tilespmem:v1+s22+$0x0 ss:$0x1] =	vst.idx.msk $0xffff, v2  }
0x77: {  	v2 =	vld.idx.msk [tilespmem:v0+s23+$0x0 ss:$0x1], $0xffff;
	_ =	sdelay $0x4  }
0x78: {  	v2 =	vadd.f32 v2, v2;
	_ =	sdelay $0x1  }
0x79: {  	s24 =	sor.u32 $0xC60, s20;
	[tilespmem:v1+s23+$0x0 ss:$0x1] =	vst.idx.msk $0xffff, v2  }
0x7a: {  	v2 =	vld.idx.msk [tilespmem:v0+s24+$0x0 ss:$0x1], $0xffff;
	_ =	sdelay $0x4  }
0x7b: {  	v2 =	vadd.f32 v2, v2;
	_ =	sdelay $0x1  }
0x7c: {  	s25 =	sor.u32 $0xC70, s20;
	[tilespmem:v1+s24+$0x0 ss:$0x1] =	vst.idx.msk $0xffff, v2  }
0x7d: {  	v2 =	vld.idx.msk [tilespmem:v0+s25+$0x0 ss:$0x1], $0xffff;
	_ =	sdelay $0x4  }
0x7e: {  	v2 =	vadd.f32 v2, v2;
	_ =	sdelay $0x1  }
0x7f: {  	s26 =	sor.u32 $0x1000, s20;
	[tilespmem:v1+s25+$0x0 ss:$0x1] =	vst.idx.msk $0xffff, v2  }
0x80: {  	v2 =	vld.idx.msk [tilespmem:v0+s26+$0x0 ss:$0x1], $0xffff;
	_ =	sdelay $0x4  }
0x81: {  	v2 =	vadd.f32 v2, v2;
	_ =	sdelay $0x1  }
0x82: {  	s28 =	sor.u32 $0x1010, s20;
	[tilespmem:v1+s26+$0x0 ss:$0x1] =	vst.idx.msk $0xffff, v2  }
0x83: {  	v2 =	vld.idx.msk [tilespmem:v0+s28+$0x0 ss:$0x1], $0xffff;
	_ =	sdelay $0x4  }
0x84: {  	v2 =	vadd.f32 v2, v2;
	_ =	sdelay $0x1  }
0x85: {  	s29 =	sor.u32 $0x1020, s20;
	[tilespmem:v1+s28+$0x0 ss:$0x1] =	vst.idx.msk $0xffff, v2  }
0x86: {  	v2 =	vld.idx.msk [tilespmem:v0+s29+$0x0 ss:$0x1], $0xffff;
	_ =	sdelay $0x4  }
0x87: {  	v2 =	vadd.f32 v2, v2;
	_ =	sdelay $0x1  }
0x88: {  	s30 =	sor.u32 $0x1030, s20;
	[tilespmem:v1+s29+$0x0 ss:$0x1] =	vst.idx.msk $0xffff, v2  }
0x89: {  	v2 =	vld.idx.msk [tilespmem:v0+s30+$0x0 ss:$0x1], $0xffff;
	_ =	sdelay $0x4  }
0x8a: {  	v2 =	vadd.f32 v2, v2;
	_ =	sdelay $0x1  }
0x8b: {  	s31 =	sor.u32 $0x1040, s20;
	[tilespmem:v1+s30+$0x0 ss:$0x1] =	vst.idx.msk $0xffff, v2  }
0x8c: {  	v2 =	vld.idx.msk [tilespmem:v0+s31+$0x0 ss:$0x1], $0xffff;
	_ =	sdelay $0x4  }
0x8d: {  	v2 =	vadd.f32 v2, v2;
	_ =	sdelay $0x1  }
0x8e: {  	s22 =	sor.u32 $0x1050, s20;
	[tilespmem:v1+s31+$0x0 ss:$0x1] =	vst.idx.msk $0xffff, v2  }
0x8f: {  	v2 =	vld.idx.msk [tilespmem:v0+s22+$0x0 ss:$0x1], $0xffff;
	_ =	sdelay $0x4  }
0x90: {  	v2 =	vadd.f32 v2, v2;
	_ =	sdelay $0x1  }
0x91: {  	s23 =	sor.u32 $0x1060, s20;
	[tilespmem:v1+s22+$0x0 ss:$0x1] =	vst.idx.msk $0xffff, v2  }
0x92: {  	v2 =	vld.idx.msk [tilespmem:v0+s23+$0x0 ss:$0x1], $0xffff;
	_ =	sdelay $0x4  }
0x93: {  	v2 =	vadd.f32 v2, v2;
	_ =	sdelay $0x1  }
0x94: {  	s24 =	sor.u32 $0x1070, s20;
	[tilespmem:v1+s23+$0x0 ss:$0x1] =	vst.idx.msk $0xffff, v2  }
0x95: {  	v2 =	vld.idx.msk [tilespmem:v0+s24+$0x0 ss:$0x1], $0xffff;
	_ =	sdelay $0x4  }
0x96: {  	v2 =	vadd.f32 v2, v2;
	_ =	sdelay $0x1  }
0x97: {  	s25 =	sor.u32 $0x1400, s20;
	[tilespmem:v1+s24+$0x0 ss:$0x1] =	vst.idx.msk $0xffff, v2  }
0x98: {  	v2 =	vld.idx.msk [tilespmem:v0+s25+$0x0 ss:$0x1], $0xffff;
	_ =	sdelay $0x4  }
0x99: {  	v2 =	vadd.f32 v2, v2;
	_ =	sdelay $0x1  }
0x9a: {  	s26 =	sor.u32 $0x1410, s20;
	[tilespmem:v1+s25+$0x0 ss:$0x1] =	vst.idx.msk $0xffff, v2  }
0x9b: {  	v2 =	vld.idx.msk [tilespmem:v0+s26+$0x0 ss:$0x1], $0xffff;
	_ =	sdelay $0x4  }
0x9c: {  	v2 =	vadd.f32 v2, v2;
	_ =	sdelay $0x1  }
0x9d: {  	s28 =	sor.u32 $0x1420, s20;
	[tilespmem:v1+s26+$0x0 ss:$0x1] =	vst.idx.msk $0xffff, v2  }
0x9e: {  	v2 =	vld.idx.msk [tilespmem:v0+s28+$0x0 ss:$0x1], $0xffff;
	_ =	sdelay $0x4  }
0x9f: {  	v2 =	vadd.f32 v2, v2;
	_ =	sdelay $0x1  }
0xa0: {  	s29 =	sor.u32 $0x1430, s20;
	[tilespmem:v1+s28+$0x0 ss:$0x1] =	vst.idx.msk $0xffff, v2  }
0xa1: {  	v2 =	vld.idx.msk [tilespmem:v0+s29+$0x0 ss:$0x1], $0xffff;
	_ =	sdelay $0x4  }
0xa2: {  	v2 =	vadd.f32 v2, v2;
	_ =	sdelay $0x1  }
0xa3: {  	s30 =	sor.u32 $0x1440, s20;
	[tilespmem:v1+s29+$0x0 ss:$0x1] =	vst.idx.msk $0xffff, v2  }
0xa4: {  	v2 =	vld.idx.msk [tilespmem:v0+s30+$0x0 ss:$0x1], $0xffff;
	_ =	sdelay $0x4  }
0xa5: {  	v2 =	vadd.f32 v2, v2;
	_ =	sdelay $0x1  }
0xa6: {  	s31 =	sor.u32 $0x1450, s20;
	[tilespmem:v1+s30+$0x0 ss:$0x1] =	vst.idx.msk $0xffff, v2  }
0xa7: {  	v2 =	vld.idx.msk [tilespmem:v0+s31+$0x0 ss:$0x1], $0xffff;
	_ =	sdelay $0x4  }
0xa8: {  	v2 =	vadd.f32 v2, v2;
	_ =	sdelay $0x1  }
0xa9: {  	s22 =	sor.u32 $0x1460, s20;
	[tilespmem:v1+s31+$0x0 ss:$0x1] =	vst.idx.msk $0xffff, v2  }
0xaa: {  	v2 =	vld.idx.msk [tilespmem:v0+s22+$0x0 ss:$0x1], $0xffff;
	_ =	sdelay $0x4  }
0xab: {  	v2 =	vadd.f32 v2, v2;
	_ =	sdelay $0x1  }
0xac: {  	s23 =	sor.u32 $0x1470, s20;
	[tilespmem:v1+s22+$0x0 ss:$0x1] =	vst.idx.msk $0xffff, v2  }
0xad: {  	v2 =	vld.idx.msk [tilespmem:v0+s23+$0x0 ss:$0x1], $0xffff;
	_ =	sdelay $0x4  }
0xae: {  	v2 =	vadd.f32 v2, v2;
	_ =	sdelay $0x1  }
0xaf: {  	s24 =	sor.u32 $0x1800, s20;
	[tilespmem:v1+s23+$0x0 ss:$0x1] =	vst.idx.msk $0xffff, v2  }
0xb0: {  	v2 =	vld.idx.msk [tilespmem:v0+s24+$0x0 ss:$0x1], $0xffff;
	_ =	sdelay $0x4  }
0xb1: {  	v2 =	vadd.f32 v2, v2;
	_ =	sdelay $0x1  }
0xb2: {  	s25 =	sor.u32 $0x1810, s20;
	[tilespmem:v1+s24+$0x0 ss:$0x1] =	vst.idx.msk $0xffff, v2  }
0xb3: {  	v2 =	vld.idx.msk [tilespmem:v0+s25+$0x0 ss:$0x1], $0xffff;
	_ =	sdelay $0x4  }
0xb4: {  	v2 =	vadd.f32 v2, v2;
	_ =	sdelay $0x1  }
0xb5: {  	s26 =	sor.u32 $0x1820, s20;
	[tilespmem:v1+s25+$0x0 ss:$0x1] =	vst.idx.msk $0xffff, v2  }
0xb6: {  	v2 =	vld.idx.msk [tilespmem:v0+s26+$0x0 ss:$0x1], $0xffff;
	_ =	sdelay $0x4  }
0xb7: {  	v2 =	vadd.f32 v2, v2;
	_ =	sdelay $0x1  }
0xb8: {  	s28 =	sor.u32 $0x1830, s20;
	[tilespmem:v1+s26+$0x0 ss:$0x1] =	vst.idx.msk $0xffff, v2  }
0xb9: {  	v2 =	vld.idx.msk [tilespmem:v0+s28+$0x0 ss:$0x1], $0xffff;
	_ =	sdelay $0x4  }
0xba: {  	v2 =	vadd.f32 v2, v2;
	_ =	sdelay $0x1  }
0xbb: {  	s29 =	sor.u32 $0x1840, s20;
	[tilespmem:v1+s28+$0x0 ss:$0x1] =	vst.idx.msk $0xffff, v2  }
0xbc: {  	v2 =	vld.idx.msk [tilespmem:v0+s29+$0x0 ss:$0x1], $0xffff;
	_ =	sdelay $0x4  }
0xbd: {  	v2 =	vadd.f32 v2, v2;
	_ =	sdelay $0x1  }
0xbe: {  	s30 =	sor.u32 $0x1850, s20;
	[tilespmem:v1+s29+$0x0 ss:$0x1] =	vst.idx.msk $0xffff, v2  }
0xbf: {  	v2 =	vld.idx.msk [tilespmem:v0+s30+$0x0 ss:$0x1], $0xffff;
	_ =	sdelay $0x4  }
0xc0: {  	v2 =	vadd.f32 v2, v2;
	_ =	sdelay $0x1  }
0xc1: {  	s31 =	sor.u32 $0x1860, s20;
	[tilespmem:v1+s30+$0x0 ss:$0x1] =	vst.idx.msk $0xffff, v2  }
0xc2: {  	v2 =	vld.idx.msk [tilespmem:v0+s31+$0x0 ss:$0x1], $0xffff;
	_ =	sdelay $0x4  }
0xc3: {  	v2 =	vadd.f32 v2, v2;
	_ =	sdelay $0x1  }
0xc4: {  	s22 =	sor.u32 $0x1870, s20;
	[tilespmem:v1+s31+$0x0 ss:$0x1] =	vst.idx.msk $0xffff, v2  }
0xc5: {  	v2 =	vld.idx.msk [tilespmem:v0+s22+$0x0 ss:$0x1], $0xffff;
	_ =	sdelay $0x4  }
0xc6: {  	v2 =	vadd.f32 v2, v2;
	_ =	sdelay $0x1  }
0xc7: {  	s23 =	sor.u32 $0x1C00, s20;
	[tilespmem:v1+s22+$0x0 ss:$0x1] =	vst.idx.msk $0xffff, v2  }
0xc8: {  	v2 =	vld.idx.msk [tilespmem:v0+s23+$0x0 ss:$0x1], $0xffff;
	_ =	sdelay $0x4  }
0xc9: {  	v2 =	vadd.f32 v2, v2;
	_ =	sdelay $0x1  }
0xca: {  	s24 =	sor.u32 $0x1C10, s20;
	[tilespmem:v1+s23+$0x0 ss:$0x1] =	vst.idx.msk $0xffff, v2  }
0xcb: {  	v2 =	vld.idx.msk [tilespmem:v0+s24+$0x0 ss:$0x1], $0xffff;
	_ =	sdelay $0x4  }
0xcc: {  	v2 =	vadd.f32 v2, v2;
	_ =	sdelay $0x1  }
0xcd: {  	s25 =	sor.u32 $0x1C20, s20;
	[tilespmem:v1+s24+$0x0 ss:$0x1] =	vst.idx.msk $0xffff, v2  }
0xce: {  	v2 =	vld.idx.msk [tilespmem:v0+s25+$0x0 ss:$0x1], $0xffff;
	_ =	sdelay $0x4  }
0xcf: {  	v2 =	vadd.f32 v2, v2;
	_ =	sdelay $0x1  }
0xd0: {  	s26 =	sor.u32 $0x1C30, s20;
	[tilespmem:v1+s25+$0x0 ss:$0x1] =	vst.idx.msk $0xffff, v2  }
0xd1: {  	v2 =	vld.idx.msk [tilespmem:v0+s26+$0x0 ss:$0x1], $0xffff;
	_ =	sdelay $0x4  }
0xd2: {  	v2 =	vadd.f32 v2, v2;
	_ =	sdelay $0x1  }
0xd3: {  	s28 =	sor.u32 $0x1C40, s20;
	[tilespmem:v1+s26+$0x0 ss:$0x1] =	vst.idx.msk $0xffff, v2  }
0xd4: {  	v2 =	vld.idx.msk [tilespmem:v0+s28+$0x0 ss:$0x1], $0xffff;
	_ =	sdelay $0x4  }
0xd5: {  	v2 =	vadd.f32 v2, v2;
	_ =	sdelay $0x1  }
0xd6: {  	s29 =	sor.u32 $0x1C50, s20;
	[tilespmem:v1+s28+$0x0 ss:$0x1] =	vst.idx.msk $0xffff, v2  }
0xd7: {  	v2 =	vld.idx.msk [tilespmem:v0+s29+$0x0 ss:$0x1], $0xffff;
	_ =	sdelay $0x4  }
0xd8: {  	v2 =	vadd.f32 v2, v2;
	_ =	sdelay $0x1  }
0xd9: {  	s30 =	sor.u32 $0x1C60, s20;
	[tilespmem:v1+s29+$0x0 ss:$0x1] =	vst.idx.msk $0xffff, v2  }
0xda: {  	v2 =	vld.idx.msk [tilespmem:v0+s30+$0x0 ss:$0x1], $0xffff;
	_ =	sdelay $0x4  }
0xdb: {  	v2 =	vadd.f32 v2, v2;
	_ =	sdelay $0x1  }
0xdc: {  	s31 =	sor.u32 $0x1C70, s20;
	[tilespmem:v1+s30+$0x0 ss:$0x1] =	vst.idx.msk $0xffff, v2  }
0xdd: {  	v2 =	vld.idx.msk [tilespmem:v0+s31+$0x0 ss:$0x1], $0xffff;
	_ =	sdelay $0x4  }
0xde: {  	v2 =	vadd.f32 v2, v2;
	_ =	sdelay $0x1  }
0xdf: {  	s22 =	sor.u32 $0x2000, s20;
	[tilespmem:v1+s31+$0x0 ss:$0x1] =	vst.idx.msk $0xffff, v2  }
0xe0: {  	v2 =	vld.idx.msk [tilespmem:v0+s22+$0x0 ss:$0x1], $0xffff;
	_ =	sdelay $0x4  }
0xe1: {  	v2 =	vadd.f32 v2, v2;
	_ =	sdelay $0x1  }
0xe2: {  	s23 =	sor.u32 $0x2010, s20;
	[tilespmem:v1+s22+$0x0 ss:$0x1] =	vst.idx.msk $0xffff, v2  }
0xe3: {  	v2 =	vld.idx.msk [tilespmem:v0+s23+$0x0 ss:$0x1], $0xffff;
	_ =	sdelay $0x4  }
0xe4: {  	v2 =	vadd.f32 v2, v2;
	_ =	sdelay $0x1  }
0xe5: {  	s24 =	sor.u32 $0x2020, s20;
	[tilespmem:v1+s23+$0x0 ss:$0x1] =	vst.idx.msk $0xffff, v2  }
0xe6: {  	v2 =	vld.idx.msk [tilespmem:v0+s24+$0x0 ss:$0x1], $0xffff;
	_ =	sdelay $0x4  }
0xe7: {  	v2 =	vadd.f32 v2, v2;
	_ =	sdelay $0x1  }
0xe8: {  	s25 =	sor.u32 $0x2030, s20;
	[tilespmem:v1+s24+$0x0 ss:$0x1] =	vst.idx.msk $0xffff, v2  }
0xe9: {  	v2 =	vld.idx.msk [tilespmem:v0+s25+$0x0 ss:$0x1], $0xffff;
	_ =	sdelay $0x4  }
0xea: {  	v2 =	vadd.f32 v2, v2;
	_ =	sdelay $0x1  }
0xeb: {  	s26 =	sor.u32 $0x2040, s20;
	[tilespmem:v1+s25+$0x0 ss:$0x1] =	vst.idx.msk $0xffff, v2  }
0xec: {  	v2 =	vld.idx.msk [tilespmem:v0+s26+$0x0 ss:$0x1], $0xffff;
	_ =	sdelay $0x4  }
0xed: {  	v2 =	vadd.f32 v2, v2;
	_ =	sdelay $0x1  }
0xee: {  	s28 =	sor.u32 $0x2050, s20;
	[tilespmem:v1+s26+$0x0 ss:$0x1] =	vst.idx.msk $0xffff, v2  }
0xef: {  	v2 =	vld.idx.msk [tilespmem:v0+s28+$0x0 ss:$0x1], $0xffff;
	_ =	sdelay $0x4  }
0xf0: {  	v2 =	vadd.f32 v2, v2;
	_ =	sdelay $0x1  }
0xf1: {  	s29 =	sor.u32 $0x2060, s20;
	[tilespmem:v1+s28+$0x0 ss:$0x1] =	vst.idx.msk $0xffff, v2  }
0xf2: {  	v2 =	vld.idx.msk [tilespmem:v0+s29+$0x0 ss:$0x1], $0xffff;
	_ =	sdelay $0x4  }
0xf3: {  	v2 =	vadd.f32 v2, v2;
	_ =	sdelay $0x1  }
0xf4: {  	s30 =	sor.u32 $0x2070, s20;
	[tilespmem:v1+s29+$0x0 ss:$0x1] =	vst.idx.msk $0xffff, v2  }
0xf5: {  	v2 =	vld.idx.msk [tilespmem:v0+s30+$0x0 ss:$0x1], $0xffff;
	_ =	sdelay $0x4  }
0xf6: {  	v2 =	vadd.f32 v2, v2;
	_ =	sdelay $0x1  }
0xf7: {  	s31 =	sor.u32 $0x2400, s20;
	[tilespmem:v1+s30+$0x0 ss:$0x1] =	vst.idx.msk $0xffff, v2  }
0xf8: {  	v2 =	vld.idx.msk [tilespmem:v0+s31+$0x0 ss:$0x1], $0xffff;
	_ =	sdelay $0x4  }
0xf9: {  	v2 =	vadd.f32 v2, v2;
	_ =	sdelay $0x1  }
0xfa: {  	s22 =	sor.u32 $0x2410, s20;
	[tilespmem:v1+s31+$0x0 ss:$0x1] =	vst.idx.msk $0xffff, v2  }
0xfb: {  	v2 =	vld.idx.msk [tilespmem:v0+s22+$0x0 ss:$0x1], $0xffff;
	_ =	sdelay $0x4  }
0xfc: {  	v2 =	vadd.f32 v2, v2;
	_ =	sdelay $0x1  }
0xfd: {  	s23 =	sor.u32 $0x2420, s20;
	[tilespmem:v1+s22+$0x0 ss:$0x1] =	vst.idx.msk $0xffff, v2  }
0xfe: {  	v2 =	vld.idx.msk [tilespmem:v0+s23+$0x0 ss:$0x1], $0xffff;
	_ =	sdelay $0x4  }
0xff: {  	v2 =	vadd.f32 v2, v2;
	_ =	sdelay $0x1  }
0x100: {  	s24 =	sor.u32 $0x2430, s20;
	[tilespmem:v1+s23+$0x0 ss:$0x1] =	vst.idx.msk $0xffff, v2  }
0x101: {  	v2 =	vld.idx.msk [tilespmem:v0+s24+$0x0 ss:$0x1], $0xffff;
	_ =	sdelay $0x4  }
0x102: {  	v2 =	vadd.f32 v2, v2;
	_ =	sdelay $0x1  }
0x103: {  	s25 =	sor.u32 $0x2440, s20;
	[tilespmem:v1+s24+$0x0 ss:$0x1] =	vst.idx.msk $0xffff, v2  }
0x104: {  	v2 =	vld.idx.msk [tilespmem:v0+s25+$0x0 ss:$0x1], $0xffff;
	_ =	sdelay $0x4  }
0x105: {  	v2 =	vadd.f32 v2, v2;
	_ =	sdelay $0x1  }
0x106: {  	s26 =	sor.u32 $0x2450, s20;
	[tilespmem:v1+s25+$0x0 ss:$0x1] =	vst.idx.msk $0xffff, v2  }
0x107: {  	v2 =	vld.idx.msk [tilespmem:v0+s26+$0x0 ss:$0x1], $0xffff;
	_ =	sdelay $0x4  }
0x108: {  	v2 =	vadd.f32 v2, v2;
	_ =	sdelay $0x1  }
0x109: {  	s28 =	sor.u32 $0x2460, s20;
	[tilespmem:v1+s26+$0x0 ss:$0x1] =	vst.idx.msk $0xffff, v2  }
0x10a: {  	v2 =	vld.idx.msk [tilespmem:v0+s28+$0x0 ss:$0x1], $0xffff;
	_ =	sdelay $0x4  }
0x10b: {  	v2 =	vadd.f32 v2, v2;
	_ =	sdelay $0x1  }
0x10c: {  	s29 =	sor.u32 $0x2470, s20;
	[tilespmem:v1+s28+$0x0 ss:$0x1] =	vst.idx.msk $0xffff, v2  }
0x10d: {  	v2 =	vld.idx.msk [tilespmem:v0+s29+$0x0 ss:$0x1], $0xffff;
	_ =	sdelay $0x4  }
0x10e: {  	v2 =	vadd.f32 v2, v2;
	_ =	sdelay $0x1  }
0x10f: {  	s30 =	sor.u32 $0x2800, s20;
	[tilespmem:v1+s29+$0x0 ss:$0x1] =	vst.idx.msk $0xffff, v2  }
0x110: {  	v2 =	vld.idx.msk [tilespmem:v0+s30+$0x0 ss:$0x1], $0xffff;
	_ =	sdelay $0x4  }
0x111: {  	v2 =	vadd.f32 v2, v2;
	_ =	sdelay $0x1  }
0x112: {  	s31 =	sor.u32 $0x2810, s20;
	[tilespmem:v1+s30+$0x0 ss:$0x1] =	vst.idx.msk $0xffff, v2  }
0x113: {  	v2 =	vld.idx.msk [tilespmem:v0+s31+$0x0 ss:$0x1], $0xffff;
	_ =	sdelay $0x4  }
0x114: {  	v2 =	vadd.f32 v2, v2;
	_ =	sdelay $0x1  }
0x115: {  	s22 =	sor.u32 $0x2820, s20;
	[tilespmem:v1+s31+$0x0 ss:$0x1] =	vst.idx.msk $0xffff, v2  }
0x116: {  	v2 =	vld.idx.msk [tilespmem:v0+s22+$0x0 ss:$0x1], $0xffff;
	_ =	sdelay $0x4  }
0x117: {  	v2 =	vadd.f32 v2, v2;
	_ =	sdelay $0x1  }
0x118: {  	s23 =	sor.u32 $0x2830, s20;
	[tilespmem:v1+s22+$0x0 ss:$0x1] =	vst.idx.msk $0xffff, v2  }
0x119: {  	v2 =	vld.idx.msk [tilespmem:v0+s23+$0x0 ss:$0x1], $0xffff;
	_ =	sdelay $0x4  }
0x11a: {  	v2 =	vadd.f32 v2, v2;
	_ =	sdelay $0x1  }
0x11b: {  	s24 =	sor.u32 $0x2840, s20;
	[tilespmem:v1+s23+$0x0 ss:$0x1] =	vst.idx.msk $0xffff, v2  }
0x11c: {  	v2 =	vld.idx.msk [tilespmem:v0+s24+$0x0 ss:$0x1], $0xffff;
	_ =	sdelay $0x4  }
0x11d: {  	v2 =	vadd.f32 v2, v2;
	_ =	sdelay $0x1  }
0x11e: {  	s25 =	sor.u32 $0x2850, s20;
	[tilespmem:v1+s24+$0x0 ss:$0x1] =	vst.idx.msk $0xffff, v2  }
0x11f: {  	v2 =	vld.idx.msk [tilespmem:v0+s25+$0x0 ss:$0x1], $0xffff;
	_ =	sdelay $0x4  }
0x120: {  	v2 =	vadd.f32 v2, v2;
	_ =	sdelay $0x1  }
0x121: {  	s26 =	sor.u32 $0x2860, s20;
	[tilespmem:v1+s25+$0x0 ss:$0x1] =	vst.idx.msk $0xffff, v2  }
0x122: {  	v2 =	vld.idx.msk [tilespmem:v0+s26+$0x0 ss:$0x1], $0xffff;
	_ =	sdelay $0x4  }
0x123: {  	v2 =	vadd.f32 v2, v2;
	_ =	sdelay $0x1  }
0x124: {  	s28 =	sor.u32 $0x2870, s20;
	[tilespmem:v1+s26+$0x0 ss:$0x1] =	vst.idx.msk $0xffff, v2  }
0x125: {  	v2 =	vld.idx.msk [tilespmem:v0+s28+$0x0 ss:$0x1], $0xffff;
	_ =	sdelay $0x4  }
0x126: {  	v2 =	vadd.f32 v2, v2;
	_ =	sdelay $0x1  }
0x127: {  	s29 =	sor.u32 $0x2C00, s20;
	[tilespmem:v1+s28+$0x0 ss:$0x1] =	vst.idx.msk $0xffff, v2  }
0x128: {  	v2 =	vld.idx.msk [tilespmem:v0+s29+$0x0 ss:$0x1], $0xffff;
	_ =	sdelay $0x4  }
0x129: {  	v2 =	vadd.f32 v2, v2;
	_ =	sdelay $0x1  }
0x12a: {  	s30 =	sor.u32 $0x2C10, s20;
	[tilespmem:v1+s29+$0x0 ss:$0x1] =	vst.idx.msk $0xffff, v2  }
0x12b: {  	v2 =	vld.idx.msk [tilespmem:v0+s30+$0x0 ss:$0x1], $0xffff;
	_ =	sdelay $0x4  }
0x12c: {  	v2 =	vadd.f32 v2, v2;
	_ =	sdelay $0x1  }
0x12d: {  	s31 =	sor.u32 $0x2C20, s20;
	[tilespmem:v1+s30+$0x0 ss:$0x1] =	vst.idx.msk $0xffff, v2  }
0x12e: {  	v2 =	vld.idx.msk [tilespmem:v0+s31+$0x0 ss:$0x1], $0xffff;
	_ =	sdelay $0x4  }
0x12f: {  	v2 =	vadd.f32 v2, v2;
	_ =	sdelay $0x1  }
0x130: {  	s22 =	sor.u32 $0x2C30, s20;
	[tilespmem:v1+s31+$0x0 ss:$0x1] =	vst.idx.msk $0xffff, v2  }
0x131: {  	v2 =	vld.idx.msk [tilespmem:v0+s22+$0x0 ss:$0x1], $0xffff;
	_ =	sdelay $0x4  }
0x132: {  	v2 =	vadd.f32 v2, v2;
	_ =	sdelay $0x1  }
0x133: {  	s23 =	sor.u32 $0x2C40, s20;
	[tilespmem:v1+s22+$0x0 ss:$0x1] =	vst.idx.msk $0xffff, v2  }
0x134: {  	v2 =	vld.idx.msk [tilespmem:v0+s23+$0x0 ss:$0x1], $0xffff;
	_ =	sdelay $0x4  }
0x135: {  	v2 =	vadd.f32 v2, v2;
	_ =	sdelay $0x1  }
0x136: {  	s24 =	sor.u32 $0x2C50, s20;
	[tilespmem:v1+s23+$0x0 ss:$0x1] =	vst.idx.msk $0xffff, v2  }
0x137: {  	v2 =	vld.idx.msk [tilespmem:v0+s24+$0x0 ss:$0x1], $0xffff;
	_ =	sdelay $0x4  }
0x138: {  	v2 =	vadd.f32 v2, v2;
	_ =	sdelay $0x1  }
0x139: {  	s25 =	sor.u32 $0x2C60, s20;
	[tilespmem:v1+s24+$0x0 ss:$0x1] =	vst.idx.msk $0xffff, v2  }
0x13a: {  	v2 =	vld.idx.msk [tilespmem:v0+s25+$0x0 ss:$0x1], $0xffff;
	_ =	sdelay $0x4  }
0x13b: {  	v2 =	vadd.f32 v2, v2;
	_ =	sdelay $0x1  }
0x13c: {  	s26 =	sor.u32 $0x2C70, s20;
	[tilespmem:v1+s25+$0x0 ss:$0x1] =	vst.idx.msk $0xffff, v2  }
0x13d: {  	v2 =	vld.idx.msk [tilespmem:v0+s26+$0x0 ss:$0x1], $0xffff;
	_ =	sdelay $0x4  }
0x13e: {  	v2 =	vadd.f32 v2, v2;
	_ =	sdelay $0x1  }
0x13f: {  	s28 =	sor.u32 $0x3000, s20;
	[tilespmem:v1+s26+$0x0 ss:$0x1] =	vst.idx.msk $0xffff, v2  }
0x140: {  	v2 =	vld.idx.msk [tilespmem:v0+s28+$0x0 ss:$0x1], $0xffff;
	_ =	sdelay $0x4  }
0x141: {  	v2 =	vadd.f32 v2, v2;
	_ =	sdelay $0x1  }
0x142: {  	s29 =	sor.u32 $0x3010, s20;
	[tilespmem:v1+s28+$0x0 ss:$0x1] =	vst.idx.msk $0xffff, v2  }
0x143: {  	v2 =	vld.idx.msk [tilespmem:v0+s29+$0x0 ss:$0x1], $0xffff;
	_ =	sdelay $0x4  }
0x144: {  	v2 =	vadd.f32 v2, v2;
	_ =	sdelay $0x1  }
0x145: {  	s30 =	sor.u32 $0x3020, s20;
	[tilespmem:v1+s29+$0x0 ss:$0x1] =	vst.idx.msk $0xffff, v2  }
0x146: {  	v2 =	vld.idx.msk [tilespmem:v0+s30+$0x0 ss:$0x1], $0xffff;
	_ =	sdelay $0x4  }
0x147: {  	v2 =	vadd.f32 v2, v2;
	_ =	sdelay $0x1  }
0x148: {  	s31 =	sor.u32 $0x3030, s20;
	[tilespmem:v1+s30+$0x0 ss:$0x1] =	vst.idx.msk $0xffff, v2  }
0x149: {  	v2 =	vld.idx.msk [tilespmem:v0+s31+$0x0 ss:$0x1], $0xffff;
	_ =	sdelay $0x4  }
0x14a: {  	v2 =	vadd.f32 v2, v2;
	_ =	sdelay $0x1  }
0x14b: {  	s22 =	sor.u32 $0x3040, s20;
	[tilespmem:v1+s31+$0x0 ss:$0x1] =	vst.idx.msk $0xffff, v2  }
0x14c: {  	v2 =	vld.idx.msk [tilespmem:v0+s22+$0x0 ss:$0x1], $0xffff;
	_ =	sdelay $0x4  }
0x14d: {  	v2 =	vadd.f32 v2, v2;
	_ =	sdelay $0x1  }
0x14e: {  	s23 =	sor.u32 $0x3050, s20;
	[tilespmem:v1+s22+$0x0 ss:$0x1] =	vst.idx.msk $0xffff, v2  }
0x14f: {  	v2 =	vld.idx.msk [tilespmem:v0+s23+$0x0 ss:$0x1], $0xffff;
	_ =	sdelay $0x4  }
0x150: {  	v2 =	vadd.f32 v2, v2;
	_ =	sdelay $0x1  }
0x151: {  	s24 =	sor.u32 $0x3060, s20;
	[tilespmem:v1+s23+$0x0 ss:$0x1] =	vst.idx.msk $0xffff, v2  }
0x152: {  	v2 =	vld.idx.msk [tilespmem:v0+s24+$0x0 ss:$0x1], $0xffff;
	_ =	sdelay $0x4  }
0x153: {  	v2 =	vadd.f32 v2, v2;
	_ =	sdelay $0x1  }
0x154: {  	s25 =	sor.u32 $0x3070, s20;
	[tilespmem:v1+s24+$0x0 ss:$0x1] =	vst.idx.msk $0xffff, v2  }
0x155: {  	v2 =	vld.idx.msk [tilespmem:v0+s25+$0x0 ss:$0x1], $0xffff;
	_ =	sdelay $0x4  }
0x156: {  	v2 =	vadd.f32 v2, v2;
	_ =	sdelay $0x1  }
0x157: {  	s26 =	sor.u32 $0x3400, s20;
	[tilespmem:v1+s25+$0x0 ss:$0x1] =	vst.idx.msk $0xffff, v2  }
0x158: {  	v2 =	vld.idx.msk [tilespmem:v0+s26+$0x0 ss:$0x1], $0xffff;
	_ =	sdelay $0x4  }
0x159: {  	v2 =	vadd.f32 v2, v2;
	_ =	sdelay $0x1  }
0x15a: {  	s28 =	sor.u32 $0x3410, s20;
	[tilespmem:v1+s26+$0x0 ss:$0x1] =	vst.idx.msk $0xffff, v2  }
0x15b: {  	v2 =	vld.idx.msk [tilespmem:v0+s28+$0x0 ss:$0x1], $0xffff;
	_ =	sdelay $0x4  }
0x15c: {  	v2 =	vadd.f32 v2, v2;
	_ =	sdelay $0x1  }
0x15d: {  	s29 =	sor.u32 $0x3420, s20;
	[tilespmem:v1+s28+$0x0 ss:$0x1] =	vst.idx.msk $0xffff, v2  }
0x15e: {  	v2 =	vld.idx.msk [tilespmem:v0+s29+$0x0 ss:$0x1], $0xffff;
	_ =	sdelay $0x4  }
0x15f: {  	v2 =	vadd.f32 v2, v2;
	_ =	sdelay $0x1  }
0x160: {  	s30 =	sor.u32 $0x3430, s20;
	[tilespmem:v1+s29+$0x0 ss:$0x1] =	vst.idx.msk $0xffff, v2  }
0x161: {  	v2 =	vld.idx.msk [tilespmem:v0+s30+$0x0 ss:$0x1], $0xffff;
	_ =	sdelay $0x4  }
0x162: {  	v2 =	vadd.f32 v2, v2;
	_ =	sdelay $0x1  }
0x163: {  	s31 =	sor.u32 $0x3440, s20;
	[tilespmem:v1+s30+$0x0 ss:$0x1] =	vst.idx.msk $0xffff, v2  }
0x164: {  	v2 =	vld.idx.msk [tilespmem:v0+s31+$0x0 ss:$0x1], $0xffff;
	_ =	sdelay $0x4  }
0x165: {  	v2 =	vadd.f32 v2, v2;
	_ =	sdelay $0x1  }
0x166: {  	s22 =	sor.u32 $0x3450, s20;
	[tilespmem:v1+s31+$0x0 ss:$0x1] =	vst.idx.msk $0xffff, v2  }
0x167: {  	v2 =	vld.idx.msk [tilespmem:v0+s22+$0x0 ss:$0x1], $0xffff;
	_ =	sdelay $0x4  }
0x168: {  	v2 =	vadd.f32 v2, v2;
	_ =	sdelay $0x1  }
0x169: {  	s23 =	sor.u32 $0x3460, s20;
	[tilespmem:v1+s22+$0x0 ss:$0x1] =	vst.idx.msk $0xffff, v2  }
0x16a: {  	v2 =	vld.idx.msk [tilespmem:v0+s23+$0x0 ss:$0x1], $0xffff;
	_ =	sdelay $0x4  }
0x16b: {  	v2 =	vadd.f32 v2, v2;
	_ =	sdelay $0x1  }
0x16c: {  	s24 =	sor.u32 $0x3470, s20;
	[tilespmem:v1+s23+$0x0 ss:$0x1] =	vst.idx.msk $0xffff, v2  }
0x16d: {  	v2 =	vld.idx.msk [tilespmem:v0+s24+$0x0 ss:$0x1], $0xffff;
	_ =	sdelay $0x4  }
0x16e: {  	v2 =	vadd.f32 v2, v2;
	_ =	sdelay $0x1  }
0x16f: {  	s25 =	sor.u32 $0x3800, s20;
	[tilespmem:v1+s24+$0x0 ss:$0x1] =	vst.idx.msk $0xffff, v2  }
0x170: {  	v2 =	vld.idx.msk [tilespmem:v0+s25+$0x0 ss:$0x1], $0xffff;
	_ =	sdelay $0x4  }
0x171: {  	v2 =	vadd.f32 v2, v2;
	_ =	sdelay $0x1  }
0x172: {  	s26 =	sor.u32 $0x3810, s20;
	[tilespmem:v1+s25+$0x0 ss:$0x1] =	vst.idx.msk $0xffff, v2  }
0x173: {  	v2 =	vld.idx.msk [tilespmem:v0+s26+$0x0 ss:$0x1], $0xffff;
	_ =	sdelay $0x4  }
0x174: {  	v2 =	vadd.f32 v2, v2;
	_ =	sdelay $0x1  }
0x175: {  	s28 =	sor.u32 $0x3820, s20;
	[tilespmem:v1+s26+$0x0 ss:$0x1] =	vst.idx.msk $0xffff, v2  }
0x176: {  	v2 =	vld.idx.msk [tilespmem:v0+s28+$0x0 ss:$0x1], $0xffff;
	_ =	sdelay $0x4  }
0x177: {  	v2 =	vadd.f32 v2, v2;
	_ =	sdelay $0x1  }
0x178: {  	s29 =	sor.u32 $0x3830, s20;
	[tilespmem:v1+s28+$0x0 ss:$0x1] =	vst.idx.msk $0xffff, v2  }
0x179: {  	v2 =	vld.idx.msk [tilespmem:v0+s29+$0x0 ss:$0x1], $0xffff;
	_ =	sdelay $0x4  }
0x17a: {  	v2 =	vadd.f32 v2, v2;
	_ =	sdelay $0x1  }
0x17b: {  	s30 =	sor.u32 $0x3840, s20;
	[tilespmem:v1+s29+$0x0 ss:$0x1] =	vst.idx.msk $0xffff, v2  }
0x17c: {  	v2 =	vld.idx.msk [tilespmem:v0+s30+$0x0 ss:$0x1], $0xffff;
	_ =	sdelay $0x4  }
0x17d: {  	v2 =	vadd.f32 v2, v2;
	_ =	sdelay $0x1  }
0x17e: {  	s31 =	sor.u32 $0x3850, s20;
	[tilespmem:v1+s30+$0x0 ss:$0x1] =	vst.idx.msk $0xffff, v2  }
0x17f: {  	v2 =	vld.idx.msk [tilespmem:v0+s31+$0x0 ss:$0x1], $0xffff;
	_ =	sdelay $0x4  }
0x180: {  	v2 =	vadd.f32 v2, v2;
	_ =	sdelay $0x1  }
0x181: {  	s22 =	sor.u32 $0x3860, s20;
	[tilespmem:v1+s31+$0x0 ss:$0x1] =	vst.idx.msk $0xffff, v2  }
0x182: {  	v2 =	vld.idx.msk [tilespmem:v0+s22+$0x0 ss:$0x1], $0xffff;
	_ =	sdelay $0x4  }
0x183: {  	v2 =	vadd.f32 v2, v2;
	_ =	sdelay $0x1  }
0x184: {  	s23 =	sor.u32 $0x3870, s20;
	[tilespmem:v1+s22+$0x0 ss:$0x1] =	vst.idx.msk $0xffff, v2  }
0x185: {  	v2 =	vld.idx.msk [tilespmem:v0+s23+$0x0 ss:$0x1], $0xffff;
	_ =	sdelay $0x4  }
0x186: {  	v2 =	vadd.f32 v2, v2;
	_ =	sdelay $0x1  }
0x187: {  	s24 =	sor.u32 $0x3C00, s20;
	[tilespmem:v1+s23+$0x0 ss:$0x1] =	vst.idx.msk $0xffff, v2  }
0x188: {  	v2 =	vld.idx.msk [tilespmem:v0+s24+$0x0 ss:$0x1], $0xffff;
	_ =	sdelay $0x4  }
0x189: {  	v2 =	vadd.f32 v2, v2;
	_ =	sdelay $0x1  }
0x18a: {  	s25 =	sor.u32 $0x3C10, s20;
	[tilespmem:v1+s24+$0x0 ss:$0x1] =	vst.idx.msk $0xffff, v2  }
0x18b: {  	v2 =	vld.idx.msk [tilespmem:v0+s25+$0x0 ss:$0x1], $0xffff;
	_ =	sdelay $0x4  }
0x18c: {  	v2 =	vadd.f32 v2, v2;
	_ =	sdelay $0x1  }
0x18d: {  	s26 =	sor.u32 $0x3C20, s20;
	[tilespmem:v1+s25+$0x0 ss:$0x1] =	vst.idx.msk $0xffff, v2  }
0x18e: {  	v2 =	vld.idx.msk [tilespmem:v0+s26+$0x0 ss:$0x1], $0xffff;
	_ =	sdelay $0x4  }
0x18f: {  	v2 =	vadd.f32 v2, v2;
	_ =	sdelay $0x1  }
0x190: {  	s28 =	sor.u32 $0x3C30, s20;
	[tilespmem:v1+s26+$0x0 ss:$0x1] =	vst.idx.msk $0xffff, v2  }
0x191: {  	v2 =	vld.idx.msk [tilespmem:v0+s28+$0x0 ss:$0x1], $0xffff;
	_ =	sdelay $0x4  }
0x192: {  	v2 =	vadd.f32 v2, v2;
	_ =	sdelay $0x1  }
0x193: {  	s29 =	sor.u32 $0x3C40, s20;
	[tilespmem:v1+s28+$0x0 ss:$0x1] =	vst.idx.msk $0xffff, v2  }
0x194: {  	v2 =	vld.idx.msk [tilespmem:v0+s29+$0x0 ss:$0x1], $0xffff;
	_ =	sdelay $0x4  }
0x195: {  	v2 =	vadd.f32 v2, v2;
	_ =	sdelay $0x1  }
0x196: {  	s30 =	sor.u32 $0x3C50, s20;
	[tilespmem:v1+s29+$0x0 ss:$0x1] =	vst.idx.msk $0xffff, v2  }
0x197: {  	v2 =	vld.idx.msk [tilespmem:v0+s30+$0x0 ss:$0x1], $0xffff;
	_ =	sdelay $0x4  }
0x198: {  	v2 =	vadd.f32 v2, v2;
	_ =	sdelay $0x1  }
0x199: {  	s31 =	sor.u32 $0x3C60, s20;
	[tilespmem:v1+s30+$0x0 ss:$0x1] =	vst.idx.msk $0xffff, v2  }
0x19a: {  	v2 =	vld.idx.msk [tilespmem:v0+s31+$0x0 ss:$0x1], $0xffff;
	_ =	sdelay $0x4  }
0x19b: {  	v2 =	vadd.f32 v2, v2;
	_ =	sdelay $0x1  }
0x19c: {  	s20 =	sor.u32 $0x3C70, s20;
	[tilespmem:v1+s31+$0x0 ss:$0x1] =	vst.idx.msk $0xffff, v2  }
0x19d: {  	v2 =	vld.idx.msk [tilespmem:v0+s20+$0x0 ss:$0x1], $0xffff;
	_ =	sdelay $0x1  }
0x19e: {  	p2 =	sne.s32 s19, $0x7  }
.Ltmp0:
0x19f: {  	_ = 	snop;
	(pc) =	sbr.rel @p2 .LBB2_3-.Ltmp0, $3  }
0x1a0: {  	_ = 	snop  }
0x1a1: {  	v2 =	vadd.f32 v2, v2;
	_ =	sdelay $0x1  }
0x1a2: {  	s19 =	sadd.s32 $0x1, s19;
	[tilespmem:v1+s20+$0x0 ss:$0x1] =	vst.idx.msk $0xffff, v2  }
0x1a3: {  	p2 =	seq.s32 s15, $0x3F  }
0x1a4: {  	p1 =	por p2, p1  }
0x1a5: {  	_ =	strace $0x9000004B;
	s18 =	sshll.u32 @p1 s18, $0xB  }
0x1a6: {  	_ =	strace @p1 $0x8000004C;
	s18 =	sand.u32 @p1 $0x1FFFF800, s18  }
0x1a7: {  	s16 =	sadd.s32 @p1 $0x3, s16;
	s19 =	simm.s32 @p1 $0x0;
	s18 =	sadd.s32 @p1 s2, s18  }
0x1a8: {  	[hbm4b:s18+s19] =	stream.linear.scatter @p1 [tilespmem:s17], [sflag:s16], $0x4000, $0x200038;
	[tilespmem:$0x10000] =	vst v63  }
0x1a9: {  	s16 =	simm.s32 $0x1  }
0x1aa: {  	s18 =	simm.s32 $0x1;
	s16 =	simm.s32 @!p0 $0x0;
	p0 =	seq.s32 s15, $0x0  }
0x1ab: {  	_ =	strace @p1 $0x9000004C;
	s14 =	sadd.s32 s16, s14;
	s16 =	simm.s32 $0x1  }
0x1ac: {  	s16 =	simm.s32 @!p1 $0x0;
	p1 =	sne.s32 s15, $0x0;
	s15 =	sadd.s32 $0x1, s15  }
0x1ad: {  	s17 =	sand.u32 @!p0 $0x1, s11;
	s18 =	simm.s32 @!p1 $0x0;
	p1 =	sne.s32 s15, $0x40  }
.Ltmp1:
0x1ae: {  	_ =	strace @!p0 $0x8000004D;
	s17 =	sadd.s32 @!p0 $0x3, s17;
	(pc) =	sbr.rel @p1 .LBB2_2-.Ltmp1, $4  }
0x1af: {  	_ =	swait.ge @!p0 [sflag:s17], $0x4000  }
0x1b0: {  	[sflag:s17] =	ssyncset.done @!p0 $0x0  }
0x1b1: {  	s12 =	sadd.s32 s16, s12;
	[sflag:s17] =	ssyncadd.s32 @!p0 $0xFFFFC000  }
0x1b2: {  	s13 =	sadd.s32 s16, s13;
	s11 =	sadd.s32 s18, s11;
	_ =	strace @!p0 $0x9000004D  }
0x1b3: {  	s9 =	sadd.s32 $0x1, s9  }
0x1b4: {  	p0 =	sne.s32 s9, s7  }
.Ltmp2:
0x1b5: {  	_ =	strace $0x8000004E;
	(pc) =	sbr.rel @p0 .LBB2_1-.Ltmp2, $4  }
0x1b6: {  	_ =	swait.ge [sflag:s8], $0x4000  }
0x1b7: {  	[sflag:s8] =	ssyncset.done $0x0  }
0x1b8: {  	[sflag:s8] =	ssyncadd.s32 $0xFFFFC000  }
0x1b9: {  	_ =	strace $0x9000004E  }
0x1ba: {  	_ =	sfence.sel $0x180000  }
0x1bb: {  	[bflag:$0x0] =	sbarrier.arrive $0xFFFF  }
0x1bc: {  	p0 =	sne.s32 s3, $0x0;
	_ =	strace $0x90000047  }
0x1bd: {  	s0 =	sadd.s32 @!p0 $0x100000, s0;
	[bflag:$0x2] =	sbarrier.arrive $0xFFFF  }
0x1be: {  	[sflag:s0] =	ssyncadd.tile.s32 @!p0 $0x1;
	_ =	shalt  }
.Lfunc_end2:
_tile_overlayer_lowered:
.L_overlay_start_2:
0x1bf: {  	(tag) =	ssettag $0x2  }
0x1c0: {  	s0 =	rddreg [dreg:$0x0];
	s2 =	stileid.u32  }
0x1c1: {  	s1 =	rddreg [dreg:$0x1];
	p0 =	sne.s32 s2, $0x0  }
0x1c2: {  	s3 =	rddreg [dreg:$0x2];
	[bflag:$0x3] =	sbarrier.arrive $0xFFFF;
	s2 =	simm.s32 @!p0 $0x1C01  }
0x1c3: {  	[timem:s3], [sflag:s2] =	dma.local @!p0 [hbm:s0], s1  }
0x1c4: {  	s0 =	simm.s32 @!p0 $0x1  }
0x1c5: {  	_ =	swait.ge @!p0 [sflag:s0], s1  }
0x1c6: {  	s1 =	ssub.s32 @!p0 $0x0, s1;
	[sflag:s0] =	ssyncset.done @!p0 $0x0  }
0x1c7: {  	[sflag:s0] =	ssyncadd.s32 @!p0 s1  }
0x1c8: {  	[bflag:$0x3] =	sbarrier.arrive $0xFFFF  }
0x1c9: {  	_ =	shalt  }

</sc_bundles>
